<compile_context>
chip_gen: v7x
topology: tpu7x:2x2x1
jax: 0.10.2.dev20260603
libtpu: 0.0.44.dev20260713+nightly
codegen_flags: <defaults>
</compile_context>

<pallas_src>
import functools

import jax
import jax.numpy as jnp
from jax import lax
from jax.experimental import pallas as pl
from jax.experimental.pallas import tpu as pltpu
from jax.experimental.pallas import tpu_sc as plsc

B = 16384
L = 20
D = 32
V_TITLE = 100001
VPAD = 100008
NC = 2
NS = 16
NW = NC * NS
BPW = B // NW
CH = 64
NCH = BPW // CH
TPW = 4

_SC_PARAMS = pltpu.CompilerParams(use_tc_tiling_on_sc=False,
                                  needs_layout_passes=False)


def _mesh():
    return plsc.VectorSubcoreMesh(core_axis_name="c", subcore_axis_name="s")



def _sc_detile_body(titleT, flat_out, row_v):
    wid = lax.axis_index("s") * NC + lax.axis_index("c")
    pltpu.sync_copy(titleT.at[wid], row_v)
    pltpu.sync_copy(row_v, flat_out.at[pl.ds(wid * VPAD, V_TITLE)])


def _sc_detile(titleT):
    kern = functools.partial(
        pl.kernel,
        mesh=_mesh(),
        out_type=jax.ShapeDtypeStruct((D * VPAD,), jnp.float32),
        scratch_types=[pltpu.VMEM((V_TITLE,), jnp.float32)],
        compiler_params=pltpu.CompilerParams(use_tc_tiling_on_sc=True,
                                             needs_layout_passes=False),
    )(_sc_detile_body)
    return kern(titleT)



def _fire_chunk(table_text, tt_v, g_v, sem, j):
    for l in range(L):
        pltpu.async_copy(table_text.at[tt_v.at[l, pl.ds(j * CH, CH)]],
                         g_v.at[pl.ds(l * CH, CH)], sem)


def _drain_chunk(table_text, g_v, sem):
    pltpu.make_async_copy(table_text.at[pl.ds(0, CH * L)], g_v, sem).wait()


def _sc_text_body(tokT, title2d, table_text, titleLin, e_sum_out, e_title_out,
                  tt_v, g0_v, g1_v, esT_v, tidx_v, etT_v, sem_a, sem_b, sem_t):
    wid = lax.axis_index("s") * NC + lax.axis_index("c")
    base = wid * BPW
    lane = lax.iota(jnp.int32, 16)

    pltpu.sync_copy(tokT.at[:, pl.ds(base, BPW)], tt_v)
    pltpu.sync_copy(title2d.at[pl.ds(wid * TPW, TPW)], tidx_v)

    def pool_chunk(j, g_v):
        @plsc.parallel_loop(0, CH, unroll=4)
        def row_body(r):
            a0 = g_v[r, 0:16]
            a1 = g_v[r, 16:32]
            b0 = g_v[CH + r, 0:16]
            b1 = g_v[CH + r, 16:32]
            for tkn in range(2, L, 2):
                a0 = a0 + g_v[tkn * CH + r, 0:16]
                a1 = a1 + g_v[tkn * CH + r, 16:32]
                b0 = b0 + g_v[(tkn + 1) * CH + r, 0:16]
                b1 = b1 + g_v[(tkn + 1) * CH + r, 16:32]
            col = jnp.full((16,), j * CH + r, jnp.int32)
            plsc.store_scatter(esT_v, [lane, col], a0 + b0)
            plsc.store_scatter(esT_v, [lane + 16, col], a1 + b1)

    _fire_chunk(table_text, tt_v, g0_v, sem_a, 0)
    _fire_chunk(table_text, tt_v, g1_v, sem_b, 1)

    def pair_body(g, carry):
        j0 = g * 2
        _drain_chunk(table_text, g0_v, sem_a)
        pool_chunk(j0, g0_v)

        @pl.when(j0 + 2 < NCH)
        def _():
            _fire_chunk(table_text, tt_v, g0_v, sem_a, j0 + 2)

        _drain_chunk(table_text, g1_v, sem_b)
        pool_chunk(j0 + 1, g1_v)

        @pl.when(j0 + 3 < NCH)
        def _():
            _fire_chunk(table_text, tt_v, g1_v, sem_b, j0 + 3)

        def title_fire(d, c2):
            for t in range(TPW):
                pltpu.async_copy(titleLin.at[d].at[tidx_v.at[t]],
                                 etT_v.at[d, pl.ds(t * 128, 128)], sem_t)
            return c2
        lax.fori_loop(g * (D // 4), (g + 1) * (D // 4), title_fire, 0)
        return carry

    lax.fori_loop(0, NCH // 2, pair_body, 0)

    g = wid // 4
    for c in range(BPW // 128):
        pltpu.sync_copy(esT_v.at[:, pl.ds(c * 128, 128)],
                        e_sum_out.at[g, :, (wid % 4) * 4 + c])
    pltpu.make_async_copy(titleLin.at[:, pl.ds(0, BPW)], etT_v, sem_t).wait()
    for c in range(BPW // 128):
        pltpu.sync_copy(etT_v.at[:, pl.ds(c * 128, 128)],
                        e_title_out.at[g, :, (wid % 4) * 4 + c])


def _sc_text(tokT, title2d, table_text, titleLin):
    kern = functools.partial(
        pl.kernel,
        mesh=_mesh(),
        out_type=(jax.ShapeDtypeStruct((B // 2048, D, 16, 128), jnp.float32),
                  jax.ShapeDtypeStruct((B // 2048, D, 16, 128), jnp.float32)),
        scratch_types=[
            pltpu.VMEM((L, BPW), jnp.int32),
            pltpu.VMEM((CH * L, D), jnp.float32),
            pltpu.VMEM((CH * L, D), jnp.float32),
            pltpu.VMEM((D, BPW), jnp.float32),
            pltpu.VMEM((TPW, 128), jnp.int32),
            pltpu.VMEM((D, BPW), jnp.float32),
            pltpu.SemaphoreType.DMA,
            pltpu.SemaphoreType.DMA,
            pltpu.SemaphoreType.DMA,
        ],
        compiler_params=_SC_PARAMS,
    )(_sc_text_body)
    return kern(tokT, title2d, table_text, titleLin)



def _tc_mlp_body(tokT_ref, etT_ref, esT_ref, row0T_ref,
                 W1_ref, b1_ref, W2_ref, b2_ref, out_ref):
    blk = out_ref.shape[1]
    etT = etT_ref[...].reshape(D, blk)
    esT = esT_ref[...].reshape(D, blk)
    nnz = jnp.sum((tokT_ref[...] != 0).astype(jnp.float32), axis=0,
                  keepdims=True)
    denom = jnp.maximum(nnz, 1.0)
    e_textT = (esT - row0T_ref[...] * (float(L) - nnz)) / denom
    W1 = W1_ref[...]
    hT = lax.dot_general(W1[:D], etT, (((0,), (0,)), ((), ())),
                         preferred_element_type=jnp.float32)
    hT = hT + lax.dot_general(W1[D:], e_textT, (((0,), (0,)), ((), ())),
                              preferred_element_type=jnp.float32)
    hT = jnp.maximum(hT + b1_ref[...], 0.0)
    out_ref[...] = lax.dot_general(W2_ref[...], hT, (((0,), (0,)), ((), ())),
                                   preferred_element_type=jnp.float32) \
        + b2_ref[...]


def _tc_mlp(tokT, e_title_4d, e_sum_4d, row0T, W1, b1, W2, b2):
    blk = 2048
    grid = (B // blk,)
    return pl.pallas_call(
        _tc_mlp_body,
        grid=grid,
        in_specs=[
            pl.BlockSpec((L, blk), lambda i: (0, i)),
            pl.BlockSpec((1, D, 16, 128), lambda i: (i, 0, 0, 0)),
            pl.BlockSpec((1, D, 16, 128), lambda i: (i, 0, 0, 0)),
            pl.BlockSpec((D, 1), lambda i: (0, 0)),
            pl.BlockSpec((2 * D, 2 * D), lambda i: (0, 0)),
            pl.BlockSpec((2 * D, 1), lambda i: (0, 0)),
            pl.BlockSpec((2 * D, D), lambda i: (0, 0)),
            pl.BlockSpec((D, 1), lambda i: (0, 0)),
        ],
        out_specs=pl.BlockSpec((D, blk), lambda i: (0, i)),
        out_shape=jax.ShapeDtypeStruct((D, B), jnp.float32),
    )(tokT, e_title_4d, e_sum_4d, row0T, W1, b1, W2, b2)


def kernel(title_ids, token_ids, table_title, table_text, W1, b1, W2, b2):
    title2d = title_ids.reshape(B // 128, 128)
    tokT = token_ids.T
    titleLin = _sc_detile(table_title.T).reshape(D, VPAD)
    e_sum_T, e_title_T = _sc_text(tokT, title2d, table_text, titleLin)
    row0T = table_text[0].reshape(D, 1)
    outT = _tc_mlp(tokT, e_title_T, e_sum_T, row0T,
                   W1, b1.reshape(-1, 1), W2, b2.reshape(-1, 1))
    return outT.T

# --- scband reference (transcript-rebuilt; emitter-appended) ---
"""Pipeline reference for scband-candidate-model-19722489823779 (READ-ONLY COPY).

The authoritative reference and input builder live on the scoring server;
editing this copy changes nothing except your own understanding.
"""

import jax, jax.numpy as jnp
import numpy as np

B = 16384
L = 20
VOCAB_TITLES = 100000  # len(unique_movie_titles); StringLookup maps to [0, vocab] -> table size vocab+1
MAX_TOKENS = 10000     # TextVectorization max_tokens
D = 32                 # embedding_dimension
LAYER_SIZES = [64, 32]


def setup_inputs(seed: int = 0) -> dict:
    key = jax.random.key(seed)
    ks = jax.random.split(key, 10)
    # Integer stand-ins for StringLookup / TextVectorization outputs.
    title_ids = jax.random.randint(ks[0], (B,), 0, VOCAB_TITLES + 1, dtype=jnp.int64 if jax.config.read('jax_enable_x64') else jnp.int32).astype(jnp.int32)
    token_ids = jax.random.randint(ks[1], (B, L), 0, MAX_TOKENS, dtype=jnp.int32)
    # Learned parameters
    table_title = jax.random.normal(ks[2], (VOCAB_TITLES + 1, D), dtype=jnp.float32) * 0.05
    table_text = jax.random.normal(ks[3], (MAX_TOKENS, D), dtype=jnp.float32) * 0.05
    in_dim = 2 * D
    W1 = jax.random.normal(ks[4], (in_dim, LAYER_SIZES[0]), dtype=jnp.float32) * (1.0 / np.sqrt(in_dim))
    b1 = jnp.zeros((LAYER_SIZES[0],), dtype=jnp.float32)
    W2 = jax.random.normal(ks[5], (LAYER_SIZES[0], LAYER_SIZES[1]), dtype=jnp.float32) * (1.0 / np.sqrt(LAYER_SIZES[0]))
    b2 = jnp.zeros((LAYER_SIZES[1],), dtype=jnp.float32)
    return {
        'title_ids': title_ids,
        'token_ids': token_ids,
        'table_title': table_title,
        'table_text': table_text,
        'W1': W1, 'b1': b1, 'W2': W2, 'b2': b2,
    }


def reference(title_ids, token_ids, table_title, table_text, W1, b1, W2, b2):
    # movieModel.call:
    # 1) title_embedding: StringLookup -> Embedding  ==> gather
    e_title = jnp.take(table_title, title_ids, axis=0)                  # [B, D]
    # 2) title_text_embedding: TextVectorization -> Embedding(mask_zero=True) -> GlobalAveragePooling1D
    tok_emb = jnp.take(table_text, token_ids, axis=0)                   # [B, L, D]
    mask = (token_ids != 0).astype(jnp.float32)[..., None]              # [B, L, 1]
    denom = jnp.clip(jnp.sum(mask, axis=1), 1.0, None)                  # [B, 1]
    e_text = jnp.sum(tok_emb * mask, axis=1) / denom                    # [B, D]
    feat = jnp.concatenate([e_title, e_text], axis=1)                   # [B, 2D]
    # candidateModel.dense_layers: Dense(relu) for all but last, Dense (linear) for last
    h = jax.nn.relu(feat @ W1 + b1)
    out = h @ W2 + b2
    return out

if __name__ == "__main__":
    import jax
    _d = setup_inputs()
    print(jax.jit(kernel)(*tuple(_d.values())))

</pallas_src>

<mosaic_0001>
#map = affine_map<(d0, d1) -> (0, 0)>
#map1 = affine_map<(d0, d1) -> (0, 0, 0, 0)>
module attributes {stable_mosaic.version = 14 : i64} {
  func.func @_sc_text_body(%arg0: i32, %arg1: i32, %arg2: memref<20x16384xi32, #tpu.memory_space<hbm>>, %arg3: memref<128x128xi32, #tpu.memory_space<hbm>>, %arg4: memref<10000x32xf32, #tpu.memory_space<hbm>>, %arg5: memref<32x100008xf32, #tpu.memory_space<hbm>>, %arg6: memref<8x32x16x128xf32, #tpu.memory_space<hbm>>, %arg7: memref<8x32x16x128xf32, #tpu.memory_space<hbm>>, %arg8: memref<20x512xi32, #tpu.memory_space<vmem>>, %arg9: memref<1280x32xf32, #tpu.memory_space<vmem>>, %arg10: memref<1280x32xf32, #tpu.memory_space<vmem>>, %arg11: memref<32x512xf32, #tpu.memory_space<vmem>>, %arg12: memref<4x128xi32, #tpu.memory_space<vmem>>, %arg13: memref<32x512xf32, #tpu.memory_space<vmem>>, %arg14: memref<!tpu.dma_semaphore, #tpu.memory_space<semaphore_mem>>, %arg15: memref<!tpu.dma_semaphore, #tpu.memory_space<semaphore_mem>>, %arg16: memref<!tpu.dma_semaphore, #tpu.memory_space<semaphore_mem>>) attributes {dimension_semantics = [#tpu.dimension_semantics<core_parallel>, #tpu.dimension_semantics<subcore_parallel>], iteration_bounds = array<i64: 2, 16>, scalar_prefetch = 0 : i64, scratch_operands = 9 : i64, tpu.core_type = #tpu.core_type<sc_vector_subcore>, window_params = [{transform_indices = #map}, {transform_indices = #map}, {transform_indices = #map}, {transform_indices = #map}, {transform_indices = #map1}, {transform_indices = #map1}]} {
    %mul3A = arith.constant 2 : i32
    %mul3A_0 = arith.muli %arg1, %mul3A : i32
    %add3A = arith.addi %mul3A_0, %arg0 : i32
    %mul3A_1 = arith.constant 512 : i32
    %mul3A_2 = arith.muli %add3A, %mul3A_1 : i32
    %iota3A = tpu.iota {dimensions = array<i32: 0>} : vector<16xi32>
    "tpu.region"() ({
      %run_scoped3A = tpu.sem_alloc : memref<!tpu.dma_semaphore, #tpu.memory_space<semaphore_mem>>
      %dma_start3A_588 = arith.constant 0 : i32
      %dma_start3A_589 = tpu.memref_slice %arg2[%dma_start3A_588, %mul3A_2] : memref<20x16384xi32, #tpu.memory_space<hbm>> -> memref<20x512xi32, #tpu.memory_space<hbm>>
      %dma_start3A_590 = arith.constant 0 : i32
      %dma_start3A_591 = tpu.memref_slice %arg2[%dma_start3A_590, %mul3A_2] : memref<20x16384xi32, #tpu.memory_space<hbm>> -> memref<20x512xi32, #tpu.memory_space<hbm>>
      tpu.enqueue_dma source(%dma_start3A_591 : memref<20x512xi32, #tpu.memory_space<hbm>>) target(%arg8 : memref<20x512xi32, #tpu.memory_space<vmem>>) target_semaphore(%run_scoped3A : memref<!tpu.dma_semaphore, #tpu.memory_space<semaphore_mem>>)
      %dma_wait3A_592 = arith.constant 0 : i32
      %dma_wait3A_593 = tpu.memref_slice %arg2[%dma_wait3A_592, %mul3A_2] : memref<20x16384xi32, #tpu.memory_space<hbm>> -> memref<20x512xi32, #tpu.memory_space<hbm>>
      %dma_wait3A_594 = arith.constant 0 : i32
      %dma_wait3A_595 = tpu.memref_slice %arg2[%dma_wait3A_594, %mul3A_2] : memref<20x16384xi32, #tpu.memory_space<hbm>> -> memref<20x512xi32, #tpu.memory_space<hbm>>
      tpu.wait_dma2 semaphore(%run_scoped3A : memref<!tpu.dma_semaphore, #tpu.memory_space<semaphore_mem>>) src(%dma_wait3A_595 : memref<20x512xi32, #tpu.memory_space<hbm>>) dst(%arg8 : memref<20x512xi32, #tpu.memory_space<vmem>>)
      tpu.yield
    }) : () -> ()
    %mul3A_3 = arith.constant 4 : i32
    %mul3A_4 = arith.muli %add3A, %mul3A_3 : i32
    "tpu.region"() ({
      %run_scoped3A = tpu.sem_alloc : memref<!tpu.dma_semaphore, #tpu.memory_space<semaphore_mem>>
      %dma_start3A_588 = arith.constant 0 : i32
      %dma_start3A_589 = tpu.memref_slice %arg3[%mul3A_4, %dma_start3A_588] : memref<128x128xi32, #tpu.memory_space<hbm>> -> memref<4x128xi32, #tpu.memory_space<hbm>>
      %dma_start3A_590 = arith.constant 0 : i32
      %dma_start3A_591 = tpu.memref_slice %arg3[%mul3A_4, %dma_start3A_590] : memref<128x128xi32, #tpu.memory_space<hbm>> -> memref<4x128xi32, #tpu.memory_space<hbm>>
      tpu.enqueue_dma source(%dma_start3A_591 : memref<4x128xi32, #tpu.memory_space<hbm>>) target(%arg12 : memref<4x128xi32, #tpu.memory_space<vmem>>) target_semaphore(%run_scoped3A : memref<!tpu.dma_semaphore, #tpu.memory_space<semaphore_mem>>)
      %dma_wait3A_592 = arith.constant 0 : i32
      %dma_wait3A_593 = tpu.memref_slice %arg3[%mul3A_4, %dma_wait3A_592] : memref<128x128xi32, #tpu.memory_space<hbm>> -> memref<4x128xi32, #tpu.memory_space<hbm>>
      %dma_wait3A_594 = arith.constant 0 : i32
      %dma_wait3A_595 = tpu.memref_slice %arg3[%mul3A_4, %dma_wait3A_594] : memref<128x128xi32, #tpu.memory_space<hbm>> -> memref<4x128xi32, #tpu.memory_space<hbm>>
      tpu.wait_dma2 semaphore(%run_scoped3A : memref<!tpu.dma_semaphore, #tpu.memory_space<semaphore_mem>>) src(%dma_wait3A_595 : memref<4x128xi32, #tpu.memory_space<hbm>>) dst(%arg12 : memref<4x128xi32, #tpu.memory_space<vmem>>)
      tpu.yield
    }) : () -> ()
    %dma_start3A = arith.constant 0 : i32
    %dma_start3A_5 = arith.constant 0 : i32
    %dma_start3A_6 = arith.constant 0 : i32
    %dma_start3A_7 = tpu.memref_slice %arg9[%dma_start3A_5, %dma_start3A_6] : memref<1280x32xf32, #tpu.memory_space<vmem>> -> memref<64x32xf32, #tpu.memory_space<vmem>>
    %dma_start3A_8 = arith.constant 0 : i32
    %dma_start3A_9 = tpu.memref_slice %arg8[%dma_start3A, %dma_start3A_8] : memref<20x512xi32, #tpu.memory_space<vmem>> -> memref<1x64xi32, #tpu.memory_space<vmem>>
    %dma_start3A_10 = tpu.memref_squeeze %dma_start3A_9 : memref<1x64xi32, #tpu.memory_space<vmem>> -> memref<64xi32, #tpu.memory_space<vmem>>
    %dma_start3A_11 = arith.constant 0 : i32
    %dma_start3A_12 = arith.constant 0 : i32
    %dma_start3A_13 = tpu.memref_slice %arg4[%dma_start3A_11, %dma_start3A_12] : memref<10000x32xf32, #tpu.memory_space<hbm>> -> memref<10000x32xf32, #tpu.memory_space<hbm>>
    tpu.enqueue_indirect_dma source(%dma_start3A_13 : memref<10000x32xf32, #tpu.memory_space<hbm>>) target(%dma_start3A_7 : memref<64x32xf32, #tpu.memory_space<vmem>>) offsets(%dma_start3A_10 : memref<64xi32, #tpu.memory_space<vmem>>) semaphore(%arg14 : memref<!tpu.dma_semaphore, #tpu.memory_space<semaphore_mem>>)
    %dma_start3A_14 = arith.constant 1 : i32
    %dma_start3A_15 = arith.constant 64 : i32
    %dma_start3A_16 = arith.constant 0 : i32
    %dma_start3A_17 = tpu.memref_slice %arg9[%dma_start3A_15, %dma_start3A_16] : memref<1280x32xf32, #tpu.memory_space<vmem>> -> memref<64x32xf32, #tpu.memory_space<vmem>>
    %dma_start3A_18 = arith.constant 0 : i32
    %dma_start3A_19 = tpu.memref_slice %arg8[%dma_start3A_14, %dma_start3A_18] : memref<20x512xi32, #tpu.memory_space<vmem>> -> memref<1x64xi32, #tpu.memory_space<vmem>>
    %dma_start3A_20 = tpu.memref_squeeze %dma_start3A_19 : memref<1x64xi32, #tpu.memory_space<vmem>> -> memref<64xi32, #tpu.memory_space<vmem>>
    %dma_start3A_21 = arith.constant 0 : i32
    %dma_start3A_22 = arith.constant 0 : i32
    %dma_start3A_23 = tpu.memref_slice %arg4[%dma_start3A_21, %dma_start3A_22] : memref<10000x32xf32, #tpu.memory_space<hbm>> -> memref<10000x32xf32, #tpu.memory_space<hbm>>
    tpu.enqueue_indirect_dma source(%dma_start3A_23 : memref<10000x32xf32, #tpu.memory_space<hbm>>) target(%dma_start3A_17 : memref<64x32xf32, #tpu.memory_space<vmem>>) offsets(%dma_start3A_20 : memref<64xi32, #tpu.memory_space<vmem>>) semaphore(%arg14 : memref<!tpu.dma_semaphore, #tpu.memory_space<semaphore_mem>>)
    %dma_start3A_24 = arith.constant 2 : i32
    %dma_start3A_25 = arith.constant 128 : i32
    %dma_start3A_26 = arith.constant 0 : i32
    %dma_start3A_27 = tpu.memref_slice %arg9[%dma_start3A_25, %dma_start3A_26] : memref<1280x32xf32, #tpu.memory_space<vmem>> -> memref<64x32xf32, #tpu.memory_space<vmem>>
    %dma_start3A_28 = arith.constant 0 : i32
    %dma_start3A_29 = tpu.memref_slice %arg8[%dma_start3A_24, %dma_start3A_28] : memref<20x512xi32, #tpu.memory_space<vmem>> -> memref<1x64xi32, #tpu.memory_space<vmem>>
    %dma_start3A_30 = tpu.memref_squeeze %dma_start3A_29 : memref<1x64xi32, #tpu.memory_space<vmem>> -> memref<64xi32, #tpu.memory_space<vmem>>
    %dma_start3A_31 = arith.constant 0 : i32
    %dma_start3A_32 = arith.constant 0 : i32
    %dma_start3A_33 = tpu.memref_slice %arg4[%dma_start3A_31, %dma_start3A_32] : memref<10000x32xf32, #tpu.memory_space<hbm>> -> memref<10000x32xf32, #tpu.memory_space<hbm>>
    tpu.enqueue_indirect_dma source(%dma_start3A_33 : memref<10000x32xf32, #tpu.memory_space<hbm>>) target(%dma_start3A_27 : memref<64x32xf32, #tpu.memory_space<vmem>>) offsets(%dma_start3A_30 : memref<64xi32, #tpu.memory_space<vmem>>) semaphore(%arg14 : memref<!tpu.dma_semaphore, #tpu.memory_space<semaphore_mem>>)
    %dma_start3A_34 = arith.constant 3 : i32
    %dma_start3A_35 = arith.constant 192 : i32
    %dma_start3A_36 = arith.constant 0 : i32
    %dma_start3A_37 = tpu.memref_slice %arg9[%dma_start3A_35, %dma_start3A_36] : memref<1280x32xf32, #tpu.memory_space<vmem>> -> memref<64x32xf32, #tpu.memory_space<vmem>>
    %dma_start3A_38 = arith.constant 0 : i32
    %dma_start3A_39 = tpu.memref_slice %arg8[%dma_start3A_34, %dma_start3A_38] : memref<20x512xi32, #tpu.memory_space<vmem>> -> memref<1x64xi32, #tpu.memory_space<vmem>>
    %dma_start3A_40 = tpu.memref_squeeze %dma_start3A_39 : memref<1x64xi32, #tpu.memory_space<vmem>> -> memref<64xi32, #tpu.memory_space<vmem>>
    %dma_start3A_41 = arith.constant 0 : i32
    %dma_start3A_42 = arith.constant 0 : i32
    %dma_start3A_43 = tpu.memref_slice %arg4[%dma_start3A_41, %dma_start3A_42] : memref<10000x32xf32, #tpu.memory_space<hbm>> -> memref<10000x32xf32, #tpu.memory_space<hbm>>
    tpu.enqueue_indirect_dma source(%dma_start3A_43 : memref<10000x32xf32, #tpu.memory_space<hbm>>) target(%dma_start3A_37 : memref<64x32xf32, #tpu.memory_space<vmem>>) offsets(%dma_start3A_40 : memref<64xi32, #tpu.memory_space<vmem>>) semaphore(%arg14 : memref<!tpu.dma_semaphore, #tpu.memory_space<semaphore_mem>>)
    %dma_start3A_44 = arith.constant 4 : i32
    %dma_start3A_45 = arith.constant 256 : i32
    %dma_start3A_46 = arith.constant 0 : i32
    %dma_start3A_47 = tpu.memref_slice %arg9[%dma_start3A_45, %dma_start3A_46] : memref<1280x32xf32, #tpu.memory_space<vmem>> -> memref<64x32xf32, #tpu.memory_space<vmem>>
    %dma_start3A_48 = arith.constant 0 : i32
    %dma_start3A_49 = tpu.memref_slice %arg8[%dma_start3A_44, %dma_start3A_48] : memref<20x512xi32, #tpu.memory_space<vmem>> -> memref<1x64xi32, #tpu.memory_space<vmem>>
    %dma_start3A_50 = tpu.memref_squeeze %dma_start3A_49 : memref<1x64xi32, #tpu.memory_space<vmem>> -> memref<64xi32, #tpu.memory_space<vmem>>
    %dma_start3A_51 = arith.constant 0 : i32
    %dma_start3A_52 = arith.constant 0 : i32
    %dma_start3A_53 = tpu.memref_slice %arg4[%dma_start3A_51, %dma_start3A_52] : memref<10000x32xf32, #tpu.memory_space<hbm>> -> memref<10000x32xf32, #tpu.memory_space<hbm>>
    tpu.enqueue_indirect_dma source(%dma_start3A_53 : memref<10000x32xf32, #tpu.memory_space<hbm>>) target(%dma_start3A_47 : memref<64x32xf32, #tpu.memory_space<vmem>>) offsets(%dma_start3A_50 : memref<64xi32, #tpu.memory_space<vmem>>) semaphore(%arg14 : memref<!tpu.dma_semaphore, #tpu.memory_space<semaphore_mem>>)
    %dma_start3A_54 = arith.constant 5 : i32
    %dma_start3A_55 = arith.constant 320 : i32
    %dma_start3A_56 = arith.constant 0 : i32
    %dma_start3A_57 = tpu.memref_slice %arg9[%dma_start3A_55, %dma_start3A_56] : memref<1280x32xf32, #tpu.memory_space<vmem>> -> memref<64x32xf32, #tpu.memory_space<vmem>>
    %dma_start3A_58 = arith.constant 0 : i32
    %dma_start3A_59 = tpu.memref_slice %arg8[%dma_start3A_54, %dma_start3A_58] : memref<20x512xi32, #tpu.memory_space<vmem>> -> memref<1x64xi32, #tpu.memory_space<vmem>>
    %dma_start3A_60 = tpu.memref_squeeze %dma_start3A_59 : memref<1x64xi32, #tpu.memory_space<vmem>> -> memref<64xi32, #tpu.memory_space<vmem>>
    %dma_start3A_61 = arith.constant 0 : i32
    %dma_start3A_62 = arith.constant 0 : i32
    %dma_start3A_63 = tpu.memref_slice %arg4[%dma_start3A_61, %dma_start3A_62] : memref<10000x32xf32, #tpu.memory_space<hbm>> -> memref<10000x32xf32, #tpu.memory_space<hbm>>
    tpu.enqueue_indirect_dma source(%dma_start3A_63 : memref<10000x32xf32, #tpu.memory_space<hbm>>) target(%dma_start3A_57 : memref<64x32xf32, #tpu.memory_space<vmem>>) offsets(%dma_start3A_60 : memref<64xi32, #tpu.memory_space<vmem>>) semaphore(%arg14 : memref<!tpu.dma_semaphore, #tpu.memory_space<semaphore_mem>>)
    %dma_start3A_64 = arith.constant 6 : i32
    %dma_start3A_65 = arith.constant 384 : i32
    %dma_start3A_66 = arith.constant 0 : i32
    %dma_start3A_67 = tpu.memref_slice %arg9[%dma_start3A_65, %dma_start3A_66] : memref<1280x32xf32, #tpu.memory_space<vmem>> -> memref<64x32xf32, #tpu.memory_space<vmem>>
    %dma_start3A_68 = arith.constant 0 : i32
    %dma_start3A_69 = tpu.memref_slice %arg8[%dma_start3A_64, %dma_start3A_68] : memref<20x512xi32, #tpu.memory_space<vmem>> -> memref<1x64xi32, #tpu.memory_space<vmem>>
    %dma_start3A_70 = tpu.memref_squeeze %dma_start3A_69 : memref<1x64xi32, #tpu.memory_space<vmem>> -> memref<64xi32, #tpu.memory_space<vmem>>
    %dma_start3A_71 = arith.constant 0 : i32
    %dma_start3A_72 = arith.constant 0 : i32
    %dma_start3A_73 = tpu.memref_slice %arg4[%dma_start3A_71, %dma_start3A_72] : memref<10000x32xf32, #tpu.memory_space<hbm>> -> memref<10000x32xf32, #tpu.memory_space<hbm>>
    tpu.enqueue_indirect_dma source(%dma_start3A_73 : memref<10000x32xf32, #tpu.memory_space<hbm>>) target(%dma_start3A_67 : memref<64x32xf32, #tpu.memory_space<vmem>>) offsets(%dma_start3A_70 : memref<64xi32, #tpu.memory_space<vmem>>) semaphore(%arg14 : memref<!tpu.dma_semaphore, #tpu.memory_space<semaphore_mem>>)
    %dma_start3A_74 = arith.constant 7 : i32
    %dma_start3A_75 = arith.constant 448 : i32
    %dma_start3A_76 = arith.constant 0 : i32
    %dma_start3A_77 = tpu.memref_slice %arg9[%dma_start3A_75, %dma_start3A_76] : memref<1280x32xf32, #tpu.memory_space<vmem>> -> memref<64x32xf32, #tpu.memory_space<vmem>>
    %dma_start3A_78 = arith.constant 0 : i32
    %dma_start3A_79 = tpu.memref_slice %arg8[%dma_start3A_74, %dma_start3A_78] : memref<20x512xi32, #tpu.memory_space<vmem>> -> memref<1x64xi32, #tpu.memory_space<vmem>>
    %dma_start3A_80 = tpu.memref_squeeze %dma_start3A_79 : memref<1x64xi32, #tpu.memory_space<vmem>> -> memref<64xi32, #tpu.memory_space<vmem>>
    %dma_start3A_81 = arith.constant 0 : i32
    %dma_start3A_82 = arith.constant 0 : i32
    %dma_start3A_83 = tpu.memref_slice %arg4[%dma_start3A_81, %dma_start3A_82] : memref<10000x32xf32, #tpu.memory_space<hbm>> -> memref<10000x32xf32, #tpu.memory_space<hbm>>
    tpu.enqueue_indirect_dma source(%dma_start3A_83 : memref<10000x32xf32, #tpu.memory_space<hbm>>) target(%dma_start3A_77 : memref<64x32xf32, #tpu.memory_space<vmem>>) offsets(%dma_start3A_80 : memref<64xi32, #tpu.memory_space<vmem>>) semaphore(%arg14 : memref<!tpu.dma_semaphore, #tpu.memory_space<semaphore_mem>>)
    %dma_start3A_84 = arith.constant 8 : i32
    %dma_start3A_85 = arith.constant 512 : i32
    %dma_start3A_86 = arith.constant 0 : i32
    %dma_start3A_87 = tpu.memref_slice %arg9[%dma_start3A_85, %dma_start3A_86] : memref<1280x32xf32, #tpu.memory_space<vmem>> -> memref<64x32xf32, #tpu.memory_space<vmem>>
    %dma_start3A_88 = arith.constant 0 : i32
    %dma_start3A_89 = tpu.memref_slice %arg8[%dma_start3A_84, %dma_start3A_88] : memref<20x512xi32, #tpu.memory_space<vmem>> -> memref<1x64xi32, #tpu.memory_space<vmem>>
    %dma_start3A_90 = tpu.memref_squeeze %dma_start3A_89 : memref<1x64xi32, #tpu.memory_space<vmem>> -> memref<64xi32, #tpu.memory_space<vmem>>
    %dma_start3A_91 = arith.constant 0 : i32
    %dma_start3A_92 = arith.constant 0 : i32
    %dma_start3A_93 = tpu.memref_slice %arg4[%dma_start3A_91, %dma_start3A_92] : memref<10000x32xf32, #tpu.memory_space<hbm>> -> memref<10000x32xf32, #tpu.memory_space<hbm>>
    tpu.enqueue_indirect_dma source(%dma_start3A_93 : memref<10000x32xf32, #tpu.memory_space<hbm>>) target(%dma_start3A_87 : memref<64x32xf32, #tpu.memory_space<vmem>>) offsets(%dma_start3A_90 : memref<64xi32, #tpu.memory_space<vmem>>) semaphore(%arg14 : memref<!tpu.dma_semaphore, #tpu.memory_space<semaphore_mem>>)
    %dma_start3A_94 = arith.constant 9 : i32
    %dma_start3A_95 = arith.constant 576 : i32
    %dma_start3A_96 = arith.constant 0 : i32
    %dma_start3A_97 = tpu.memref_slice %arg9[%dma_start3A_95, %dma_start3A_96] : memref<1280x32xf32, #tpu.memory_space<vmem>> -> memref<64x32xf32, #tpu.memory_space<vmem>>
    %dma_start3A_98 = arith.constant 0 : i32
    %dma_start3A_99 = tpu.memref_slice %arg8[%dma_start3A_94, %dma_start3A_98] : memref<20x512xi32, #tpu.memory_space<vmem>> -> memref<1x64xi32, #tpu.memory_space<vmem>>
    %dma_start3A_100 = tpu.memref_squeeze %dma_start3A_99 : memref<1x64xi32, #tpu.memory_space<vmem>> -> memref<64xi32, #tpu.memory_space<vmem>>
    %dma_start3A_101 = arith.constant 0 : i32
    %dma_start3A_102 = arith.constant 0 : i32
    %dma_start3A_103 = tpu.memref_slice %arg4[%dma_start3A_101, %dma_start3A_102] : memref<10000x32xf32, #tpu.memory_space<hbm>> -> memref<10000x32xf32, #tpu.memory_space<hbm>>
    tpu.enqueue_indirect_dma source(%dma_start3A_103 : memref<10000x32xf32, #tpu.memory_space<hbm>>) target(%dma_start3A_97 : memref<64x32xf32, #tpu.memory_space<vmem>>) offsets(%dma_start3A_100 : memref<64xi32, #tpu.memory_space<vmem>>) semaphore(%arg14 : memref<!tpu.dma_semaphore, #tpu.memory_space<semaphore_mem>>)
    %dma_start3A_104 = arith.constant 10 : i32
    %dma_start3A_105 = arith.constant 640 : i32
    %dma_start3A_106 = arith.constant 0 : i32
    %dma_start3A_107 = tpu.memref_slice %arg9[%dma_start3A_105, %dma_start3A_106] : memref<1280x32xf32, #tpu.memory_space<vmem>> -> memref<64x32xf32, #tpu.memory_space<vmem>>
    %dma_start3A_108 = arith.constant 0 : i32
    %dma_start3A_109 = tpu.memref_slice %arg8[%dma_start3A_104, %dma_start3A_108] : memref<20x512xi32, #tpu.memory_space<vmem>> -> memref<1x64xi32, #tpu.memory_space<vmem>>
    %dma_start3A_110 = tpu.memref_squeeze %dma_start3A_109 : memref<1x64xi32, #tpu.memory_space<vmem>> -> memref<64xi32, #tpu.memory_space<vmem>>
    %dma_start3A_111 = arith.constant 0 : i32
    %dma_start3A_112 = arith.constant 0 : i32
    %dma_start3A_113 = tpu.memref_slice %arg4[%dma_start3A_111, %dma_start3A_112] : memref<10000x32xf32, #tpu.memory_space<hbm>> -> memref<10000x32xf32, #tpu.memory_space<hbm>>
    tpu.enqueue_indirect_dma source(%dma_start3A_113 : memref<10000x32xf32, #tpu.memory_space<hbm>>) target(%dma_start3A_107 : memref<64x32xf32, #tpu.memory_space<vmem>>) offsets(%dma_start3A_110 : memref<64xi32, #tpu.memory_space<vmem>>) semaphore(%arg14 : memref<!tpu.dma_semaphore, #tpu.memory_space<semaphore_mem>>)
    %dma_start3A_114 = arith.constant 11 : i32
    %dma_start3A_115 = arith.constant 704 : i32
    %dma_start3A_116 = arith.constant 0 : i32
    %dma_start3A_117 = tpu.memref_slice %arg9[%dma_start3A_115, %dma_start3A_116] : memref<1280x32xf32, #tpu.memory_space<vmem>> -> memref<64x32xf32, #tpu.memory_space<vmem>>
    %dma_start3A_118 = arith.constant 0 : i32
    %dma_start3A_119 = tpu.memref_slice %arg8[%dma_start3A_114, %dma_start3A_118] : memref<20x512xi32, #tpu.memory_space<vmem>> -> memref<1x64xi32, #tpu.memory_space<vmem>>
    %dma_start3A_120 = tpu.memref_squeeze %dma_start3A_119 : memref<1x64xi32, #tpu.memory_space<vmem>> -> memref<64xi32, #tpu.memory_space<vmem>>
    %dma_start3A_121 = arith.constant 0 : i32
    %dma_start3A_122 = arith.constant 0 : i32
    %dma_start3A_123 = tpu.memref_slice %arg4[%dma_start3A_121, %dma_start3A_122] : memref<10000x32xf32, #tpu.memory_space<hbm>> -> memref<10000x32xf32, #tpu.memory_space<hbm>>
    tpu.enqueue_indirect_dma source(%dma_start3A_123 : memref<10000x32xf32, #tpu.memory_space<hbm>>) target(%dma_start3A_117 : memref<64x32xf32, #tpu.memory_space<vmem>>) offsets(%dma_start3A_120 : memref<64xi32, #tpu.memory_space<vmem>>) semaphore(%arg14 : memref<!tpu.dma_semaphore, #tpu.memory_space<semaphore_mem>>)
    %dma_start3A_124 = arith.constant 12 : i32
    %dma_start3A_125 = arith.constant 768 : i32
    %dma_start3A_126 = arith.constant 0 : i32
    %dma_start3A_127 = tpu.memref_slice %arg9[%dma_start3A_125, %dma_start3A_126] : memref<1280x32xf32, #tpu.memory_space<vmem>> -> memref<64x32xf32, #tpu.memory_space<vmem>>
    %dma_start3A_128 = arith.constant 0 : i32
    %dma_start3A_129 = tpu.memref_slice %arg8[%dma_start3A_124, %dma_start3A_128] : memref<20x512xi32, #tpu.memory_space<vmem>> -> memref<1x64xi32, #tpu.memory_space<vmem>>
    %dma_start3A_130 = tpu.memref_squeeze %dma_start3A_129 : memref<1x64xi32, #tpu.memory_space<vmem>> -> memref<64xi32, #tpu.memory_space<vmem>>
    %dma_start3A_131 = arith.constant 0 : i32
    %dma_start3A_132 = arith.constant 0 : i32
    %dma_start3A_133 = tpu.memref_slice %arg4[%dma_start3A_131, %dma_start3A_132] : memref<10000x32xf32, #tpu.memory_space<hbm>> -> memref<10000x32xf32, #tpu.memory_space<hbm>>
    tpu.enqueue_indirect_dma source(%dma_start3A_133 : memref<10000x32xf32, #tpu.memory_space<hbm>>) target(%dma_start3A_127 : memref<64x32xf32, #tpu.memory_space<vmem>>) offsets(%dma_start3A_130 : memref<64xi32, #tpu.memory_space<vmem>>) semaphore(%arg14 : memref<!tpu.dma_semaphore, #tpu.memory_space<semaphore_mem>>)
    %dma_start3A_134 = arith.constant 13 : i32
    %dma_start3A_135 = arith.constant 832 : i32
    %dma_start3A_136 = arith.constant 0 : i32
    %dma_start3A_137 = tpu.memref_slice %arg9[%dma_start3A_135, %dma_start3A_136] : memref<1280x32xf32, #tpu.memory_space<vmem>> -> memref<64x32xf32, #tpu.memory_space<vmem>>
    %dma_start3A_138 = arith.constant 0 : i32
    %dma_start3A_139 = tpu.memref_slice %arg8[%dma_start3A_134, %dma_start3A_138] : memref<20x512xi32, #tpu.memory_space<vmem>> -> memref<1x64xi32, #tpu.memory_space<vmem>>
    %dma_start3A_140 = tpu.memref_squeeze %dma_start3A_139 : memref<1x64xi32, #tpu.memory_space<vmem>> -> memref<64xi32, #tpu.memory_space<vmem>>
    %dma_start3A_141 = arith.constant 0 : i32
    %dma_start3A_142 = arith.constant 0 : i32
    %dma_start3A_143 = tpu.memref_slice %arg4[%dma_start3A_141, %dma_start3A_142] : memref<10000x32xf32, #tpu.memory_space<hbm>> -> memref<10000x32xf32, #tpu.memory_space<hbm>>
    tpu.enqueue_indirect_dma source(%dma_start3A_143 : memref<10000x32xf32, #tpu.memory_space<hbm>>) target(%dma_start3A_137 : memref<64x32xf32, #tpu.memory_space<vmem>>) offsets(%dma_start3A_140 : memref<64xi32, #tpu.memory_space<vmem>>) semaphore(%arg14 : memref<!tpu.dma_semaphore, #tpu.memory_space<semaphore_mem>>)
    %dma_start3A_144 = arith.constant 14 : i32
    %dma_start3A_145 = arith.constant 896 : i32
    %dma_start3A_146 = arith.constant 0 : i32
    %dma_start3A_147 = tpu.memref_slice %arg9[%dma_start3A_145, %dma_start3A_146] : memref<1280x32xf32, #tpu.memory_space<vmem>> -> memref<64x32xf32, #tpu.memory_space<vmem>>
    %dma_start3A_148 = arith.constant 0 : i32
    %dma_start3A_149 = tpu.memref_slice %arg8[%dma_start3A_144, %dma_start3A_148] : memref<20x512xi32, #tpu.memory_space<vmem>> -> memref<1x64xi32, #tpu.memory_space<vmem>>
    %dma_start3A_150 = tpu.memref_squeeze %dma_start3A_149 : memref<1x64xi32, #tpu.memory_space<vmem>> -> memref<64xi32, #tpu.memory_space<vmem>>
    %dma_start3A_151 = arith.constant 0 : i32
    %dma_start3A_152 = arith.constant 0 : i32
    %dma_start3A_153 = tpu.memref_slice %arg4[%dma_start3A_151, %dma_start3A_152] : memref<10000x32xf32, #tpu.memory_space<hbm>> -> memref<10000x32xf32, #tpu.memory_space<hbm>>
    tpu.enqueue_indirect_dma source(%dma_start3A_153 : memref<10000x32xf32, #tpu.memory_space<hbm>>) target(%dma_start3A_147 : memref<64x32xf32, #tpu.memory_space<vmem>>) offsets(%dma_start3A_150 : memref<64xi32, #tpu.memory_space<vmem>>) semaphore(%arg14 : memref<!tpu.dma_semaphore, #tpu.memory_space<semaphore_mem>>)
    %dma_start3A_154 = arith.constant 15 : i32
    %dma_start3A_155 = arith.constant 960 : i32
    %dma_start3A_156 = arith.constant 0 : i32
    %dma_start3A_157 = tpu.memref_slice %arg9[%dma_start3A_155, %dma_start3A_156] : memref<1280x32xf32, #tpu.memory_space<vmem>> -> memref<64x32xf32, #tpu.memory_space<vmem>>
    %dma_start3A_158 = arith.constant 0 : i32
    %dma_start3A_159 = tpu.memref_slice %arg8[%dma_start3A_154, %dma_start3A_158] : memref<20x512xi32, #tpu.memory_space<vmem>> -> memref<1x64xi32, #tpu.memory_space<vmem>>
    %dma_start3A_160 = tpu.memref_squeeze %dma_start3A_159 : memref<1x64xi32, #tpu.memory_space<vmem>> -> memref<64xi32, #tpu.memory_space<vmem>>
    %dma_start3A_161 = arith.constant 0 : i32
    %dma_start3A_162 = arith.constant 0 : i32
    %dma_start3A_163 = tpu.memref_slice %arg4[%dma_start3A_161, %dma_start3A_162] : memref<10000x32xf32, #tpu.memory_space<hbm>> -> memref<10000x32xf32, #tpu.memory_space<hbm>>
    tpu.enqueue_indirect_dma source(%dma_start3A_163 : memref<10000x32xf32, #tpu.memory_space<hbm>>) target(%dma_start3A_157 : memref<64x32xf32, #tpu.memory_space<vmem>>) offsets(%dma_start3A_160 : memref<64xi32, #tpu.memory_space<vmem>>) semaphore(%arg14 : memref<!tpu.dma_semaphore, #tpu.memory_space<semaphore_mem>>)
    %dma_start3A_164 = arith.constant 16 : i32
    %dma_start3A_165 = arith.constant 1024 : i32
    %dma_start3A_166 = arith.constant 0 : i32
    %dma_start3A_167 = tpu.memref_slice %arg9[%dma_start3A_165, %dma_start3A_166] : memref<1280x32xf32, #tpu.memory_space<vmem>> -> memref<64x32xf32, #tpu.memory_space<vmem>>
    %dma_start3A_168 = arith.constant 0 : i32
    %dma_start3A_169 = tpu.memref_slice %arg8[%dma_start3A_164, %dma_start3A_168] : memref<20x512xi32, #tpu.memory_space<vmem>> -> memref<1x64xi32, #tpu.memory_space<vmem>>
    %dma_start3A_170 = tpu.memref_squeeze %dma_start3A_169 : memref<1x64xi32, #tpu.memory_space<vmem>> -> memref<64xi32, #tpu.memory_space<vmem>>
    %dma_start3A_171 = arith.constant 0 : i32
    %dma_start3A_172 = arith.constant 0 : i32
    %dma_start3A_173 = tpu.memref_slice %arg4[%dma_start3A_171, %dma_start3A_172] : memref<10000x32xf32, #tpu.memory_space<hbm>> -> memref<10000x32xf32, #tpu.memory_space<hbm>>
    tpu.enqueue_indirect_dma source(%dma_start3A_173 : memref<10000x32xf32, #tpu.memory_space<hbm>>) target(%dma_start3A_167 : memref<64x32xf32, #tpu.memory_space<vmem>>) offsets(%dma_start3A_170 : memref<64xi32, #tpu.memory_space<vmem>>) semaphore(%arg14 : memref<!tpu.dma_semaphore, #tpu.memory_space<semaphore_mem>>)
    %dma_start3A_174 = arith.constant 17 : i32
    %dma_start3A_175 = arith.constant 1088 : i32
    %dma_start3A_176 = arith.constant 0 : i32
    %dma_start3A_177 = tpu.memref_slice %arg9[%dma_start3A_175, %dma_start3A_176] : memref<1280x32xf32, #tpu.memory_space<vmem>> -> memref<64x32xf32, #tpu.memory_space<vmem>>
    %dma_start3A_178 = arith.constant 0 : i32
    %dma_start3A_179 = tpu.memref_slice %arg8[%dma_start3A_174, %dma_start3A_178] : memref<20x512xi32, #tpu.memory_space<vmem>> -> memref<1x64xi32, #tpu.memory_space<vmem>>
    %dma_start3A_180 = tpu.memref_squeeze %dma_start3A_179 : memref<1x64xi32, #tpu.memory_space<vmem>> -> memref<64xi32, #tpu.memory_space<vmem>>
    %dma_start3A_181 = arith.constant 0 : i32
    %dma_start3A_182 = arith.constant 0 : i32
    %dma_start3A_183 = tpu.memref_slice %arg4[%dma_start3A_181, %dma_start3A_182] : memref<10000x32xf32, #tpu.memory_space<hbm>> -> memref<10000x32xf32, #tpu.memory_space<hbm>>
    tpu.enqueue_indirect_dma source(%dma_start3A_183 : memref<10000x32xf32, #tpu.memory_space<hbm>>) target(%dma_start3A_177 : memref<64x32xf32, #tpu.memory_space<vmem>>) offsets(%dma_start3A_180 : memref<64xi32, #tpu.memory_space<vmem>>) semaphore(%arg14 : memref<!tpu.dma_semaphore, #tpu.memory_space<semaphore_mem>>)
    %dma_start3A_184 = arith.constant 18 : i32
    %dma_start3A_185 = arith.constant 1152 : i32
    %dma_start3A_186 = arith.constant 0 : i32
    %dma_start3A_187 = tpu.memref_slice %arg9[%dma_start3A_185, %dma_start3A_186] : memref<1280x32xf32, #tpu.memory_space<vmem>> -> memref<64x32xf32, #tpu.memory_space<vmem>>
    %dma_start3A_188 = arith.constant 0 : i32
    %dma_start3A_189 = tpu.memref_slice %arg8[%dma_start3A_184, %dma_start3A_188] : memref<20x512xi32, #tpu.memory_space<vmem>> -> memref<1x64xi32, #tpu.memory_space<vmem>>
    %dma_start3A_190 = tpu.memref_squeeze %dma_start3A_189 : memref<1x64xi32, #tpu.memory_space<vmem>> -> memref<64xi32, #tpu.memory_space<vmem>>
    %dma_start3A_191 = arith.constant 0 : i32
    %dma_start3A_192 = arith.constant 0 : i32
    %dma_start3A_193 = tpu.memref_slice %arg4[%dma_start3A_191, %dma_start3A_192] : memref<10000x32xf32, #tpu.memory_space<hbm>> -> memref<10000x32xf32, #tpu.memory_space<hbm>>
    tpu.enqueue_indirect_dma source(%dma_start3A_193 : memref<10000x32xf32, #tpu.memory_space<hbm>>) target(%dma_start3A_187 : memref<64x32xf32, #tpu.memory_space<vmem>>) offsets(%dma_start3A_190 : memref<64xi32, #tpu.memory_space<vmem>>) semaphore(%arg14 : memref<!tpu.dma_semaphore, #tpu.memory_space<semaphore_mem>>)
    %dma_start3A_194 = arith.constant 19 : i32
    %dma_start3A_195 = arith.constant 1216 : i32
    %dma_start3A_196 = arith.constant 0 : i32
    %dma_start3A_197 = tpu.memref_slice %arg9[%dma_start3A_195, %dma_start3A_196] : memref<1280x32xf32, #tpu.memory_space<vmem>> -> memref<64x32xf32, #tpu.memory_space<vmem>>
    %dma_start3A_198 = arith.constant 0 : i32
    %dma_start3A_199 = tpu.memref_slice %arg8[%dma_start3A_194, %dma_start3A_198] : memref<20x512xi32, #tpu.memory_space<vmem>> -> memref<1x64xi32, #tpu.memory_space<vmem>>
    %dma_start3A_200 = tpu.memref_squeeze %dma_start3A_199 : memref<1x64xi32, #tpu.memory_space<vmem>> -> memref<64xi32, #tpu.memory_space<vmem>>
    %dma_start3A_201 = arith.constant 0 : i32
    %dma_start3A_202 = arith.constant 0 : i32
    %dma_start3A_203 = tpu.memref_slice %arg4[%dma_start3A_201, %dma_start3A_202] : memref<10000x32xf32, #tpu.memory_space<hbm>> -> memref<10000x32xf32, #tpu.memory_space<hbm>>
    tpu.enqueue_indirect_dma source(%dma_start3A_203 : memref<10000x32xf32, #tpu.memory_space<hbm>>) target(%dma_start3A_197 : memref<64x32xf32, #tpu.memory_space<vmem>>) offsets(%dma_start3A_200 : memref<64xi32, #tpu.memory_space<vmem>>) semaphore(%arg14 : memref<!tpu.dma_semaphore, #tpu.memory_space<semaphore_mem>>)
    %dma_start3A_204 = arith.constant 0 : i32
    %dma_start3A_205 = arith.constant 0 : i32
    %dma_start3A_206 = arith.constant 0 : i32
    %dma_start3A_207 = tpu.memref_slice %arg10[%dma_start3A_205, %dma_start3A_206] : memref<1280x32xf32, #tpu.memory_space<vmem>> -> memref<64x32xf32, #tpu.memory_space<vmem>>
    %dma_start3A_208 = arith.constant 64 : i32
    %dma_start3A_209 = tpu.memref_slice %arg8[%dma_start3A_204, %dma_start3A_208] : memref<20x512xi32, #tpu.memory_space<vmem>> -> memref<1x64xi32, #tpu.memory_space<vmem>>
    %dma_start3A_210 = tpu.memref_squeeze %dma_start3A_209 : memref<1x64xi32, #tpu.memory_space<vmem>> -> memref<64xi32, #tpu.memory_space<vmem>>
    %dma_start3A_211 = arith.constant 0 : i32
    %dma_start3A_212 = arith.constant 0 : i32
    %dma_start3A_213 = tpu.memref_slice %arg4[%dma_start3A_211, %dma_start3A_212] : memref<10000x32xf32, #tpu.memory_space<hbm>> -> memref<10000x32xf32, #tpu.memory_space<hbm>>
    tpu.enqueue_indirect_dma source(%dma_start3A_213 : memref<10000x32xf32, #tpu.memory_space<hbm>>) target(%dma_start3A_207 : memref<64x32xf32, #tpu.memory_space<vmem>>) offsets(%dma_start3A_210 : memref<64xi32, #tpu.memory_space<vmem>>) semaphore(%arg15 : memref<!tpu.dma_semaphore, #tpu.memory_space<semaphore_mem>>)
    %dma_start3A_214 = arith.constant 1 : i32
    %dma_start3A_215 = arith.constant 64 : i32
    %dma_start3A_216 = arith.constant 0 : i32
    %dma_start3A_217 = tpu.memref_slice %arg10[%dma_start3A_215, %dma_start3A_216] : memref<1280x32xf32, #tpu.memory_space<vmem>> -> memref<64x32xf32, #tpu.memory_space<vmem>>
    %dma_start3A_218 = arith.constant 64 : i32
    %dma_start3A_219 = tpu.memref_slice %arg8[%dma_start3A_214, %dma_start3A_218] : memref<20x512xi32, #tpu.memory_space<vmem>> -> memref<1x64xi32, #tpu.memory_space<vmem>>
    %dma_start3A_220 = tpu.memref_squeeze %dma_start3A_219 : memref<1x64xi32, #tpu.memory_space<vmem>> -> memref<64xi32, #tpu.memory_space<vmem>>
    %dma_start3A_221 = arith.constant 0 : i32
    %dma_start3A_222 = arith.constant 0 : i32
    %dma_start3A_223 = tpu.memref_slice %arg4[%dma_start3A_221, %dma_start3A_222] : memref<10000x32xf32, #tpu.memory_space<hbm>> -> memref<10000x32xf32, #tpu.memory_space<hbm>>
    tpu.enqueue_indirect_dma source(%dma_start3A_223 : memref<10000x32xf32, #tpu.memory_space<hbm>>) target(%dma_start3A_217 : memref<64x32xf32, #tpu.memory_space<vmem>>) offsets(%dma_start3A_220 : memref<64xi32, #tpu.memory_space<vmem>>) semaphore(%arg15 : memref<!tpu.dma_semaphore, #tpu.memory_space<semaphore_mem>>)
    %dma_start3A_224 = arith.constant 2 : i32
    %dma_start3A_225 = arith.constant 128 : i32
    %dma_start3A_226 = arith.constant 0 : i32
    %dma_start3A_227 = tpu.memref_slice %arg10[%dma_start3A_225, %dma_start3A_226] : memref<1280x32xf32, #tpu.memory_space<vmem>> -> memref<64x32xf32, #tpu.memory_space<vmem>>
    %dma_start3A_228 = arith.constant 64 : i32
    %dma_start3A_229 = tpu.memref_slice %arg8[%dma_start3A_224, %dma_start3A_228] : memref<20x512xi32, #tpu.memory_space<vmem>> -> memref<1x64xi32, #tpu.memory_space<vmem>>
    %dma_start3A_230 = tpu.memref_squeeze %dma_start3A_229 : memref<1x64xi32, #tpu.memory_space<vmem>> -> memref<64xi32, #tpu.memory_space<vmem>>
    %dma_start3A_231 = arith.constant 0 : i32
    %dma_start3A_232 = arith.constant 0 : i32
    %dma_start3A_233 = tpu.memref_slice %arg4[%dma_start3A_231, %dma_start3A_232] : memref<10000x32xf32, #tpu.memory_space<hbm>> -> memref<10000x32xf32, #tpu.memory_space<hbm>>
    tpu.enqueue_indirect_dma source(%dma_start3A_233 : memref<10000x32xf32, #tpu.memory_space<hbm>>) target(%dma_start3A_227 : memref<64x32xf32, #tpu.memory_space<vmem>>) offsets(%dma_start3A_230 : memref<64xi32, #tpu.memory_space<vmem>>) semaphore(%arg15 : memref<!tpu.dma_semaphore, #tpu.memory_space<semaphore_mem>>)
    %dma_start3A_234 = arith.constant 3 : i32
    %dma_start3A_235 = arith.constant 192 : i32
    %dma_start3A_236 = arith.constant 0 : i32
    %dma_start3A_237 = tpu.memref_slice %arg10[%dma_start3A_235, %dma_start3A_236] : memref<1280x32xf32, #tpu.memory_space<vmem>> -> memref<64x32xf32, #tpu.memory_space<vmem>>
    %dma_start3A_238 = arith.constant 64 : i32
    %dma_start3A_239 = tpu.memref_slice %arg8[%dma_start3A_234, %dma_start3A_238] : memref<20x512xi32, #tpu.memory_space<vmem>> -> memref<1x64xi32, #tpu.memory_space<vmem>>
    %dma_start3A_240 = tpu.memref_squeeze %dma_start3A_239 : memref<1x64xi32, #tpu.memory_space<vmem>> -> memref<64xi32, #tpu.memory_space<vmem>>
    %dma_start3A_241 = arith.constant 0 : i32
    %dma_start3A_242 = arith.constant 0 : i32
    %dma_start3A_243 = tpu.memref_slice %arg4[%dma_start3A_241, %dma_start3A_242] : memref<10000x32xf32, #tpu.memory_space<hbm>> -> memref<10000x32xf32, #tpu.memory_space<hbm>>
    tpu.enqueue_indirect_dma source(%dma_start3A_243 : memref<10000x32xf32, #tpu.memory_space<hbm>>) target(%dma_start3A_237 : memref<64x32xf32, #tpu.memory_space<vmem>>) offsets(%dma_start3A_240 : memref<64xi32, #tpu.memory_space<vmem>>) semaphore(%arg15 : memref<!tpu.dma_semaphore, #tpu.memory_space<semaphore_mem>>)
    %dma_start3A_244 = arith.constant 4 : i32
    %dma_start3A_245 = arith.constant 256 : i32
    %dma_start3A_246 = arith.constant 0 : i32
    %dma_start3A_247 = tpu.memref_slice %arg10[%dma_start3A_245, %dma_start3A_246] : memref<1280x32xf32, #tpu.memory_space<vmem>> -> memref<64x32xf32, #tpu.memory_space<vmem>>
    %dma_start3A_248 = arith.constant 64 : i32
    %dma_start3A_249 = tpu.memref_slice %arg8[%dma_start3A_244, %dma_start3A_248] : memref<20x512xi32, #tpu.memory_space<vmem>> -> memref<1x64xi32, #tpu.memory_space<vmem>>
    %dma_start3A_250 = tpu.memref_squeeze %dma_start3A_249 : memref<1x64xi32, #tpu.memory_space<vmem>> -> memref<64xi32, #tpu.memory_space<vmem>>
    %dma_start3A_251 = arith.constant 0 : i32
    %dma_start3A_252 = arith.constant 0 : i32
    %dma_start3A_253 = tpu.memref_slice %arg4[%dma_start3A_251, %dma_start3A_252] : memref<10000x32xf32, #tpu.memory_space<hbm>> -> memref<10000x32xf32, #tpu.memory_space<hbm>>
    tpu.enqueue_indirect_dma source(%dma_start3A_253 : memref<10000x32xf32, #tpu.memory_space<hbm>>) target(%dma_start3A_247 : memref<64x32xf32, #tpu.memory_space<vmem>>) offsets(%dma_start3A_250 : memref<64xi32, #tpu.memory_space<vmem>>) semaphore(%arg15 : memref<!tpu.dma_semaphore, #tpu.memory_space<semaphore_mem>>)
    %dma_start3A_254 = arith.constant 5 : i32
    %dma_start3A_255 = arith.constant 320 : i32
    %dma_start3A_256 = arith.constant 0 : i32
    %dma_start3A_257 = tpu.memref_slice %arg10[%dma_start3A_255, %dma_start3A_256] : memref<1280x32xf32, #tpu.memory_space<vmem>> -> memref<64x32xf32, #tpu.memory_space<vmem>>
    %dma_start3A_258 = arith.constant 64 : i32
    %dma_start3A_259 = tpu.memref_slice %arg8[%dma_start3A_254, %dma_start3A_258] : memref<20x512xi32, #tpu.memory_space<vmem>> -> memref<1x64xi32, #tpu.memory_space<vmem>>
    %dma_start3A_260 = tpu.memref_squeeze %dma_start3A_259 : memref<1x64xi32, #tpu.memory_space<vmem>> -> memref<64xi32, #tpu.memory_space<vmem>>
    %dma_start3A_261 = arith.constant 0 : i32
    %dma_start3A_262 = arith.constant 0 : i32
    %dma_start3A_263 = tpu.memref_slice %arg4[%dma_start3A_261, %dma_start3A_262] : memref<10000x32xf32, #tpu.memory_space<hbm>> -> memref<10000x32xf32, #tpu.memory_space<hbm>>
    tpu.enqueue_indirect_dma source(%dma_start3A_263 : memref<10000x32xf32, #tpu.memory_space<hbm>>) target(%dma_start3A_257 : memref<64x32xf32, #tpu.memory_space<vmem>>) offsets(%dma_start3A_260 : memref<64xi32, #tpu.memory_space<vmem>>) semaphore(%arg15 : memref<!tpu.dma_semaphore, #tpu.memory_space<semaphore_mem>>)
    %dma_start3A_264 = arith.constant 6 : i32
    %dma_start3A_265 = arith.constant 384 : i32
    %dma_start3A_266 = arith.constant 0 : i32
    %dma_start3A_267 = tpu.memref_slice %arg10[%dma_start3A_265, %dma_start3A_266] : memref<1280x32xf32, #tpu.memory_space<vmem>> -> memref<64x32xf32, #tpu.memory_space<vmem>>
    %dma_start3A_268 = arith.constant 64 : i32
    %dma_start3A_269 = tpu.memref_slice %arg8[%dma_start3A_264, %dma_start3A_268] : memref<20x512xi32, #tpu.memory_space<vmem>> -> memref<1x64xi32, #tpu.memory_space<vmem>>
    %dma_start3A_270 = tpu.memref_squeeze %dma_start3A_269 : memref<1x64xi32, #tpu.memory_space<vmem>> -> memref<64xi32, #tpu.memory_space<vmem>>
    %dma_start3A_271 = arith.constant 0 : i32
    %dma_start3A_272 = arith.constant 0 : i32
    %dma_start3A_273 = tpu.memref_slice %arg4[%dma_start3A_271, %dma_start3A_272] : memref<10000x32xf32, #tpu.memory_space<hbm>> -> memref<10000x32xf32, #tpu.memory_space<hbm>>
    tpu.enqueue_indirect_dma source(%dma_start3A_273 : memref<10000x32xf32, #tpu.memory_space<hbm>>) target(%dma_start3A_267 : memref<64x32xf32, #tpu.memory_space<vmem>>) offsets(%dma_start3A_270 : memref<64xi32, #tpu.memory_space<vmem>>) semaphore(%arg15 : memref<!tpu.dma_semaphore, #tpu.memory_space<semaphore_mem>>)
    %dma_start3A_274 = arith.constant 7 : i32
    %dma_start3A_275 = arith.constant 448 : i32
    %dma_start3A_276 = arith.constant 0 : i32
    %dma_start3A_277 = tpu.memref_slice %arg10[%dma_start3A_275, %dma_start3A_276] : memref<1280x32xf32, #tpu.memory_space<vmem>> -> memref<64x32xf32, #tpu.memory_space<vmem>>
    %dma_start3A_278 = arith.constant 64 : i32
    %dma_start3A_279 = tpu.memref_slice %arg8[%dma_start3A_274, %dma_start3A_278] : memref<20x512xi32, #tpu.memory_space<vmem>> -> memref<1x64xi32, #tpu.memory_space<vmem>>
    %dma_start3A_280 = tpu.memref_squeeze %dma_start3A_279 : memref<1x64xi32, #tpu.memory_space<vmem>> -> memref<64xi32, #tpu.memory_space<vmem>>
    %dma_start3A_281 = arith.constant 0 : i32
    %dma_start3A_282 = arith.constant 0 : i32
    %dma_start3A_283 = tpu.memref_slice %arg4[%dma_start3A_281, %dma_start3A_282] : memref<10000x32xf32, #tpu.memory_space<hbm>> -> memref<10000x32xf32, #tpu.memory_space<hbm>>
    tpu.enqueue_indirect_dma source(%dma_start3A_283 : memref<10000x32xf32, #tpu.memory_space<hbm>>) target(%dma_start3A_277 : memref<64x32xf32, #tpu.memory_space<vmem>>) offsets(%dma_start3A_280 : memref<64xi32, #tpu.memory_space<vmem>>) semaphore(%arg15 : memref<!tpu.dma_semaphore, #tpu.memory_space<semaphore_mem>>)
    %dma_start3A_284 = arith.constant 8 : i32
    %dma_start3A_285 = arith.constant 512 : i32
    %dma_start3A_286 = arith.constant 0 : i32
    %dma_start3A_287 = tpu.memref_slice %arg10[%dma_start3A_285, %dma_start3A_286] : memref<1280x32xf32, #tpu.memory_space<vmem>> -> memref<64x32xf32, #tpu.memory_space<vmem>>
    %dma_start3A_288 = arith.constant 64 : i32
    %dma_start3A_289 = tpu.memref_slice %arg8[%dma_start3A_284, %dma_start3A_288] : memref<20x512xi32, #tpu.memory_space<vmem>> -> memref<1x64xi32, #tpu.memory_space<vmem>>
    %dma_start3A_290 = tpu.memref_squeeze %dma_start3A_289 : memref<1x64xi32, #tpu.memory_space<vmem>> -> memref<64xi32, #tpu.memory_space<vmem>>
    %dma_start3A_291 = arith.constant 0 : i32
    %dma_start3A_292 = arith.constant 0 : i32
    %dma_start3A_293 = tpu.memref_slice %arg4[%dma_start3A_291, %dma_start3A_292] : memref<10000x32xf32, #tpu.memory_space<hbm>> -> memref<10000x32xf32, #tpu.memory_space<hbm>>
    tpu.enqueue_indirect_dma source(%dma_start3A_293 : memref<10000x32xf32, #tpu.memory_space<hbm>>) target(%dma_start3A_287 : memref<64x32xf32, #tpu.memory_space<vmem>>) offsets(%dma_start3A_290 : memref<64xi32, #tpu.memory_space<vmem>>) semaphore(%arg15 : memref<!tpu.dma_semaphore, #tpu.memory_space<semaphore_mem>>)
    %dma_start3A_294 = arith.constant 9 : i32
    %dma_start3A_295 = arith.constant 576 : i32
    %dma_start3A_296 = arith.constant 0 : i32
    %dma_start3A_297 = tpu.memref_slice %arg10[%dma_start3A_295, %dma_start3A_296] : memref<1280x32xf32, #tpu.memory_space<vmem>> -> memref<64x32xf32, #tpu.memory_space<vmem>>
    %dma_start3A_298 = arith.constant 64 : i32
    %dma_start3A_299 = tpu.memref_slice %arg8[%dma_start3A_294, %dma_start3A_298] : memref<20x512xi32, #tpu.memory_space<vmem>> -> memref<1x64xi32, #tpu.memory_space<vmem>>
    %dma_start3A_300 = tpu.memref_squeeze %dma_start3A_299 : memref<1x64xi32, #tpu.memory_space<vmem>> -> memref<64xi32, #tpu.memory_space<vmem>>
    %dma_start3A_301 = arith.constant 0 : i32
    %dma_start3A_302 = arith.constant 0 : i32
    %dma_start3A_303 = tpu.memref_slice %arg4[%dma_start3A_301, %dma_start3A_302] : memref<10000x32xf32, #tpu.memory_space<hbm>> -> memref<10000x32xf32, #tpu.memory_space<hbm>>
    tpu.enqueue_indirect_dma source(%dma_start3A_303 : memref<10000x32xf32, #tpu.memory_space<hbm>>) target(%dma_start3A_297 : memref<64x32xf32, #tpu.memory_space<vmem>>) offsets(%dma_start3A_300 : memref<64xi32, #tpu.memory_space<vmem>>) semaphore(%arg15 : memref<!tpu.dma_semaphore, #tpu.memory_space<semaphore_mem>>)
    %dma_start3A_304 = arith.constant 10 : i32
    %dma_start3A_305 = arith.constant 640 : i32
    %dma_start3A_306 = arith.constant 0 : i32
    %dma_start3A_307 = tpu.memref_slice %arg10[%dma_start3A_305, %dma_start3A_306] : memref<1280x32xf32, #tpu.memory_space<vmem>> -> memref<64x32xf32, #tpu.memory_space<vmem>>
    %dma_start3A_308 = arith.constant 64 : i32
    %dma_start3A_309 = tpu.memref_slice %arg8[%dma_start3A_304, %dma_start3A_308] : memref<20x512xi32, #tpu.memory_space<vmem>> -> memref<1x64xi32, #tpu.memory_space<vmem>>
    %dma_start3A_310 = tpu.memref_squeeze %dma_start3A_309 : memref<1x64xi32, #tpu.memory_space<vmem>> -> memref<64xi32, #tpu.memory_space<vmem>>
    %dma_start3A_311 = arith.constant 0 : i32
    %dma_start3A_312 = arith.constant 0 : i32
    %dma_start3A_313 = tpu.memref_slice %arg4[%dma_start3A_311, %dma_start3A_312] : memref<10000x32xf32, #tpu.memory_space<hbm>> -> memref<10000x32xf32, #tpu.memory_space<hbm>>
    tpu.enqueue_indirect_dma source(%dma_start3A_313 : memref<10000x32xf32, #tpu.memory_space<hbm>>) target(%dma_start3A_307 : memref<64x32xf32, #tpu.memory_space<vmem>>) offsets(%dma_start3A_310 : memref<64xi32, #tpu.memory_space<vmem>>) semaphore(%arg15 : memref<!tpu.dma_semaphore, #tpu.memory_space<semaphore_mem>>)
    %dma_start3A_314 = arith.constant 11 : i32
    %dma_start3A_315 = arith.constant 704 : i32
    %dma_start3A_316 = arith.constant 0 : i32
    %dma_start3A_317 = tpu.memref_slice %arg10[%dma_start3A_315, %dma_start3A_316] : memref<1280x32xf32, #tpu.memory_space<vmem>> -> memref<64x32xf32, #tpu.memory_space<vmem>>
    %dma_start3A_318 = arith.constant 64 : i32
    %dma_start3A_319 = tpu.memref_slice %arg8[%dma_start3A_314, %dma_start3A_318] : memref<20x512xi32, #tpu.memory_space<vmem>> -> memref<1x64xi32, #tpu.memory_space<vmem>>
    %dma_start3A_320 = tpu.memref_squeeze %dma_start3A_319 : memref<1x64xi32, #tpu.memory_space<vmem>> -> memref<64xi32, #tpu.memory_space<vmem>>
    %dma_start3A_321 = arith.constant 0 : i32
    %dma_start3A_322 = arith.constant 0 : i32
    %dma_start3A_323 = tpu.memref_slice %arg4[%dma_start3A_321, %dma_start3A_322] : memref<10000x32xf32, #tpu.memory_space<hbm>> -> memref<10000x32xf32, #tpu.memory_space<hbm>>
    tpu.enqueue_indirect_dma source(%dma_start3A_323 : memref<10000x32xf32, #tpu.memory_space<hbm>>) target(%dma_start3A_317 : memref<64x32xf32, #tpu.memory_space<vmem>>) offsets(%dma_start3A_320 : memref<64xi32, #tpu.memory_space<vmem>>) semaphore(%arg15 : memref<!tpu.dma_semaphore, #tpu.memory_space<semaphore_mem>>)
    %dma_start3A_324 = arith.constant 12 : i32
    %dma_start3A_325 = arith.constant 768 : i32
    %dma_start3A_326 = arith.constant 0 : i32
    %dma_start3A_327 = tpu.memref_slice %arg10[%dma_start3A_325, %dma_start3A_326] : memref<1280x32xf32, #tpu.memory_space<vmem>> -> memref<64x32xf32, #tpu.memory_space<vmem>>
    %dma_start3A_328 = arith.constant 64 : i32
    %dma_start3A_329 = tpu.memref_slice %arg8[%dma_start3A_324, %dma_start3A_328] : memref<20x512xi32, #tpu.memory_space<vmem>> -> memref<1x64xi32, #tpu.memory_space<vmem>>
    %dma_start3A_330 = tpu.memref_squeeze %dma_start3A_329 : memref<1x64xi32, #tpu.memory_space<vmem>> -> memref<64xi32, #tpu.memory_space<vmem>>
    %dma_start3A_331 = arith.constant 0 : i32
    %dma_start3A_332 = arith.constant 0 : i32
    %dma_start3A_333 = tpu.memref_slice %arg4[%dma_start3A_331, %dma_start3A_332] : memref<10000x32xf32, #tpu.memory_space<hbm>> -> memref<10000x32xf32, #tpu.memory_space<hbm>>
    tpu.enqueue_indirect_dma source(%dma_start3A_333 : memref<10000x32xf32, #tpu.memory_space<hbm>>) target(%dma_start3A_327 : memref<64x32xf32, #tpu.memory_space<vmem>>) offsets(%dma_start3A_330 : memref<64xi32, #tpu.memory_space<vmem>>) semaphore(%arg15 : memref<!tpu.dma_semaphore, #tpu.memory_space<semaphore_mem>>)
    %dma_start3A_334 = arith.constant 13 : i32
    %dma_start3A_335 = arith.constant 832 : i32
    %dma_start3A_336 = arith.constant 0 : i32
    %dma_start3A_337 = tpu.memref_slice %arg10[%dma_start3A_335, %dma_start3A_336] : memref<1280x32xf32, #tpu.memory_space<vmem>> -> memref<64x32xf32, #tpu.memory_space<vmem>>
    %dma_start3A_338 = arith.constant 64 : i32
    %dma_start3A_339 = tpu.memref_slice %arg8[%dma_start3A_334, %dma_start3A_338] : memref<20x512xi32, #tpu.memory_space<vmem>> -> memref<1x64xi32, #tpu.memory_space<vmem>>
    %dma_start3A_340 = tpu.memref_squeeze %dma_start3A_339 : memref<1x64xi32, #tpu.memory_space<vmem>> -> memref<64xi32, #tpu.memory_space<vmem>>
    %dma_start3A_341 = arith.constant 0 : i32
    %dma_start3A_342 = arith.constant 0 : i32
    %dma_start3A_343 = tpu.memref_slice %arg4[%dma_start3A_341, %dma_start3A_342] : memref<10000x32xf32, #tpu.memory_space<hbm>> -> memref<10000x32xf32, #tpu.memory_space<hbm>>
    tpu.enqueue_indirect_dma source(%dma_start3A_343 : memref<10000x32xf32, #tpu.memory_space<hbm>>) target(%dma_start3A_337 : memref<64x32xf32, #tpu.memory_space<vmem>>) offsets(%dma_start3A_340 : memref<64xi32, #tpu.memory_space<vmem>>) semaphore(%arg15 : memref<!tpu.dma_semaphore, #tpu.memory_space<semaphore_mem>>)
    %dma_start3A_344 = arith.constant 14 : i32
    %dma_start3A_345 = arith.constant 896 : i32
    %dma_start3A_346 = arith.constant 0 : i32
    %dma_start3A_347 = tpu.memref_slice %arg10[%dma_start3A_345, %dma_start3A_346] : memref<1280x32xf32, #tpu.memory_space<vmem>> -> memref<64x32xf32, #tpu.memory_space<vmem>>
    %dma_start3A_348 = arith.constant 64 : i32
    %dma_start3A_349 = tpu.memref_slice %arg8[%dma_start3A_344, %dma_start3A_348] : memref<20x512xi32, #tpu.memory_space<vmem>> -> memref<1x64xi32, #tpu.memory_space<vmem>>
    %dma_start3A_350 = tpu.memref_squeeze %dma_start3A_349 : memref<1x64xi32, #tpu.memory_space<vmem>> -> memref<64xi32, #tpu.memory_space<vmem>>
    %dma_start3A_351 = arith.constant 0 : i32
    %dma_start3A_352 = arith.constant 0 : i32
    %dma_start3A_353 = tpu.memref_slice %arg4[%dma_start3A_351, %dma_start3A_352] : memref<10000x32xf32, #tpu.memory_space<hbm>> -> memref<10000x32xf32, #tpu.memory_space<hbm>>
    tpu.enqueue_indirect_dma source(%dma_start3A_353 : memref<10000x32xf32, #tpu.memory_space<hbm>>) target(%dma_start3A_347 : memref<64x32xf32, #tpu.memory_space<vmem>>) offsets(%dma_start3A_350 : memref<64xi32, #tpu.memory_space<vmem>>) semaphore(%arg15 : memref<!tpu.dma_semaphore, #tpu.memory_space<semaphore_mem>>)
    %dma_start3A_354 = arith.constant 15 : i32
    %dma_start3A_355 = arith.constant 960 : i32
    %dma_start3A_356 = arith.constant 0 : i32
    %dma_start3A_357 = tpu.memref_slice %arg10[%dma_start3A_355, %dma_start3A_356] : memref<1280x32xf32, #tpu.memory_space<vmem>> -> memref<64x32xf32, #tpu.memory_space<vmem>>
    %dma_start3A_358 = arith.constant 64 : i32
    %dma_start3A_359 = tpu.memref_slice %arg8[%dma_start3A_354, %dma_start3A_358] : memref<20x512xi32, #tpu.memory_space<vmem>> -> memref<1x64xi32, #tpu.memory_space<vmem>>
    %dma_start3A_360 = tpu.memref_squeeze %dma_start3A_359 : memref<1x64xi32, #tpu.memory_space<vmem>> -> memref<64xi32, #tpu.memory_space<vmem>>
    %dma_start3A_361 = arith.constant 0 : i32
    %dma_start3A_362 = arith.constant 0 : i32
    %dma_start3A_363 = tpu.memref_slice %arg4[%dma_start3A_361, %dma_start3A_362] : memref<10000x32xf32, #tpu.memory_space<hbm>> -> memref<10000x32xf32, #tpu.memory_space<hbm>>
    tpu.enqueue_indirect_dma source(%dma_start3A_363 : memref<10000x32xf32, #tpu.memory_space<hbm>>) target(%dma_start3A_357 : memref<64x32xf32, #tpu.memory_space<vmem>>) offsets(%dma_start3A_360 : memref<64xi32, #tpu.memory_space<vmem>>) semaphore(%arg15 : memref<!tpu.dma_semaphore, #tpu.memory_space<semaphore_mem>>)
    %dma_start3A_364 = arith.constant 16 : i32
    %dma_start3A_365 = arith.constant 1024 : i32
    %dma_start3A_366 = arith.constant 0 : i32
    %dma_start3A_367 = tpu.memref_slice %arg10[%dma_start3A_365, %dma_start3A_366] : memref<1280x32xf32, #tpu.memory_space<vmem>> -> memref<64x32xf32, #tpu.memory_space<vmem>>
    %dma_start3A_368 = arith.constant 64 : i32
    %dma_start3A_369 = tpu.memref_slice %arg8[%dma_start3A_364, %dma_start3A_368] : memref<20x512xi32, #tpu.memory_space<vmem>> -> memref<1x64xi32, #tpu.memory_space<vmem>>
    %dma_start3A_370 = tpu.memref_squeeze %dma_start3A_369 : memref<1x64xi32, #tpu.memory_space<vmem>> -> memref<64xi32, #tpu.memory_space<vmem>>
    %dma_start3A_371 = arith.constant 0 : i32
    %dma_start3A_372 = arith.constant 0 : i32
    %dma_start3A_373 = tpu.memref_slice %arg4[%dma_start3A_371, %dma_start3A_372] : memref<10000x32xf32, #tpu.memory_space<hbm>> -> memref<10000x32xf32, #tpu.memory_space<hbm>>
    tpu.enqueue_indirect_dma source(%dma_start3A_373 : memref<10000x32xf32, #tpu.memory_space<hbm>>) target(%dma_start3A_367 : memref<64x32xf32, #tpu.memory_space<vmem>>) offsets(%dma_start3A_370 : memref<64xi32, #tpu.memory_space<vmem>>) semaphore(%arg15 : memref<!tpu.dma_semaphore, #tpu.memory_space<semaphore_mem>>)
    %dma_start3A_374 = arith.constant 17 : i32
    %dma_start3A_375 = arith.constant 1088 : i32
    %dma_start3A_376 = arith.constant 0 : i32
    %dma_start3A_377 = tpu.memref_slice %arg10[%dma_start3A_375, %dma_start3A_376] : memref<1280x32xf32, #tpu.memory_space<vmem>> -> memref<64x32xf32, #tpu.memory_space<vmem>>
    %dma_start3A_378 = arith.constant 64 : i32
    %dma_start3A_379 = tpu.memref_slice %arg8[%dma_start3A_374, %dma_start3A_378] : memref<20x512xi32, #tpu.memory_space<vmem>> -> memref<1x64xi32, #tpu.memory_space<vmem>>
    %dma_start3A_380 = tpu.memref_squeeze %dma_start3A_379 : memref<1x64xi32, #tpu.memory_space<vmem>> -> memref<64xi32, #tpu.memory_space<vmem>>
    %dma_start3A_381 = arith.constant 0 : i32
    %dma_start3A_382 = arith.constant 0 : i32
    %dma_start3A_383 = tpu.memref_slice %arg4[%dma_start3A_381, %dma_start3A_382] : memref<10000x32xf32, #tpu.memory_space<hbm>> -> memref<10000x32xf32, #tpu.memory_space<hbm>>
    tpu.enqueue_indirect_dma source(%dma_start3A_383 : memref<10000x32xf32, #tpu.memory_space<hbm>>) target(%dma_start3A_377 : memref<64x32xf32, #tpu.memory_space<vmem>>) offsets(%dma_start3A_380 : memref<64xi32, #tpu.memory_space<vmem>>) semaphore(%arg15 : memref<!tpu.dma_semaphore, #tpu.memory_space<semaphore_mem>>)
    %dma_start3A_384 = arith.constant 18 : i32
    %dma_start3A_385 = arith.constant 1152 : i32
    %dma_start3A_386 = arith.constant 0 : i32
    %dma_start3A_387 = tpu.memref_slice %arg10[%dma_start3A_385, %dma_start3A_386] : memref<1280x32xf32, #tpu.memory_space<vmem>> -> memref<64x32xf32, #tpu.memory_space<vmem>>
    %dma_start3A_388 = arith.constant 64 : i32
    %dma_start3A_389 = tpu.memref_slice %arg8[%dma_start3A_384, %dma_start3A_388] : memref<20x512xi32, #tpu.memory_space<vmem>> -> memref<1x64xi32, #tpu.memory_space<vmem>>
    %dma_start3A_390 = tpu.memref_squeeze %dma_start3A_389 : memref<1x64xi32, #tpu.memory_space<vmem>> -> memref<64xi32, #tpu.memory_space<vmem>>
    %dma_start3A_391 = arith.constant 0 : i32
    %dma_start3A_392 = arith.constant 0 : i32
    %dma_start3A_393 = tpu.memref_slice %arg4[%dma_start3A_391, %dma_start3A_392] : memref<10000x32xf32, #tpu.memory_space<hbm>> -> memref<10000x32xf32, #tpu.memory_space<hbm>>
    tpu.enqueue_indirect_dma source(%dma_start3A_393 : memref<10000x32xf32, #tpu.memory_space<hbm>>) target(%dma_start3A_387 : memref<64x32xf32, #tpu.memory_space<vmem>>) offsets(%dma_start3A_390 : memref<64xi32, #tpu.memory_space<vmem>>) semaphore(%arg15 : memref<!tpu.dma_semaphore, #tpu.memory_space<semaphore_mem>>)
    %dma_start3A_394 = arith.constant 19 : i32
    %dma_start3A_395 = arith.constant 1216 : i32
    %dma_start3A_396 = arith.constant 0 : i32
    %dma_start3A_397 = tpu.memref_slice %arg10[%dma_start3A_395, %dma_start3A_396] : memref<1280x32xf32, #tpu.memory_space<vmem>> -> memref<64x32xf32, #tpu.memory_space<vmem>>
    %dma_start3A_398 = arith.constant 64 : i32
    %dma_start3A_399 = tpu.memref_slice %arg8[%dma_start3A_394, %dma_start3A_398] : memref<20x512xi32, #tpu.memory_space<vmem>> -> memref<1x64xi32, #tpu.memory_space<vmem>>
    %dma_start3A_400 = tpu.memref_squeeze %dma_start3A_399 : memref<1x64xi32, #tpu.memory_space<vmem>> -> memref<64xi32, #tpu.memory_space<vmem>>
    %dma_start3A_401 = arith.constant 0 : i32
    %dma_start3A_402 = arith.constant 0 : i32
    %dma_start3A_403 = tpu.memref_slice %arg4[%dma_start3A_401, %dma_start3A_402] : memref<10000x32xf32, #tpu.memory_space<hbm>> -> memref<10000x32xf32, #tpu.memory_space<hbm>>
    tpu.enqueue_indirect_dma source(%dma_start3A_403 : memref<10000x32xf32, #tpu.memory_space<hbm>>) target(%dma_start3A_397 : memref<64x32xf32, #tpu.memory_space<vmem>>) offsets(%dma_start3A_400 : memref<64xi32, #tpu.memory_space<vmem>>) semaphore(%arg15 : memref<!tpu.dma_semaphore, #tpu.memory_space<semaphore_mem>>)
    %scan3A = arith.constant 0 : i32
    %scan3A_404 = arith.constant 0 : i32
    %scan3A_405 = arith.constant 4 : i32
    %scan3A_406 = arith.addi %scan3A_404, %scan3A_405 : i32
    %scan3A_407 = arith.constant 1 : i32
    scf.for %scan3A_588 = %scan3A_404 to %scan3A_406 step %scan3A_407  : i32 {
      %mul3A_589 = arith.constant 2 : i32
      %mul3A_590 = arith.muli %scan3A_588, %mul3A_589 : i32
      %dma_wait3A_591 = arith.constant 0 : i32
      %dma_wait3A_592 = arith.constant 0 : i32
      %dma_wait3A_593 = tpu.memref_slice %arg4[%dma_wait3A_591, %dma_wait3A_592] : memref<10000x32xf32, #tpu.memory_space<hbm>> -> memref<1280x32xf32, #tpu.memory_space<hbm>>
      %dma_wait3A_594 = arith.constant 0 : i32
      %dma_wait3A_595 = arith.constant 0 : i32
      %dma_wait3A_596 = tpu.memref_slice %arg4[%dma_wait3A_594, %dma_wait3A_595] : memref<10000x32xf32, #tpu.memory_space<hbm>> -> memref<1280x32xf32, #tpu.memory_space<hbm>>
      tpu.wait_dma2 semaphore(%arg14 : memref<!tpu.dma_semaphore, #tpu.memory_space<semaphore_mem>>) src(%dma_wait3A_596 : memref<1280x32xf32, #tpu.memory_space<hbm>>) dst(%arg9 : memref<1280x32xf32, #tpu.memory_space<vmem>>)
      %parallel_loop3A = arith.constant 0 : i32
      %parallel_loop3A_597 = arith.constant 64 : i32
      %parallel_loop3A_598 = arith.constant 1 : i32
      scf.for %parallel_loop3A_636 = %parallel_loop3A to %parallel_loop3A_597 step %parallel_loop3A_598  : i32 {
        %parallel_loop3A_637 = arith.index_cast %parallel_loop3A_636 : i32 to index
        %parallel_loop3A_638 = arith.constant 0 : index
        %parallel_loop3A_639 = tpu.vector_load %arg9[%parallel_loop3A_637, %parallel_loop3A_638] {strides = array<i32>} : memref<1280x32xf32, #tpu.memory_space<vmem>>, vector<16xf32>,
        %parallel_loop3A_640 = arith.index_cast %parallel_loop3A_636 : i32 to index
        %parallel_loop3A_641 = arith.constant 16 : index
        %parallel_loop3A_642 = tpu.vector_load %arg9[%parallel_loop3A_640, %parallel_loop3A_641] {strides = array<i32>} : memref<1280x32xf32, #tpu.memory_space<vmem>>, vector<16xf32>,
        %parallel_loop3A_643 = arith.constant 64 : i32
        %parallel_loop3A_644 = arith.addi %parallel_loop3A_643, %parallel_loop3A_636 : i32
        %parallel_loop3A_645 = arith.index_cast %parallel_loop3A_644 : i32 to index
        %parallel_loop3A_646 = arith.constant 0 : index
        %parallel_loop3A_647 = tpu.vector_load %arg9[%parallel_loop3A_645, %parallel_loop3A_646] {strides = array<i32>} : memref<1280x32xf32, #tpu.memory_space<vmem>>, vector<16xf32>,
        %parallel_loop3A_648 = arith.constant 64 : i32
        %parallel_loop3A_649 = arith.addi %parallel_loop3A_648, %parallel_loop3A_636 : i32
        %parallel_loop3A_650 = arith.index_cast %parallel_loop3A_649 : i32 to index
        %parallel_loop3A_651 = arith.constant 16 : index
        %parallel_loop3A_652 = tpu.vector_load %arg9[%parallel_loop3A_650, %parallel_loop3A_651] {strides = array<i32>} : memref<1280x32xf32, #tpu.memory_space<vmem>>, vector<16xf32>,
        %parallel_loop3A_653 = arith.constant 128 : i32
        %parallel_loop3A_654 = arith.addi %parallel_loop3A_653, %parallel_loop3A_636 : i32
        %parallel_loop3A_655 = arith.index_cast %parallel_loop3A_654 : i32 to index
        %parallel_loop3A_656 = arith.constant 0 : index
        %parallel_loop3A_657 = tpu.vector_load %arg9[%parallel_loop3A_655, %parallel_loop3A_656] {strides = array<i32>} : memref<1280x32xf32, #tpu.memory_space<vmem>>, vector<16xf32>,
        %parallel_loop3A_658 = arith.addf %parallel_loop3A_639, %parallel_loop3A_657 : vector<16xf32>
        %parallel_loop3A_659 = arith.constant 128 : i32
        %parallel_loop3A_660 = arith.addi %parallel_loop3A_659, %parallel_loop3A_636 : i32
        %parallel_loop3A_661 = arith.index_cast %parallel_loop3A_660 : i32 to index
        %parallel_loop3A_662 = arith.constant 16 : index
        %parallel_loop3A_663 = tpu.vector_load %arg9[%parallel_loop3A_661, %parallel_loop3A_662] {strides = array<i32>} : memref<1280x32xf32, #tpu.memory_space<vmem>>, vector<16xf32>,
        %parallel_loop3A_664 = arith.addf %parallel_loop3A_642, %parallel_loop3A_663 : vector<16xf32>
        %parallel_loop3A_665 = arith.constant 192 : i32
        %parallel_loop3A_666 = arith.addi %parallel_loop3A_665, %parallel_loop3A_636 : i32
        %parallel_loop3A_667 = arith.index_cast %parallel_loop3A_666 : i32 to index
        %parallel_loop3A_668 = arith.constant 0 : index
        %parallel_loop3A_669 = tpu.vector_load %arg9[%parallel_loop3A_667, %parallel_loop3A_668] {strides = array<i32>} : memref<1280x32xf32, #tpu.memory_space<vmem>>, vector<16xf32>,
        %parallel_loop3A_670 = arith.addf %parallel_loop3A_647, %parallel_loop3A_669 : vector<16xf32>
        %parallel_loop3A_671 = arith.constant 192 : i32
        %parallel_loop3A_672 = arith.addi %parallel_loop3A_671, %parallel_loop3A_636 : i32
        %parallel_loop3A_673 = arith.index_cast %parallel_loop3A_672 : i32 to index
        %parallel_loop3A_674 = arith.constant 16 : index
        %parallel_loop3A_675 = tpu.vector_load %arg9[%parallel_loop3A_673, %parallel_loop3A_674] {strides = array<i32>} : memref<1280x32xf32, #tpu.memory_space<vmem>>, vector<16xf32>,
        %parallel_loop3A_676 = arith.addf %parallel_loop3A_652, %parallel_loop3A_675 : vector<16xf32>
        %parallel_loop3A_677 = arith.constant 256 : i32
        %parallel_loop3A_678 = arith.addi %parallel_loop3A_677, %parallel_loop3A_636 : i32
        %parallel_loop3A_679 = arith.index_cast %parallel_loop3A_678 : i32 to index
        %parallel_loop3A_680 = arith.constant 0 : index
        %parallel_loop3A_681 = tpu.vector_load %arg9[%parallel_loop3A_679, %parallel_loop3A_680] {strides = array<i32>} : memref<1280x32xf32, #tpu.memory_space<vmem>>, vector<16xf32>,
        %parallel_loop3A_682 = arith.addf %parallel_loop3A_658, %parallel_loop3A_681 : vector<16xf32>
        %parallel_loop3A_683 = arith.constant 256 : i32
        %parallel_loop3A_684 = arith.addi %parallel_loop3A_683, %parallel_loop3A_636 : i32
        %parallel_loop3A_685 = arith.index_cast %parallel_loop3A_684 : i32 to index
        %parallel_loop3A_686 = arith.constant 16 : index
        %parallel_loop3A_687 = tpu.vector_load %arg9[%parallel_loop3A_685, %parallel_loop3A_686] {strides = array<i32>} : memref<1280x32xf32, #tpu.memory_space<vmem>>, vector<16xf32>,
        %parallel_loop3A_688 = arith.addf %parallel_loop3A_664, %parallel_loop3A_687 : vector<16xf32>
        %parallel_loop3A_689 = arith.constant 320 : i32
        %parallel_loop3A_690 = arith.addi %parallel_loop3A_689, %parallel_loop3A_636 : i32
        %parallel_loop3A_691 = arith.index_cast %parallel_loop3A_690 : i32 to index
        %parallel_loop3A_692 = arith.constant 0 : index
        %parallel_loop3A_693 = tpu.vector_load %arg9[%parallel_loop3A_691, %parallel_loop3A_692] {strides = array<i32>} : memref<1280x32xf32, #tpu.memory_space<vmem>>, vector<16xf32>,
        %parallel_loop3A_694 = arith.addf %parallel_loop3A_670, %parallel_loop3A_693 : vector<16xf32>
        %parallel_loop3A_695 = arith.constant 320 : i32
        %parallel_loop3A_696 = arith.addi %parallel_loop3A_695, %parallel_loop3A_636 : i32
        %parallel_loop3A_697 = arith.index_cast %parallel_loop3A_696 : i32 to index
        %parallel_loop3A_698 = arith.constant 16 : index
        %parallel_loop3A_699 = tpu.vector_load %arg9[%parallel_loop3A_697, %parallel_loop3A_698] {strides = array<i32>} : memref<1280x32xf32, #tpu.memory_space<vmem>>, vector<16xf32>,
        %parallel_loop3A_700 = arith.addf %parallel_loop3A_676, %parallel_loop3A_699 : vector<16xf32>
        %parallel_loop3A_701 = arith.constant 384 : i32
        %parallel_loop3A_702 = arith.addi %parallel_loop3A_701, %parallel_loop3A_636 : i32
        %parallel_loop3A_703 = arith.index_cast %parallel_loop3A_702 : i32 to index
        %parallel_loop3A_704 = arith.constant 0 : index
        %parallel_loop3A_705 = tpu.vector_load %arg9[%parallel_loop3A_703, %parallel_loop3A_704] {strides = array<i32>} : memref<1280x32xf32, #tpu.memory_space<vmem>>, vector<16xf32>,
        %parallel_loop3A_706 = arith.addf %parallel_loop3A_682, %parallel_loop3A_705 : vector<16xf32>
        %parallel_loop3A_707 = arith.constant 384 : i32
        %parallel_loop3A_708 = arith.addi %parallel_loop3A_707, %parallel_loop3A_636 : i32
        %parallel_loop3A_709 = arith.index_cast %parallel_loop3A_708 : i32 to index
        %parallel_loop3A_710 = arith.constant 16 : index
        %parallel_loop3A_711 = tpu.vector_load %arg9[%parallel_loop3A_709, %parallel_loop3A_710] {strides = array<i32>} : memref<1280x32xf32, #tpu.memory_space<vmem>>, vector<16xf32>,
        %parallel_loop3A_712 = arith.addf %parallel_loop3A_688, %parallel_loop3A_711 : vector<16xf32>
        %parallel_loop3A_713 = arith.constant 448 : i32
        %parallel_loop3A_714 = arith.addi %parallel_loop3A_713, %parallel_loop3A_636 : i32
        %parallel_loop3A_715 = arith.index_cast %parallel_loop3A_714 : i32 to index
        %parallel_loop3A_716 = arith.constant 0 : index
        %parallel_loop3A_717 = tpu.vector_load %arg9[%parallel_loop3A_715, %parallel_loop3A_716] {strides = array<i32>} : memref<1280x32xf32, #tpu.memory_space<vmem>>, vector<16xf32>,
        %parallel_loop3A_718 = arith.addf %parallel_loop3A_694, %parallel_loop3A_717 : vector<16xf32>
        %parallel_loop3A_719 = arith.constant 448 : i32
        %parallel_loop3A_720 = arith.addi %parallel_loop3A_719, %parallel_loop3A_636 : i32
        %parallel_loop3A_721 = arith.index_cast %parallel_loop3A_720 : i32 to index
        %parallel_loop3A_722 = arith.constant 16 : index
        %parallel_loop3A_723 = tpu.vector_load %arg9[%parallel_loop3A_721, %parallel_loop3A_722] {strides = array<i32>} : memref<1280x32xf32, #tpu.memory_space<vmem>>, vector<16xf32>,
        %parallel_loop3A_724 = arith.addf %parallel_loop3A_700, %parallel_loop3A_723 : vector<16xf32>
        %parallel_loop3A_725 = arith.constant 512 : i32
        %parallel_loop3A_726 = arith.addi %parallel_loop3A_725, %parallel_loop3A_636 : i32
        %parallel_loop3A_727 = arith.index_cast %parallel_loop3A_726 : i32 to index
        %parallel_loop3A_728 = arith.constant 0 : index
        %parallel_loop3A_729 = tpu.vector_load %arg9[%parallel_loop3A_727, %parallel_loop3A_728] {strides = array<i32>} : memref<1280x32xf32, #tpu.memory_space<vmem>>, vector<16xf32>,
        %parallel_loop3A_730 = arith.addf %parallel_loop3A_706, %parallel_loop3A_729 : vector<16xf32>
        %parallel_loop3A_731 = arith.constant 512 : i32
        %parallel_loop3A_732 = arith.addi %parallel_loop3A_731, %parallel_loop3A_636 : i32
        %parallel_loop3A_733 = arith.index_cast %parallel_loop3A_732 : i32 to index
        %parallel_loop3A_734 = arith.constant 16 : index
        %parallel_loop3A_735 = tpu.vector_load %arg9[%parallel_loop3A_733, %parallel_loop3A_734] {strides = array<i32>} : memref<1280x32xf32, #tpu.memory_space<vmem>>, vector<16xf32>,
        %parallel_loop3A_736 = arith.addf %parallel_loop3A_712, %parallel_loop3A_735 : vector<16xf32>
        %parallel_loop3A_737 = arith.constant 576 : i32
        %parallel_loop3A_738 = arith.addi %parallel_loop3A_737, %parallel_loop3A_636 : i32
        %parallel_loop3A_739 = arith.index_cast %parallel_loop3A_738 : i32 to index
        %parallel_loop3A_740 = arith.constant 0 : index
        %parallel_loop3A_741 = tpu.vector_load %arg9[%parallel_loop3A_739, %parallel_loop3A_740] {strides = array<i32>} : memref<1280x32xf32, #tpu.memory_space<vmem>>, vector<16xf32>,
        %parallel_loop3A_742 = arith.addf %parallel_loop3A_718, %parallel_loop3A_741 : vector<16xf32>
        %parallel_loop3A_743 = arith.constant 576 : i32
        %parallel_loop3A_744 = arith.addi %parallel_loop3A_743, %parallel_loop3A_636 : i32
        %parallel_loop3A_745 = arith.index_cast %parallel_loop3A_744 : i32 to index
        %parallel_loop3A_746 = arith.constant 16 : index
        %parallel_loop3A_747 = tpu.vector_load %arg9[%parallel_loop3A_745, %parallel_loop3A_746] {strides = array<i32>} : memref<1280x32xf32, #tpu.memory_space<vmem>>, vector<16xf32>,
        %parallel_loop3A_748 = arith.addf %parallel_loop3A_724, %parallel_loop3A_747 : vector<16xf32>
        %parallel_loop3A_749 = arith.constant 640 : i32
        %parallel_loop3A_750 = arith.addi %parallel_loop3A_749, %parallel_loop3A_636 : i32
        %parallel_loop3A_751 = arith.index_cast %parallel_loop3A_750 : i32 to index
        %parallel_loop3A_752 = arith.constant 0 : index
        %parallel_loop3A_753 = tpu.vector_load %arg9[%parallel_loop3A_751, %parallel_loop3A_752] {strides = array<i32>} : memref<1280x32xf32, #tpu.memory_space<vmem>>, vector<16xf32>,
        %parallel_loop3A_754 = arith.addf %parallel_loop3A_730, %parallel_loop3A_753 : vector<16xf32>
        %parallel_loop3A_755 = arith.constant 640 : i32
        %parallel_loop3A_756 = arith.addi %parallel_loop3A_755, %parallel_loop3A_636 : i32
        %parallel_loop3A_757 = arith.index_cast %parallel_loop3A_756 : i32 to index
        %parallel_loop3A_758 = arith.constant 16 : index
        %parallel_loop3A_759 = tpu.vector_load %arg9[%parallel_loop3A_757, %parallel_loop3A_758] {strides = array<i32>} : memref<1280x32xf32, #tpu.memory_space<vmem>>, vector<16xf32>,
        %parallel_loop3A_760 = arith.addf %parallel_loop3A_736, %parallel_loop3A_759 : vector<16xf32>
        %parallel_loop3A_761 = arith.constant 704 : i32
        %parallel_loop3A_762 = arith.addi %parallel_loop3A_761, %parallel_loop3A_636 : i32
        %parallel_loop3A_763 = arith.index_cast %parallel_loop3A_762 : i32 to index
        %parallel_loop3A_764 = arith.constant 0 : index
        %parallel_loop3A_765 = tpu.vector_load %arg9[%parallel_loop3A_763, %parallel_loop3A_764] {strides = array<i32>} : memref<1280x32xf32, #tpu.memory_space<vmem>>, vector<16xf32>,
        %parallel_loop3A_766 = arith.addf %parallel_loop3A_742, %parallel_loop3A_765 : vector<16xf32>
        %parallel_loop3A_767 = arith.constant 704 : i32
        %parallel_loop3A_768 = arith.addi %parallel_loop3A_767, %parallel_loop3A_636 : i32
        %parallel_loop3A_769 = arith.index_cast %parallel_loop3A_768 : i32 to index
        %parallel_loop3A_770 = arith.constant 16 : index
        %parallel_loop3A_771 = tpu.vector_load %arg9[%parallel_loop3A_769, %parallel_loop3A_770] {strides = array<i32>} : memref<1280x32xf32, #tpu.memory_space<vmem>>, vector<16xf32>,
        %parallel_loop3A_772 = arith.addf %parallel_loop3A_748, %parallel_loop3A_771 : vector<16xf32>
        %parallel_loop3A_773 = arith.constant 768 : i32
        %parallel_loop3A_774 = arith.addi %parallel_loop3A_773, %parallel_loop3A_636 : i32
        %parallel_loop3A_775 = arith.index_cast %parallel_loop3A_774 : i32 to index
        %parallel_loop3A_776 = arith.constant 0 : index
        %parallel_loop3A_777 = tpu.vector_load %arg9[%parallel_loop3A_775, %parallel_loop3A_776] {strides = array<i32>} : memref<1280x32xf32, #tpu.memory_space<vmem>>, vector<16xf32>,
        %parallel_loop3A_778 = arith.addf %parallel_loop3A_754, %parallel_loop3A_777 : vector<16xf32>
        %parallel_loop3A_779 = arith.constant 768 : i32
        %parallel_loop3A_780 = arith.addi %parallel_loop3A_779, %parallel_loop3A_636 : i32
        %parallel_loop3A_781 = arith.index_cast %parallel_loop3A_780 : i32 to index
        %parallel_loop3A_782 = arith.constant 16 : index
        %parallel_loop3A_783 = tpu.vector_load %arg9[%parallel_loop3A_781, %parallel_loop3A_782] {strides = array<i32>} : memref<1280x32xf32, #tpu.memory_space<vmem>>, vector<16xf32>,
        %parallel_loop3A_784 = arith.addf %parallel_loop3A_760, %parallel_loop3A_783 : vector<16xf32>
        %parallel_loop3A_785 = arith.constant 832 : i32
        %parallel_loop3A_786 = arith.addi %parallel_loop3A_785, %parallel_loop3A_636 : i32
        %parallel_loop3A_787 = arith.index_cast %parallel_loop3A_786 : i32 to index
        %parallel_loop3A_788 = arith.constant 0 : index
        %parallel_loop3A_789 = tpu.vector_load %arg9[%parallel_loop3A_787, %parallel_loop3A_788] {strides = array<i32>} : memref<1280x32xf32, #tpu.memory_space<vmem>>, vector<16xf32>,
        %parallel_loop3A_790 = arith.addf %parallel_loop3A_766, %parallel_loop3A_789 : vector<16xf32>
        %parallel_loop3A_791 = arith.constant 832 : i32
        %parallel_loop3A_792 = arith.addi %parallel_loop3A_791, %parallel_loop3A_636 : i32
        %parallel_loop3A_793 = arith.index_cast %parallel_loop3A_792 : i32 to index
        %parallel_loop3A_794 = arith.constant 16 : index
        %parallel_loop3A_795 = tpu.vector_load %arg9[%parallel_loop3A_793, %parallel_loop3A_794] {strides = array<i32>} : memref<1280x32xf32, #tpu.memory_space<vmem>>, vector<16xf32>,
        %parallel_loop3A_796 = arith.addf %parallel_loop3A_772, %parallel_loop3A_795 : vector<16xf32>
        %parallel_loop3A_797 = arith.constant 896 : i32
        %parallel_loop3A_798 = arith.addi %parallel_loop3A_797, %parallel_loop3A_636 : i32
        %parallel_loop3A_799 = arith.index_cast %parallel_loop3A_798 : i32 to index
        %parallel_loop3A_800 = arith.constant 0 : index
        %parallel_loop3A_801 = tpu.vector_load %arg9[%parallel_loop3A_799, %parallel_loop3A_800] {strides = array<i32>} : memref<1280x32xf32, #tpu.memory_space<vmem>>, vector<16xf32>,
        %parallel_loop3A_802 = arith.addf %parallel_loop3A_778, %parallel_loop3A_801 : vector<16xf32>
        %parallel_loop3A_803 = arith.constant 896 : i32
        %parallel_loop3A_804 = arith.addi %parallel_loop3A_803, %parallel_loop3A_636 : i32
        %parallel_loop3A_805 = arith.index_cast %parallel_loop3A_804 : i32 to index
        %parallel_loop3A_806 = arith.constant 16 : index
        %parallel_loop3A_807 = tpu.vector_load %arg9[%parallel_loop3A_805, %parallel_loop3A_806] {strides = array<i32>} : memref<1280x32xf32, #tpu.memory_space<vmem>>, vector<16xf32>,
        %parallel_loop3A_808 = arith.addf %parallel_loop3A_784, %parallel_loop3A_807 : vector<16xf32>
        %parallel_loop3A_809 = arith.constant 960 : i32
        %parallel_loop3A_810 = arith.addi %parallel_loop3A_809, %parallel_loop3A_636 : i32
        %parallel_loop3A_811 = arith.index_cast %parallel_loop3A_810 : i32 to index
        %parallel_loop3A_812 = arith.constant 0 : index
        %parallel_loop3A_813 = tpu.vector_load %arg9[%parallel_loop3A_811, %parallel_loop3A_812] {strides = array<i32>} : memref<1280x32xf32, #tpu.memory_space<vmem>>, vector<16xf32>,
        %parallel_loop3A_814 = arith.addf %parallel_loop3A_790, %parallel_loop3A_813 : vector<16xf32>
        %parallel_loop3A_815 = arith.constant 960 : i32
        %parallel_loop3A_816 = arith.addi %parallel_loop3A_815, %parallel_loop3A_636 : i32
        %parallel_loop3A_817 = arith.index_cast %parallel_loop3A_816 : i32 to index
        %parallel_loop3A_818 = arith.constant 16 : index
        %parallel_loop3A_819 = tpu.vector_load %arg9[%parallel_loop3A_817, %parallel_loop3A_818] {strides = array<i32>} : memref<1280x32xf32, #tpu.memory_space<vmem>>, vector<16xf32>,
        %parallel_loop3A_820 = arith.addf %parallel_loop3A_796, %parallel_loop3A_819 : vector<16xf32>
        %parallel_loop3A_821 = arith.constant 1024 : i32
        %parallel_loop3A_822 = arith.addi %parallel_loop3A_821, %parallel_loop3A_636 : i32
        %parallel_loop3A_823 = arith.index_cast %parallel_loop3A_822 : i32 to index
        %parallel_loop3A_824 = arith.constant 0 : index
        %parallel_loop3A_825 = tpu.vector_load %arg9[%parallel_loop3A_823, %parallel_loop3A_824] {strides = array<i32>} : memref<1280x32xf32, #tpu.memory_space<vmem>>, vector<16xf32>,
        %parallel_loop3A_826 = arith.addf %parallel_loop3A_802, %parallel_loop3A_825 : vector<16xf32>
        %parallel_loop3A_827 = arith.constant 1024 : i32
        %parallel_loop3A_828 = arith.addi %parallel_loop3A_827, %parallel_loop3A_636 : i32
        %parallel_loop3A_829 = arith.index_cast %parallel_loop3A_828 : i32 to index
        %parallel_loop3A_830 = arith.constant 16 : index
        %parallel_loop3A_831 = tpu.vector_load %arg9[%parallel_loop3A_829, %parallel_loop3A_830] {strides = array<i32>} : memref<1280x32xf32, #tpu.memory_space<vmem>>, vector<16xf32>,
        %parallel_loop3A_832 = arith.addf %parallel_loop3A_808, %parallel_loop3A_831 : vector<16xf32>
        %parallel_loop3A_833 = arith.constant 1088 : i32
        %parallel_loop3A_834 = arith.addi %parallel_loop3A_833, %parallel_loop3A_636 : i32
        %parallel_loop3A_835 = arith.index_cast %parallel_loop3A_834 : i32 to index
        %parallel_loop3A_836 = arith.constant 0 : index
        %parallel_loop3A_837 = tpu.vector_load %arg9[%parallel_loop3A_835, %parallel_loop3A_836] {strides = array<i32>} : memref<1280x32xf32, #tpu.memory_space<vmem>>, vector<16xf32>,
        %parallel_loop3A_838 = arith.addf %parallel_loop3A_814, %parallel_loop3A_837 : vector<16xf32>
        %parallel_loop3A_839 = arith.constant 1088 : i32
        %parallel_loop3A_840 = arith.addi %parallel_loop3A_839, %parallel_loop3A_636 : i32
        %parallel_loop3A_841 = arith.index_cast %parallel_loop3A_840 : i32 to index
        %parallel_loop3A_842 = arith.constant 16 : index
        %parallel_loop3A_843 = tpu.vector_load %arg9[%parallel_loop3A_841, %parallel_loop3A_842] {strides = array<i32>} : memref<1280x32xf32, #tpu.memory_space<vmem>>, vector<16xf32>,
        %parallel_loop3A_844 = arith.addf %parallel_loop3A_820, %parallel_loop3A_843 : vector<16xf32>
        %parallel_loop3A_845 = arith.constant 1152 : i32
        %parallel_loop3A_846 = arith.addi %parallel_loop3A_845, %parallel_loop3A_636 : i32
        %parallel_loop3A_847 = arith.index_cast %parallel_loop3A_846 : i32 to index
        %parallel_loop3A_848 = arith.constant 0 : index
        %parallel_loop3A_849 = tpu.vector_load %arg9[%parallel_loop3A_847, %parallel_loop3A_848] {strides = array<i32>} : memref<1280x32xf32, #tpu.memory_space<vmem>>, vector<16xf32>,
        %parallel_loop3A_850 = arith.addf %parallel_loop3A_826, %parallel_loop3A_849 : vector<16xf32>
        %parallel_loop3A_851 = arith.constant 1152 : i32
        %parallel_loop3A_852 = arith.addi %parallel_loop3A_851, %parallel_loop3A_636 : i32
        %parallel_loop3A_853 = arith.index_cast %parallel_loop3A_852 : i32 to index
        %parallel_loop3A_854 = arith.constant 16 : index
        %parallel_loop3A_855 = tpu.vector_load %arg9[%parallel_loop3A_853, %parallel_loop3A_854] {strides = array<i32>} : memref<1280x32xf32, #tpu.memory_space<vmem>>, vector<16xf32>,
        %parallel_loop3A_856 = arith.addf %parallel_loop3A_832, %parallel_loop3A_855 : vector<16xf32>
        %parallel_loop3A_857 = arith.constant 1216 : i32
        %parallel_loop3A_858 = arith.addi %parallel_loop3A_857, %parallel_loop3A_636 : i32
        %parallel_loop3A_859 = arith.index_cast %parallel_loop3A_858 : i32 to index
        %parallel_loop3A_860 = arith.constant 0 : index
        %parallel_loop3A_861 = tpu.vector_load %arg9[%parallel_loop3A_859, %parallel_loop3A_860] {strides = array<i32>} : memref<1280x32xf32, #tpu.memory_space<vmem>>, vector<16xf32>,
        %parallel_loop3A_862 = arith.addf %parallel_loop3A_838, %parallel_loop3A_861 : vector<16xf32>
        %parallel_loop3A_863 = arith.constant 1216 : i32
        %parallel_loop3A_864 = arith.addi %parallel_loop3A_863, %parallel_loop3A_636 : i32
        %parallel_loop3A_865 = arith.index_cast %parallel_loop3A_864 : i32 to index
        %parallel_loop3A_866 = arith.constant 16 : index
        %parallel_loop3A_867 = tpu.vector_load %arg9[%parallel_loop3A_865, %parallel_loop3A_866] {strides = array<i32>} : memref<1280x32xf32, #tpu.memory_space<vmem>>, vector<16xf32>,
        %parallel_loop3A_868 = arith.addf %parallel_loop3A_844, %parallel_loop3A_867 : vector<16xf32>
        %parallel_loop3A_869 = arith.constant 64 : i32
        %parallel_loop3A_870 = arith.muli %mul3A_590, %parallel_loop3A_869 : i32
        %parallel_loop3A_871 = arith.addi %parallel_loop3A_870, %parallel_loop3A_636 : i32
        %parallel_loop3A_872 = vector.broadcast %parallel_loop3A_871 : i32 to vector<16xi32>
        %parallel_loop3A_873 = arith.addf %parallel_loop3A_850, %parallel_loop3A_862 : vector<16xf32>
        tpu.vector_store_idx %arg11[%iota3A, %parallel_loop3A_872], %parallel_loop3A_873 : memref<32x512xf32, #tpu.memory_space<vmem>>[vector<16xi32>, vector<16xi32>], vector<16xf32>,
        %parallel_loop3A_874 = arith.constant 16 : i32
        %parallel_loop3A_875 = vector.broadcast %parallel_loop3A_874 : i32 to vector<16xi32>
        %parallel_loop3A_876 = arith.addi %iota3A, %parallel_loop3A_875 : vector<16xi32>
        %parallel_loop3A_877 = arith.addf %parallel_loop3A_856, %parallel_loop3A_868 : vector<16xf32>
        tpu.vector_store_idx %arg11[%parallel_loop3A_876, %parallel_loop3A_872], %parallel_loop3A_877 : memref<32x512xf32, #tpu.memory_space<vmem>>[vector<16xi32>, vector<16xi32>], vector<16xf32>,
      } {sc.loop_unroll_factor = 4 : i64, sc.parallel_access}
      %add3A_599 = arith.constant 2 : i32
      %add3A_600 = arith.addi %mul3A_590, %add3A_599 : i32
      %lt3A_601 = arith.constant 8 : i32
      %lt3A_602 = arith.cmpi slt, %add3A_600, %lt3A_601 : i32
      %convert_element_type3A = arith.extui %lt3A_602 : i1 to i32
      %cond3A = arith.constant 0 : i32
      %cond3A_603 = arith.cmpi ne, %convert_element_type3A, %cond3A : i32
      scf.if %cond3A_603 {
        %add3A_636 = arith.constant 2 : i32
        %add3A_637 = arith.addi %mul3A_590, %add3A_636 : i32
        %mul3A_638 = arith.constant 64 : i32
        %mul3A_639 = arith.muli %add3A_637, %mul3A_638 : i32
        %dma_start3A_640 = arith.constant 0 : i32
        %dma_start3A_641 = arith.constant 0 : i32
        %dma_start3A_642 = arith.constant 0 : i32
        %dma_start3A_643 = tpu.memref_slice %arg9[%dma_start3A_641, %dma_start3A_642] : memref<1280x32xf32, #tpu.memory_space<vmem>> -> memref<64x32xf32, #tpu.memory_space<vmem>>
        %dma_start3A_644 = tpu.memref_slice %arg8[%dma_start3A_640, %mul3A_639] : memref<20x512xi32, #tpu.memory_space<vmem>> -> memref<1x64xi32, #tpu.memory_space<vmem>>
        %dma_start3A_645 = tpu.memref_squeeze %dma_start3A_644 : memref<1x64xi32, #tpu.memory_space<vmem>> -> memref<64xi32, #tpu.memory_space<vmem>>
        %dma_start3A_646 = arith.constant 0 : i32
        %dma_start3A_647 = arith.constant 0 : i32
        %dma_start3A_648 = tpu.memref_slice %arg4[%dma_start3A_646, %dma_start3A_647] : memref<10000x32xf32, #tpu.memory_space<hbm>> -> memref<10000x32xf32, #tpu.memory_space<hbm>>
        tpu.enqueue_indirect_dma source(%dma_start3A_648 : memref<10000x32xf32, #tpu.memory_space<hbm>>) target(%dma_start3A_643 : memref<64x32xf32, #tpu.memory_space<vmem>>) offsets(%dma_start3A_645 : memref<64xi32, #tpu.memory_space<vmem>>) semaphore(%arg14 : memref<!tpu.dma_semaphore, #tpu.memory_space<semaphore_mem>>)
        %mul3A_649 = arith.constant 64 : i32
        %mul3A_650 = arith.muli %add3A_637, %mul3A_649 : i32
        %dma_start3A_651 = arith.constant 1 : i32
        %dma_start3A_652 = arith.constant 64 : i32
        %dma_start3A_653 = arith.constant 0 : i32
        %dma_start3A_654 = tpu.memref_slice %arg9[%dma_start3A_652, %dma_start3A_653] : memref<1280x32xf32, #tpu.memory_space<vmem>> -> memref<64x32xf32, #tpu.memory_space<vmem>>
        %dma_start3A_655 = tpu.memref_slice %arg8[%dma_start3A_651, %mul3A_650] : memref<20x512xi32, #tpu.memory_space<vmem>> -> memref<1x64xi32, #tpu.memory_space<vmem>>
        %dma_start3A_656 = tpu.memref_squeeze %dma_start3A_655 : memref<1x64xi32, #tpu.memory_space<vmem>> -> memref<64xi32, #tpu.memory_space<vmem>>
        %dma_start3A_657 = arith.constant 0 : i32
        %dma_start3A_658 = arith.constant 0 : i32
        %dma_start3A_659 = tpu.memref_slice %arg4[%dma_start3A_657, %dma_start3A_658] : memref<10000x32xf32, #tpu.memory_space<hbm>> -> memref<10000x32xf32, #tpu.memory_space<hbm>>
        tpu.enqueue_indirect_dma source(%dma_start3A_659 : memref<10000x32xf32, #tpu.memory_space<hbm>>) target(%dma_start3A_654 : memref<64x32xf32, #tpu.memory_space<vmem>>) offsets(%dma_start3A_656 : memref<64xi32, #tpu.memory_space<vmem>>) semaphore(%arg14 : memref<!tpu.dma_semaphore, #tpu.memory_space<semaphore_mem>>)
        %mul3A_660 = arith.constant 64 : i32
        %mul3A_661 = arith.muli %add3A_637, %mul3A_660 : i32
        %dma_start3A_662 = arith.constant 2 : i32
        %dma_start3A_663 = arith.constant 128 : i32
        %dma_start3A_664 = arith.constant 0 : i32
        %dma_start3A_665 = tpu.memref_slice %arg9[%dma_start3A_663, %dma_start3A_664] : memref<1280x32xf32, #tpu.memory_space<vmem>> -> memref<64x32xf32, #tpu.memory_space<vmem>>
        %dma_start3A_666 = tpu.memref_slice %arg8[%dma_start3A_662, %mul3A_661] : memref<20x512xi32, #tpu.memory_space<vmem>> -> memref<1x64xi32, #tpu.memory_space<vmem>>
        %dma_start3A_667 = tpu.memref_squeeze %dma_start3A_666 : memref<1x64xi32, #tpu.memory_space<vmem>> -> memref<64xi32, #tpu.memory_space<vmem>>
        %dma_start3A_668 = arith.constant 0 : i32
        %dma_start3A_669 = arith.constant 0 : i32
        %dma_start3A_670 = tpu.memref_slice %arg4[%dma_start3A_668, %dma_start3A_669] : memref<10000x32xf32, #tpu.memory_space<hbm>> -> memref<10000x32xf32, #tpu.memory_space<hbm>>
        tpu.enqueue_indirect_dma source(%dma_start3A_670 : memref<10000x32xf32, #tpu.memory_space<hbm>>) target(%dma_start3A_665 : memref<64x32xf32, #tpu.memory_space<vmem>>) offsets(%dma_start3A_667 : memref<64xi32, #tpu.memory_space<vmem>>) semaphore(%arg14 : memref<!tpu.dma_semaphore, #tpu.memory_space<semaphore_mem>>)
        %mul3A_671 = arith.constant 64 : i32
        %mul3A_672 = arith.muli %add3A_637, %mul3A_671 : i32
        %dma_start3A_673 = arith.constant 3 : i32
        %dma_start3A_674 = arith.constant 192 : i32
        %dma_start3A_675 = arith.constant 0 : i32
        %dma_start3A_676 = tpu.memref_slice %arg9[%dma_start3A_674, %dma_start3A_675] : memref<1280x32xf32, #tpu.memory_space<vmem>> -> memref<64x32xf32, #tpu.memory_space<vmem>>
        %dma_start3A_677 = tpu.memref_slice %arg8[%dma_start3A_673, %mul3A_672] : memref<20x512xi32, #tpu.memory_space<vmem>> -> memref<1x64xi32, #tpu.memory_space<vmem>>
        %dma_start3A_678 = tpu.memref_squeeze %dma_start3A_677 : memref<1x64xi32, #tpu.memory_space<vmem>> -> memref<64xi32, #tpu.memory_space<vmem>>
        %dma_start3A_679 = arith.constant 0 : i32
        %dma_start3A_680 = arith.constant 0 : i32
        %dma_start3A_681 = tpu.memref_slice %arg4[%dma_start3A_679, %dma_start3A_680] : memref<10000x32xf32, #tpu.memory_space<hbm>> -> memref<10000x32xf32, #tpu.memory_space<hbm>>
        tpu.enqueue_indirect_dma source(%dma_start3A_681 : memref<10000x32xf32, #tpu.memory_space<hbm>>) target(%dma_start3A_676 : memref<64x32xf32, #tpu.memory_space<vmem>>) offsets(%dma_start3A_678 : memref<64xi32, #tpu.memory_space<vmem>>) semaphore(%arg14 : memref<!tpu.dma_semaphore, #tpu.memory_space<semaphore_mem>>)
        %mul3A_682 = arith.constant 64 : i32
        %mul3A_683 = arith.muli %add3A_637, %mul3A_682 : i32
        %dma_start3A_684 = arith.constant 4 : i32
        %dma_start3A_685 = arith.constant 256 : i32
        %dma_start3A_686 = arith.constant 0 : i32
        %dma_start3A_687 = tpu.memref_slice %arg9[%dma_start3A_685, %dma_start3A_686] : memref<1280x32xf32, #tpu.memory_space<vmem>> -> memref<64x32xf32, #tpu.memory_space<vmem>>
        %dma_start3A_688 = tpu.memref_slice %arg8[%dma_start3A_684, %mul3A_683] : memref<20x512xi32, #tpu.memory_space<vmem>> -> memref<1x64xi32, #tpu.memory_space<vmem>>
        %dma_start3A_689 = tpu.memref_squeeze %dma_start3A_688 : memref<1x64xi32, #tpu.memory_space<vmem>> -> memref<64xi32, #tpu.memory_space<vmem>>
        %dma_start3A_690 = arith.constant 0 : i32
        %dma_start3A_691 = arith.constant 0 : i32
        %dma_start3A_692 = tpu.memref_slice %arg4[%dma_start3A_690, %dma_start3A_691] : memref<10000x32xf32, #tpu.memory_space<hbm>> -> memref<10000x32xf32, #tpu.memory_space<hbm>>
        tpu.enqueue_indirect_dma source(%dma_start3A_692 : memref<10000x32xf32, #tpu.memory_space<hbm>>) target(%dma_start3A_687 : memref<64x32xf32, #tpu.memory_space<vmem>>) offsets(%dma_start3A_689 : memref<64xi32, #tpu.memory_space<vmem>>) semaphore(%arg14 : memref<!tpu.dma_semaphore, #tpu.memory_space<semaphore_mem>>)
        %mul3A_693 = arith.constant 64 : i32
        %mul3A_694 = arith.muli %add3A_637, %mul3A_693 : i32
        %dma_start3A_695 = arith.constant 5 : i32
        %dma_start3A_696 = arith.constant 320 : i32
        %dma_start3A_697 = arith.constant 0 : i32
        %dma_start3A_698 = tpu.memref_slice %arg9[%dma_start3A_696, %dma_start3A_697] : memref<1280x32xf32, #tpu.memory_space<vmem>> -> memref<64x32xf32, #tpu.memory_space<vmem>>
        %dma_start3A_699 = tpu.memref_slice %arg8[%dma_start3A_695, %mul3A_694] : memref<20x512xi32, #tpu.memory_space<vmem>> -> memref<1x64xi32, #tpu.memory_space<vmem>>
        %dma_start3A_700 = tpu.memref_squeeze %dma_start3A_699 : memref<1x64xi32, #tpu.memory_space<vmem>> -> memref<64xi32, #tpu.memory_space<vmem>>
        %dma_start3A_701 = arith.constant 0 : i32
        %dma_start3A_702 = arith.constant 0 : i32
        %dma_start3A_703 = tpu.memref_slice %arg4[%dma_start3A_701, %dma_start3A_702] : memref<10000x32xf32, #tpu.memory_space<hbm>> -> memref<10000x32xf32, #tpu.memory_space<hbm>>
        tpu.enqueue_indirect_dma source(%dma_start3A_703 : memref<10000x32xf32, #tpu.memory_space<hbm>>) target(%dma_start3A_698 : memref<64x32xf32, #tpu.memory_space<vmem>>) offsets(%dma_start3A_700 : memref<64xi32, #tpu.memory_space<vmem>>) semaphore(%arg14 : memref<!tpu.dma_semaphore, #tpu.memory_space<semaphore_mem>>)
        %mul3A_704 = arith.constant 64 : i32
        %mul3A_705 = arith.muli %add3A_637, %mul3A_704 : i32
        %dma_start3A_706 = arith.constant 6 : i32
        %dma_start3A_707 = arith.constant 384 : i32
        %dma_start3A_708 = arith.constant 0 : i32
        %dma_start3A_709 = tpu.memref_slice %arg9[%dma_start3A_707, %dma_start3A_708] : memref<1280x32xf32, #tpu.memory_space<vmem>> -> memref<64x32xf32, #tpu.memory_space<vmem>>
        %dma_start3A_710 = tpu.memref_slice %arg8[%dma_start3A_706, %mul3A_705] : memref<20x512xi32, #tpu.memory_space<vmem>> -> memref<1x64xi32, #tpu.memory_space<vmem>>
        %dma_start3A_711 = tpu.memref_squeeze %dma_start3A_710 : memref<1x64xi32, #tpu.memory_space<vmem>> -> memref<64xi32, #tpu.memory_space<vmem>>
        %dma_start3A_712 = arith.constant 0 : i32
        %dma_start3A_713 = arith.constant 0 : i32
        %dma_start3A_714 = tpu.memref_slice %arg4[%dma_start3A_712, %dma_start3A_713] : memref<10000x32xf32, #tpu.memory_space<hbm>> -> memref<10000x32xf32, #tpu.memory_space<hbm>>
        tpu.enqueue_indirect_dma source(%dma_start3A_714 : memref<10000x32xf32, #tpu.memory_space<hbm>>) target(%dma_start3A_709 : memref<64x32xf32, #tpu.memory_space<vmem>>) offsets(%dma_start3A_711 : memref<64xi32, #tpu.memory_space<vmem>>) semaphore(%arg14 : memref<!tpu.dma_semaphore, #tpu.memory_space<semaphore_mem>>)
        %mul3A_715 = arith.constant 64 : i32
        %mul3A_716 = arith.muli %add3A_637, %mul3A_715 : i32
        %dma_start3A_717 = arith.constant 7 : i32
        %dma_start3A_718 = arith.constant 448 : i32
        %dma_start3A_719 = arith.constant 0 : i32
        %dma_start3A_720 = tpu.memref_slice %arg9[%dma_start3A_718, %dma_start3A_719] : memref<1280x32xf32, #tpu.memory_space<vmem>> -> memref<64x32xf32, #tpu.memory_space<vmem>>
        %dma_start3A_721 = tpu.memref_slice %arg8[%dma_start3A_717, %mul3A_716] : memref<20x512xi32, #tpu.memory_space<vmem>> -> memref<1x64xi32, #tpu.memory_space<vmem>>
        %dma_start3A_722 = tpu.memref_squeeze %dma_start3A_721 : memref<1x64xi32, #tpu.memory_space<vmem>> -> memref<64xi32, #tpu.memory_space<vmem>>
        %dma_start3A_723 = arith.constant 0 : i32
        %dma_start3A_724 = arith.constant 0 : i32
        %dma_start3A_725 = tpu.memref_slice %arg4[%dma_start3A_723, %dma_start3A_724] : memref<10000x32xf32, #tpu.memory_space<hbm>> -> memref<10000x32xf32, #tpu.memory_space<hbm>>
        tpu.enqueue_indirect_dma source(%dma_start3A_725 : memref<10000x32xf32, #tpu.memory_space<hbm>>) target(%dma_start3A_720 : memref<64x32xf32, #tpu.memory_space<vmem>>) offsets(%dma_start3A_722 : memref<64xi32, #tpu.memory_space<vmem>>) semaphore(%arg14 : memref<!tpu.dma_semaphore, #tpu.memory_space<semaphore_mem>>)
        %mul3A_726 = arith.constant 64 : i32
        %mul3A_727 = arith.muli %add3A_637, %mul3A_726 : i32
        %dma_start3A_728 = arith.constant 8 : i32
        %dma_start3A_729 = arith.constant 512 : i32
        %dma_start3A_730 = arith.constant 0 : i32
        %dma_start3A_731 = tpu.memref_slice %arg9[%dma_start3A_729, %dma_start3A_730] : memref<1280x32xf32, #tpu.memory_space<vmem>> -> memref<64x32xf32, #tpu.memory_space<vmem>>
        %dma_start3A_732 = tpu.memref_slice %arg8[%dma_start3A_728, %mul3A_727] : memref<20x512xi32, #tpu.memory_space<vmem>> -> memref<1x64xi32, #tpu.memory_space<vmem>>
        %dma_start3A_733 = tpu.memref_squeeze %dma_start3A_732 : memref<1x64xi32, #tpu.memory_space<vmem>> -> memref<64xi32, #tpu.memory_space<vmem>>
        %dma_start3A_734 = arith.constant 0 : i32
        %dma_start3A_735 = arith.constant 0 : i32
        %dma_start3A_736 = tpu.memref_slice %arg4[%dma_start3A_734, %dma_start3A_735] : memref<10000x32xf32, #tpu.memory_space<hbm>> -> memref<10000x32xf32, #tpu.memory_space<hbm>>
        tpu.enqueue_indirect_dma source(%dma_start3A_736 : memref<10000x32xf32, #tpu.memory_space<hbm>>) target(%dma_start3A_731 : memref<64x32xf32, #tpu.memory_space<vmem>>) offsets(%dma_start3A_733 : memref<64xi32, #tpu.memory_space<vmem>>) semaphore(%arg14 : memref<!tpu.dma_semaphore, #tpu.memory_space<semaphore_mem>>)
        %mul3A_737 = arith.constant 64 : i32
        %mul3A_738 = arith.muli %add3A_637, %mul3A_737 : i32
        %dma_start3A_739 = arith.constant 9 : i32
        %dma_start3A_740 = arith.constant 576 : i32
        %dma_start3A_741 = arith.constant 0 : i32
        %dma_start3A_742 = tpu.memref_slice %arg9[%dma_start3A_740, %dma_start3A_741] : memref<1280x32xf32, #tpu.memory_space<vmem>> -> memref<64x32xf32, #tpu.memory_space<vmem>>
        %dma_start3A_743 = tpu.memref_slice %arg8[%dma_start3A_739, %mul3A_738] : memref<20x512xi32, #tpu.memory_space<vmem>> -> memref<1x64xi32, #tpu.memory_space<vmem>>
        %dma_start3A_744 = tpu.memref_squeeze %dma_start3A_743 : memref<1x64xi32, #tpu.memory_space<vmem>> -> memref<64xi32, #tpu.memory_space<vmem>>
        %dma_start3A_745 = arith.constant 0 : i32
        %dma_start3A_746 = arith.constant 0 : i32
        %dma_start3A_747 = tpu.memref_slice %arg4[%dma_start3A_745, %dma_start3A_746] : memref<10000x32xf32, #tpu.memory_space<hbm>> -> memref<10000x32xf32, #tpu.memory_space<hbm>>
        tpu.enqueue_indirect_dma source(%dma_start3A_747 : memref<10000x32xf32, #tpu.memory_space<hbm>>) target(%dma_start3A_742 : memref<64x32xf32, #tpu.memory_space<vmem>>) offsets(%dma_start3A_744 : memref<64xi32, #tpu.memory_space<vmem>>) semaphore(%arg14 : memref<!tpu.dma_semaphore, #tpu.memory_space<semaphore_mem>>)
        %mul3A_748 = arith.constant 64 : i32
        %mul3A_749 = arith.muli %add3A_637, %mul3A_748 : i32
        %dma_start3A_750 = arith.constant 10 : i32
        %dma_start3A_751 = arith.constant 640 : i32
        %dma_start3A_752 = arith.constant 0 : i32
        %dma_start3A_753 = tpu.memref_slice %arg9[%dma_start3A_751, %dma_start3A_752] : memref<1280x32xf32, #tpu.memory_space<vmem>> -> memref<64x32xf32, #tpu.memory_space<vmem>>
        %dma_start3A_754 = tpu.memref_slice %arg8[%dma_start3A_750, %mul3A_749] : memref<20x512xi32, #tpu.memory_space<vmem>> -> memref<1x64xi32, #tpu.memory_space<vmem>>
        %dma_start3A_755 = tpu.memref_squeeze %dma_start3A_754 : memref<1x64xi32, #tpu.memory_space<vmem>> -> memref<64xi32, #tpu.memory_space<vmem>>
        %dma_start3A_756 = arith.constant 0 : i32
        %dma_start3A_757 = arith.constant 0 : i32
        %dma_start3A_758 = tpu.memref_slice %arg4[%dma_start3A_756, %dma_start3A_757] : memref<10000x32xf32, #tpu.memory_space<hbm>> -> memref<10000x32xf32, #tpu.memory_space<hbm>>
        tpu.enqueue_indirect_dma source(%dma_start3A_758 : memref<10000x32xf32, #tpu.memory_space<hbm>>) target(%dma_start3A_753 : memref<64x32xf32, #tpu.memory_space<vmem>>) offsets(%dma_start3A_755 : memref<64xi32, #tpu.memory_space<vmem>>) semaphore(%arg14 : memref<!tpu.dma_semaphore, #tpu.memory_space<semaphore_mem>>)
        %mul3A_759 = arith.constant 64 : i32
        %mul3A_760 = arith.muli %add3A_637, %mul3A_759 : i32
        %dma_start3A_761 = arith.constant 11 : i32
        %dma_start3A_762 = arith.constant 704 : i32
        %dma_start3A_763 = arith.constant 0 : i32
        %dma_start3A_764 = tpu.memref_slice %arg9[%dma_start3A_762, %dma_start3A_763] : memref<1280x32xf32, #tpu.memory_space<vmem>> -> memref<64x32xf32, #tpu.memory_space<vmem>>
        %dma_start3A_765 = tpu.memref_slice %arg8[%dma_start3A_761, %mul3A_760] : memref<20x512xi32, #tpu.memory_space<vmem>> -> memref<1x64xi32, #tpu.memory_space<vmem>>
        %dma_start3A_766 = tpu.memref_squeeze %dma_start3A_765 : memref<1x64xi32, #tpu.memory_space<vmem>> -> memref<64xi32, #tpu.memory_space<vmem>>
        %dma_start3A_767 = arith.constant 0 : i32
        %dma_start3A_768 = arith.constant 0 : i32
        %dma_start3A_769 = tpu.memref_slice %arg4[%dma_start3A_767, %dma_start3A_768] : memref<10000x32xf32, #tpu.memory_space<hbm>> -> memref<10000x32xf32, #tpu.memory_space<hbm>>
        tpu.enqueue_indirect_dma source(%dma_start3A_769 : memref<10000x32xf32, #tpu.memory_space<hbm>>) target(%dma_start3A_764 : memref<64x32xf32, #tpu.memory_space<vmem>>) offsets(%dma_start3A_766 : memref<64xi32, #tpu.memory_space<vmem>>) semaphore(%arg14 : memref<!tpu.dma_semaphore, #tpu.memory_space<semaphore_mem>>)
        %mul3A_770 = arith.constant 64 : i32
        %mul3A_771 = arith.muli %add3A_637, %mul3A_770 : i32
        %dma_start3A_772 = arith.constant 12 : i32
        %dma_start3A_773 = arith.constant 768 : i32
        %dma_start3A_774 = arith.constant 0 : i32
        %dma_start3A_775 = tpu.memref_slice %arg9[%dma_start3A_773, %dma_start3A_774] : memref<1280x32xf32, #tpu.memory_space<vmem>> -> memref<64x32xf32, #tpu.memory_space<vmem>>
        %dma_start3A_776 = tpu.memref_slice %arg8[%dma_start3A_772, %mul3A_771] : memref<20x512xi32, #tpu.memory_space<vmem>> -> memref<1x64xi32, #tpu.memory_space<vmem>>
        %dma_start3A_777 = tpu.memref_squeeze %dma_start3A_776 : memref<1x64xi32, #tpu.memory_space<vmem>> -> memref<64xi32, #tpu.memory_space<vmem>>
        %dma_start3A_778 = arith.constant 0 : i32
        %dma_start3A_779 = arith.constant 0 : i32
        %dma_start3A_780 = tpu.memref_slice %arg4[%dma_start3A_778, %dma_start3A_779] : memref<10000x32xf32, #tpu.memory_space<hbm>> -> memref<10000x32xf32, #tpu.memory_space<hbm>>
        tpu.enqueue_indirect_dma source(%dma_start3A_780 : memref<10000x32xf32, #tpu.memory_space<hbm>>) target(%dma_start3A_775 : memref<64x32xf32, #tpu.memory_space<vmem>>) offsets(%dma_start3A_777 : memref<64xi32, #tpu.memory_space<vmem>>) semaphore(%arg14 : memref<!tpu.dma_semaphore, #tpu.memory_space<semaphore_mem>>)
        %mul3A_781 = arith.constant 64 : i32
        %mul3A_782 = arith.muli %add3A_637, %mul3A_781 : i32
        %dma_start3A_783 = arith.constant 13 : i32
        %dma_start3A_784 = arith.constant 832 : i32
        %dma_start3A_785 = arith.constant 0 : i32
        %dma_start3A_786 = tpu.memref_slice %arg9[%dma_start3A_784, %dma_start3A_785] : memref<1280x32xf32, #tpu.memory_space<vmem>> -> memref<64x32xf32, #tpu.memory_space<vmem>>
        %dma_start3A_787 = tpu.memref_slice %arg8[%dma_start3A_783, %mul3A_782] : memref<20x512xi32, #tpu.memory_space<vmem>> -> memref<1x64xi32, #tpu.memory_space<vmem>>
        %dma_start3A_788 = tpu.memref_squeeze %dma_start3A_787 : memref<1x64xi32, #tpu.memory_space<vmem>> -> memref<64xi32, #tpu.memory_space<vmem>>
        %dma_start3A_789 = arith.constant 0 : i32
        %dma_start3A_790 = arith.constant 0 : i32
        %dma_start3A_791 = tpu.memref_slice %arg4[%dma_start3A_789, %dma_start3A_790] : memref<10000x32xf32, #tpu.memory_space<hbm>> -> memref<10000x32xf32, #tpu.memory_space<hbm>>
        tpu.enqueue_indirect_dma source(%dma_start3A_791 : memref<10000x32xf32, #tpu.memory_space<hbm>>) target(%dma_start3A_786 : memref<64x32xf32, #tpu.memory_space<vmem>>) offsets(%dma_start3A_788 : memref<64xi32, #tpu.memory_space<vmem>>) semaphore(%arg14 : memref<!tpu.dma_semaphore, #tpu.memory_space<semaphore_mem>>)
        %mul3A_792 = arith.constant 64 : i32
        %mul3A_793 = arith.muli %add3A_637, %mul3A_792 : i32
        %dma_start3A_794 = arith.constant 14 : i32
        %dma_start3A_795 = arith.constant 896 : i32
        %dma_start3A_796 = arith.constant 0 : i32
        %dma_start3A_797 = tpu.memref_slice %arg9[%dma_start3A_795, %dma_start3A_796] : memref<1280x32xf32, #tpu.memory_space<vmem>> -> memref<64x32xf32, #tpu.memory_space<vmem>>
        %dma_start3A_798 = tpu.memref_slice %arg8[%dma_start3A_794, %mul3A_793] : memref<20x512xi32, #tpu.memory_space<vmem>> -> memref<1x64xi32, #tpu.memory_space<vmem>>
        %dma_start3A_799 = tpu.memref_squeeze %dma_start3A_798 : memref<1x64xi32, #tpu.memory_space<vmem>> -> memref<64xi32, #tpu.memory_space<vmem>>
        %dma_start3A_800 = arith.constant 0 : i32
        %dma_start3A_801 = arith.constant 0 : i32
        %dma_start3A_802 = tpu.memref_slice %arg4[%dma_start3A_800, %dma_start3A_801] : memref<10000x32xf32, #tpu.memory_space<hbm>> -> memref<10000x32xf32, #tpu.memory_space<hbm>>
        tpu.enqueue_indirect_dma source(%dma_start3A_802 : memref<10000x32xf32, #tpu.memory_space<hbm>>) target(%dma_start3A_797 : memref<64x32xf32, #tpu.memory_space<vmem>>) offsets(%dma_start3A_799 : memref<64xi32, #tpu.memory_space<vmem>>) semaphore(%arg14 : memref<!tpu.dma_semaphore, #tpu.memory_space<semaphore_mem>>)
        %mul3A_803 = arith.constant 64 : i32
        %mul3A_804 = arith.muli %add3A_637, %mul3A_803 : i32
        %dma_start3A_805 = arith.constant 15 : i32
        %dma_start3A_806 = arith.constant 960 : i32
        %dma_start3A_807 = arith.constant 0 : i32
        %dma_start3A_808 = tpu.memref_slice %arg9[%dma_start3A_806, %dma_start3A_807] : memref<1280x32xf32, #tpu.memory_space<vmem>> -> memref<64x32xf32, #tpu.memory_space<vmem>>
        %dma_start3A_809 = tpu.memref_slice %arg8[%dma_start3A_805, %mul3A_804] : memref<20x512xi32, #tpu.memory_space<vmem>> -> memref<1x64xi32, #tpu.memory_space<vmem>>
        %dma_start3A_810 = tpu.memref_squeeze %dma_start3A_809 : memref<1x64xi32, #tpu.memory_space<vmem>> -> memref<64xi32, #tpu.memory_space<vmem>>
        %dma_start3A_811 = arith.constant 0 : i32
        %dma_start3A_812 = arith.constant 0 : i32
        %dma_start3A_813 = tpu.memref_slice %arg4[%dma_start3A_811, %dma_start3A_812] : memref<10000x32xf32, #tpu.memory_space<hbm>> -> memref<10000x32xf32, #tpu.memory_space<hbm>>
        tpu.enqueue_indirect_dma source(%dma_start3A_813 : memref<10000x32xf32, #tpu.memory_space<hbm>>) target(%dma_start3A_808 : memref<64x32xf32, #tpu.memory_space<vmem>>) offsets(%dma_start3A_810 : memref<64xi32, #tpu.memory_space<vmem>>) semaphore(%arg14 : memref<!tpu.dma_semaphore, #tpu.memory_space<semaphore_mem>>)
        %mul3A_814 = arith.constant 64 : i32
        %mul3A_815 = arith.muli %add3A_637, %mul3A_814 : i32
        %dma_start3A_816 = arith.constant 16 : i32
        %dma_start3A_817 = arith.constant 1024 : i32
        %dma_start3A_818 = arith.constant 0 : i32
        %dma_start3A_819 = tpu.memref_slice %arg9[%dma_start3A_817, %dma_start3A_818] : memref<1280x32xf32, #tpu.memory_space<vmem>> -> memref<64x32xf32, #tpu.memory_space<vmem>>
        %dma_start3A_820 = tpu.memref_slice %arg8[%dma_start3A_816, %mul3A_815] : memref<20x512xi32, #tpu.memory_space<vmem>> -> memref<1x64xi32, #tpu.memory_space<vmem>>
        %dma_start3A_821 = tpu.memref_squeeze %dma_start3A_820 : memref<1x64xi32, #tpu.memory_space<vmem>> -> memref<64xi32, #tpu.memory_space<vmem>>
        %dma_start3A_822 = arith.constant 0 : i32
        %dma_start3A_823 = arith.constant 0 : i32
        %dma_start3A_824 = tpu.memref_slice %arg4[%dma_start3A_822, %dma_start3A_823] : memref<10000x32xf32, #tpu.memory_space<hbm>> -> memref<10000x32xf32, #tpu.memory_space<hbm>>
        tpu.enqueue_indirect_dma source(%dma_start3A_824 : memref<10000x32xf32, #tpu.memory_space<hbm>>) target(%dma_start3A_819 : memref<64x32xf32, #tpu.memory_space<vmem>>) offsets(%dma_start3A_821 : memref<64xi32, #tpu.memory_space<vmem>>) semaphore(%arg14 : memref<!tpu.dma_semaphore, #tpu.memory_space<semaphore_mem>>)
        %mul3A_825 = arith.constant 64 : i32
        %mul3A_826 = arith.muli %add3A_637, %mul3A_825 : i32
        %dma_start3A_827 = arith.constant 17 : i32
        %dma_start3A_828 = arith.constant 1088 : i32
        %dma_start3A_829 = arith.constant 0 : i32
        %dma_start3A_830 = tpu.memref_slice %arg9[%dma_start3A_828, %dma_start3A_829] : memref<1280x32xf32, #tpu.memory_space<vmem>> -> memref<64x32xf32, #tpu.memory_space<vmem>>
        %dma_start3A_831 = tpu.memref_slice %arg8[%dma_start3A_827, %mul3A_826] : memref<20x512xi32, #tpu.memory_space<vmem>> -> memref<1x64xi32, #tpu.memory_space<vmem>>
        %dma_start3A_832 = tpu.memref_squeeze %dma_start3A_831 : memref<1x64xi32, #tpu.memory_space<vmem>> -> memref<64xi32, #tpu.memory_space<vmem>>
        %dma_start3A_833 = arith.constant 0 : i32
        %dma_start3A_834 = arith.constant 0 : i32
        %dma_start3A_835 = tpu.memref_slice %arg4[%dma_start3A_833, %dma_start3A_834] : memref<10000x32xf32, #tpu.memory_space<hbm>> -> memref<10000x32xf32, #tpu.memory_space<hbm>>
        tpu.enqueue_indirect_dma source(%dma_start3A_835 : memref<10000x32xf32, #tpu.memory_space<hbm>>) target(%dma_start3A_830 : memref<64x32xf32, #tpu.memory_space<vmem>>) offsets(%dma_start3A_832 : memref<64xi32, #tpu.memory_space<vmem>>) semaphore(%arg14 : memref<!tpu.dma_semaphore, #tpu.memory_space<semaphore_mem>>)
        %mul3A_836 = arith.constant 64 : i32
        %mul3A_837 = arith.muli %add3A_637, %mul3A_836 : i32
        %dma_start3A_838 = arith.constant 18 : i32
        %dma_start3A_839 = arith.constant 1152 : i32
        %dma_start3A_840 = arith.constant 0 : i32
        %dma_start3A_841 = tpu.memref_slice %arg9[%dma_start3A_839, %dma_start3A_840] : memref<1280x32xf32, #tpu.memory_space<vmem>> -> memref<64x32xf32, #tpu.memory_space<vmem>>
        %dma_start3A_842 = tpu.memref_slice %arg8[%dma_start3A_838, %mul3A_837] : memref<20x512xi32, #tpu.memory_space<vmem>> -> memref<1x64xi32, #tpu.memory_space<vmem>>
        %dma_start3A_843 = tpu.memref_squeeze %dma_start3A_842 : memref<1x64xi32, #tpu.memory_space<vmem>> -> memref<64xi32, #tpu.memory_space<vmem>>
        %dma_start3A_844 = arith.constant 0 : i32
        %dma_start3A_845 = arith.constant 0 : i32
        %dma_start3A_846 = tpu.memref_slice %arg4[%dma_start3A_844, %dma_start3A_845] : memref<10000x32xf32, #tpu.memory_space<hbm>> -> memref<10000x32xf32, #tpu.memory_space<hbm>>
        tpu.enqueue_indirect_dma source(%dma_start3A_846 : memref<10000x32xf32, #tpu.memory_space<hbm>>) target(%dma_start3A_841 : memref<64x32xf32, #tpu.memory_space<vmem>>) offsets(%dma_start3A_843 : memref<64xi32, #tpu.memory_space<vmem>>) semaphore(%arg14 : memref<!tpu.dma_semaphore, #tpu.memory_space<semaphore_mem>>)
        %mul3A_847 = arith.constant 64 : i32
        %mul3A_848 = arith.muli %add3A_637, %mul3A_847 : i32
        %dma_start3A_849 = arith.constant 19 : i32
        %dma_start3A_850 = arith.constant 1216 : i32
        %dma_start3A_851 = arith.constant 0 : i32
        %dma_start3A_852 = tpu.memref_slice %arg9[%dma_start3A_850, %dma_start3A_851] : memref<1280x32xf32, #tpu.memory_space<vmem>> -> memref<64x32xf32, #tpu.memory_space<vmem>>
        %dma_start3A_853 = tpu.memref_slice %arg8[%dma_start3A_849, %mul3A_848] : memref<20x512xi32, #tpu.memory_space<vmem>> -> memref<1x64xi32, #tpu.memory_space<vmem>>
        %dma_start3A_854 = tpu.memref_squeeze %dma_start3A_853 : memref<1x64xi32, #tpu.memory_space<vmem>> -> memref<64xi32, #tpu.memory_space<vmem>>
        %dma_start3A_855 = arith.constant 0 : i32
        %dma_start3A_856 = arith.constant 0 : i32
        %dma_start3A_857 = tpu.memref_slice %arg4[%dma_start3A_855, %dma_start3A_856] : memref<10000x32xf32, #tpu.memory_space<hbm>> -> memref<10000x32xf32, #tpu.memory_space<hbm>>
        tpu.enqueue_indirect_dma source(%dma_start3A_857 : memref<10000x32xf32, #tpu.memory_space<hbm>>) target(%dma_start3A_852 : memref<64x32xf32, #tpu.memory_space<vmem>>) offsets(%dma_start3A_854 : memref<64xi32, #tpu.memory_space<vmem>>) semaphore(%arg14 : memref<!tpu.dma_semaphore, #tpu.memory_space<semaphore_mem>>)
      } else {
      }
      %dma_wait3A_604 = arith.constant 0 : i32
      %dma_wait3A_605 = arith.constant 0 : i32
      %dma_wait3A_606 = tpu.memref_slice %arg4[%dma_wait3A_604, %dma_wait3A_605] : memref<10000x32xf32, #tpu.memory_space<hbm>> -> memref<1280x32xf32, #tpu.memory_space<hbm>>
      %dma_wait3A_607 = arith.constant 0 : i32
      %dma_wait3A_608 = arith.constant 0 : i32
      %dma_wait3A_609 = tpu.memref_slice %arg4[%dma_wait3A_607, %dma_wait3A_608] : memref<10000x32xf32, #tpu.memory_space<hbm>> -> memref<1280x32xf32, #tpu.memory_space<hbm>>
      tpu.wait_dma2 semaphore(%arg15 : memref<!tpu.dma_semaphore, #tpu.memory_space<semaphore_mem>>) src(%dma_wait3A_609 : memref<1280x32xf32, #tpu.memory_space<hbm>>) dst(%arg10 : memref<1280x32xf32, #tpu.memory_space<vmem>>)
      %add3A_610 = arith.constant 1 : i32
      %add3A_611 = arith.addi %mul3A_590, %add3A_610 : i32
      %parallel_loop3A_612 = arith.constant 0 : i32
      %parallel_loop3A_613 = arith.constant 64 : i32
      %parallel_loop3A_614 = arith.constant 1 : i32
      scf.for %parallel_loop3A_636 = %parallel_loop3A_612 to %parallel_loop3A_613 step %parallel_loop3A_614  : i32 {
        %parallel_loop3A_637 = arith.index_cast %parallel_loop3A_636 : i32 to index
        %parallel_loop3A_638 = arith.constant 0 : index
        %parallel_loop3A_639 = tpu.vector_load %arg10[%parallel_loop3A_637, %parallel_loop3A_638] {strides = array<i32>} : memref<1280x32xf32, #tpu.memory_space<vmem>>, vector<16xf32>,
        %parallel_loop3A_640 = arith.index_cast %parallel_loop3A_636 : i32 to index
        %parallel_loop3A_641 = arith.constant 16 : index
        %parallel_loop3A_642 = tpu.vector_load %arg10[%parallel_loop3A_640, %parallel_loop3A_641] {strides = array<i32>} : memref<1280x32xf32, #tpu.memory_space<vmem>>, vector<16xf32>,
        %parallel_loop3A_643 = arith.constant 64 : i32
        %parallel_loop3A_644 = arith.addi %parallel_loop3A_643, %parallel_loop3A_636 : i32
        %parallel_loop3A_645 = arith.index_cast %parallel_loop3A_644 : i32 to index
        %parallel_loop3A_646 = arith.constant 0 : index
        %parallel_loop3A_647 = tpu.vector_load %arg10[%parallel_loop3A_645, %parallel_loop3A_646] {strides = array<i32>} : memref<1280x32xf32, #tpu.memory_space<vmem>>, vector<16xf32>,
        %parallel_loop3A_648 = arith.constant 64 : i32
        %parallel_loop3A_649 = arith.addi %parallel_loop3A_648, %parallel_loop3A_636 : i32
        %parallel_loop3A_650 = arith.index_cast %parallel_loop3A_649 : i32 to index
        %parallel_loop3A_651 = arith.constant 16 : index
        %parallel_loop3A_652 = tpu.vector_load %arg10[%parallel_loop3A_650, %parallel_loop3A_651] {strides = array<i32>} : memref<1280x32xf32, #tpu.memory_space<vmem>>, vector<16xf32>,
        %parallel_loop3A_653 = arith.constant 128 : i32
        %parallel_loop3A_654 = arith.addi %parallel_loop3A_653, %parallel_loop3A_636 : i32
        %parallel_loop3A_655 = arith.index_cast %parallel_loop3A_654 : i32 to index
        %parallel_loop3A_656 = arith.constant 0 : index
        %parallel_loop3A_657 = tpu.vector_load %arg10[%parallel_loop3A_655, %parallel_loop3A_656] {strides = array<i32>} : memref<1280x32xf32, #tpu.memory_space<vmem>>, vector<16xf32>,
        %parallel_loop3A_658 = arith.addf %parallel_loop3A_639, %parallel_loop3A_657 : vector<16xf32>
        %parallel_loop3A_659 = arith.constant 128 : i32
        %parallel_loop3A_660 = arith.addi %parallel_loop3A_659, %parallel_loop3A_636 : i32
        %parallel_loop3A_661 = arith.index_cast %parallel_loop3A_660 : i32 to index
        %parallel_loop3A_662 = arith.constant 16 : index
        %parallel_loop3A_663 = tpu.vector_load %arg10[%parallel_loop3A_661, %parallel_loop3A_662] {strides = array<i32>} : memref<1280x32xf32, #tpu.memory_space<vmem>>, vector<16xf32>,
        %parallel_loop3A_664 = arith.addf %parallel_loop3A_642, %parallel_loop3A_663 : vector<16xf32>
        %parallel_loop3A_665 = arith.constant 192 : i32
        %parallel_loop3A_666 = arith.addi %parallel_loop3A_665, %parallel_loop3A_636 : i32
        %parallel_loop3A_667 = arith.index_cast %parallel_loop3A_666 : i32 to index
        %parallel_loop3A_668 = arith.constant 0 : index
        %parallel_loop3A_669 = tpu.vector_load %arg10[%parallel_loop3A_667, %parallel_loop3A_668] {strides = array<i32>} : memref<1280x32xf32, #tpu.memory_space<vmem>>, vector<16xf32>,
        %parallel_loop3A_670 = arith.addf %parallel_loop3A_647, %parallel_loop3A_669 : vector<16xf32>
        %parallel_loop3A_671 = arith.constant 192 : i32
        %parallel_loop3A_672 = arith.addi %parallel_loop3A_671, %parallel_loop3A_636 : i32
        %parallel_loop3A_673 = arith.index_cast %parallel_loop3A_672 : i32 to index
        %parallel_loop3A_674 = arith.constant 16 : index
        %parallel_loop3A_675 = tpu.vector_load %arg10[%parallel_loop3A_673, %parallel_loop3A_674] {strides = array<i32>} : memref<1280x32xf32, #tpu.memory_space<vmem>>, vector<16xf32>,
        %parallel_loop3A_676 = arith.addf %parallel_loop3A_652, %parallel_loop3A_675 : vector<16xf32>
        %parallel_loop3A_677 = arith.constant 256 : i32
        %parallel_loop3A_678 = arith.addi %parallel_loop3A_677, %parallel_loop3A_636 : i32
        %parallel_loop3A_679 = arith.index_cast %parallel_loop3A_678 : i32 to index
        %parallel_loop3A_680 = arith.constant 0 : index
        %parallel_loop3A_681 = tpu.vector_load %arg10[%parallel_loop3A_679, %parallel_loop3A_680] {strides = array<i32>} : memref<1280x32xf32, #tpu.memory_space<vmem>>, vector<16xf32>,
        %parallel_loop3A_682 = arith.addf %parallel_loop3A_658, %parallel_loop3A_681 : vector<16xf32>
        %parallel_loop3A_683 = arith.constant 256 : i32
        %parallel_loop3A_684 = arith.addi %parallel_loop3A_683, %parallel_loop3A_636 : i32
        %parallel_loop3A_685 = arith.index_cast %parallel_loop3A_684 : i32 to index
        %parallel_loop3A_686 = arith.constant 16 : index
        %parallel_loop3A_687 = tpu.vector_load %arg10[%parallel_loop3A_685, %parallel_loop3A_686] {strides = array<i32>} : memref<1280x32xf32, #tpu.memory_space<vmem>>, vector<16xf32>,
        %parallel_loop3A_688 = arith.addf %parallel_loop3A_664, %parallel_loop3A_687 : vector<16xf32>
        %parallel_loop3A_689 = arith.constant 320 : i32
        %parallel_loop3A_690 = arith.addi %parallel_loop3A_689, %parallel_loop3A_636 : i32
        %parallel_loop3A_691 = arith.index_cast %parallel_loop3A_690 : i32 to index
        %parallel_loop3A_692 = arith.constant 0 : index
        %parallel_loop3A_693 = tpu.vector_load %arg10[%parallel_loop3A_691, %parallel_loop3A_692] {strides = array<i32>} : memref<1280x32xf32, #tpu.memory_space<vmem>>, vector<16xf32>,
        %parallel_loop3A_694 = arith.addf %parallel_loop3A_670, %parallel_loop3A_693 : vector<16xf32>
        %parallel_loop3A_695 = arith.constant 320 : i32
        %parallel_loop3A_696 = arith.addi %parallel_loop3A_695, %parallel_loop3A_636 : i32
        %parallel_loop3A_697 = arith.index_cast %parallel_loop3A_696 : i32 to index
        %parallel_loop3A_698 = arith.constant 16 : index
        %parallel_loop3A_699 = tpu.vector_load %arg10[%parallel_loop3A_697, %parallel_loop3A_698] {strides = array<i32>} : memref<1280x32xf32, #tpu.memory_space<vmem>>, vector<16xf32>,
        %parallel_loop3A_700 = arith.addf %parallel_loop3A_676, %parallel_loop3A_699 : vector<16xf32>
        %parallel_loop3A_701 = arith.constant 384 : i32
        %parallel_loop3A_702 = arith.addi %parallel_loop3A_701, %parallel_loop3A_636 : i32
        %parallel_loop3A_703 = arith.index_cast %parallel_loop3A_702 : i32 to index
        %parallel_loop3A_704 = arith.constant 0 : index
        %parallel_loop3A_705 = tpu.vector_load %arg10[%parallel_loop3A_703, %parallel_loop3A_704] {strides = array<i32>} : memref<1280x32xf32, #tpu.memory_space<vmem>>, vector<16xf32>,
        %parallel_loop3A_706 = arith.addf %parallel_loop3A_682, %parallel_loop3A_705 : vector<16xf32>
        %parallel_loop3A_707 = arith.constant 384 : i32
        %parallel_loop3A_708 = arith.addi %parallel_loop3A_707, %parallel_loop3A_636 : i32
        %parallel_loop3A_709 = arith.index_cast %parallel_loop3A_708 : i32 to index
        %parallel_loop3A_710 = arith.constant 16 : index
        %parallel_loop3A_711 = tpu.vector_load %arg10[%parallel_loop3A_709, %parallel_loop3A_710] {strides = array<i32>} : memref<1280x32xf32, #tpu.memory_space<vmem>>, vector<16xf32>,
        %parallel_loop3A_712 = arith.addf %parallel_loop3A_688, %parallel_loop3A_711 : vector<16xf32>
        %parallel_loop3A_713 = arith.constant 448 : i32
        %parallel_loop3A_714 = arith.addi %parallel_loop3A_713, %parallel_loop3A_636 : i32
        %parallel_loop3A_715 = arith.index_cast %parallel_loop3A_714 : i32 to index
        %parallel_loop3A_716 = arith.constant 0 : index
        %parallel_loop3A_717 = tpu.vector_load %arg10[%parallel_loop3A_715, %parallel_loop3A_716] {strides = array<i32>} : memref<1280x32xf32, #tpu.memory_space<vmem>>, vector<16xf32>,
        %parallel_loop3A_718 = arith.addf %parallel_loop3A_694, %parallel_loop3A_717 : vector<16xf32>
        %parallel_loop3A_719 = arith.constant 448 : i32
        %parallel_loop3A_720 = arith.addi %parallel_loop3A_719, %parallel_loop3A_636 : i32
        %parallel_loop3A_721 = arith.index_cast %parallel_loop3A_720 : i32 to index
        %parallel_loop3A_722 = arith.constant 16 : index
        %parallel_loop3A_723 = tpu.vector_load %arg10[%parallel_loop3A_721, %parallel_loop3A_722] {strides = array<i32>} : memref<1280x32xf32, #tpu.memory_space<vmem>>, vector<16xf32>,
        %parallel_loop3A_724 = arith.addf %parallel_loop3A_700, %parallel_loop3A_723 : vector<16xf32>
        %parallel_loop3A_725 = arith.constant 512 : i32
        %parallel_loop3A_726 = arith.addi %parallel_loop3A_725, %parallel_loop3A_636 : i32
        %parallel_loop3A_727 = arith.index_cast %parallel_loop3A_726 : i32 to index
        %parallel_loop3A_728 = arith.constant 0 : index
        %parallel_loop3A_729 = tpu.vector_load %arg10[%parallel_loop3A_727, %parallel_loop3A_728] {strides = array<i32>} : memref<1280x32xf32, #tpu.memory_space<vmem>>, vector<16xf32>,
        %parallel_loop3A_730 = arith.addf %parallel_loop3A_706, %parallel_loop3A_729 : vector<16xf32>
        %parallel_loop3A_731 = arith.constant 512 : i32
        %parallel_loop3A_732 = arith.addi %parallel_loop3A_731, %parallel_loop3A_636 : i32
        %parallel_loop3A_733 = arith.index_cast %parallel_loop3A_732 : i32 to index
        %parallel_loop3A_734 = arith.constant 16 : index
        %parallel_loop3A_735 = tpu.vector_load %arg10[%parallel_loop3A_733, %parallel_loop3A_734] {strides = array<i32>} : memref<1280x32xf32, #tpu.memory_space<vmem>>, vector<16xf32>,
        %parallel_loop3A_736 = arith.addf %parallel_loop3A_712, %parallel_loop3A_735 : vector<16xf32>
        %parallel_loop3A_737 = arith.constant 576 : i32
        %parallel_loop3A_738 = arith.addi %parallel_loop3A_737, %parallel_loop3A_636 : i32
        %parallel_loop3A_739 = arith.index_cast %parallel_loop3A_738 : i32 to index
        %parallel_loop3A_740 = arith.constant 0 : index
        %parallel_loop3A_741 = tpu.vector_load %arg10[%parallel_loop3A_739, %parallel_loop3A_740] {strides = array<i32>} : memref<1280x32xf32, #tpu.memory_space<vmem>>, vector<16xf32>,
        %parallel_loop3A_742 = arith.addf %parallel_loop3A_718, %parallel_loop3A_741 : vector<16xf32>
        %parallel_loop3A_743 = arith.constant 576 : i32
        %parallel_loop3A_744 = arith.addi %parallel_loop3A_743, %parallel_loop3A_636 : i32
        %parallel_loop3A_745 = arith.index_cast %parallel_loop3A_744 : i32 to index
        %parallel_loop3A_746 = arith.constant 16 : index
        %parallel_loop3A_747 = tpu.vector_load %arg10[%parallel_loop3A_745, %parallel_loop3A_746] {strides = array<i32>} : memref<1280x32xf32, #tpu.memory_space<vmem>>, vector<16xf32>,
        %parallel_loop3A_748 = arith.addf %parallel_loop3A_724, %parallel_loop3A_747 : vector<16xf32>
        %parallel_loop3A_749 = arith.constant 640 : i32
        %parallel_loop3A_750 = arith.addi %parallel_loop3A_749, %parallel_loop3A_636 : i32
        %parallel_loop3A_751 = arith.index_cast %parallel_loop3A_750 : i32 to index
        %parallel_loop3A_752 = arith.constant 0 : index
        %parallel_loop3A_753 = tpu.vector_load %arg10[%parallel_loop3A_751, %parallel_loop3A_752] {strides = array<i32>} : memref<1280x32xf32, #tpu.memory_space<vmem>>, vector<16xf32>,
        %parallel_loop3A_754 = arith.addf %parallel_loop3A_730, %parallel_loop3A_753 : vector<16xf32>
        %parallel_loop3A_755 = arith.constant 640 : i32
        %parallel_loop3A_756 = arith.addi %parallel_loop3A_755, %parallel_loop3A_636 : i32
        %parallel_loop3A_757 = arith.index_cast %parallel_loop3A_756 : i32 to index
        %parallel_loop3A_758 = arith.constant 16 : index
        %parallel_loop3A_759 = tpu.vector_load %arg10[%parallel_loop3A_757, %parallel_loop3A_758] {strides = array<i32>} : memref<1280x32xf32, #tpu.memory_space<vmem>>, vector<16xf32>,
        %parallel_loop3A_760 = arith.addf %parallel_loop3A_736, %parallel_loop3A_759 : vector<16xf32>
        %parallel_loop3A_761 = arith.constant 704 : i32
        %parallel_loop3A_762 = arith.addi %parallel_loop3A_761, %parallel_loop3A_636 : i32
        %parallel_loop3A_763 = arith.index_cast %parallel_loop3A_762 : i32 to index
        %parallel_loop3A_764 = arith.constant 0 : index
        %parallel_loop3A_765 = tpu.vector_load %arg10[%parallel_loop3A_763, %parallel_loop3A_764] {strides = array<i32>} : memref<1280x32xf32, #tpu.memory_space<vmem>>, vector<16xf32>,
        %parallel_loop3A_766 = arith.addf %parallel_loop3A_742, %parallel_loop3A_765 : vector<16xf32>
        %parallel_loop3A_767 = arith.constant 704 : i32
        %parallel_loop3A_768 = arith.addi %parallel_loop3A_767, %parallel_loop3A_636 : i32
        %parallel_loop3A_769 = arith.index_cast %parallel_loop3A_768 : i32 to index
        %parallel_loop3A_770 = arith.constant 16 : index
        %parallel_loop3A_771 = tpu.vector_load %arg10[%parallel_loop3A_769, %parallel_loop3A_770] {strides = array<i32>} : memref<1280x32xf32, #tpu.memory_space<vmem>>, vector<16xf32>,
        %parallel_loop3A_772 = arith.addf %parallel_loop3A_748, %parallel_loop3A_771 : vector<16xf32>
        %parallel_loop3A_773 = arith.constant 768 : i32
        %parallel_loop3A_774 = arith.addi %parallel_loop3A_773, %parallel_loop3A_636 : i32
        %parallel_loop3A_775 = arith.index_cast %parallel_loop3A_774 : i32 to index
        %parallel_loop3A_776 = arith.constant 0 : index
        %parallel_loop3A_777 = tpu.vector_load %arg10[%parallel_loop3A_775, %parallel_loop3A_776] {strides = array<i32>} : memref<1280x32xf32, #tpu.memory_space<vmem>>, vector<16xf32>,
        %parallel_loop3A_778 = arith.addf %parallel_loop3A_754, %parallel_loop3A_777 : vector<16xf32>
        %parallel_loop3A_779 = arith.constant 768 : i32
        %parallel_loop3A_780 = arith.addi %parallel_loop3A_779, %parallel_loop3A_636 : i32
        %parallel_loop3A_781 = arith.index_cast %parallel_loop3A_780 : i32 to index
        %parallel_loop3A_782 = arith.constant 16 : index
        %parallel_loop3A_783 = tpu.vector_load %arg10[%parallel_loop3A_781, %parallel_loop3A_782] {strides = array<i32>} : memref<1280x32xf32, #tpu.memory_space<vmem>>, vector<16xf32>,
        %parallel_loop3A_784 = arith.addf %parallel_loop3A_760, %parallel_loop3A_783 : vector<16xf32>
        %parallel_loop3A_785 = arith.constant 832 : i32
        %parallel_loop3A_786 = arith.addi %parallel_loop3A_785, %parallel_loop3A_636 : i32
        %parallel_loop3A_787 = arith.index_cast %parallel_loop3A_786 : i32 to index
        %parallel_loop3A_788 = arith.constant 0 : index
        %parallel_loop3A_789 = tpu.vector_load %arg10[%parallel_loop3A_787, %parallel_loop3A_788] {strides = array<i32>} : memref<1280x32xf32, #tpu.memory_space<vmem>>, vector<16xf32>,
        %parallel_loop3A_790 = arith.addf %parallel_loop3A_766, %parallel_loop3A_789 : vector<16xf32>
        %parallel_loop3A_791 = arith.constant 832 : i32
        %parallel_loop3A_792 = arith.addi %parallel_loop3A_791, %parallel_loop3A_636 : i32
        %parallel_loop3A_793 = arith.index_cast %parallel_loop3A_792 : i32 to index
        %parallel_loop3A_794 = arith.constant 16 : index
        %parallel_loop3A_795 = tpu.vector_load %arg10[%parallel_loop3A_793, %parallel_loop3A_794] {strides = array<i32>} : memref<1280x32xf32, #tpu.memory_space<vmem>>, vector<16xf32>,
        %parallel_loop3A_796 = arith.addf %parallel_loop3A_772, %parallel_loop3A_795 : vector<16xf32>
        %parallel_loop3A_797 = arith.constant 896 : i32
        %parallel_loop3A_798 = arith.addi %parallel_loop3A_797, %parallel_loop3A_636 : i32
        %parallel_loop3A_799 = arith.index_cast %parallel_loop3A_798 : i32 to index
        %parallel_loop3A_800 = arith.constant 0 : index
        %parallel_loop3A_801 = tpu.vector_load %arg10[%parallel_loop3A_799, %parallel_loop3A_800] {strides = array<i32>} : memref<1280x32xf32, #tpu.memory_space<vmem>>, vector<16xf32>,
        %parallel_loop3A_802 = arith.addf %parallel_loop3A_778, %parallel_loop3A_801 : vector<16xf32>
        %parallel_loop3A_803 = arith.constant 896 : i32
        %parallel_loop3A_804 = arith.addi %parallel_loop3A_803, %parallel_loop3A_636 : i32
        %parallel_loop3A_805 = arith.index_cast %parallel_loop3A_804 : i32 to index
        %parallel_loop3A_806 = arith.constant 16 : index
        %parallel_loop3A_807 = tpu.vector_load %arg10[%parallel_loop3A_805, %parallel_loop3A_806] {strides = array<i32>} : memref<1280x32xf32, #tpu.memory_space<vmem>>, vector<16xf32>,
        %parallel_loop3A_808 = arith.addf %parallel_loop3A_784, %parallel_loop3A_807 : vector<16xf32>
        %parallel_loop3A_809 = arith.constant 960 : i32
        %parallel_loop3A_810 = arith.addi %parallel_loop3A_809, %parallel_loop3A_636 : i32
        %parallel_loop3A_811 = arith.index_cast %parallel_loop3A_810 : i32 to index
        %parallel_loop3A_812 = arith.constant 0 : index
        %parallel_loop3A_813 = tpu.vector_load %arg10[%parallel_loop3A_811, %parallel_loop3A_812] {strides = array<i32>} : memref<1280x32xf32, #tpu.memory_space<vmem>>, vector<16xf32>,
        %parallel_loop3A_814 = arith.addf %parallel_loop3A_790, %parallel_loop3A_813 : vector<16xf32>
        %parallel_loop3A_815 = arith.constant 960 : i32
        %parallel_loop3A_816 = arith.addi %parallel_loop3A_815, %parallel_loop3A_636 : i32
        %parallel_loop3A_817 = arith.index_cast %parallel_loop3A_816 : i32 to index
        %parallel_loop3A_818 = arith.constant 16 : index
        %parallel_loop3A_819 = tpu.vector_load %arg10[%parallel_loop3A_817, %parallel_loop3A_818] {strides = array<i32>} : memref<1280x32xf32, #tpu.memory_space<vmem>>, vector<16xf32>,
        %parallel_loop3A_820 = arith.addf %parallel_loop3A_796, %parallel_loop3A_819 : vector<16xf32>
        %parallel_loop3A_821 = arith.constant 1024 : i32
        %parallel_loop3A_822 = arith.addi %parallel_loop3A_821, %parallel_loop3A_636 : i32
        %parallel_loop3A_823 = arith.index_cast %parallel_loop3A_822 : i32 to index
        %parallel_loop3A_824 = arith.constant 0 : index
        %parallel_loop3A_825 = tpu.vector_load %arg10[%parallel_loop3A_823, %parallel_loop3A_824] {strides = array<i32>} : memref<1280x32xf32, #tpu.memory_space<vmem>>, vector<16xf32>,
        %parallel_loop3A_826 = arith.addf %parallel_loop3A_802, %parallel_loop3A_825 : vector<16xf32>
        %parallel_loop3A_827 = arith.constant 1024 : i32
        %parallel_loop3A_828 = arith.addi %parallel_loop3A_827, %parallel_loop3A_636 : i32
        %parallel_loop3A_829 = arith.index_cast %parallel_loop3A_828 : i32 to index
        %parallel_loop3A_830 = arith.constant 16 : index
        %parallel_loop3A_831 = tpu.vector_load %arg10[%parallel_loop3A_829, %parallel_loop3A_830] {strides = array<i32>} : memref<1280x32xf32, #tpu.memory_space<vmem>>, vector<16xf32>,
        %parallel_loop3A_832 = arith.addf %parallel_loop3A_808, %parallel_loop3A_831 : vector<16xf32>
        %parallel_loop3A_833 = arith.constant 1088 : i32
        %parallel_loop3A_834 = arith.addi %parallel_loop3A_833, %parallel_loop3A_636 : i32
        %parallel_loop3A_835 = arith.index_cast %parallel_loop3A_834 : i32 to index
        %parallel_loop3A_836 = arith.constant 0 : index
        %parallel_loop3A_837 = tpu.vector_load %arg10[%parallel_loop3A_835, %parallel_loop3A_836] {strides = array<i32>} : memref<1280x32xf32, #tpu.memory_space<vmem>>, vector<16xf32>,
        %parallel_loop3A_838 = arith.addf %parallel_loop3A_814, %parallel_loop3A_837 : vector<16xf32>
        %parallel_loop3A_839 = arith.constant 1088 : i32
        %parallel_loop3A_840 = arith.addi %parallel_loop3A_839, %parallel_loop3A_636 : i32
        %parallel_loop3A_841 = arith.index_cast %parallel_loop3A_840 : i32 to index
        %parallel_loop3A_842 = arith.constant 16 : index
        %parallel_loop3A_843 = tpu.vector_load %arg10[%parallel_loop3A_841, %parallel_loop3A_842] {strides = array<i32>} : memref<1280x32xf32, #tpu.memory_space<vmem>>, vector<16xf32>,
        %parallel_loop3A_844 = arith.addf %parallel_loop3A_820, %parallel_loop3A_843 : vector<16xf32>
        %parallel_loop3A_845 = arith.constant 1152 : i32
        %parallel_loop3A_846 = arith.addi %parallel_loop3A_845, %parallel_loop3A_636 : i32
        %parallel_loop3A_847 = arith.index_cast %parallel_loop3A_846 : i32 to index
        %parallel_loop3A_848 = arith.constant 0 : index
        %parallel_loop3A_849 = tpu.vector_load %arg10[%parallel_loop3A_847, %parallel_loop3A_848] {strides = array<i32>} : memref<1280x32xf32, #tpu.memory_space<vmem>>, vector<16xf32>,
        %parallel_loop3A_850 = arith.addf %parallel_loop3A_826, %parallel_loop3A_849 : vector<16xf32>
        %parallel_loop3A_851 = arith.constant 1152 : i32
        %parallel_loop3A_852 = arith.addi %parallel_loop3A_851, %parallel_loop3A_636 : i32
        %parallel_loop3A_853 = arith.index_cast %parallel_loop3A_852 : i32 to index
        %parallel_loop3A_854 = arith.constant 16 : index
        %parallel_loop3A_855 = tpu.vector_load %arg10[%parallel_loop3A_853, %parallel_loop3A_854] {strides = array<i32>} : memref<1280x32xf32, #tpu.memory_space<vmem>>, vector<16xf32>,
        %parallel_loop3A_856 = arith.addf %parallel_loop3A_832, %parallel_loop3A_855 : vector<16xf32>
        %parallel_loop3A_857 = arith.constant 1216 : i32
        %parallel_loop3A_858 = arith.addi %parallel_loop3A_857, %parallel_loop3A_636 : i32
        %parallel_loop3A_859 = arith.index_cast %parallel_loop3A_858 : i32 to index
        %parallel_loop3A_860 = arith.constant 0 : index
        %parallel_loop3A_861 = tpu.vector_load %arg10[%parallel_loop3A_859, %parallel_loop3A_860] {strides = array<i32>} : memref<1280x32xf32, #tpu.memory_space<vmem>>, vector<16xf32>,
        %parallel_loop3A_862 = arith.addf %parallel_loop3A_838, %parallel_loop3A_861 : vector<16xf32>
        %parallel_loop3A_863 = arith.constant 1216 : i32
        %parallel_loop3A_864 = arith.addi %parallel_loop3A_863, %parallel_loop3A_636 : i32
        %parallel_loop3A_865 = arith.index_cast %parallel_loop3A_864 : i32 to index
        %parallel_loop3A_866 = arith.constant 16 : index
        %parallel_loop3A_867 = tpu.vector_load %arg10[%parallel_loop3A_865, %parallel_loop3A_866] {strides = array<i32>} : memref<1280x32xf32, #tpu.memory_space<vmem>>, vector<16xf32>,
        %parallel_loop3A_868 = arith.addf %parallel_loop3A_844, %parallel_loop3A_867 : vector<16xf32>
        %parallel_loop3A_869 = arith.constant 64 : i32
        %parallel_loop3A_870 = arith.muli %add3A_611, %parallel_loop3A_869 : i32
        %parallel_loop3A_871 = arith.addi %parallel_loop3A_870, %parallel_loop3A_636 : i32
        %parallel_loop3A_872 = vector.broadcast %parallel_loop3A_871 : i32 to vector<16xi32>
        %parallel_loop3A_873 = arith.addf %parallel_loop3A_850, %parallel_loop3A_862 : vector<16xf32>
        tpu.vector_store_idx %arg11[%iota3A, %parallel_loop3A_872], %parallel_loop3A_873 : memref<32x512xf32, #tpu.memory_space<vmem>>[vector<16xi32>, vector<16xi32>], vector<16xf32>,
        %parallel_loop3A_874 = arith.constant 16 : i32
        %parallel_loop3A_875 = vector.broadcast %parallel_loop3A_874 : i32 to vector<16xi32>
        %parallel_loop3A_876 = arith.addi %iota3A, %parallel_loop3A_875 : vector<16xi32>
        %parallel_loop3A_877 = arith.addf %parallel_loop3A_856, %parallel_loop3A_868 : vector<16xf32>
        tpu.vector_store_idx %arg11[%parallel_loop3A_876, %parallel_loop3A_872], %parallel_loop3A_877 : memref<32x512xf32, #tpu.memory_space<vmem>>[vector<16xi32>, vector<16xi32>], vector<16xf32>,
      } {sc.loop_unroll_factor = 4 : i64, sc.parallel_access}
      %add3A_615 = arith.constant 3 : i32
      %add3A_616 = arith.addi %mul3A_590, %add3A_615 : i32
      %lt3A_617 = arith.constant 8 : i32
      %lt3A_618 = arith.cmpi slt, %add3A_616, %lt3A_617 : i32
      %convert_element_type3A_619 = arith.extui %lt3A_618 : i1 to i32
      %cond3A_620 = arith.constant 0 : i32
      %cond3A_621 = arith.cmpi ne, %convert_element_type3A_619, %cond3A_620 : i32
      scf.if %cond3A_621 {
        %add3A_636 = arith.constant 3 : i32
        %add3A_637 = arith.addi %mul3A_590, %add3A_636 : i32
        %mul3A_638 = arith.constant 64 : i32
        %mul3A_639 = arith.muli %add3A_637, %mul3A_638 : i32
        %dma_start3A_640 = arith.constant 0 : i32
        %dma_start3A_641 = arith.constant 0 : i32
        %dma_start3A_642 = arith.constant 0 : i32
        %dma_start3A_643 = tpu.memref_slice %arg10[%dma_start3A_641, %dma_start3A_642] : memref<1280x32xf32, #tpu.memory_space<vmem>> -> memref<64x32xf32, #tpu.memory_space<vmem>>
        %dma_start3A_644 = tpu.memref_slice %arg8[%dma_start3A_640, %mul3A_639] : memref<20x512xi32, #tpu.memory_space<vmem>> -> memref<1x64xi32, #tpu.memory_space<vmem>>
        %dma_start3A_645 = tpu.memref_squeeze %dma_start3A_644 : memref<1x64xi32, #tpu.memory_space<vmem>> -> memref<64xi32, #tpu.memory_space<vmem>>
        %dma_start3A_646 = arith.constant 0 : i32
        %dma_start3A_647 = arith.constant 0 : i32
        %dma_start3A_648 = tpu.memref_slice %arg4[%dma_start3A_646, %dma_start3A_647] : memref<10000x32xf32, #tpu.memory_space<hbm>> -> memref<10000x32xf32, #tpu.memory_space<hbm>>
        tpu.enqueue_indirect_dma source(%dma_start3A_648 : memref<10000x32xf32, #tpu.memory_space<hbm>>) target(%dma_start3A_643 : memref<64x32xf32, #tpu.memory_space<vmem>>) offsets(%dma_start3A_645 : memref<64xi32, #tpu.memory_space<vmem>>) semaphore(%arg15 : memref<!tpu.dma_semaphore, #tpu.memory_space<semaphore_mem>>)
        %mul3A_649 = arith.constant 64 : i32
        %mul3A_650 = arith.muli %add3A_637, %mul3A_649 : i32
        %dma_start3A_651 = arith.constant 1 : i32
        %dma_start3A_652 = arith.constant 64 : i32
        %dma_start3A_653 = arith.constant 0 : i32
        %dma_start3A_654 = tpu.memref_slice %arg10[%dma_start3A_652, %dma_start3A_653] : memref<1280x32xf32, #tpu.memory_space<vmem>> -> memref<64x32xf32, #tpu.memory_space<vmem>>
        %dma_start3A_655 = tpu.memref_slice %arg8[%dma_start3A_651, %mul3A_650] : memref<20x512xi32, #tpu.memory_space<vmem>> -> memref<1x64xi32, #tpu.memory_space<vmem>>
        %dma_start3A_656 = tpu.memref_squeeze %dma_start3A_655 : memref<1x64xi32, #tpu.memory_space<vmem>> -> memref<64xi32, #tpu.memory_space<vmem>>
        %dma_start3A_657 = arith.constant 0 : i32
        %dma_start3A_658 = arith.constant 0 : i32
        %dma_start3A_659 = tpu.memref_slice %arg4[%dma_start3A_657, %dma_start3A_658] : memref<10000x32xf32, #tpu.memory_space<hbm>> -> memref<10000x32xf32, #tpu.memory_space<hbm>>
        tpu.enqueue_indirect_dma source(%dma_start3A_659 : memref<10000x32xf32, #tpu.memory_space<hbm>>) target(%dma_start3A_654 : memref<64x32xf32, #tpu.memory_space<vmem>>) offsets(%dma_start3A_656 : memref<64xi32, #tpu.memory_space<vmem>>) semaphore(%arg15 : memref<!tpu.dma_semaphore, #tpu.memory_space<semaphore_mem>>)
        %mul3A_660 = arith.constant 64 : i32
        %mul3A_661 = arith.muli %add3A_637, %mul3A_660 : i32
        %dma_start3A_662 = arith.constant 2 : i32
        %dma_start3A_663 = arith.constant 128 : i32
        %dma_start3A_664 = arith.constant 0 : i32
        %dma_start3A_665 = tpu.memref_slice %arg10[%dma_start3A_663, %dma_start3A_664] : memref<1280x32xf32, #tpu.memory_space<vmem>> -> memref<64x32xf32, #tpu.memory_space<vmem>>
        %dma_start3A_666 = tpu.memref_slice %arg8[%dma_start3A_662, %mul3A_661] : memref<20x512xi32, #tpu.memory_space<vmem>> -> memref<1x64xi32, #tpu.memory_space<vmem>>
        %dma_start3A_667 = tpu.memref_squeeze %dma_start3A_666 : memref<1x64xi32, #tpu.memory_space<vmem>> -> memref<64xi32, #tpu.memory_space<vmem>>
        %dma_start3A_668 = arith.constant 0 : i32
        %dma_start3A_669 = arith.constant 0 : i32
        %dma_start3A_670 = tpu.memref_slice %arg4[%dma_start3A_668, %dma_start3A_669] : memref<10000x32xf32, #tpu.memory_space<hbm>> -> memref<10000x32xf32, #tpu.memory_space<hbm>>
        tpu.enqueue_indirect_dma source(%dma_start3A_670 : memref<10000x32xf32, #tpu.memory_space<hbm>>) target(%dma_start3A_665 : memref<64x32xf32, #tpu.memory_space<vmem>>) offsets(%dma_start3A_667 : memref<64xi32, #tpu.memory_space<vmem>>) semaphore(%arg15 : memref<!tpu.dma_semaphore, #tpu.memory_space<semaphore_mem>>)
        %mul3A_671 = arith.constant 64 : i32
        %mul3A_672 = arith.muli %add3A_637, %mul3A_671 : i32
        %dma_start3A_673 = arith.constant 3 : i32
        %dma_start3A_674 = arith.constant 192 : i32
        %dma_start3A_675 = arith.constant 0 : i32
        %dma_start3A_676 = tpu.memref_slice %arg10[%dma_start3A_674, %dma_start3A_675] : memref<1280x32xf32, #tpu.memory_space<vmem>> -> memref<64x32xf32, #tpu.memory_space<vmem>>
        %dma_start3A_677 = tpu.memref_slice %arg8[%dma_start3A_673, %mul3A_672] : memref<20x512xi32, #tpu.memory_space<vmem>> -> memref<1x64xi32, #tpu.memory_space<vmem>>
        %dma_start3A_678 = tpu.memref_squeeze %dma_start3A_677 : memref<1x64xi32, #tpu.memory_space<vmem>> -> memref<64xi32, #tpu.memory_space<vmem>>
        %dma_start3A_679 = arith.constant 0 : i32
        %dma_start3A_680 = arith.constant 0 : i32
        %dma_start3A_681 = tpu.memref_slice %arg4[%dma_start3A_679, %dma_start3A_680] : memref<10000x32xf32, #tpu.memory_space<hbm>> -> memref<10000x32xf32, #tpu.memory_space<hbm>>
        tpu.enqueue_indirect_dma source(%dma_start3A_681 : memref<10000x32xf32, #tpu.memory_space<hbm>>) target(%dma_start3A_676 : memref<64x32xf32, #tpu.memory_space<vmem>>) offsets(%dma_start3A_678 : memref<64xi32, #tpu.memory_space<vmem>>) semaphore(%arg15 : memref<!tpu.dma_semaphore, #tpu.memory_space<semaphore_mem>>)
        %mul3A_682 = arith.constant 64 : i32
        %mul3A_683 = arith.muli %add3A_637, %mul3A_682 : i32
        %dma_start3A_684 = arith.constant 4 : i32
        %dma_start3A_685 = arith.constant 256 : i32
        %dma_start3A_686 = arith.constant 0 : i32
        %dma_start3A_687 = tpu.memref_slice %arg10[%dma_start3A_685, %dma_start3A_686] : memref<1280x32xf32, #tpu.memory_space<vmem>> -> memref<64x32xf32, #tpu.memory_space<vmem>>
        %dma_start3A_688 = tpu.memref_slice %arg8[%dma_start3A_684, %mul3A_683] : memref<20x512xi32, #tpu.memory_space<vmem>> -> memref<1x64xi32, #tpu.memory_space<vmem>>
        %dma_start3A_689 = tpu.memref_squeeze %dma_start3A_688 : memref<1x64xi32, #tpu.memory_space<vmem>> -> memref<64xi32, #tpu.memory_space<vmem>>
        %dma_start3A_690 = arith.constant 0 : i32
        %dma_start3A_691 = arith.constant 0 : i32
        %dma_start3A_692 = tpu.memref_slice %arg4[%dma_start3A_690, %dma_start3A_691] : memref<10000x32xf32, #tpu.memory_space<hbm>> -> memref<10000x32xf32, #tpu.memory_space<hbm>>
        tpu.enqueue_indirect_dma source(%dma_start3A_692 : memref<10000x32xf32, #tpu.memory_space<hbm>>) target(%dma_start3A_687 : memref<64x32xf32, #tpu.memory_space<vmem>>) offsets(%dma_start3A_689 : memref<64xi32, #tpu.memory_space<vmem>>) semaphore(%arg15 : memref<!tpu.dma_semaphore, #tpu.memory_space<semaphore_mem>>)
        %mul3A_693 = arith.constant 64 : i32
        %mul3A_694 = arith.muli %add3A_637, %mul3A_693 : i32
        %dma_start3A_695 = arith.constant 5 : i32
        %dma_start3A_696 = arith.constant 320 : i32
        %dma_start3A_697 = arith.constant 0 : i32
        %dma_start3A_698 = tpu.memref_slice %arg10[%dma_start3A_696, %dma_start3A_697] : memref<1280x32xf32, #tpu.memory_space<vmem>> -> memref<64x32xf32, #tpu.memory_space<vmem>>
        %dma_start3A_699 = tpu.memref_slice %arg8[%dma_start3A_695, %mul3A_694] : memref<20x512xi32, #tpu.memory_space<vmem>> -> memref<1x64xi32, #tpu.memory_space<vmem>>
        %dma_start3A_700 = tpu.memref_squeeze %dma_start3A_699 : memref<1x64xi32, #tpu.memory_space<vmem>> -> memref<64xi32, #tpu.memory_space<vmem>>
        %dma_start3A_701 = arith.constant 0 : i32
        %dma_start3A_702 = arith.constant 0 : i32
        %dma_start3A_703 = tpu.memref_slice %arg4[%dma_start3A_701, %dma_start3A_702] : memref<10000x32xf32, #tpu.memory_space<hbm>> -> memref<10000x32xf32, #tpu.memory_space<hbm>>
        tpu.enqueue_indirect_dma source(%dma_start3A_703 : memref<10000x32xf32, #tpu.memory_space<hbm>>) target(%dma_start3A_698 : memref<64x32xf32, #tpu.memory_space<vmem>>) offsets(%dma_start3A_700 : memref<64xi32, #tpu.memory_space<vmem>>) semaphore(%arg15 : memref<!tpu.dma_semaphore, #tpu.memory_space<semaphore_mem>>)
        %mul3A_704 = arith.constant 64 : i32
        %mul3A_705 = arith.muli %add3A_637, %mul3A_704 : i32
        %dma_start3A_706 = arith.constant 6 : i32
        %dma_start3A_707 = arith.constant 384 : i32
        %dma_start3A_708 = arith.constant 0 : i32
        %dma_start3A_709 = tpu.memref_slice %arg10[%dma_start3A_707, %dma_start3A_708] : memref<1280x32xf32, #tpu.memory_space<vmem>> -> memref<64x32xf32, #tpu.memory_space<vmem>>
        %dma_start3A_710 = tpu.memref_slice %arg8[%dma_start3A_706, %mul3A_705] : memref<20x512xi32, #tpu.memory_space<vmem>> -> memref<1x64xi32, #tpu.memory_space<vmem>>
        %dma_start3A_711 = tpu.memref_squeeze %dma_start3A_710 : memref<1x64xi32, #tpu.memory_space<vmem>> -> memref<64xi32, #tpu.memory_space<vmem>>
        %dma_start3A_712 = arith.constant 0 : i32
        %dma_start3A_713 = arith.constant 0 : i32
        %dma_start3A_714 = tpu.memref_slice %arg4[%dma_start3A_712, %dma_start3A_713] : memref<10000x32xf32, #tpu.memory_space<hbm>> -> memref<10000x32xf32, #tpu.memory_space<hbm>>
        tpu.enqueue_indirect_dma source(%dma_start3A_714 : memref<10000x32xf32, #tpu.memory_space<hbm>>) target(%dma_start3A_709 : memref<64x32xf32, #tpu.memory_space<vmem>>) offsets(%dma_start3A_711 : memref<64xi32, #tpu.memory_space<vmem>>) semaphore(%arg15 : memref<!tpu.dma_semaphore, #tpu.memory_space<semaphore_mem>>)
        %mul3A_715 = arith.constant 64 : i32
        %mul3A_716 = arith.muli %add3A_637, %mul3A_715 : i32
        %dma_start3A_717 = arith.constant 7 : i32
        %dma_start3A_718 = arith.constant 448 : i32
        %dma_start3A_719 = arith.constant 0 : i32
        %dma_start3A_720 = tpu.memref_slice %arg10[%dma_start3A_718, %dma_start3A_719] : memref<1280x32xf32, #tpu.memory_space<vmem>> -> memref<64x32xf32, #tpu.memory_space<vmem>>
        %dma_start3A_721 = tpu.memref_slice %arg8[%dma_start3A_717, %mul3A_716] : memref<20x512xi32, #tpu.memory_space<vmem>> -> memref<1x64xi32, #tpu.memory_space<vmem>>
        %dma_start3A_722 = tpu.memref_squeeze %dma_start3A_721 : memref<1x64xi32, #tpu.memory_space<vmem>> -> memref<64xi32, #tpu.memory_space<vmem>>
        %dma_start3A_723 = arith.constant 0 : i32
        %dma_start3A_724 = arith.constant 0 : i32
        %dma_start3A_725 = tpu.memref_slice %arg4[%dma_start3A_723, %dma_start3A_724] : memref<10000x32xf32, #tpu.memory_space<hbm>> -> memref<10000x32xf32, #tpu.memory_space<hbm>>
        tpu.enqueue_indirect_dma source(%dma_start3A_725 : memref<10000x32xf32, #tpu.memory_space<hbm>>) target(%dma_start3A_720 : memref<64x32xf32, #tpu.memory_space<vmem>>) offsets(%dma_start3A_722 : memref<64xi32, #tpu.memory_space<vmem>>) semaphore(%arg15 : memref<!tpu.dma_semaphore, #tpu.memory_space<semaphore_mem>>)
        %mul3A_726 = arith.constant 64 : i32
        %mul3A_727 = arith.muli %add3A_637, %mul3A_726 : i32
        %dma_start3A_728 = arith.constant 8 : i32
        %dma_start3A_729 = arith.constant 512 : i32
        %dma_start3A_730 = arith.constant 0 : i32
        %dma_start3A_731 = tpu.memref_slice %arg10[%dma_start3A_729, %dma_start3A_730] : memref<1280x32xf32, #tpu.memory_space<vmem>> -> memref<64x32xf32, #tpu.memory_space<vmem>>
        %dma_start3A_732 = tpu.memref_slice %arg8[%dma_start3A_728, %mul3A_727] : memref<20x512xi32, #tpu.memory_space<vmem>> -> memref<1x64xi32, #tpu.memory_space<vmem>>
        %dma_start3A_733 = tpu.memref_squeeze %dma_start3A_732 : memref<1x64xi32, #tpu.memory_space<vmem>> -> memref<64xi32, #tpu.memory_space<vmem>>
        %dma_start3A_734 = arith.constant 0 : i32
        %dma_start3A_735 = arith.constant 0 : i32
        %dma_start3A_736 = tpu.memref_slice %arg4[%dma_start3A_734, %dma_start3A_735] : memref<10000x32xf32, #tpu.memory_space<hbm>> -> memref<10000x32xf32, #tpu.memory_space<hbm>>
        tpu.enqueue_indirect_dma source(%dma_start3A_736 : memref<10000x32xf32, #tpu.memory_space<hbm>>) target(%dma_start3A_731 : memref<64x32xf32, #tpu.memory_space<vmem>>) offsets(%dma_start3A_733 : memref<64xi32, #tpu.memory_space<vmem>>) semaphore(%arg15 : memref<!tpu.dma_semaphore, #tpu.memory_space<semaphore_mem>>)
        %mul3A_737 = arith.constant 64 : i32
        %mul3A_738 = arith.muli %add3A_637, %mul3A_737 : i32
        %dma_start3A_739 = arith.constant 9 : i32
        %dma_start3A_740 = arith.constant 576 : i32
        %dma_start3A_741 = arith.constant 0 : i32
        %dma_start3A_742 = tpu.memref_slice %arg10[%dma_start3A_740, %dma_start3A_741] : memref<1280x32xf32, #tpu.memory_space<vmem>> -> memref<64x32xf32, #tpu.memory_space<vmem>>
        %dma_start3A_743 = tpu.memref_slice %arg8[%dma_start3A_739, %mul3A_738] : memref<20x512xi32, #tpu.memory_space<vmem>> -> memref<1x64xi32, #tpu.memory_space<vmem>>
        %dma_start3A_744 = tpu.memref_squeeze %dma_start3A_743 : memref<1x64xi32, #tpu.memory_space<vmem>> -> memref<64xi32, #tpu.memory_space<vmem>>
        %dma_start3A_745 = arith.constant 0 : i32
        %dma_start3A_746 = arith.constant 0 : i32
        %dma_start3A_747 = tpu.memref_slice %arg4[%dma_start3A_745, %dma_start3A_746] : memref<10000x32xf32, #tpu.memory_space<hbm>> -> memref<10000x32xf32, #tpu.memory_space<hbm>>
        tpu.enqueue_indirect_dma source(%dma_start3A_747 : memref<10000x32xf32, #tpu.memory_space<hbm>>) target(%dma_start3A_742 : memref<64x32xf32, #tpu.memory_space<vmem>>) offsets(%dma_start3A_744 : memref<64xi32, #tpu.memory_space<vmem>>) semaphore(%arg15 : memref<!tpu.dma_semaphore, #tpu.memory_space<semaphore_mem>>)
        %mul3A_748 = arith.constant 64 : i32
        %mul3A_749 = arith.muli %add3A_637, %mul3A_748 : i32
        %dma_start3A_750 = arith.constant 10 : i32
        %dma_start3A_751 = arith.constant 640 : i32
        %dma_start3A_752 = arith.constant 0 : i32
        %dma_start3A_753 = tpu.memref_slice %arg10[%dma_start3A_751, %dma_start3A_752] : memref<1280x32xf32, #tpu.memory_space<vmem>> -> memref<64x32xf32, #tpu.memory_space<vmem>>
        %dma_start3A_754 = tpu.memref_slice %arg8[%dma_start3A_750, %mul3A_749] : memref<20x512xi32, #tpu.memory_space<vmem>> -> memref<1x64xi32, #tpu.memory_space<vmem>>
        %dma_start3A_755 = tpu.memref_squeeze %dma_start3A_754 : memref<1x64xi32, #tpu.memory_space<vmem>> -> memref<64xi32, #tpu.memory_space<vmem>>
        %dma_start3A_756 = arith.constant 0 : i32
        %dma_start3A_757 = arith.constant 0 : i32
        %dma_start3A_758 = tpu.memref_slice %arg4[%dma_start3A_756, %dma_start3A_757] : memref<10000x32xf32, #tpu.memory_space<hbm>> -> memref<10000x32xf32, #tpu.memory_space<hbm>>
        tpu.enqueue_indirect_dma source(%dma_start3A_758 : memref<10000x32xf32, #tpu.memory_space<hbm>>) target(%dma_start3A_753 : memref<64x32xf32, #tpu.memory_space<vmem>>) offsets(%dma_start3A_755 : memref<64xi32, #tpu.memory_space<vmem>>) semaphore(%arg15 : memref<!tpu.dma_semaphore, #tpu.memory_space<semaphore_mem>>)
        %mul3A_759 = arith.constant 64 : i32
        %mul3A_760 = arith.muli %add3A_637, %mul3A_759 : i32
        %dma_start3A_761 = arith.constant 11 : i32
        %dma_start3A_762 = arith.constant 704 : i32
        %dma_start3A_763 = arith.constant 0 : i32
        %dma_start3A_764 = tpu.memref_slice %arg10[%dma_start3A_762, %dma_start3A_763] : memref<1280x32xf32, #tpu.memory_space<vmem>> -> memref<64x32xf32, #tpu.memory_space<vmem>>
        %dma_start3A_765 = tpu.memref_slice %arg8[%dma_start3A_761, %mul3A_760] : memref<20x512xi32, #tpu.memory_space<vmem>> -> memref<1x64xi32, #tpu.memory_space<vmem>>
        %dma_start3A_766 = tpu.memref_squeeze %dma_start3A_765 : memref<1x64xi32, #tpu.memory_space<vmem>> -> memref<64xi32, #tpu.memory_space<vmem>>
        %dma_start3A_767 = arith.constant 0 : i32
        %dma_start3A_768 = arith.constant 0 : i32
        %dma_start3A_769 = tpu.memref_slice %arg4[%dma_start3A_767, %dma_start3A_768] : memref<10000x32xf32, #tpu.memory_space<hbm>> -> memref<10000x32xf32, #tpu.memory_space<hbm>>
        tpu.enqueue_indirect_dma source(%dma_start3A_769 : memref<10000x32xf32, #tpu.memory_space<hbm>>) target(%dma_start3A_764 : memref<64x32xf32, #tpu.memory_space<vmem>>) offsets(%dma_start3A_766 : memref<64xi32, #tpu.memory_space<vmem>>) semaphore(%arg15 : memref<!tpu.dma_semaphore, #tpu.memory_space<semaphore_mem>>)
        %mul3A_770 = arith.constant 64 : i32
        %mul3A_771 = arith.muli %add3A_637, %mul3A_770 : i32
        %dma_start3A_772 = arith.constant 12 : i32
        %dma_start3A_773 = arith.constant 768 : i32
        %dma_start3A_774 = arith.constant 0 : i32
        %dma_start3A_775 = tpu.memref_slice %arg10[%dma_start3A_773, %dma_start3A_774] : memref<1280x32xf32, #tpu.memory_space<vmem>> -> memref<64x32xf32, #tpu.memory_space<vmem>>
        %dma_start3A_776 = tpu.memref_slice %arg8[%dma_start3A_772, %mul3A_771] : memref<20x512xi32, #tpu.memory_space<vmem>> -> memref<1x64xi32, #tpu.memory_space<vmem>>
        %dma_start3A_777 = tpu.memref_squeeze %dma_start3A_776 : memref<1x64xi32, #tpu.memory_space<vmem>> -> memref<64xi32, #tpu.memory_space<vmem>>
        %dma_start3A_778 = arith.constant 0 : i32
        %dma_start3A_779 = arith.constant 0 : i32
        %dma_start3A_780 = tpu.memref_slice %arg4[%dma_start3A_778, %dma_start3A_779] : memref<10000x32xf32, #tpu.memory_space<hbm>> -> memref<10000x32xf32, #tpu.memory_space<hbm>>
        tpu.enqueue_indirect_dma source(%dma_start3A_780 : memref<10000x32xf32, #tpu.memory_space<hbm>>) target(%dma_start3A_775 : memref<64x32xf32, #tpu.memory_space<vmem>>) offsets(%dma_start3A_777 : memref<64xi32, #tpu.memory_space<vmem>>) semaphore(%arg15 : memref<!tpu.dma_semaphore, #tpu.memory_space<semaphore_mem>>)
        %mul3A_781 = arith.constant 64 : i32
        %mul3A_782 = arith.muli %add3A_637, %mul3A_781 : i32
        %dma_start3A_783 = arith.constant 13 : i32
        %dma_start3A_784 = arith.constant 832 : i32
        %dma_start3A_785 = arith.constant 0 : i32
        %dma_start3A_786 = tpu.memref_slice %arg10[%dma_start3A_784, %dma_start3A_785] : memref<1280x32xf32, #tpu.memory_space<vmem>> -> memref<64x32xf32, #tpu.memory_space<vmem>>
        %dma_start3A_787 = tpu.memref_slice %arg8[%dma_start3A_783, %mul3A_782] : memref<20x512xi32, #tpu.memory_space<vmem>> -> memref<1x64xi32, #tpu.memory_space<vmem>>
        %dma_start3A_788 = tpu.memref_squeeze %dma_start3A_787 : memref<1x64xi32, #tpu.memory_space<vmem>> -> memref<64xi32, #tpu.memory_space<vmem>>
        %dma_start3A_789 = arith.constant 0 : i32
        %dma_start3A_790 = arith.constant 0 : i32
        %dma_start3A_791 = tpu.memref_slice %arg4[%dma_start3A_789, %dma_start3A_790] : memref<10000x32xf32, #tpu.memory_space<hbm>> -> memref<10000x32xf32, #tpu.memory_space<hbm>>
        tpu.enqueue_indirect_dma source(%dma_start3A_791 : memref<10000x32xf32, #tpu.memory_space<hbm>>) target(%dma_start3A_786 : memref<64x32xf32, #tpu.memory_space<vmem>>) offsets(%dma_start3A_788 : memref<64xi32, #tpu.memory_space<vmem>>) semaphore(%arg15 : memref<!tpu.dma_semaphore, #tpu.memory_space<semaphore_mem>>)
        %mul3A_792 = arith.constant 64 : i32
        %mul3A_793 = arith.muli %add3A_637, %mul3A_792 : i32
        %dma_start3A_794 = arith.constant 14 : i32
        %dma_start3A_795 = arith.constant 896 : i32
        %dma_start3A_796 = arith.constant 0 : i32
        %dma_start3A_797 = tpu.memref_slice %arg10[%dma_start3A_795, %dma_start3A_796] : memref<1280x32xf32, #tpu.memory_space<vmem>> -> memref<64x32xf32, #tpu.memory_space<vmem>>
        %dma_start3A_798 = tpu.memref_slice %arg8[%dma_start3A_794, %mul3A_793] : memref<20x512xi32, #tpu.memory_space<vmem>> -> memref<1x64xi32, #tpu.memory_space<vmem>>
        %dma_start3A_799 = tpu.memref_squeeze %dma_start3A_798 : memref<1x64xi32, #tpu.memory_space<vmem>> -> memref<64xi32, #tpu.memory_space<vmem>>
        %dma_start3A_800 = arith.constant 0 : i32
        %dma_start3A_801 = arith.constant 0 : i32
        %dma_start3A_802 = tpu.memref_slice %arg4[%dma_start3A_800, %dma_start3A_801] : memref<10000x32xf32, #tpu.memory_space<hbm>> -> memref<10000x32xf32, #tpu.memory_space<hbm>>
        tpu.enqueue_indirect_dma source(%dma_start3A_802 : memref<10000x32xf32, #tpu.memory_space<hbm>>) target(%dma_start3A_797 : memref<64x32xf32, #tpu.memory_space<vmem>>) offsets(%dma_start3A_799 : memref<64xi32, #tpu.memory_space<vmem>>) semaphore(%arg15 : memref<!tpu.dma_semaphore, #tpu.memory_space<semaphore_mem>>)
        %mul3A_803 = arith.constant 64 : i32
        %mul3A_804 = arith.muli %add3A_637, %mul3A_803 : i32
        %dma_start3A_805 = arith.constant 15 : i32
        %dma_start3A_806 = arith.constant 960 : i32
        %dma_start3A_807 = arith.constant 0 : i32
        %dma_start3A_808 = tpu.memref_slice %arg10[%dma_start3A_806, %dma_start3A_807] : memref<1280x32xf32, #tpu.memory_space<vmem>> -> memref<64x32xf32, #tpu.memory_space<vmem>>
        %dma_start3A_809 = tpu.memref_slice %arg8[%dma_start3A_805, %mul3A_804] : memref<20x512xi32, #tpu.memory_space<vmem>> -> memref<1x64xi32, #tpu.memory_space<vmem>>
        %dma_start3A_810 = tpu.memref_squeeze %dma_start3A_809 : memref<1x64xi32, #tpu.memory_space<vmem>> -> memref<64xi32, #tpu.memory_space<vmem>>
        %dma_start3A_811 = arith.constant 0 : i32
        %dma_start3A_812 = arith.constant 0 : i32
        %dma_start3A_813 = tpu.memref_slice %arg4[%dma_start3A_811, %dma_start3A_812] : memref<10000x32xf32, #tpu.memory_space<hbm>> -> memref<10000x32xf32, #tpu.memory_space<hbm>>
        tpu.enqueue_indirect_dma source(%dma_start3A_813 : memref<10000x32xf32, #tpu.memory_space<hbm>>) target(%dma_start3A_808 : memref<64x32xf32, #tpu.memory_space<vmem>>) offsets(%dma_start3A_810 : memref<64xi32, #tpu.memory_space<vmem>>) semaphore(%arg15 : memref<!tpu.dma_semaphore, #tpu.memory_space<semaphore_mem>>)
        %mul3A_814 = arith.constant 64 : i32
        %mul3A_815 = arith.muli %add3A_637, %mul3A_814 : i32
        %dma_start3A_816 = arith.constant 16 : i32
        %dma_start3A_817 = arith.constant 1024 : i32
        %dma_start3A_818 = arith.constant 0 : i32
        %dma_start3A_819 = tpu.memref_slice %arg10[%dma_start3A_817, %dma_start3A_818] : memref<1280x32xf32, #tpu.memory_space<vmem>> -> memref<64x32xf32, #tpu.memory_space<vmem>>
        %dma_start3A_820 = tpu.memref_slice %arg8[%dma_start3A_816, %mul3A_815] : memref<20x512xi32, #tpu.memory_space<vmem>> -> memref<1x64xi32, #tpu.memory_space<vmem>>
        %dma_start3A_821 = tpu.memref_squeeze %dma_start3A_820 : memref<1x64xi32, #tpu.memory_space<vmem>> -> memref<64xi32, #tpu.memory_space<vmem>>
        %dma_start3A_822 = arith.constant 0 : i32
        %dma_start3A_823 = arith.constant 0 : i32
        %dma_start3A_824 = tpu.memref_slice %arg4[%dma_start3A_822, %dma_start3A_823] : memref<10000x32xf32, #tpu.memory_space<hbm>> -> memref<10000x32xf32, #tpu.memory_space<hbm>>
        tpu.enqueue_indirect_dma source(%dma_start3A_824 : memref<10000x32xf32, #tpu.memory_space<hbm>>) target(%dma_start3A_819 : memref<64x32xf32, #tpu.memory_space<vmem>>) offsets(%dma_start3A_821 : memref<64xi32, #tpu.memory_space<vmem>>) semaphore(%arg15 : memref<!tpu.dma_semaphore, #tpu.memory_space<semaphore_mem>>)
        %mul3A_825 = arith.constant 64 : i32
        %mul3A_826 = arith.muli %add3A_637, %mul3A_825 : i32
        %dma_start3A_827 = arith.constant 17 : i32
        %dma_start3A_828 = arith.constant 1088 : i32
        %dma_start3A_829 = arith.constant 0 : i32
        %dma_start3A_830 = tpu.memref_slice %arg10[%dma_start3A_828, %dma_start3A_829] : memref<1280x32xf32, #tpu.memory_space<vmem>> -> memref<64x32xf32, #tpu.memory_space<vmem>>
        %dma_start3A_831 = tpu.memref_slice %arg8[%dma_start3A_827, %mul3A_826] : memref<20x512xi32, #tpu.memory_space<vmem>> -> memref<1x64xi32, #tpu.memory_space<vmem>>
        %dma_start3A_832 = tpu.memref_squeeze %dma_start3A_831 : memref<1x64xi32, #tpu.memory_space<vmem>> -> memref<64xi32, #tpu.memory_space<vmem>>
        %dma_start3A_833 = arith.constant 0 : i32
        %dma_start3A_834 = arith.constant 0 : i32
        %dma_start3A_835 = tpu.memref_slice %arg4[%dma_start3A_833, %dma_start3A_834] : memref<10000x32xf32, #tpu.memory_space<hbm>> -> memref<10000x32xf32, #tpu.memory_space<hbm>>
        tpu.enqueue_indirect_dma source(%dma_start3A_835 : memref<10000x32xf32, #tpu.memory_space<hbm>>) target(%dma_start3A_830 : memref<64x32xf32, #tpu.memory_space<vmem>>) offsets(%dma_start3A_832 : memref<64xi32, #tpu.memory_space<vmem>>) semaphore(%arg15 : memref<!tpu.dma_semaphore, #tpu.memory_space<semaphore_mem>>)
        %mul3A_836 = arith.constant 64 : i32
        %mul3A_837 = arith.muli %add3A_637, %mul3A_836 : i32
        %dma_start3A_838 = arith.constant 18 : i32
        %dma_start3A_839 = arith.constant 1152 : i32
        %dma_start3A_840 = arith.constant 0 : i32
        %dma_start3A_841 = tpu.memref_slice %arg10[%dma_start3A_839, %dma_start3A_840] : memref<1280x32xf32, #tpu.memory_space<vmem>> -> memref<64x32xf32, #tpu.memory_space<vmem>>
        %dma_start3A_842 = tpu.memref_slice %arg8[%dma_start3A_838, %mul3A_837] : memref<20x512xi32, #tpu.memory_space<vmem>> -> memref<1x64xi32, #tpu.memory_space<vmem>>
        %dma_start3A_843 = tpu.memref_squeeze %dma_start3A_842 : memref<1x64xi32, #tpu.memory_space<vmem>> -> memref<64xi32, #tpu.memory_space<vmem>>
        %dma_start3A_844 = arith.constant 0 : i32
        %dma_start3A_845 = arith.constant 0 : i32
        %dma_start3A_846 = tpu.memref_slice %arg4[%dma_start3A_844, %dma_start3A_845] : memref<10000x32xf32, #tpu.memory_space<hbm>> -> memref<10000x32xf32, #tpu.memory_space<hbm>>
        tpu.enqueue_indirect_dma source(%dma_start3A_846 : memref<10000x32xf32, #tpu.memory_space<hbm>>) target(%dma_start3A_841 : memref<64x32xf32, #tpu.memory_space<vmem>>) offsets(%dma_start3A_843 : memref<64xi32, #tpu.memory_space<vmem>>) semaphore(%arg15 : memref<!tpu.dma_semaphore, #tpu.memory_space<semaphore_mem>>)
        %mul3A_847 = arith.constant 64 : i32
        %mul3A_848 = arith.muli %add3A_637, %mul3A_847 : i32
        %dma_start3A_849 = arith.constant 19 : i32
        %dma_start3A_850 = arith.constant 1216 : i32
        %dma_start3A_851 = arith.constant 0 : i32
        %dma_start3A_852 = tpu.memref_slice %arg10[%dma_start3A_850, %dma_start3A_851] : memref<1280x32xf32, #tpu.memory_space<vmem>> -> memref<64x32xf32, #tpu.memory_space<vmem>>
        %dma_start3A_853 = tpu.memref_slice %arg8[%dma_start3A_849, %mul3A_848] : memref<20x512xi32, #tpu.memory_space<vmem>> -> memref<1x64xi32, #tpu.memory_space<vmem>>
        %dma_start3A_854 = tpu.memref_squeeze %dma_start3A_853 : memref<1x64xi32, #tpu.memory_space<vmem>> -> memref<64xi32, #tpu.memory_space<vmem>>
        %dma_start3A_855 = arith.constant 0 : i32
        %dma_start3A_856 = arith.constant 0 : i32
        %dma_start3A_857 = tpu.memref_slice %arg4[%dma_start3A_855, %dma_start3A_856] : memref<10000x32xf32, #tpu.memory_space<hbm>> -> memref<10000x32xf32, #tpu.memory_space<hbm>>
        tpu.enqueue_indirect_dma source(%dma_start3A_857 : memref<10000x32xf32, #tpu.memory_space<hbm>>) target(%dma_start3A_852 : memref<64x32xf32, #tpu.memory_space<vmem>>) offsets(%dma_start3A_854 : memref<64xi32, #tpu.memory_space<vmem>>) semaphore(%arg15 : memref<!tpu.dma_semaphore, #tpu.memory_space<semaphore_mem>>)
      } else {
      }
      %mul3A_622 = arith.constant 8 : i32
      %mul3A_623 = arith.muli %scan3A_588, %mul3A_622 : i32
      %add3A_624 = arith.constant 1 : i32
      %add3A_625 = arith.addi %scan3A_588, %add3A_624 : i32
      %mul3A_626 = arith.constant 8 : i32
      %mul3A_627 = arith.muli %add3A_625, %mul3A_626 : i32
      %while3A = arith.constant 0 : i32
      %while3A_628 = arith.subi %mul3A_627, %mul3A_623 : i32
      %while3A_629 = arith.addi %mul3A_623, %while3A_628 : i32
      %while3A_630 = arith.constant 1 : i32
      %while3A_631 = arith.divsi %while3A_628, %while3A_630 : i32
      %while3A_632 = arith.muli %while3A_631, %while3A_630 : i32
      %while3A_633 = arith.addi %mul3A_623, %while3A_632 : i32
      %while3A_634 = arith.constant 1 : i32
      scf.for %while3A_636 = %mul3A_623 to %while3A_633 step %while3A_634  : i32 {
        %dma_start3A_637 = arith.constant 0 : i32
        %dma_start3A_638 = arith.constant 0 : i32
        %dma_start3A_639 = tpu.memref_slice %arg13[%while3A_636, %dma_start3A_638] : memref<32x512xf32, #tpu.memory_space<vmem>> -> memref<1x128xf32, #tpu.memory_space<vmem>>
        %dma_start3A_640 = tpu.memref_squeeze %dma_start3A_639 : memref<1x128xf32, #tpu.memory_space<vmem>> -> memref<128xf32, #tpu.memory_space<vmem>>
        %dma_start3A_641 = arith.constant 0 : i32
        %dma_start3A_642 = tpu.memref_slice %arg12[%dma_start3A_637, %dma_start3A_641] : memref<4x128xi32, #tpu.memory_space<vmem>> -> memref<1x128xi32, #tpu.memory_space<vmem>>
        %dma_start3A_643 = tpu.memref_squeeze %dma_start3A_642 : memref<1x128xi32, #tpu.memory_space<vmem>> -> memref<128xi32, #tpu.memory_space<vmem>>
        %dma_start3A_644 = arith.constant 0 : i32
        %dma_start3A_645 = tpu.memref_slice %arg5[%while3A_636, %dma_start3A_644] : memref<32x100008xf32, #tpu.memory_space<hbm>> -> memref<1x100008xf32, #tpu.memory_space<hbm>>
        %dma_start3A_646 = tpu.memref_squeeze %dma_start3A_645 : memref<1x100008xf32, #tpu.memory_space<hbm>> -> memref<100008xf32, #tpu.memory_space<hbm>>
        %dma_start3A_647 = arith.constant 0 : i32
        %dma_start3A_648 = tpu.memref_slice %dma_start3A_646[%dma_start3A_647] : memref<100008xf32, #tpu.memory_space<hbm>> -> memref<100008xf32, #tpu.memory_space<hbm>>
        tpu.enqueue_indirect_dma source(%dma_start3A_648 : memref<100008xf32, #tpu.memory_space<hbm>>) target(%dma_start3A_640 : memref<128xf32, #tpu.memory_space<vmem>>) offsets(%dma_start3A_643 : memref<128xi32, #tpu.memory_space<vmem>>) semaphore(%arg16 : memref<!tpu.dma_semaphore, #tpu.memory_space<semaphore_mem>>)
        %dma_start3A_649 = arith.constant 1 : i32
        %dma_start3A_650 = arith.constant 128 : i32
        %dma_start3A_651 = tpu.memref_slice %arg13[%while3A_636, %dma_start3A_650] : memref<32x512xf32, #tpu.memory_space<vmem>> -> memref<1x128xf32, #tpu.memory_space<vmem>>
        %dma_start3A_652 = tpu.memref_squeeze %dma_start3A_651 : memref<1x128xf32, #tpu.memory_space<vmem>> -> memref<128xf32, #tpu.memory_space<vmem>>
        %dma_start3A_653 = arith.constant 0 : i32
        %dma_start3A_654 = tpu.memref_slice %arg12[%dma_start3A_649, %dma_start3A_653] : memref<4x128xi32, #tpu.memory_space<vmem>> -> memref<1x128xi32, #tpu.memory_space<vmem>>
        %dma_start3A_655 = tpu.memref_squeeze %dma_start3A_654 : memref<1x128xi32, #tpu.memory_space<vmem>> -> memref<128xi32, #tpu.memory_space<vmem>>
        %dma_start3A_656 = arith.constant 0 : i32
        %dma_start3A_657 = tpu.memref_slice %arg5[%while3A_636, %dma_start3A_656] : memref<32x100008xf32, #tpu.memory_space<hbm>> -> memref<1x100008xf32, #tpu.memory_space<hbm>>
        %dma_start3A_658 = tpu.memref_squeeze %dma_start3A_657 : memref<1x100008xf32, #tpu.memory_space<hbm>> -> memref<100008xf32, #tpu.memory_space<hbm>>
        %dma_start3A_659 = arith.constant 0 : i32
        %dma_start3A_660 = tpu.memref_slice %dma_start3A_658[%dma_start3A_659] : memref<100008xf32, #tpu.memory_space<hbm>> -> memref<100008xf32, #tpu.memory_space<hbm>>
        tpu.enqueue_indirect_dma source(%dma_start3A_660 : memref<100008xf32, #tpu.memory_space<hbm>>) target(%dma_start3A_652 : memref<128xf32, #tpu.memory_space<vmem>>) offsets(%dma_start3A_655 : memref<128xi32, #tpu.memory_space<vmem>>) semaphore(%arg16 : memref<!tpu.dma_semaphore, #tpu.memory_space<semaphore_mem>>)
        %dma_start3A_661 = arith.constant 2 : i32
        %dma_start3A_662 = arith.constant 256 : i32
        %dma_start3A_663 = tpu.memref_slice %arg13[%while3A_636, %dma_start3A_662] : memref<32x512xf32, #tpu.memory_space<vmem>> -> memref<1x128xf32, #tpu.memory_space<vmem>>
        %dma_start3A_664 = tpu.memref_squeeze %dma_start3A_663 : memref<1x128xf32, #tpu.memory_space<vmem>> -> memref<128xf32, #tpu.memory_space<vmem>>
        %dma_start3A_665 = arith.constant 0 : i32
        %dma_start3A_666 = tpu.memref_slice %arg12[%dma_start3A_661, %dma_start3A_665] : memref<4x128xi32, #tpu.memory_space<vmem>> -> memref<1x128xi32, #tpu.memory_space<vmem>>
        %dma_start3A_667 = tpu.memref_squeeze %dma_start3A_666 : memref<1x128xi32, #tpu.memory_space<vmem>> -> memref<128xi32, #tpu.memory_space<vmem>>
        %dma_start3A_668 = arith.constant 0 : i32
        %dma_start3A_669 = tpu.memref_slice %arg5[%while3A_636, %dma_start3A_668] : memref<32x100008xf32, #tpu.memory_space<hbm>> -> memref<1x100008xf32, #tpu.memory_space<hbm>>
        %dma_start3A_670 = tpu.memref_squeeze %dma_start3A_669 : memref<1x100008xf32, #tpu.memory_space<hbm>> -> memref<100008xf32, #tpu.memory_space<hbm>>
        %dma_start3A_671 = arith.constant 0 : i32
        %dma_start3A_672 = tpu.memref_slice %dma_start3A_670[%dma_start3A_671] : memref<100008xf32, #tpu.memory_space<hbm>> -> memref<100008xf32, #tpu.memory_space<hbm>>
        tpu.enqueue_indirect_dma source(%dma_start3A_672 : memref<100008xf32, #tpu.memory_space<hbm>>) target(%dma_start3A_664 : memref<128xf32, #tpu.memory_space<vmem>>) offsets(%dma_start3A_667 : memref<128xi32, #tpu.memory_space<vmem>>) semaphore(%arg16 : memref<!tpu.dma_semaphore, #tpu.memory_space<semaphore_mem>>)
        %dma_start3A_673 = arith.constant 3 : i32
        %dma_start3A_674 = arith.constant 384 : i32
        %dma_start3A_675 = tpu.memref_slice %arg13[%while3A_636, %dma_start3A_674] : memref<32x512xf32, #tpu.memory_space<vmem>> -> memref<1x128xf32, #tpu.memory_space<vmem>>
        %dma_start3A_676 = tpu.memref_squeeze %dma_start3A_675 : memref<1x128xf32, #tpu.memory_space<vmem>> -> memref<128xf32, #tpu.memory_space<vmem>>
        %dma_start3A_677 = arith.constant 0 : i32
        %dma_start3A_678 = tpu.memref_slice %arg12[%dma_start3A_673, %dma_start3A_677] : memref<4x128xi32, #tpu.memory_space<vmem>> -> memref<1x128xi32, #tpu.memory_space<vmem>>
        %dma_start3A_679 = tpu.memref_squeeze %dma_start3A_678 : memref<1x128xi32, #tpu.memory_space<vmem>> -> memref<128xi32, #tpu.memory_space<vmem>>
        %dma_start3A_680 = arith.constant 0 : i32
        %dma_start3A_681 = tpu.memref_slice %arg5[%while3A_636, %dma_start3A_680] : memref<32x100008xf32, #tpu.memory_space<hbm>> -> memref<1x100008xf32, #tpu.memory_space<hbm>>
        %dma_start3A_682 = tpu.memref_squeeze %dma_start3A_681 : memref<1x100008xf32, #tpu.memory_space<hbm>> -> memref<100008xf32, #tpu.memory_space<hbm>>
        %dma_start3A_683 = arith.constant 0 : i32
        %dma_start3A_684 = tpu.memref_slice %dma_start3A_682[%dma_start3A_683] : memref<100008xf32, #tpu.memory_space<hbm>> -> memref<100008xf32, #tpu.memory_space<hbm>>
        tpu.enqueue_indirect_dma source(%dma_start3A_684 : memref<100008xf32, #tpu.memory_space<hbm>>) target(%dma_start3A_676 : memref<128xf32, #tpu.memory_space<vmem>>) offsets(%dma_start3A_679 : memref<128xi32, #tpu.memory_space<vmem>>) semaphore(%arg16 : memref<!tpu.dma_semaphore, #tpu.memory_space<semaphore_mem>>)
      }
      %while3A_635 = arith.constant 1 : i32
      scf.for %while3A_636 = %while3A_633 to %while3A_629 step %while3A_635  : i32 {
        %dma_start3A_637 = arith.constant 0 : i32
        %dma_start3A_638 = arith.constant 0 : i32
        %dma_start3A_639 = tpu.memref_slice %arg13[%while3A_636, %dma_start3A_638] : memref<32x512xf32, #tpu.memory_space<vmem>> -> memref<1x128xf32, #tpu.memory_space<vmem>>
        %dma_start3A_640 = tpu.memref_squeeze %dma_start3A_639 : memref<1x128xf32, #tpu.memory_space<vmem>> -> memref<128xf32, #tpu.memory_space<vmem>>
        %dma_start3A_641 = arith.constant 0 : i32
        %dma_start3A_642 = tpu.memref_slice %arg12[%dma_start3A_637, %dma_start3A_641] : memref<4x128xi32, #tpu.memory_space<vmem>> -> memref<1x128xi32, #tpu.memory_space<vmem>>
        %dma_start3A_643 = tpu.memref_squeeze %dma_start3A_642 : memref<1x128xi32, #tpu.memory_space<vmem>> -> memref<128xi32, #tpu.memory_space<vmem>>
        %dma_start3A_644 = arith.constant 0 : i32
        %dma_start3A_645 = tpu.memref_slice %arg5[%while3A_636, %dma_start3A_644] : memref<32x100008xf32, #tpu.memory_space<hbm>> -> memref<1x100008xf32, #tpu.memory_space<hbm>>
        %dma_start3A_646 = tpu.memref_squeeze %dma_start3A_645 : memref<1x100008xf32, #tpu.memory_space<hbm>> -> memref<100008xf32, #tpu.memory_space<hbm>>
        %dma_start3A_647 = arith.constant 0 : i32
        %dma_start3A_648 = tpu.memref_slice %dma_start3A_646[%dma_start3A_647] : memref<100008xf32, #tpu.memory_space<hbm>> -> memref<100008xf32, #tpu.memory_space<hbm>>
        tpu.enqueue_indirect_dma source(%dma_start3A_648 : memref<100008xf32, #tpu.memory_space<hbm>>) target(%dma_start3A_640 : memref<128xf32, #tpu.memory_space<vmem>>) offsets(%dma_start3A_643 : memref<128xi32, #tpu.memory_space<vmem>>) semaphore(%arg16 : memref<!tpu.dma_semaphore, #tpu.memory_space<semaphore_mem>>)
        %dma_start3A_649 = arith.constant 1 : i32
        %dma_start3A_650 = arith.constant 128 : i32
        %dma_start3A_651 = tpu.memref_slice %arg13[%while3A_636, %dma_start3A_650] : memref<32x512xf32, #tpu.memory_space<vmem>> -> memref<1x128xf32, #tpu.memory_space<vmem>>
        %dma_start3A_652 = tpu.memref_squeeze %dma_start3A_651 : memref<1x128xf32, #tpu.memory_space<vmem>> -> memref<128xf32, #tpu.memory_space<vmem>>
        %dma_start3A_653 = arith.constant 0 : i32
        %dma_start3A_654 = tpu.memref_slice %arg12[%dma_start3A_649, %dma_start3A_653] : memref<4x128xi32, #tpu.memory_space<vmem>> -> memref<1x128xi32, #tpu.memory_space<vmem>>
        %dma_start3A_655 = tpu.memref_squeeze %dma_start3A_654 : memref<1x128xi32, #tpu.memory_space<vmem>> -> memref<128xi32, #tpu.memory_space<vmem>>
        %dma_start3A_656 = arith.constant 0 : i32
        %dma_start3A_657 = tpu.memref_slice %arg5[%while3A_636, %dma_start3A_656] : memref<32x100008xf32, #tpu.memory_space<hbm>> -> memref<1x100008xf32, #tpu.memory_space<hbm>>
        %dma_start3A_658 = tpu.memref_squeeze %dma_start3A_657 : memref<1x100008xf32, #tpu.memory_space<hbm>> -> memref<100008xf32, #tpu.memory_space<hbm>>
        %dma_start3A_659 = arith.constant 0 : i32
        %dma_start3A_660 = tpu.memref_slice %dma_start3A_658[%dma_start3A_659] : memref<100008xf32, #tpu.memory_space<hbm>> -> memref<100008xf32, #tpu.memory_space<hbm>>
        tpu.enqueue_indirect_dma source(%dma_start3A_660 : memref<100008xf32, #tpu.memory_space<hbm>>) target(%dma_start3A_652 : memref<128xf32, #tpu.memory_space<vmem>>) offsets(%dma_start3A_655 : memref<128xi32, #tpu.memory_space<vmem>>) semaphore(%arg16 : memref<!tpu.dma_semaphore, #tpu.memory_space<semaphore_mem>>)
        %dma_start3A_661 = arith.constant 2 : i32
        %dma_start3A_662 = arith.constant 256 : i32
        %dma_start3A_663 = tpu.memref_slice %arg13[%while3A_636, %dma_start3A_662] : memref<32x512xf32, #tpu.memory_space<vmem>> -> memref<1x128xf32, #tpu.memory_space<vmem>>
        %dma_start3A_664 = tpu.memref_squeeze %dma_start3A_663 : memref<1x128xf32, #tpu.memory_space<vmem>> -> memref<128xf32, #tpu.memory_space<vmem>>
        %dma_start3A_665 = arith.constant 0 : i32
        %dma_start3A_666 = tpu.memref_slice %arg12[%dma_start3A_661, %dma_start3A_665] : memref<4x128xi32, #tpu.memory_space<vmem>> -> memref<1x128xi32, #tpu.memory_space<vmem>>
        %dma_start3A_667 = tpu.memref_squeeze %dma_start3A_666 : memref<1x128xi32, #tpu.memory_space<vmem>> -> memref<128xi32, #tpu.memory_space<vmem>>
        %dma_start3A_668 = arith.constant 0 : i32
        %dma_start3A_669 = tpu.memref_slice %arg5[%while3A_636, %dma_start3A_668] : memref<32x100008xf32, #tpu.memory_space<hbm>> -> memref<1x100008xf32, #tpu.memory_space<hbm>>
        %dma_start3A_670 = tpu.memref_squeeze %dma_start3A_669 : memref<1x100008xf32, #tpu.memory_space<hbm>> -> memref<100008xf32, #tpu.memory_space<hbm>>
        %dma_start3A_671 = arith.constant 0 : i32
        %dma_start3A_672 = tpu.memref_slice %dma_start3A_670[%dma_start3A_671] : memref<100008xf32, #tpu.memory_space<hbm>> -> memref<100008xf32, #tpu.memory_space<hbm>>
        tpu.enqueue_indirect_dma source(%dma_start3A_672 : memref<100008xf32, #tpu.memory_space<hbm>>) target(%dma_start3A_664 : memref<128xf32, #tpu.memory_space<vmem>>) offsets(%dma_start3A_667 : memref<128xi32, #tpu.memory_space<vmem>>) semaphore(%arg16 : memref<!tpu.dma_semaphore, #tpu.memory_space<semaphore_mem>>)
        %dma_start3A_673 = arith.constant 3 : i32
        %dma_start3A_674 = arith.constant 384 : i32
        %dma_start3A_675 = tpu.memref_slice %arg13[%while3A_636, %dma_start3A_674] : memref<32x512xf32, #tpu.memory_space<vmem>> -> memref<1x128xf32, #tpu.memory_space<vmem>>
        %dma_start3A_676 = tpu.memref_squeeze %dma_start3A_675 : memref<1x128xf32, #tpu.memory_space<vmem>> -> memref<128xf32, #tpu.memory_space<vmem>>
        %dma_start3A_677 = arith.constant 0 : i32
        %dma_start3A_678 = tpu.memref_slice %arg12[%dma_start3A_673, %dma_start3A_677] : memref<4x128xi32, #tpu.memory_space<vmem>> -> memref<1x128xi32, #tpu.memory_space<vmem>>
        %dma_start3A_679 = tpu.memref_squeeze %dma_start3A_678 : memref<1x128xi32, #tpu.memory_space<vmem>> -> memref<128xi32, #tpu.memory_space<vmem>>
        %dma_start3A_680 = arith.constant 0 : i32
        %dma_start3A_681 = tpu.memref_slice %arg5[%while3A_636, %dma_start3A_680] : memref<32x100008xf32, #tpu.memory_space<hbm>> -> memref<1x100008xf32, #tpu.memory_space<hbm>>
        %dma_start3A_682 = tpu.memref_squeeze %dma_start3A_681 : memref<1x100008xf32, #tpu.memory_space<hbm>> -> memref<100008xf32, #tpu.memory_space<hbm>>
        %dma_start3A_683 = arith.constant 0 : i32
        %dma_start3A_684 = tpu.memref_slice %dma_start3A_682[%dma_start3A_683] : memref<100008xf32, #tpu.memory_space<hbm>> -> memref<100008xf32, #tpu.memory_space<hbm>>
        tpu.enqueue_indirect_dma source(%dma_start3A_684 : memref<100008xf32, #tpu.memory_space<hbm>>) target(%dma_start3A_676 : memref<128xf32, #tpu.memory_space<vmem>>) offsets(%dma_start3A_679 : memref<128xi32, #tpu.memory_space<vmem>>) semaphore(%arg16 : memref<!tpu.dma_semaphore, #tpu.memory_space<semaphore_mem>>)
      }
    }
    %scan3A_408 = arith.constant 4 : i32
    %jit3A = arith.constant 4 : i32
    %div3A = arith.divsi %add3A, %jit3A : i32
    %sign3A = arith.constant 0 : i32
    %sign3A_409 = arith.cmpi sgt, %add3A, %sign3A : i32
    %sign3A_410 = arith.extui %sign3A_409 : i1 to i32
    %sign3A_411 = arith.constant 0 : i32
    %sign3A_412 = arith.cmpi slt, %add3A, %sign3A_411 : i32
    %sign3A_413 = arith.extui %sign3A_412 : i1 to i32
    %sign3A_414 = arith.subi %sign3A_410, %sign3A_413 : i32
    %sign3A_415 = arith.constant 0 : i32
    %sign3A_416 = arith.cmpi sgt, %jit3A, %sign3A_415 : i32
    %sign3A_417 = arith.extui %sign3A_416 : i1 to i32
    %sign3A_418 = arith.constant 0 : i32
    %sign3A_419 = arith.cmpi slt, %jit3A, %sign3A_418 : i32
    %sign3A_420 = arith.extui %sign3A_419 : i1 to i32
    %sign3A_421 = arith.subi %sign3A_417, %sign3A_420 : i32
    %ne3A = arith.cmpi ne, %sign3A_414, %sign3A_421 : i32
    %rem3A = arith.remsi %add3A, %jit3A : i32
    %ne3A_422 = arith.constant 0 : i32
    %ne3A_423 = arith.cmpi ne, %rem3A, %ne3A_422 : i32
    %and3A = arith.andi %ne3A, %ne3A_423 : i1
    %sub3A = arith.constant 1 : i32
    %sub3A_424 = arith.subi %div3A, %sub3A : i32
    %select_n3A = arith.select %and3A, %sub3A_424, %div3A : i32
    %jit3A_425 = arith.constant 4 : i32
    %eq3A = arith.constant 0 : i32
    %eq3A_426 = arith.cmpi eq, %jit3A_425, %eq3A : i32
    %jit3A_427 = arith.constant 1 : i32
    %select_n3A_428 = arith.select %eq3A_426, %jit3A_427, %jit3A_425 : i32
    %rem3A_429 = arith.remsi %add3A, %select_n3A_428 : i32
    %ne3A_430 = arith.constant 0 : i32
    %ne3A_431 = arith.cmpi ne, %rem3A_429, %ne3A_430 : i32
    %lt3A = arith.constant 0 : i32
    %lt3A_432 = arith.cmpi slt, %rem3A_429, %lt3A : i32
    %lt3A_433 = arith.constant 0 : i32
    %lt3A_434 = arith.cmpi slt, %select_n3A_428, %lt3A_433 : i32
    %ne3A_435 = arith.xori %lt3A_432, %lt3A_434 : i1
    %and3A_436 = arith.andi %ne3A_435, %ne3A_431 : i1
    %add3A_437 = arith.addi %rem3A_429, %select_n3A_428 : i32
    %select_n3A_438 = arith.select %and3A_436, %add3A_437, %rem3A_429 : i32
    %mul3A_439 = arith.constant 4 : i32
    %mul3A_440 = arith.muli %select_n3A_438, %mul3A_439 : i32
    %add3A_441 = arith.constant 0 : i32
    %add3A_442 = arith.addi %mul3A_440, %add3A_441 : i32
    "tpu.region"() ({
      %run_scoped3A = tpu.sem_alloc : memref<!tpu.dma_semaphore, #tpu.memory_space<semaphore_mem>>
      %dma_start3A_588 = arith.constant 0 : i32
      %dma_start3A_589 = arith.constant 0 : i32
      %dma_start3A_590 = tpu.memref_slice %arg11[%dma_start3A_588, %dma_start3A_589] : memref<32x512xf32, #tpu.memory_space<vmem>> -> memref<32x128xf32, #tpu.memory_space<vmem>>
      %dma_start3A_591 = arith.constant 0 : i32
      %dma_start3A_592 = arith.constant 0 : i32
      %dma_start3A_593 = tpu.memref_slice %arg6[%select_n3A, %dma_start3A_591, %add3A_442, %dma_start3A_592] : memref<8x32x16x128xf32, #tpu.memory_space<hbm>> -> memref<1x32x1x128xf32, #tpu.memory_space<hbm>>
      %dma_start3A_594 = tpu.memref_squeeze %dma_start3A_593 : memref<1x32x1x128xf32, #tpu.memory_space<hbm>> -> memref<32x128xf32, #tpu.memory_space<hbm>>
      %dma_start3A_595 = arith.constant 0 : i32
      %dma_start3A_596 = arith.constant 0 : i32
      %dma_start3A_597 = tpu.memref_slice %arg6[%select_n3A, %dma_start3A_595, %add3A_442, %dma_start3A_596] : memref<8x32x16x128xf32, #tpu.memory_space<hbm>> -> memref<1x32x1x128xf32, #tpu.memory_space<hbm>>
      %dma_start3A_598 = tpu.memref_squeeze %dma_start3A_597 : memref<1x32x1x128xf32, #tpu.memory_space<hbm>> -> memref<32x128xf32, #tpu.memory_space<hbm>>
      %dma_start3A_599 = arith.constant 0 : i32
      %dma_start3A_600 = arith.constant 0 : i32
      %dma_start3A_601 = tpu.memref_slice %arg11[%dma_start3A_599, %dma_start3A_600] : memref<32x512xf32, #tpu.memory_space<vmem>> -> memref<32x128xf32, #tpu.memory_space<vmem>>
      tpu.enqueue_dma source(%dma_start3A_601 : memref<32x128xf32, #tpu.memory_space<vmem>>) target(%dma_start3A_598 : memref<32x128xf32, #tpu.memory_space<hbm>>) target_semaphore(%run_scoped3A : memref<!tpu.dma_semaphore, #tpu.memory_space<semaphore_mem>>)
      %dma_wait3A_602 = arith.constant 0 : i32
      %dma_wait3A_603 = arith.constant 0 : i32
      %dma_wait3A_604 = tpu.memref_slice %arg11[%dma_wait3A_602, %dma_wait3A_603] : memref<32x512xf32, #tpu.memory_space<vmem>> -> memref<32x128xf32, #tpu.memory_space<vmem>>
      %dma_wait3A_605 = arith.constant 0 : i32
      %dma_wait3A_606 = arith.constant 0 : i32
      %dma_wait3A_607 = tpu.memref_slice %arg6[%select_n3A, %dma_wait3A_605, %add3A_442, %dma_wait3A_606] : memref<8x32x16x128xf32, #tpu.memory_space<hbm>> -> memref<1x32x1x128xf32, #tpu.memory_space<hbm>>
      %dma_wait3A_608 = tpu.memref_squeeze %dma_wait3A_607 : memref<1x32x1x128xf32, #tpu.memory_space<hbm>> -> memref<32x128xf32, #tpu.memory_space<hbm>>
      %dma_wait3A_609 = arith.constant 0 : i32
      %dma_wait3A_610 = arith.constant 0 : i32
      %dma_wait3A_611 = tpu.memref_slice %arg6[%select_n3A, %dma_wait3A_609, %add3A_442, %dma_wait3A_610] : memref<8x32x16x128xf32, #tpu.memory_space<hbm>> -> memref<1x32x1x128xf32, #tpu.memory_space<hbm>>
      %dma_wait3A_612 = tpu.memref_squeeze %dma_wait3A_611 : memref<1x32x1x128xf32, #tpu.memory_space<hbm>> -> memref<32x128xf32, #tpu.memory_space<hbm>>
      %dma_wait3A_613 = arith.constant 0 : i32
      %dma_wait3A_614 = arith.constant 0 : i32
      %dma_wait3A_615 = tpu.memref_slice %arg11[%dma_wait3A_613, %dma_wait3A_614] : memref<32x512xf32, #tpu.memory_space<vmem>> -> memref<32x128xf32, #tpu.memory_space<vmem>>
      tpu.wait_dma2 semaphore(%run_scoped3A : memref<!tpu.dma_semaphore, #tpu.memory_space<semaphore_mem>>) src(%dma_wait3A_615 : memref<32x128xf32, #tpu.memory_space<vmem>>) dst(%dma_wait3A_612 : memref<32x128xf32, #tpu.memory_space<hbm>>)
      tpu.yield
    }) : () -> ()
    %jit3A_443 = arith.constant 4 : i32
    %eq3A_444 = arith.constant 0 : i32
    %eq3A_445 = arith.cmpi eq, %jit3A_443, %eq3A_444 : i32
    %jit3A_446 = arith.constant 1 : i32
    %select_n3A_447 = arith.select %eq3A_445, %jit3A_446, %jit3A_443 : i32
    %rem3A_448 = arith.remsi %add3A, %select_n3A_447 : i32
    %ne3A_449 = arith.constant 0 : i32
    %ne3A_450 = arith.cmpi ne, %rem3A_448, %ne3A_449 : i32
    %lt3A_451 = arith.constant 0 : i32
    %lt3A_452 = arith.cmpi slt, %rem3A_448, %lt3A_451 : i32
    %lt3A_453 = arith.constant 0 : i32
    %lt3A_454 = arith.cmpi slt, %select_n3A_447, %lt3A_453 : i32
    %ne3A_455 = arith.xori %lt3A_452, %lt3A_454 : i1
    %and3A_456 = arith.andi %ne3A_455, %ne3A_450 : i1
    %add3A_457 = arith.addi %rem3A_448, %select_n3A_447 : i32
    %select_n3A_458 = arith.select %and3A_456, %add3A_457, %rem3A_448 : i32
    %mul3A_459 = arith.constant 4 : i32
    %mul3A_460 = arith.muli %select_n3A_458, %mul3A_459 : i32
    %add3A_461 = arith.constant 1 : i32
    %add3A_462 = arith.addi %mul3A_460, %add3A_461 : i32
    "tpu.region"() ({
      %run_scoped3A = tpu.sem_alloc : memref<!tpu.dma_semaphore, #tpu.memory_space<semaphore_mem>>
      %dma_start3A_588 = arith.constant 0 : i32
      %dma_start3A_589 = arith.constant 128 : i32
      %dma_start3A_590 = tpu.memref_slice %arg11[%dma_start3A_588, %dma_start3A_589] : memref<32x512xf32, #tpu.memory_space<vmem>> -> memref<32x128xf32, #tpu.memory_space<vmem>>
      %dma_start3A_591 = arith.constant 0 : i32
      %dma_start3A_592 = arith.constant 0 : i32
      %dma_start3A_593 = tpu.memref_slice %arg6[%select_n3A, %dma_start3A_591, %add3A_462, %dma_start3A_592] : memref<8x32x16x128xf32, #tpu.memory_space<hbm>> -> memref<1x32x1x128xf32, #tpu.memory_space<hbm>>
      %dma_start3A_594 = tpu.memref_squeeze %dma_start3A_593 : memref<1x32x1x128xf32, #tpu.memory_space<hbm>> -> memref<32x128xf32, #tpu.memory_space<hbm>>
      %dma_start3A_595 = arith.constant 0 : i32
      %dma_start3A_596 = arith.constant 0 : i32
      %dma_start3A_597 = tpu.memref_slice %arg6[%select_n3A, %dma_start3A_595, %add3A_462, %dma_start3A_596] : memref<8x32x16x128xf32, #tpu.memory_space<hbm>> -> memref<1x32x1x128xf32, #tpu.memory_space<hbm>>
      %dma_start3A_598 = tpu.memref_squeeze %dma_start3A_597 : memref<1x32x1x128xf32, #tpu.memory_space<hbm>> -> memref<32x128xf32, #tpu.memory_space<hbm>>
      %dma_start3A_599 = arith.constant 0 : i32
      %dma_start3A_600 = arith.constant 128 : i32
      %dma_start3A_601 = tpu.memref_slice %arg11[%dma_start3A_599, %dma_start3A_600] : memref<32x512xf32, #tpu.memory_space<vmem>> -> memref<32x128xf32, #tpu.memory_space<vmem>>
      tpu.enqueue_dma source(%dma_start3A_601 : memref<32x128xf32, #tpu.memory_space<vmem>>) target(%dma_start3A_598 : memref<32x128xf32, #tpu.memory_space<hbm>>) target_semaphore(%run_scoped3A : memref<!tpu.dma_semaphore, #tpu.memory_space<semaphore_mem>>)
      %dma_wait3A_602 = arith.constant 0 : i32
      %dma_wait3A_603 = arith.constant 128 : i32
      %dma_wait3A_604 = tpu.memref_slice %arg11[%dma_wait3A_602, %dma_wait3A_603] : memref<32x512xf32, #tpu.memory_space<vmem>> -> memref<32x128xf32, #tpu.memory_space<vmem>>
      %dma_wait3A_605 = arith.constant 0 : i32
      %dma_wait3A_606 = arith.constant 0 : i32
      %dma_wait3A_607 = tpu.memref_slice %arg6[%select_n3A, %dma_wait3A_605, %add3A_462, %dma_wait3A_606] : memref<8x32x16x128xf32, #tpu.memory_space<hbm>> -> memref<1x32x1x128xf32, #tpu.memory_space<hbm>>
      %dma_wait3A_608 = tpu.memref_squeeze %dma_wait3A_607 : memref<1x32x1x128xf32, #tpu.memory_space<hbm>> -> memref<32x128xf32, #tpu.memory_space<hbm>>
      %dma_wait3A_609 = arith.constant 0 : i32
      %dma_wait3A_610 = arith.constant 0 : i32
      %dma_wait3A_611 = tpu.memref_slice %arg6[%select_n3A, %dma_wait3A_609, %add3A_462, %dma_wait3A_610] : memref<8x32x16x128xf32, #tpu.memory_space<hbm>> -> memref<1x32x1x128xf32, #tpu.memory_space<hbm>>
      %dma_wait3A_612 = tpu.memref_squeeze %dma_wait3A_611 : memref<1x32x1x128xf32, #tpu.memory_space<hbm>> -> memref<32x128xf32, #tpu.memory_space<hbm>>
      %dma_wait3A_613 = arith.constant 0 : i32
      %dma_wait3A_614 = arith.constant 128 : i32
      %dma_wait3A_615 = tpu.memref_slice %arg11[%dma_wait3A_613, %dma_wait3A_614] : memref<32x512xf32, #tpu.memory_space<vmem>> -> memref<32x128xf32, #tpu.memory_space<vmem>>
      tpu.wait_dma2 semaphore(%run_scoped3A : memref<!tpu.dma_semaphore, #tpu.memory_space<semaphore_mem>>) src(%dma_wait3A_615 : memref<32x128xf32, #tpu.memory_space<vmem>>) dst(%dma_wait3A_612 : memref<32x128xf32, #tpu.memory_space<hbm>>)
      tpu.yield
    }) : () -> ()
    %jit3A_463 = arith.constant 4 : i32
    %eq3A_464 = arith.constant 0 : i32
    %eq3A_465 = arith.cmpi eq, %jit3A_463, %eq3A_464 : i32
    %jit3A_466 = arith.constant 1 : i32
    %select_n3A_467 = arith.select %eq3A_465, %jit3A_466, %jit3A_463 : i32
    %rem3A_468 = arith.remsi %add3A, %select_n3A_467 : i32
    %ne3A_469 = arith.constant 0 : i32
    %ne3A_470 = arith.cmpi ne, %rem3A_468, %ne3A_469 : i32
    %lt3A_471 = arith.constant 0 : i32
    %lt3A_472 = arith.cmpi slt, %rem3A_468, %lt3A_471 : i32
    %lt3A_473 = arith.constant 0 : i32
    %lt3A_474 = arith.cmpi slt, %select_n3A_467, %lt3A_473 : i32
    %ne3A_475 = arith.xori %lt3A_472, %lt3A_474 : i1
    %and3A_476 = arith.andi %ne3A_475, %ne3A_470 : i1
    %add3A_477 = arith.addi %rem3A_468, %select_n3A_467 : i32
    %select_n3A_478 = arith.select %and3A_476, %add3A_477, %rem3A_468 : i32
    %mul3A_479 = arith.constant 4 : i32
    %mul3A_480 = arith.muli %select_n3A_478, %mul3A_479 : i32
    %add3A_481 = arith.constant 2 : i32
    %add3A_482 = arith.addi %mul3A_480, %add3A_481 : i32
    "tpu.region"() ({
      %run_scoped3A = tpu.sem_alloc : memref<!tpu.dma_semaphore, #tpu.memory_space<semaphore_mem>>
      %dma_start3A_588 = arith.constant 0 : i32
      %dma_start3A_589 = arith.constant 256 : i32
      %dma_start3A_590 = tpu.memref_slice %arg11[%dma_start3A_588, %dma_start3A_589] : memref<32x512xf32, #tpu.memory_space<vmem>> -> memref<32x128xf32, #tpu.memory_space<vmem>>
      %dma_start3A_591 = arith.constant 0 : i32
      %dma_start3A_592 = arith.constant 0 : i32
      %dma_start3A_593 = tpu.memref_slice %arg6[%select_n3A, %dma_start3A_591, %add3A_482, %dma_start3A_592] : memref<8x32x16x128xf32, #tpu.memory_space<hbm>> -> memref<1x32x1x128xf32, #tpu.memory_space<hbm>>
      %dma_start3A_594 = tpu.memref_squeeze %dma_start3A_593 : memref<1x32x1x128xf32, #tpu.memory_space<hbm>> -> memref<32x128xf32, #tpu.memory_space<hbm>>
      %dma_start3A_595 = arith.constant 0 : i32
      %dma_start3A_596 = arith.constant 0 : i32
      %dma_start3A_597 = tpu.memref_slice %arg6[%select_n3A, %dma_start3A_595, %add3A_482, %dma_start3A_596] : memref<8x32x16x128xf32, #tpu.memory_space<hbm>> -> memref<1x32x1x128xf32, #tpu.memory_space<hbm>>
      %dma_start3A_598 = tpu.memref_squeeze %dma_start3A_597 : memref<1x32x1x128xf32, #tpu.memory_space<hbm>> -> memref<32x128xf32, #tpu.memory_space<hbm>>
      %dma_start3A_599 = arith.constant 0 : i32
      %dma_start3A_600 = arith.constant 256 : i32
      %dma_start3A_601 = tpu.memref_slice %arg11[%dma_start3A_599, %dma_start3A_600] : memref<32x512xf32, #tpu.memory_space<vmem>> -> memref<32x128xf32, #tpu.memory_space<vmem>>
      tpu.enqueue_dma source(%dma_start3A_601 : memref<32x128xf32, #tpu.memory_space<vmem>>) target(%dma_start3A_598 : memref<32x128xf32, #tpu.memory_space<hbm>>) target_semaphore(%run_scoped3A : memref<!tpu.dma_semaphore, #tpu.memory_space<semaphore_mem>>)
      %dma_wait3A_602 = arith.constant 0 : i32
      %dma_wait3A_603 = arith.constant 256 : i32
      %dma_wait3A_604 = tpu.memref_slice %arg11[%dma_wait3A_602, %dma_wait3A_603] : memref<32x512xf32, #tpu.memory_space<vmem>> -> memref<32x128xf32, #tpu.memory_space<vmem>>
      %dma_wait3A_605 = arith.constant 0 : i32
      %dma_wait3A_606 = arith.constant 0 : i32
      %dma_wait3A_607 = tpu.memref_slice %arg6[%select_n3A, %dma_wait3A_605, %add3A_482, %dma_wait3A_606] : memref<8x32x16x128xf32, #tpu.memory_space<hbm>> -> memref<1x32x1x128xf32, #tpu.memory_space<hbm>>
      %dma_wait3A_608 = tpu.memref_squeeze %dma_wait3A_607 : memref<1x32x1x128xf32, #tpu.memory_space<hbm>> -> memref<32x128xf32, #tpu.memory_space<hbm>>
      %dma_wait3A_609 = arith.constant 0 : i32
      %dma_wait3A_610 = arith.constant 0 : i32
      %dma_wait3A_611 = tpu.memref_slice %arg6[%select_n3A, %dma_wait3A_609, %add3A_482, %dma_wait3A_610] : memref<8x32x16x128xf32, #tpu.memory_space<hbm>> -> memref<1x32x1x128xf32, #tpu.memory_space<hbm>>
      %dma_wait3A_612 = tpu.memref_squeeze %dma_wait3A_611 : memref<1x32x1x128xf32, #tpu.memory_space<hbm>> -> memref<32x128xf32, #tpu.memory_space<hbm>>
      %dma_wait3A_613 = arith.constant 0 : i32
      %dma_wait3A_614 = arith.constant 256 : i32
      %dma_wait3A_615 = tpu.memref_slice %arg11[%dma_wait3A_613, %dma_wait3A_614] : memref<32x512xf32, #tpu.memory_space<vmem>> -> memref<32x128xf32, #tpu.memory_space<vmem>>
      tpu.wait_dma2 semaphore(%run_scoped3A : memref<!tpu.dma_semaphore, #tpu.memory_space<semaphore_mem>>) src(%dma_wait3A_615 : memref<32x128xf32, #tpu.memory_space<vmem>>) dst(%dma_wait3A_612 : memref<32x128xf32, #tpu.memory_space<hbm>>)
      tpu.yield
    }) : () -> ()
    %jit3A_483 = arith.constant 4 : i32
    %eq3A_484 = arith.constant 0 : i32
    %eq3A_485 = arith.cmpi eq, %jit3A_483, %eq3A_484 : i32
    %jit3A_486 = arith.constant 1 : i32
    %select_n3A_487 = arith.select %eq3A_485, %jit3A_486, %jit3A_483 : i32
    %rem3A_488 = arith.remsi %add3A, %select_n3A_487 : i32
    %ne3A_489 = arith.constant 0 : i32
    %ne3A_490 = arith.cmpi ne, %rem3A_488, %ne3A_489 : i32
    %lt3A_491 = arith.constant 0 : i32
    %lt3A_492 = arith.cmpi slt, %rem3A_488, %lt3A_491 : i32
    %lt3A_493 = arith.constant 0 : i32
    %lt3A_494 = arith.cmpi slt, %select_n3A_487, %lt3A_493 : i32
    %ne3A_495 = arith.xori %lt3A_492, %lt3A_494 : i1
    %and3A_496 = arith.andi %ne3A_495, %ne3A_490 : i1
    %add3A_497 = arith.addi %rem3A_488, %select_n3A_487 : i32
    %select_n3A_498 = arith.select %and3A_496, %add3A_497, %rem3A_488 : i32
    %mul3A_499 = arith.constant 4 : i32
    %mul3A_500 = arith.muli %select_n3A_498, %mul3A_499 : i32
    %add3A_501 = arith.constant 3 : i32
    %add3A_502 = arith.addi %mul3A_500, %add3A_501 : i32
    "tpu.region"() ({
      %run_scoped3A = tpu.sem_alloc : memref<!tpu.dma_semaphore, #tpu.memory_space<semaphore_mem>>
      %dma_start3A_588 = arith.constant 0 : i32
      %dma_start3A_589 = arith.constant 384 : i32
      %dma_start3A_590 = tpu.memref_slice %arg11[%dma_start3A_588, %dma_start3A_589] : memref<32x512xf32, #tpu.memory_space<vmem>> -> memref<32x128xf32, #tpu.memory_space<vmem>>
      %dma_start3A_591 = arith.constant 0 : i32
      %dma_start3A_592 = arith.constant 0 : i32
      %dma_start3A_593 = tpu.memref_slice %arg6[%select_n3A, %dma_start3A_591, %add3A_502, %dma_start3A_592] : memref<8x32x16x128xf32, #tpu.memory_space<hbm>> -> memref<1x32x1x128xf32, #tpu.memory_space<hbm>>
      %dma_start3A_594 = tpu.memref_squeeze %dma_start3A_593 : memref<1x32x1x128xf32, #tpu.memory_space<hbm>> -> memref<32x128xf32, #tpu.memory_space<hbm>>
      %dma_start3A_595 = arith.constant 0 : i32
      %dma_start3A_596 = arith.constant 0 : i32
      %dma_start3A_597 = tpu.memref_slice %arg6[%select_n3A, %dma_start3A_595, %add3A_502, %dma_start3A_596] : memref<8x32x16x128xf32, #tpu.memory_space<hbm>> -> memref<1x32x1x128xf32, #tpu.memory_space<hbm>>
      %dma_start3A_598 = tpu.memref_squeeze %dma_start3A_597 : memref<1x32x1x128xf32, #tpu.memory_space<hbm>> -> memref<32x128xf32, #tpu.memory_space<hbm>>
      %dma_start3A_599 = arith.constant 0 : i32
      %dma_start3A_600 = arith.constant 384 : i32
      %dma_start3A_601 = tpu.memref_slice %arg11[%dma_start3A_599, %dma_start3A_600] : memref<32x512xf32, #tpu.memory_space<vmem>> -> memref<32x128xf32, #tpu.memory_space<vmem>>
      tpu.enqueue_dma source(%dma_start3A_601 : memref<32x128xf32, #tpu.memory_space<vmem>>) target(%dma_start3A_598 : memref<32x128xf32, #tpu.memory_space<hbm>>) target_semaphore(%run_scoped3A : memref<!tpu.dma_semaphore, #tpu.memory_space<semaphore_mem>>)
      %dma_wait3A_602 = arith.constant 0 : i32
      %dma_wait3A_603 = arith.constant 384 : i32
      %dma_wait3A_604 = tpu.memref_slice %arg11[%dma_wait3A_602, %dma_wait3A_603] : memref<32x512xf32, #tpu.memory_space<vmem>> -> memref<32x128xf32, #tpu.memory_space<vmem>>
      %dma_wait3A_605 = arith.constant 0 : i32
      %dma_wait3A_606 = arith.constant 0 : i32
      %dma_wait3A_607 = tpu.memref_slice %arg6[%select_n3A, %dma_wait3A_605, %add3A_502, %dma_wait3A_606] : memref<8x32x16x128xf32, #tpu.memory_space<hbm>> -> memref<1x32x1x128xf32, #tpu.memory_space<hbm>>
      %dma_wait3A_608 = tpu.memref_squeeze %dma_wait3A_607 : memref<1x32x1x128xf32, #tpu.memory_space<hbm>> -> memref<32x128xf32, #tpu.memory_space<hbm>>
      %dma_wait3A_609 = arith.constant 0 : i32
      %dma_wait3A_610 = arith.constant 0 : i32
      %dma_wait3A_611 = tpu.memref_slice %arg6[%select_n3A, %dma_wait3A_609, %add3A_502, %dma_wait3A_610] : memref<8x32x16x128xf32, #tpu.memory_space<hbm>> -> memref<1x32x1x128xf32, #tpu.memory_space<hbm>>
      %dma_wait3A_612 = tpu.memref_squeeze %dma_wait3A_611 : memref<1x32x1x128xf32, #tpu.memory_space<hbm>> -> memref<32x128xf32, #tpu.memory_space<hbm>>
      %dma_wait3A_613 = arith.constant 0 : i32
      %dma_wait3A_614 = arith.constant 384 : i32
      %dma_wait3A_615 = tpu.memref_slice %arg11[%dma_wait3A_613, %dma_wait3A_614] : memref<32x512xf32, #tpu.memory_space<vmem>> -> memref<32x128xf32, #tpu.memory_space<vmem>>
      tpu.wait_dma2 semaphore(%run_scoped3A : memref<!tpu.dma_semaphore, #tpu.memory_space<semaphore_mem>>) src(%dma_wait3A_615 : memref<32x128xf32, #tpu.memory_space<vmem>>) dst(%dma_wait3A_612 : memref<32x128xf32, #tpu.memory_space<hbm>>)
      tpu.yield
    }) : () -> ()
    %dma_wait3A = arith.constant 0 : i32
    %dma_wait3A_503 = arith.constant 0 : i32
    %dma_wait3A_504 = tpu.memref_slice %arg5[%dma_wait3A, %dma_wait3A_503] : memref<32x100008xf32, #tpu.memory_space<hbm>> -> memref<32x512xf32, #tpu.memory_space<hbm>>
    %dma_wait3A_505 = arith.constant 0 : i32
    %dma_wait3A_506 = arith.constant 0 : i32
    %dma_wait3A_507 = tpu.memref_slice %arg5[%dma_wait3A_505, %dma_wait3A_506] : memref<32x100008xf32, #tpu.memory_space<hbm>> -> memref<32x512xf32, #tpu.memory_space<hbm>>
    tpu.wait_dma2 semaphore(%arg16 : memref<!tpu.dma_semaphore, #tpu.memory_space<semaphore_mem>>) src(%dma_wait3A_507 : memref<32x512xf32, #tpu.memory_space<hbm>>) dst(%arg13 : memref<32x512xf32, #tpu.memory_space<vmem>>)
    %jit3A_508 = arith.constant 4 : i32
    %eq3A_509 = arith.constant 0 : i32
    %eq3A_510 = arith.cmpi eq, %jit3A_508, %eq3A_509 : i32
    %jit3A_511 = arith.constant 1 : i32
    %select_n3A_512 = arith.select %eq3A_510, %jit3A_511, %jit3A_508 : i32
    %rem3A_513 = arith.remsi %add3A, %select_n3A_512 : i32
    %ne3A_514 = arith.constant 0 : i32
    %ne3A_515 = arith.cmpi ne, %rem3A_513, %ne3A_514 : i32
    %lt3A_516 = arith.constant 0 : i32
    %lt3A_517 = arith.cmpi slt, %rem3A_513, %lt3A_516 : i32
    %lt3A_518 = arith.constant 0 : i32
    %lt3A_519 = arith.cmpi slt, %select_n3A_512, %lt3A_518 : i32
    %ne3A_520 = arith.xori %lt3A_517, %lt3A_519 : i1
    %and3A_521 = arith.andi %ne3A_520, %ne3A_515 : i1
    %add3A_522 = arith.addi %rem3A_513, %select_n3A_512 : i32
    %select_n3A_523 = arith.select %and3A_521, %add3A_522, %rem3A_513 : i32
    %mul3A_524 = arith.constant 4 : i32
    %mul3A_525 = arith.muli %select_n3A_523, %mul3A_524 : i32
    %add3A_526 = arith.constant 0 : i32
    %add3A_527 = arith.addi %mul3A_525, %add3A_526 : i32
    "tpu.region"() ({
      %run_scoped3A = tpu.sem_alloc : memref<!tpu.dma_semaphore, #tpu.memory_space<semaphore_mem>>
      %dma_start3A_588 = arith.constant 0 : i32
      %dma_start3A_589 = arith.constant 0 : i32
      %dma_start3A_590 = tpu.memref_slice %arg13[%dma_start3A_588, %dma_start3A_589] : memref<32x512xf32, #tpu.memory_space<vmem>> -> memref<32x128xf32, #tpu.memory_space<vmem>>
      %dma_start3A_591 = arith.constant 0 : i32
      %dma_start3A_592 = arith.constant 0 : i32
      %dma_start3A_593 = tpu.memref_slice %arg7[%select_n3A, %dma_start3A_591, %add3A_527, %dma_start3A_592] : memref<8x32x16x128xf32, #tpu.memory_space<hbm>> -> memref<1x32x1x128xf32, #tpu.memory_space<hbm>>
      %dma_start3A_594 = tpu.memref_squeeze %dma_start3A_593 : memref<1x32x1x128xf32, #tpu.memory_space<hbm>> -> memref<32x128xf32, #tpu.memory_space<hbm>>
      %dma_start3A_595 = arith.constant 0 : i32
      %dma_start3A_596 = arith.constant 0 : i32
      %dma_start3A_597 = tpu.memref_slice %arg7[%select_n3A, %dma_start3A_595, %add3A_527, %dma_start3A_596] : memref<8x32x16x128xf32, #tpu.memory_space<hbm>> -> memref<1x32x1x128xf32, #tpu.memory_space<hbm>>
      %dma_start3A_598 = tpu.memref_squeeze %dma_start3A_597 : memref<1x32x1x128xf32, #tpu.memory_space<hbm>> -> memref<32x128xf32, #tpu.memory_space<hbm>>
      %dma_start3A_599 = arith.constant 0 : i32
      %dma_start3A_600 = arith.constant 0 : i32
      %dma_start3A_601 = tpu.memref_slice %arg13[%dma_start3A_599, %dma_start3A_600] : memref<32x512xf32, #tpu.memory_space<vmem>> -> memref<32x128xf32, #tpu.memory_space<vmem>>
      tpu.enqueue_dma source(%dma_start3A_601 : memref<32x128xf32, #tpu.memory_space<vmem>>) target(%dma_start3A_598 : memref<32x128xf32, #tpu.memory_space<hbm>>) target_semaphore(%run_scoped3A : memref<!tpu.dma_semaphore, #tpu.memory_space<semaphore_mem>>)
      %dma_wait3A_602 = arith.constant 0 : i32
      %dma_wait3A_603 = arith.constant 0 : i32
      %dma_wait3A_604 = tpu.memref_slice %arg13[%dma_wait3A_602, %dma_wait3A_603] : memref<32x512xf32, #tpu.memory_space<vmem>> -> memref<32x128xf32, #tpu.memory_space<vmem>>
      %dma_wait3A_605 = arith.constant 0 : i32
      %dma_wait3A_606 = arith.constant 0 : i32
      %dma_wait3A_607 = tpu.memref_slice %arg7[%select_n3A, %dma_wait3A_605, %add3A_527, %dma_wait3A_606] : memref<8x32x16x128xf32, #tpu.memory_space<hbm>> -> memref<1x32x1x128xf32, #tpu.memory_space<hbm>>
      %dma_wait3A_608 = tpu.memref_squeeze %dma_wait3A_607 : memref<1x32x1x128xf32, #tpu.memory_space<hbm>> -> memref<32x128xf32, #tpu.memory_space<hbm>>
      %dma_wait3A_609 = arith.constant 0 : i32
      %dma_wait3A_610 = arith.constant 0 : i32
      %dma_wait3A_611 = tpu.memref_slice %arg7[%select_n3A, %dma_wait3A_609, %add3A_527, %dma_wait3A_610] : memref<8x32x16x128xf32, #tpu.memory_space<hbm>> -> memref<1x32x1x128xf32, #tpu.memory_space<hbm>>
      %dma_wait3A_612 = tpu.memref_squeeze %dma_wait3A_611 : memref<1x32x1x128xf32, #tpu.memory_space<hbm>> -> memref<32x128xf32, #tpu.memory_space<hbm>>
      %dma_wait3A_613 = arith.constant 0 : i32
      %dma_wait3A_614 = arith.constant 0 : i32
      %dma_wait3A_615 = tpu.memref_slice %arg13[%dma_wait3A_613, %dma_wait3A_614] : memref<32x512xf32, #tpu.memory_space<vmem>> -> memref<32x128xf32, #tpu.memory_space<vmem>>
      tpu.wait_dma2 semaphore(%run_scoped3A : memref<!tpu.dma_semaphore, #tpu.memory_space<semaphore_mem>>) src(%dma_wait3A_615 : memref<32x128xf32, #tpu.memory_space<vmem>>) dst(%dma_wait3A_612 : memref<32x128xf32, #tpu.memory_space<hbm>>)
      tpu.yield
    }) : () -> ()
    %jit3A_528 = arith.constant 4 : i32
    %eq3A_529 = arith.constant 0 : i32
    %eq3A_530 = arith.cmpi eq, %jit3A_528, %eq3A_529 : i32
    %jit3A_531 = arith.constant 1 : i32
    %select_n3A_532 = arith.select %eq3A_530, %jit3A_531, %jit3A_528 : i32
    %rem3A_533 = arith.remsi %add3A, %select_n3A_532 : i32
    %ne3A_534 = arith.constant 0 : i32
    %ne3A_535 = arith.cmpi ne, %rem3A_533, %ne3A_534 : i32
    %lt3A_536 = arith.constant 0 : i32
    %lt3A_537 = arith.cmpi slt, %rem3A_533, %lt3A_536 : i32
    %lt3A_538 = arith.constant 0 : i32
    %lt3A_539 = arith.cmpi slt, %select_n3A_532, %lt3A_538 : i32
    %ne3A_540 = arith.xori %lt3A_537, %lt3A_539 : i1
    %and3A_541 = arith.andi %ne3A_540, %ne3A_535 : i1
    %add3A_542 = arith.addi %rem3A_533, %select_n3A_532 : i32
    %select_n3A_543 = arith.select %and3A_541, %add3A_542, %rem3A_533 : i32
    %mul3A_544 = arith.constant 4 : i32
    %mul3A_545 = arith.muli %select_n3A_543, %mul3A_544 : i32
    %add3A_546 = arith.constant 1 : i32
    %add3A_547 = arith.addi %mul3A_545, %add3A_546 : i32
    "tpu.region"() ({
      %run_scoped3A = tpu.sem_alloc : memref<!tpu.dma_semaphore, #tpu.memory_space<semaphore_mem>>
      %dma_start3A_588 = arith.constant 0 : i32
      %dma_start3A_589 = arith.constant 128 : i32
      %dma_start3A_590 = tpu.memref_slice %arg13[%dma_start3A_588, %dma_start3A_589] : memref<32x512xf32, #tpu.memory_space<vmem>> -> memref<32x128xf32, #tpu.memory_space<vmem>>
      %dma_start3A_591 = arith.constant 0 : i32
      %dma_start3A_592 = arith.constant 0 : i32
      %dma_start3A_593 = tpu.memref_slice %arg7[%select_n3A, %dma_start3A_591, %add3A_547, %dma_start3A_592] : memref<8x32x16x128xf32, #tpu.memory_space<hbm>> -> memref<1x32x1x128xf32, #tpu.memory_space<hbm>>
      %dma_start3A_594 = tpu.memref_squeeze %dma_start3A_593 : memref<1x32x1x128xf32, #tpu.memory_space<hbm>> -> memref<32x128xf32, #tpu.memory_space<hbm>>
      %dma_start3A_595 = arith.constant 0 : i32
      %dma_start3A_596 = arith.constant 0 : i32
      %dma_start3A_597 = tpu.memref_slice %arg7[%select_n3A, %dma_start3A_595, %add3A_547, %dma_start3A_596] : memref<8x32x16x128xf32, #tpu.memory_space<hbm>> -> memref<1x32x1x128xf32, #tpu.memory_space<hbm>>
      %dma_start3A_598 = tpu.memref_squeeze %dma_start3A_597 : memref<1x32x1x128xf32, #tpu.memory_space<hbm>> -> memref<32x128xf32, #tpu.memory_space<hbm>>
      %dma_start3A_599 = arith.constant 0 : i32
      %dma_start3A_600 = arith.constant 128 : i32
      %dma_start3A_601 = tpu.memref_slice %arg13[%dma_start3A_599, %dma_start3A_600] : memref<32x512xf32, #tpu.memory_space<vmem>> -> memref<32x128xf32, #tpu.memory_space<vmem>>
      tpu.enqueue_dma source(%dma_start3A_601 : memref<32x128xf32, #tpu.memory_space<vmem>>) target(%dma_start3A_598 : memref<32x128xf32, #tpu.memory_space<hbm>>) target_semaphore(%run_scoped3A : memref<!tpu.dma_semaphore, #tpu.memory_space<semaphore_mem>>)
      %dma_wait3A_602 = arith.constant 0 : i32
      %dma_wait3A_603 = arith.constant 128 : i32
      %dma_wait3A_604 = tpu.memref_slice %arg13[%dma_wait3A_602, %dma_wait3A_603] : memref<32x512xf32, #tpu.memory_space<vmem>> -> memref<32x128xf32, #tpu.memory_space<vmem>>
      %dma_wait3A_605 = arith.constant 0 : i32
      %dma_wait3A_606 = arith.constant 0 : i32
      %dma_wait3A_607 = tpu.memref_slice %arg7[%select_n3A, %dma_wait3A_605, %add3A_547, %dma_wait3A_606] : memref<8x32x16x128xf32, #tpu.memory_space<hbm>> -> memref<1x32x1x128xf32, #tpu.memory_space<hbm>>
      %dma_wait3A_608 = tpu.memref_squeeze %dma_wait3A_607 : memref<1x32x1x128xf32, #tpu.memory_space<hbm>> -> memref<32x128xf32, #tpu.memory_space<hbm>>
      %dma_wait3A_609 = arith.constant 0 : i32
      %dma_wait3A_610 = arith.constant 0 : i32
      %dma_wait3A_611 = tpu.memref_slice %arg7[%select_n3A, %dma_wait3A_609, %add3A_547, %dma_wait3A_610] : memref<8x32x16x128xf32, #tpu.memory_space<hbm>> -> memref<1x32x1x128xf32, #tpu.memory_space<hbm>>
      %dma_wait3A_612 = tpu.memref_squeeze %dma_wait3A_611 : memref<1x32x1x128xf32, #tpu.memory_space<hbm>> -> memref<32x128xf32, #tpu.memory_space<hbm>>
      %dma_wait3A_613 = arith.constant 0 : i32
      %dma_wait3A_614 = arith.constant 128 : i32
      %dma_wait3A_615 = tpu.memref_slice %arg13[%dma_wait3A_613, %dma_wait3A_614] : memref<32x512xf32, #tpu.memory_space<vmem>> -> memref<32x128xf32, #tpu.memory_space<vmem>>
      tpu.wait_dma2 semaphore(%run_scoped3A : memref<!tpu.dma_semaphore, #tpu.memory_space<semaphore_mem>>) src(%dma_wait3A_615 : memref<32x128xf32, #tpu.memory_space<vmem>>) dst(%dma_wait3A_612 : memref<32x128xf32, #tpu.memory_space<hbm>>)
      tpu.yield
    }) : () -> ()
    %jit3A_548 = arith.constant 4 : i32
    %eq3A_549 = arith.constant 0 : i32
    %eq3A_550 = arith.cmpi eq, %jit3A_548, %eq3A_549 : i32
    %jit3A_551 = arith.constant 1 : i32
    %select_n3A_552 = arith.select %eq3A_550, %jit3A_551, %jit3A_548 : i32
    %rem3A_553 = arith.remsi %add3A, %select_n3A_552 : i32
    %ne3A_554 = arith.constant 0 : i32
    %ne3A_555 = arith.cmpi ne, %rem3A_553, %ne3A_554 : i32
    %lt3A_556 = arith.constant 0 : i32
    %lt3A_557 = arith.cmpi slt, %rem3A_553, %lt3A_556 : i32
    %lt3A_558 = arith.constant 0 : i32
    %lt3A_559 = arith.cmpi slt, %select_n3A_552, %lt3A_558 : i32
    %ne3A_560 = arith.xori %lt3A_557, %lt3A_559 : i1
    %and3A_561 = arith.andi %ne3A_560, %ne3A_555 : i1
    %add3A_562 = arith.addi %rem3A_553, %select_n3A_552 : i32
    %select_n3A_563 = arith.select %and3A_561, %add3A_562, %rem3A_553 : i32
    %mul3A_564 = arith.constant 4 : i32
    %mul3A_565 = arith.muli %select_n3A_563, %mul3A_564 : i32
    %add3A_566 = arith.constant 2 : i32
    %add3A_567 = arith.addi %mul3A_565, %add3A_566 : i32
    "tpu.region"() ({
      %run_scoped3A = tpu.sem_alloc : memref<!tpu.dma_semaphore, #tpu.memory_space<semaphore_mem>>
      %dma_start3A_588 = arith.constant 0 : i32
      %dma_start3A_589 = arith.constant 256 : i32
      %dma_start3A_590 = tpu.memref_slice %arg13[%dma_start3A_588, %dma_start3A_589] : memref<32x512xf32, #tpu.memory_space<vmem>> -> memref<32x128xf32, #tpu.memory_space<vmem>>
      %dma_start3A_591 = arith.constant 0 : i32
      %dma_start3A_592 = arith.constant 0 : i32
      %dma_start3A_593 = tpu.memref_slice %arg7[%select_n3A, %dma_start3A_591, %add3A_567, %dma_start3A_592] : memref<8x32x16x128xf32, #tpu.memory_space<hbm>> -> memref<1x32x1x128xf32, #tpu.memory_space<hbm>>
      %dma_start3A_594 = tpu.memref_squeeze %dma_start3A_593 : memref<1x32x1x128xf32, #tpu.memory_space<hbm>> -> memref<32x128xf32, #tpu.memory_space<hbm>>
      %dma_start3A_595 = arith.constant 0 : i32
      %dma_start3A_596 = arith.constant 0 : i32
      %dma_start3A_597 = tpu.memref_slice %arg7[%select_n3A, %dma_start3A_595, %add3A_567, %dma_start3A_596] : memref<8x32x16x128xf32, #tpu.memory_space<hbm>> -> memref<1x32x1x128xf32, #tpu.memory_space<hbm>>
      %dma_start3A_598 = tpu.memref_squeeze %dma_start3A_597 : memref<1x32x1x128xf32, #tpu.memory_space<hbm>> -> memref<32x128xf32, #tpu.memory_space<hbm>>
      %dma_start3A_599 = arith.constant 0 : i32
      %dma_start3A_600 = arith.constant 256 : i32
      %dma_start3A_601 = tpu.memref_slice %arg13[%dma_start3A_599, %dma_start3A_600] : memref<32x512xf32, #tpu.memory_space<vmem>> -> memref<32x128xf32, #tpu.memory_space<vmem>>
      tpu.enqueue_dma source(%dma_start3A_601 : memref<32x128xf32, #tpu.memory_space<vmem>>) target(%dma_start3A_598 : memref<32x128xf32, #tpu.memory_space<hbm>>) target_semaphore(%run_scoped3A : memref<!tpu.dma_semaphore, #tpu.memory_space<semaphore_mem>>)
      %dma_wait3A_602 = arith.constant 0 : i32
      %dma_wait3A_603 = arith.constant 256 : i32
      %dma_wait3A_604 = tpu.memref_slice %arg13[%dma_wait3A_602, %dma_wait3A_603] : memref<32x512xf32, #tpu.memory_space<vmem>> -> memref<32x128xf32, #tpu.memory_space<vmem>>
      %dma_wait3A_605 = arith.constant 0 : i32
      %dma_wait3A_606 = arith.constant 0 : i32
      %dma_wait3A_607 = tpu.memref_slice %arg7[%select_n3A, %dma_wait3A_605, %add3A_567, %dma_wait3A_606] : memref<8x32x16x128xf32, #tpu.memory_space<hbm>> -> memref<1x32x1x128xf32, #tpu.memory_space<hbm>>
      %dma_wait3A_608 = tpu.memref_squeeze %dma_wait3A_607 : memref<1x32x1x128xf32, #tpu.memory_space<hbm>> -> memref<32x128xf32, #tpu.memory_space<hbm>>
      %dma_wait3A_609 = arith.constant 0 : i32
      %dma_wait3A_610 = arith.constant 0 : i32
      %dma_wait3A_611 = tpu.memref_slice %arg7[%select_n3A, %dma_wait3A_609, %add3A_567, %dma_wait3A_610] : memref<8x32x16x128xf32, #tpu.memory_space<hbm>> -> memref<1x32x1x128xf32, #tpu.memory_space<hbm>>
      %dma_wait3A_612 = tpu.memref_squeeze %dma_wait3A_611 : memref<1x32x1x128xf32, #tpu.memory_space<hbm>> -> memref<32x128xf32, #tpu.memory_space<hbm>>
      %dma_wait3A_613 = arith.constant 0 : i32
      %dma_wait3A_614 = arith.constant 256 : i32
      %dma_wait3A_615 = tpu.memref_slice %arg13[%dma_wait3A_613, %dma_wait3A_614] : memref<32x512xf32, #tpu.memory_space<vmem>> -> memref<32x128xf32, #tpu.memory_space<vmem>>
      tpu.wait_dma2 semaphore(%run_scoped3A : memref<!tpu.dma_semaphore, #tpu.memory_space<semaphore_mem>>) src(%dma_wait3A_615 : memref<32x128xf32, #tpu.memory_space<vmem>>) dst(%dma_wait3A_612 : memref<32x128xf32, #tpu.memory_space<hbm>>)
      tpu.yield
    }) : () -> ()
    %jit3A_568 = arith.constant 4 : i32
    %eq3A_569 = arith.constant 0 : i32
    %eq3A_570 = arith.cmpi eq, %jit3A_568, %eq3A_569 : i32
    %jit3A_571 = arith.constant 1 : i32
    %select_n3A_572 = arith.select %eq3A_570, %jit3A_571, %jit3A_568 : i32
    %rem3A_573 = arith.remsi %add3A, %select_n3A_572 : i32
    %ne3A_574 = arith.constant 0 : i32
    %ne3A_575 = arith.cmpi ne, %rem3A_573, %ne3A_574 : i32
    %lt3A_576 = arith.constant 0 : i32
    %lt3A_577 = arith.cmpi slt, %rem3A_573, %lt3A_576 : i32
    %lt3A_578 = arith.constant 0 : i32
    %lt3A_579 = arith.cmpi slt, %select_n3A_572, %lt3A_578 : i32
    %ne3A_580 = arith.xori %lt3A_577, %lt3A_579 : i1
    %and3A_581 = arith.andi %ne3A_580, %ne3A_575 : i1
    %add3A_582 = arith.addi %rem3A_573, %select_n3A_572 : i32
    %select_n3A_583 = arith.select %and3A_581, %add3A_582, %rem3A_573 : i32
    %mul3A_584 = arith.constant 4 : i32
    %mul3A_585 = arith.muli %select_n3A_583, %mul3A_584 : i32
    %add3A_586 = arith.constant 3 : i32
    %add3A_587 = arith.addi %mul3A_585, %add3A_586 : i32
    "tpu.region"() ({
      %run_scoped3A = tpu.sem_alloc : memref<!tpu.dma_semaphore, #tpu.memory_space<semaphore_mem>>
      %dma_start3A_588 = arith.constant 0 : i32
      %dma_start3A_589 = arith.constant 384 : i32
      %dma_start3A_590 = tpu.memref_slice %arg13[%dma_start3A_588, %dma_start3A_589] : memref<32x512xf32, #tpu.memory_space<vmem>> -> memref<32x128xf32, #tpu.memory_space<vmem>>
      %dma_start3A_591 = arith.constant 0 : i32
      %dma_start3A_592 = arith.constant 0 : i32
      %dma_start3A_593 = tpu.memref_slice %arg7[%select_n3A, %dma_start3A_591, %add3A_587, %dma_start3A_592] : memref<8x32x16x128xf32, #tpu.memory_space<hbm>> -> memref<1x32x1x128xf32, #tpu.memory_space<hbm>>
      %dma_start3A_594 = tpu.memref_squeeze %dma_start3A_593 : memref<1x32x1x128xf32, #tpu.memory_space<hbm>> -> memref<32x128xf32, #tpu.memory_space<hbm>>
      %dma_start3A_595 = arith.constant 0 : i32
      %dma_start3A_596 = arith.constant 0 : i32
      %dma_start3A_597 = tpu.memref_slice %arg7[%select_n3A, %dma_start3A_595, %add3A_587, %dma_start3A_596] : memref<8x32x16x128xf32, #tpu.memory_space<hbm>> -> memref<1x32x1x128xf32, #tpu.memory_space<hbm>>
      %dma_start3A_598 = tpu.memref_squeeze %dma_start3A_597 : memref<1x32x1x128xf32, #tpu.memory_space<hbm>> -> memref<32x128xf32, #tpu.memory_space<hbm>>
      %dma_start3A_599 = arith.constant 0 : i32
      %dma_start3A_600 = arith.constant 384 : i32
      %dma_start3A_601 = tpu.memref_slice %arg13[%dma_start3A_599, %dma_start3A_600] : memref<32x512xf32, #tpu.memory_space<vmem>> -> memref<32x128xf32, #tpu.memory_space<vmem>>
      tpu.enqueue_dma source(%dma_start3A_601 : memref<32x128xf32, #tpu.memory_space<vmem>>) target(%dma_start3A_598 : memref<32x128xf32, #tpu.memory_space<hbm>>) target_semaphore(%run_scoped3A : memref<!tpu.dma_semaphore, #tpu.memory_space<semaphore_mem>>)
      %dma_wait3A_602 = arith.constant 0 : i32
      %dma_wait3A_603 = arith.constant 384 : i32
      %dma_wait3A_604 = tpu.memref_slice %arg13[%dma_wait3A_602, %dma_wait3A_603] : memref<32x512xf32, #tpu.memory_space<vmem>> -> memref<32x128xf32, #tpu.memory_space<vmem>>
      %dma_wait3A_605 = arith.constant 0 : i32
      %dma_wait3A_606 = arith.constant 0 : i32
      %dma_wait3A_607 = tpu.memref_slice %arg7[%select_n3A, %dma_wait3A_605, %add3A_587, %dma_wait3A_606] : memref<8x32x16x128xf32, #tpu.memory_space<hbm>> -> memref<1x32x1x128xf32, #tpu.memory_space<hbm>>
      %dma_wait3A_608 = tpu.memref_squeeze %dma_wait3A_607 : memref<1x32x1x128xf32, #tpu.memory_space<hbm>> -> memref<32x128xf32, #tpu.memory_space<hbm>>
      %dma_wait3A_609 = arith.constant 0 : i32
      %dma_wait3A_610 = arith.constant 0 : i32
      %dma_wait3A_611 = tpu.memref_slice %arg7[%select_n3A, %dma_wait3A_609, %add3A_587, %dma_wait3A_610] : memref<8x32x16x128xf32, #tpu.memory_space<hbm>> -> memref<1x32x1x128xf32, #tpu.memory_space<hbm>>
      %dma_wait3A_612 = tpu.memref_squeeze %dma_wait3A_611 : memref<1x32x1x128xf32, #tpu.memory_space<hbm>> -> memref<32x128xf32, #tpu.memory_space<hbm>>
      %dma_wait3A_613 = arith.constant 0 : i32
      %dma_wait3A_614 = arith.constant 384 : i32
      %dma_wait3A_615 = tpu.memref_slice %arg13[%dma_wait3A_613, %dma_wait3A_614] : memref<32x512xf32, #tpu.memory_space<vmem>> -> memref<32x128xf32, #tpu.memory_space<vmem>>
      tpu.wait_dma2 semaphore(%run_scoped3A : memref<!tpu.dma_semaphore, #tpu.memory_space<semaphore_mem>>) src(%dma_wait3A_615 : memref<32x128xf32, #tpu.memory_space<vmem>>) dst(%dma_wait3A_612 : memref<32x128xf32, #tpu.memory_space<hbm>>)
      tpu.yield
    }) : () -> ()
    return
  }
}

#map = affine_map<(d0, d1) -> (0, 0)>
#map1 = affine_map<(d0, d1) -> (0)>
module attributes {stable_mosaic.version = 14 : i64} {
  func.func @_sc_detile_body(%arg0: i32, %arg1: i32, %arg2: memref<32x100001xf32, #tpu.memory_space<hbm>>, %arg3: memref<3200256xf32, #tpu.memory_space<hbm>>, %arg4: memref<100001xf32, #tpu.memory_space<vmem>>) attributes {dimension_semantics = [#tpu.dimension_semantics<core_parallel>, #tpu.dimension_semantics<subcore_parallel>], iteration_bounds = array<i64: 2, 16>, scalar_prefetch = 0 : i64, scratch_operands = 1 : i64, tpu.core_type = #tpu.core_type<sc_vector_subcore>, window_params = [{transform_indices = #map}, {transform_indices = #map1}]} {
    %mul3A = arith.constant 2 : i32
    %mul3A_0 = arith.muli %arg1, %mul3A : i32
    %add3A = arith.addi %mul3A_0, %arg0 : i32
    "tpu.region"() ({
      %run_scoped3A = tpu.sem_alloc : memref<!tpu.dma_semaphore, #tpu.memory_space<semaphore_mem>>
      %dma_start3A = arith.constant 0 : i32
      %dma_start3A_3 = tpu.memref_slice %arg2[%add3A, %dma_start3A] : memref<32x100001xf32, #tpu.memory_space<hbm>> -> memref<1x100001xf32, #tpu.memory_space<hbm>>
      %dma_start3A_4 = tpu.memref_squeeze %dma_start3A_3 : memref<1x100001xf32, #tpu.memory_space<hbm>> -> memref<100001xf32, #tpu.memory_space<hbm>>
      %dma_start3A_5 = arith.constant 0 : i32
      %dma_start3A_6 = tpu.memref_slice %arg2[%add3A, %dma_start3A_5] : memref<32x100001xf32, #tpu.memory_space<hbm>> -> memref<1x100001xf32, #tpu.memory_space<hbm>>
      %dma_start3A_7 = tpu.memref_squeeze %dma_start3A_6 : memref<1x100001xf32, #tpu.memory_space<hbm>> -> memref<100001xf32, #tpu.memory_space<hbm>>
      tpu.enqueue_dma source(%dma_start3A_7 : memref<100001xf32, #tpu.memory_space<hbm>>) target(%arg4 : memref<100001xf32, #tpu.memory_space<vmem>>) target_semaphore(%run_scoped3A : memref<!tpu.dma_semaphore, #tpu.memory_space<semaphore_mem>>)
      %dma_wait3A = arith.constant 0 : i32
      %dma_wait3A_8 = tpu.memref_slice %arg2[%add3A, %dma_wait3A] : memref<32x100001xf32, #tpu.memory_space<hbm>> -> memref<1x100001xf32, #tpu.memory_space<hbm>>
      %dma_wait3A_9 = tpu.memref_squeeze %dma_wait3A_8 : memref<1x100001xf32, #tpu.memory_space<hbm>> -> memref<100001xf32, #tpu.memory_space<hbm>>
      %dma_wait3A_10 = arith.constant 0 : i32
      %dma_wait3A_11 = tpu.memref_slice %arg2[%add3A, %dma_wait3A_10] : memref<32x100001xf32, #tpu.memory_space<hbm>> -> memref<1x100001xf32, #tpu.memory_space<hbm>>
      %dma_wait3A_12 = tpu.memref_squeeze %dma_wait3A_11 : memref<1x100001xf32, #tpu.memory_space<hbm>> -> memref<100001xf32, #tpu.memory_space<hbm>>
      tpu.wait_dma2 semaphore(%run_scoped3A : memref<!tpu.dma_semaphore, #tpu.memory_space<semaphore_mem>>) src(%dma_wait3A_12 : memref<100001xf32, #tpu.memory_space<hbm>>) dst(%arg4 : memref<100001xf32, #tpu.memory_space<vmem>>)
      tpu.yield
    }) : () -> ()
    %mul3A_1 = arith.constant 100008 : i32
    %mul3A_2 = arith.muli %add3A, %mul3A_1 : i32
    "tpu.region"() ({
      %run_scoped3A = tpu.sem_alloc : memref<!tpu.dma_semaphore, #tpu.memory_space<semaphore_mem>>
      %dma_start3A = tpu.memref_slice %arg3[%mul3A_2] : memref<3200256xf32, #tpu.memory_space<hbm>> -> memref<100001xf32, #tpu.memory_space<hbm>>
      %dma_start3A_3 = tpu.memref_slice %arg3[%mul3A_2] : memref<3200256xf32, #tpu.memory_space<hbm>> -> memref<100001xf32, #tpu.memory_space<hbm>>
      tpu.enqueue_dma source(%arg4 : memref<100001xf32, #tpu.memory_space<vmem>>) target(%dma_start3A_3 : memref<100001xf32, #tpu.memory_space<hbm>>) target_semaphore(%run_scoped3A : memref<!tpu.dma_semaphore, #tpu.memory_space<semaphore_mem>>)
      %dma_wait3A = tpu.memref_slice %arg3[%mul3A_2] : memref<3200256xf32, #tpu.memory_space<hbm>> -> memref<100001xf32, #tpu.memory_space<hbm>>
      %dma_wait3A_4 = tpu.memref_slice %arg3[%mul3A_2] : memref<3200256xf32, #tpu.memory_space<hbm>> -> memref<100001xf32, #tpu.memory_space<hbm>>
      tpu.wait_dma2 semaphore(%run_scoped3A : memref<!tpu.dma_semaphore, #tpu.memory_space<semaphore_mem>>) src(%arg4 : memref<100001xf32, #tpu.memory_space<vmem>>) dst(%dma_wait3A_4 : memref<100001xf32, #tpu.memory_space<hbm>>)
      tpu.yield
    }) : () -> ()
    return
  }
}

module attributes {stable_mosaic.version = 14 : i64} {
  func.func @_tc_mlp_body(%arg0: i32, %arg1: memref<20x2048xi32, #tpu.memory_space<vmem>>, %arg2: memref<1x32x16x128xf32, #tpu.memory_space<vmem>>, %arg3: memref<1x32x16x128xf32, #tpu.memory_space<vmem>>, %arg4: memref<32x1xf32, #tpu.memory_space<vmem>>, %arg5: memref<64x64xf32, #tpu.memory_space<vmem>>, %arg6: memref<64x1xf32, #tpu.memory_space<vmem>>, %arg7: memref<64x32xf32, #tpu.memory_space<vmem>>, %arg8: memref<32x1xf32, #tpu.memory_space<vmem>>, %arg9: memref<32x2048xf32, #tpu.memory_space<vmem>>) attributes {dimension_semantics = [#tpu.dimension_semantics<arbitrary>], iteration_bounds = array<i64: 8>, scalar_prefetch = 0 : i64, scratch_operands = 0 : i64, tpu.core_type = #tpu.core_type<tc>, window_params = [{transform_indices = @transform_0, window_bounds = array<i64: 20, 2048>}, {transform_indices = @transform_1, window_bounds = array<i64: 1, 32, 16, 128>}, {transform_indices = @transform_2, window_bounds = array<i64: 1, 32, 16, 128>}, {pipeline_mode = #tpu.pipeline_mode<synchronous>, transform_indices = @transform_3, window_bounds = array<i64: 32, 1>}, {pipeline_mode = #tpu.pipeline_mode<synchronous>, transform_indices = @transform_4, window_bounds = array<i64: 64, 64>}, {pipeline_mode = #tpu.pipeline_mode<synchronous>, transform_indices = @transform_5, window_bounds = array<i64: 64, 1>}, {pipeline_mode = #tpu.pipeline_mode<synchronous>, transform_indices = @transform_6, window_bounds = array<i64: 64, 32>}, {pipeline_mode = #tpu.pipeline_mode<synchronous>, transform_indices = @transform_7, window_bounds = array<i64: 32, 1>}, {transform_indices = @transform_8, window_bounds = array<i64: 32, 2048>}]} {
    %get3A = arith.constant 0 : index
    %get3A_0 = arith.constant 0 : index
    %get3A_1 = arith.constant 0 : index
    %get3A_2 = arith.constant 0 : index
    %get3A_3 = vector.load %arg2[%get3A, %get3A_0, %get3A_1, %get3A_2] : memref<1x32x16x128xf32, #tpu.memory_space<vmem>>, vector<1x32x16x128xf32>
    %reshape3A = vector.shape_cast %get3A_3 : vector<1x32x16x128xf32> to vector<32x2048xf32>
    %get3A_4 = arith.constant 0 : index
    %get3A_5 = arith.constant 0 : index
    %get3A_6 = arith.constant 0 : index
    %get3A_7 = arith.constant 0 : index
    %get3A_8 = vector.load %arg3[%get3A_4, %get3A_5, %get3A_6, %get3A_7] : memref<1x32x16x128xf32, #tpu.memory_space<vmem>>, vector<1x32x16x128xf32>
    %reshape3A_9 = vector.shape_cast %get3A_8 : vector<1x32x16x128xf32> to vector<32x2048xf32>
    %get3A_10 = arith.constant 0 : index
    %get3A_11 = arith.constant 0 : index
    %get3A_12 = vector.load %arg1[%get3A_10, %get3A_11] : memref<20x2048xi32, #tpu.memory_space<vmem>>, vector<20x2048xi32>
    %ne3A = arith.constant 0 : i32
    %ne3A_13 = vector.broadcast %ne3A : i32 to vector<20x2048xi32>
    %ne3A_14 = arith.cmpi ne, %get3A_12, %ne3A_13 : vector<20x2048xi32>
    %convert_element_type3A = arith.extui %ne3A_14 : vector<20x2048xi1> to vector<20x2048xi32>
    %convert_element_type3A_15 = arith.sitofp %convert_element_type3A : vector<20x2048xi32> to vector<20x2048xf32>
    %reduce_sum3A = arith.constant dense<0.000000e+00> : vector<2048xf32>
    %reduce_sum3A_16 = vector.multi_reduction <add>, %convert_element_type3A_15, %reduce_sum3A [0] : vector<20x2048xf32> to vector<2048xf32>
    %broadcast_in_dim3A = vector.shape_cast %reduce_sum3A_16 : vector<2048xf32> to vector<1x2048xf32>
    %max3A = arith.constant 1.000000e+00 : f32
    %max3A_17 = vector.broadcast %max3A : f32 to vector<1x2048xf32>
    %max3A_18 = arith.maximumf %broadcast_in_dim3A, %max3A_17 : vector<1x2048xf32>
    %get3A_19 = arith.constant 0 : index
    %get3A_20 = arith.constant 0 : index
    %get3A_21 = vector.load %arg4[%get3A_19, %get3A_20] : memref<32x1xf32, #tpu.memory_space<vmem>>, vector<32x1xf32>
    %sub3A = arith.constant 2.000000e+01 : f32
    %sub3A_22 = vector.broadcast %sub3A : f32 to vector<1x2048xf32>
    %sub3A_23 = arith.subf %sub3A_22, %broadcast_in_dim3A : vector<1x2048xf32>
    %mul3A = vector.broadcast %get3A_21 : vector<32x1xf32> to vector<32x2048xf32>
    %mul3A_24 = vector.broadcast %sub3A_23 : vector<1x2048xf32> to vector<32x2048xf32>
    %mul3A_25 = arith.mulf %mul3A, %mul3A_24 : vector<32x2048xf32>
    %sub3A_26 = arith.subf %reshape3A_9, %mul3A_25 : vector<32x2048xf32>
    %div3A = vector.broadcast %max3A_18 : vector<1x2048xf32> to vector<32x2048xf32>
    %div3A_27 = arith.divf %sub3A_26, %div3A : vector<32x2048xf32>
    %get3A_28 = arith.constant 0 : index
    %get3A_29 = arith.constant 0 : index
    %get3A_30 = vector.load %arg5[%get3A_28, %get3A_29] : memref<64x64xf32, #tpu.memory_space<vmem>>, vector<64x64xf32>
    %slice3A = vector.extract_strided_slice %get3A_30 {offsets = [0, 0], sizes = [32, 64], strides = [1, 1]} : vector<64x64xf32> to vector<32x64xf32>
    %dot_general3A = arith.constant dense<0.000000e+00> : vector<64x2048xf32>
    %dot_general3A_31 = tpu.matmul %slice3A, %reshape3A, %dot_general3A {dimension_numbers = #tpu.dot_dimension_numbers<[0], [0], [1], [1], [0, 1, 1, 1], [], []>, transpose_lhs_hint = false} : vector<32x64xf32>, vector<32x2048xf32>, vector<64x2048xf32> -> vector<64x2048xf32>
    %slice3A_32 = vector.extract_strided_slice %get3A_30 {offsets = [32, 0], sizes = [32, 64], strides = [1, 1]} : vector<64x64xf32> to vector<32x64xf32>
    %dot_general3A_33 = arith.constant dense<0.000000e+00> : vector<64x2048xf32>
    %dot_general3A_34 = tpu.matmul %slice3A_32, %div3A_27, %dot_general3A_33 {dimension_numbers = #tpu.dot_dimension_numbers<[0], [0], [1], [1], [0, 1, 1, 1], [], []>, transpose_lhs_hint = false} : vector<32x64xf32>, vector<32x2048xf32>, vector<64x2048xf32> -> vector<64x2048xf32>
    %add3A = arith.addf %dot_general3A_31, %dot_general3A_34 : vector<64x2048xf32>
    %get3A_35 = arith.constant 0 : index
    %get3A_36 = arith.constant 0 : index
    %get3A_37 = vector.load %arg6[%get3A_35, %get3A_36] : memref<64x1xf32, #tpu.memory_space<vmem>>, vector<64x1xf32>
    %add3A_38 = vector.broadcast %get3A_37 : vector<64x1xf32> to vector<64x2048xf32>
    %add3A_39 = arith.addf %add3A, %add3A_38 : vector<64x2048xf32>
    %max3A_40 = arith.constant 0.000000e+00 : f32
    %max3A_41 = vector.broadcast %max3A_40 : f32 to vector<64x2048xf32>
    %max3A_42 = arith.maximumf %add3A_39, %max3A_41 : vector<64x2048xf32>
    %get3A_43 = arith.constant 0 : index
    %get3A_44 = arith.constant 0 : index
    %get3A_45 = vector.load %arg7[%get3A_43, %get3A_44] : memref<64x32xf32, #tpu.memory_space<vmem>>, vector<64x32xf32>
    %dot_general3A_46 = arith.constant dense<0.000000e+00> : vector<32x2048xf32>
    %dot_general3A_47 = tpu.matmul %get3A_45, %max3A_42, %dot_general3A_46 {dimension_numbers = #tpu.dot_dimension_numbers<[0], [0], [1], [1], [0, 1, 1, 1], [], []>, transpose_lhs_hint = false} : vector<64x32xf32>, vector<64x2048xf32>, vector<32x2048xf32> -> vector<32x2048xf32>
    %get3A_48 = arith.constant 0 : index
    %get3A_49 = arith.constant 0 : index
    %get3A_50 = vector.load %arg8[%get3A_48, %get3A_49] : memref<32x1xf32, #tpu.memory_space<vmem>>, vector<32x1xf32>
    %add3A_51 = vector.broadcast %get3A_50 : vector<32x1xf32> to vector<32x2048xf32>
    %add3A_52 = arith.addf %dot_general3A_47, %add3A_51 : vector<32x2048xf32>
    %swap3A = arith.constant 0 : index
    %swap3A_53 = arith.constant 0 : index
    %swap3A_54 = vector.load %arg9[%swap3A, %swap3A_53] : memref<32x2048xf32, #tpu.memory_space<vmem>>, vector<32x2048xf32>
    tpu.vector_store %arg9[%swap3A, %swap3A_53], %add3A_52 {strides = array<i32>} : memref<32x2048xf32, #tpu.memory_space<vmem>>, vector<32x2048xf32>,
    return
  }
  func.func @transform_0(%arg0: i32) -> (i32, i32) {
    %c0_i32 = arith.constant 0 : i32
    %c0_i32_0 = arith.constant 0 : i32
    return %c0_i32, %arg0 : i32, i32
  }
  func.func @transform_1(%arg0: i32) -> (i32, i32, i32, i32) {
    %c0_i32 = arith.constant 0 : i32
    %c0_i32_0 = arith.constant 0 : i32
    %c0_i32_1 = arith.constant 0 : i32
    %c0_i32_2 = arith.constant 0 : i32
    return %arg0, %c0_i32, %c0_i32_0, %c0_i32_1 : i32, i32, i32, i32
  }
  func.func @transform_2(%arg0: i32) -> (i32, i32, i32, i32) {
    %c0_i32 = arith.constant 0 : i32
    %c0_i32_0 = arith.constant 0 : i32
    %c0_i32_1 = arith.constant 0 : i32
    %c0_i32_2 = arith.constant 0 : i32
    return %arg0, %c0_i32, %c0_i32_0, %c0_i32_1 : i32, i32, i32, i32
  }
  func.func @transform_3(%arg0: i32) -> (i32, i32) {
    %c0_i32 = arith.constant 0 : i32
    %c0_i32_0 = arith.constant 0 : i32
    %c0_i32_1 = arith.constant 0 : i32
    return %c0_i32, %c0_i32_0 : i32, i32
  }
  func.func @transform_4(%arg0: i32) -> (i32, i32) {
    %c0_i32 = arith.constant 0 : i32
    %c0_i32_0 = arith.constant 0 : i32
    %c0_i32_1 = arith.constant 0 : i32
    return %c0_i32, %c0_i32_0 : i32, i32
  }
  func.func @transform_5(%arg0: i32) -> (i32, i32) {
    %c0_i32 = arith.constant 0 : i32
    %c0_i32_0 = arith.constant 0 : i32
    %c0_i32_1 = arith.constant 0 : i32
    return %c0_i32, %c0_i32_0 : i32, i32
  }
  func.func @transform_6(%arg0: i32) -> (i32, i32) {
    %c0_i32 = arith.constant 0 : i32
    %c0_i32_0 = arith.constant 0 : i32
    %c0_i32_1 = arith.constant 0 : i32
    return %c0_i32, %c0_i32_0 : i32, i32
  }
  func.func @transform_7(%arg0: i32) -> (i32, i32) {
    %c0_i32 = arith.constant 0 : i32
    %c0_i32_0 = arith.constant 0 : i32
    %c0_i32_1 = arith.constant 0 : i32
    return %c0_i32, %c0_i32_0 : i32, i32
  }
  func.func @transform_8(%arg0: i32) -> (i32, i32) {
    %c0_i32 = arith.constant 0 : i32
    %c0_i32_0 = arith.constant 0 : i32
    return %c0_i32, %arg0 : i32, i32
  }
}

</mosaic_0001>

<sc_bundles>
// kernel: kernel.5.cloned.1.call-start
scs
__scs_entry_jumppad:
0x0: {  	(pc) =	sbr.rel $0x88, $3  }
0x1: {  	(tag) =	ssettag $0x0;
	lr =	simm.s32 $0x1  }
0x2: {  	[smem:$0x3F99] =	sst lr;
	_ =	strace $0xD0000000  }
0x3: {  	_ = 	snop  }
0x4: {  	_ = 	snop  }
0x5: {  	_ = 	snop  }
0x6: {  	_ = 	snop  }
0x7: {  	_ = 	snop  }
__scs_overlays_trampoline_lowered:
0x8: {  	[smem:$0x3FA8] =	sst s0  }
0x9: {  	[smem:$0x3FA9] =	sst s1  }
0xa: {  	[smem:$0x3FAA] =	sst s2  }
0xb: {  	[smem:$0x3FAB] =	sst s3  }
0xc: {  	[smem:$0x3FAC] =	sst s4  }
0xd: {  	[smem:$0x3FAD] =	sst s5  }
0xe: {  	[smem:$0x3FAE] =	sst s6  }
0xf: {  	[smem:$0x3FAF] =	sst s7  }
0x10: {  	[smem:$0x3FB0] =	sst s8  }
0x11: {  	[smem:$0x3FB1] =	sst s9;
	s0 =	simm.s32 @!p0 $0x0  }
0x12: {  	s1 =	sld [smem:$0x3F97];
	s0 =	simm.s32 @p0 $0x1  }
0x13: {  	[smem:$0x3FB2] =	sst s0;
	s0 =	simm.s32 @!p1 $0x0  }
0x14: {  	s2 =	sld [smem:$0x3F96];
	s0 =	simm.s32 @p1 $0x1  }
0x15: {  	[smem:$0x3FB3] =	sst s0;
	s0 =	simm.s32 @!p2 $0x0  }
0x16: {  	s3 =	sld [smem:$0x3FDB];
	s0 =	simm.s32 @p2 $0x1  }
0x17: {  	s4 =	simm.s32 $0x1BF5;
	[smem:$0x3FB5] =	sst s0  }
0x18: {  	s0 =	sld [smem:$0x3F98];
	_ =	swait.ge [sflag:s4], $0x0  }
0x19: {  	s7 =	sld [smem:$0x3F99]  }
0x1a: {  	s8 =	sadd.s32 $0xFFFFE003, lr  }
0x1b: {  	s9 =	sadd.s32 $0xFFFFFEF7, lr;
	s5 =	simm.s32 $0xFFFFFFFF;
	p2 =	slt.u32 s8, $0xFFFFF086  }
0x1c: {  	p1 =	slt.u32 s9, $0xF7A;
	s5 =	simm.s32 @!p2 $0x0  }
0x1d: {  	s5 =	simm.s32 @p1 $0x1;
	p0 =	seq.s32 s7, s2  }
0x1e: {  	s7 =	smul.u32 @!p0 $0xF7A, s2;
	p2 =	seq.s32 @!p0 s5, $0x0  }
0x1f: {  	s9 =	smul.u32 $0xF7A, s1;
	s8 =	simm.s32 @!p0 $0x1BF5;
	p2 =	por !p2, p0  }
0x20: {  	[sflag:s8] =	ssyncset.s32 @!p0 $0xFFFFF086;
	s6 =	sadd.s32 @!p0 s3, s7;
	s7 =	simm.s32 @!p0 $0x108  }
0x21: {  	s3 =	sadd.s32 s3, s9;
	s6 =	sadd.s32 @!p0 $0x88, s6;
	s7 =	simm.s32 @p2 $0x1082  }
0x22: {  	[simem:s7], [sflag:s8] =	dma.local @!p0 [hbm:s6], $0xF7A  }
0x23: {  	s9 =	sor.u32 $0xD0000000, s2;
	s6 =	simm.s32 $0x108;
	_ =	swait.ge @!p0 [sflag:s8], $0x0  }
0x24: {  	s3 =	sadd.s32 $0x88, s3;
	s6 =	simm.s32 @!p1 $0x1082;
	[sflag:s4] =	ssyncset.s32 $0xFFFFF086  }
0x25: {  	[simem:s6], [sflag:s4] =	dma.local [hbm:s3], $0xF7A  }
0x26: {  	[smem:$0x3F99] =	sst s1;
	(tag) =	ssettag s2;
	_ =	strace s9  }
0x27: {  	s1 =	sld [smem:$0x3FA9]  }
0x28: {  	s2 =	sld [smem:$0x3FAA]  }
0x29: {  	s4 =	sld [smem:$0x3FAC]  }
0x2a: {  	p0 =	seq.s32 s5, $0x0;
	s5 =	sld [smem:$0x3FAD]  }
0x2b: {  	s6 =	sld [smem:$0x3FAE]  }
0x2c: {  	s7 =	sld [smem:$0x3FAF]  }
0x2d: {  	s3 =	simm.s32 $0x108;
	s8 =	sld [smem:$0x3FB0]  }
0x2e: {  	s3 =	simm.s32 @!p0 $0x1082;
	s9 =	sld [smem:$0x3FB1]  }
0x2f: {  	lr =	sadd.s32 s0, s3;
	s0 =	sld [smem:$0x3FA8]  }
0x30: {  	s3 =	sld [smem:$0x3FAB]  }
0x31: {  	[smem:$0x3FB4] =	sst s10  }
0x32: {  	s10 =	sld [smem:$0x3FB2];
	_ =	sdelay $0x3  }
0x33: {  	p0 =	seq.s32 s10, $0x1;
	s10 =	sld [smem:$0x3FB4];
	_ =	sdelay $0x3  }
0x34: {  	[smem:$0x3FB4] =	sst s10  }
0x35: {  	s10 =	sld [smem:$0x3FB3];
	_ =	sdelay $0x3  }
0x36: {  	p1 =	seq.s32 s10, $0x1;
	s10 =	sld [smem:$0x3FB4];
	_ =	sdelay $0x3  }
0x37: {  	[smem:$0x3FB4] =	sst s10  }
0x38: {  	s10 =	sld [smem:$0x3FB5]  }
0x39: {  	_ = 	snop;
	(pc) =	sbr.ind lr, $3  }
0x3a: {  	_ = 	snop  }
0x3b: {  	_ = 	snop  }
0x3c: {  	p2 =	seq.s32 s10, $0x1;
	s10 =	sld [smem:$0x3FB4]  }
0x3d: {  	_ =	shalt  }
0x3e: {  	_ =	shalt  }
0x3f: {  	_ =	shalt  }
0x40: {  	_ =	shalt  }
0x41: {  	_ =	shalt  }
0x42: {  	_ =	shalt  }
0x43: {  	_ =	shalt  }
0x44: {  	_ =	shalt  }
0x45: {  	_ =	shalt  }
0x46: {  	_ =	shalt  }
0x47: {  	_ =	shalt  }
0x48: {  	_ =	shalt  }
0x49: {  	_ =	shalt  }
0x4a: {  	_ =	shalt  }
0x4b: {  	_ =	shalt  }
0x4c: {  	_ =	shalt  }
0x4d: {  	_ =	shalt  }
0x4e: {  	_ =	shalt  }
0x4f: {  	_ =	shalt  }
0x50: {  	_ =	shalt  }
0x51: {  	_ =	shalt  }
0x52: {  	_ =	shalt  }
0x53: {  	_ =	shalt  }
0x54: {  	_ =	shalt  }
0x55: {  	_ =	shalt  }
0x56: {  	_ =	shalt  }
0x57: {  	_ =	shalt  }
0x58: {  	_ =	shalt  }
0x59: {  	_ =	shalt  }
0x5a: {  	_ =	shalt  }
0x5b: {  	_ =	shalt  }
0x5c: {  	_ =	shalt  }
0x5d: {  	_ =	shalt  }
0x5e: {  	_ =	shalt  }
0x5f: {  	_ =	shalt  }
0x60: {  	_ =	shalt  }
0x61: {  	_ =	shalt  }
0x62: {  	_ =	shalt  }
0x63: {  	_ =	shalt  }
0x64: {  	_ =	shalt  }
0x65: {  	_ =	shalt  }
0x66: {  	_ =	shalt  }
0x67: {  	_ =	shalt  }
0x68: {  	_ =	shalt  }
0x69: {  	_ =	shalt  }
0x6a: {  	_ =	shalt  }
0x6b: {  	_ =	shalt  }
0x6c: {  	_ =	shalt  }
0x6d: {  	_ =	shalt  }
0x6e: {  	_ =	shalt  }
0x6f: {  	_ =	shalt  }
0x70: {  	_ =	shalt  }
0x71: {  	_ =	shalt  }
0x72: {  	_ =	shalt  }
0x73: {  	_ =	shalt  }
0x74: {  	_ =	shalt  }
0x75: {  	_ =	shalt  }
0x76: {  	_ =	shalt  }
0x77: {  	_ =	shalt  }
0x78: {  	_ =	shalt  }
0x79: {  	_ =	shalt  }
0x7a: {  	_ =	shalt  }
0x7b: {  	_ =	shalt  }
0x7c: {  	_ =	shalt  }
0x7d: {  	_ =	shalt  }
0x7e: {  	_ =	shalt  }
0x7f: {  	_ =	shalt  }
0x80: {  	_ =	shalt  }
0x81: {  	_ =	shalt  }
0x82: {  	_ =	shalt  }
0x83: {  	_ =	shalt  }
0x84: {  	_ =	shalt  }
0x85: {  	_ =	shalt  }
0x86: {  	_ =	shalt  }
0x87: {  	_ =	shalt  }
.Lfunc_end0:
.L_simem_size_0:
called_computation_lowered:
.L_overlay_start_0:
0x88: {  	s2 =	sld [smem:$0x3FD9]  }
0x89: {  	s3 =	sld [smem:$0x3FFE];
	_ =	sdelay $0x1  }
0x8a: {  	s1 =	srdreg.scid  }
0x8b: {  	s0 =	sand.u32 $0x1, s1  }
0x8c: {  	s17 =	sshll.u32 s0, $0xA;
	s2 =	sadd.s32 s3, s2  }
0x8d: {  	s2 =	sadd.s32 s2, s17  }
0x8e: {  	[smem:$0x3FC0] =	sst s2  }
0x8f: {  	_ = 	snop  }
0x90: {  	s2 =	sld [smem:$0x3FC7];
	(tm) =	ssettm $0x1  }
0x91: {  	s18 =	sld [smem:$0x3FFB];
	_ =	sdelay $0x3  }
0x92: {  	_ =	strace s18  }
0x93: {  	s3 =	sld [smem:$0x3FFC];
	_ =	sdelay $0x3  }
0x94: {  	_ =	strace s3  }
0x95: {  	s3 =	sld [smem:$0x3FFD];
	_ =	sdelay $0x3  }
0x96: {  	_ =	strace s3  }
0x97: {  	_ =	strace $0x8FFFFFFF  }
0x98: {  	s19 =	sld [smem:$0x3FDB];
	_ =	sdelay $0x1  }
0x99: {  	s4 =	simm.s32 $_scs_section_size  }
0x9a: {  	s5 =	simm.s32 $_size__tile_overlayer_lowered;
	s6 =	simm.s32 $_tile_overlayer_lowered  }
0x9b: {  	s22 =	simm.s32 $0x1BFF;
	s21 =	sshll.u32 s6, $0x1;
	s3 =	sadd.s32 s4, s19  }
0x9c: {  	s7 =	simm.s32 $0x0;
	s20 =	sshll.u32 s5, $0x1;
	s5 =	sadd.s32 s21, s3  }
0x9d: {  	[timem:s7], [sflag:s22] =	dma.local [hbm:s5], s20  }
0x9e: {  	_ =	swait.ge [sflag:s22], s20  }
0x9f: {  	s4 =	ssub.s32 $0x0, s20;
	[sflag:s22] =	ssyncset.done $0x0  }
0xa0: {  	[sflag:s22] =	ssyncadd.s32 s4;
	_ =	sdelay $0x1  }
0xa1: {  	s23 =	simm.s32 $0x1B8B  }
0xa2: {  	_ =	swait.ge [sflag:s23], $0x1  }
0xa3: {  	[sflag:s23] =	ssyncset.done $0x0  }
0xa4: {  	s25 =	simm.s32 $0x1B8E;
	s24 =	sld [smem:$0x3FFE];
	[sflag:s23] =	ssyncadd.s32 $0xFFFFFFFF  }
0xa5: {  	s26 =	simm.s32 $execute0_lowered;
	[smem:$0x3FD2] =	sst s25  }
0xa6: {  	s5 =	sshll.u32 s26, $0x1;
	_ =	strace $0x80000046;
	[dreg:$0x1] =	wrdreg $0xFFFFFFFF  }
0xa7: {  	s28 =	simm.s32 $_size_execute0_lowered;
	s3 =	sadd.s32 s3, s5;
	[dreg:$0x0] =	wrdreg $0x0  }
0xa8: {  	s5 =	sshll.u32 s28, $0x1;
	[dreg:$0x2] =	wrdreg s3  }
0xa9: {  	[dreg:$0x3] =	wrdreg s5  }
0xaa: {  	[dreg:$0x4] =	wrdreg $0xC0  }
0xab: {  	_ =	task [dreg:s7], $0x5FFFF  }
0xac: {  	[dreg:$0x1] =	wrdreg $0xFFFFFFFF  }
0xad: {  	[dreg:$0x0] =	wrdreg $0x60  }
0xae: {  	[dreg:$0x2] =	wrdreg s2  }
0xaf: {  	[dreg:$0x3] =	wrdreg s24  }
0xb0: {  	[dreg:$0x4] =	wrdreg $0x9  }
0xb1: {  	_ =	task.clear_ibuf [dreg:s7], $0x5FFFF;
	_ =	strace $0x90000046  }
0xb2: {  	s29 =	simm.s32 $0x9;
	_ =	strace $0x80000048  }
0xb3: {  	_ =	swait.ge [sflag:s29], $0x1  }
0xb4: {  	[sflag:s29] =	ssyncadd.s32 $0xFFFFFFFF  }
0xb5: {  	_ =	strace $0x90000048  }
0xb6: {  	_ =	sfence  }
0xb7: {  	s30 =	sld [smem:$0x0];
	_ =	sdelay $0x2  }
0xb8: {  	s31 =	sshll.u32 s1, $0xD;
	s1 =	sshrl.u32 s1, $0x2  }
0xb9: {  	s3 =	sand.u32 $0x4000, s31;
	s1 =	sadd.s32 s1, s30  }
0xba: {  	s0 =	sor.u32 s3, s0;
	s1 =	sshll.u32 s1, $0x11  }
0xbb: {  	s0 =	sor.u32 s1, s0  }
0xbc: {  	s0 =	sadd.s32 $0x8F2B, s0  }
0xbd: {  	[sflag:s0] =	ssyncadd.remote.s32 $0x1  }
0xbe: {  	_ =	sfence.sel $0xFFFF  }
0xbf: {  	[dreg:$0x0] =	wrdreg $0xFFFFFFFF;
	(pc) =	sbr.abs _section_cstart, $3  }
0xc0: {  	[dreg:$0x1] =	wrdreg $0xFFFFFFFF  }
0xc1: {  	_ =	task.clear_ibuf [dreg:s7], $0x2FFFF;
	_ =	strace $0x9FFFFFFF  }
0xc2: {  	(tm) =	ssettm $0x7FFFFFFF  }
0xc3: {  	_ =	shalt  }
tec
execute0_lowered:
.L_overlay_start_1:
0x0: {  	(tag) =	ssettag $0x1  }
0x1: {  	s1 =	srdreg.scid;
	s4 =	rddreg [dreg:$0x0]  }
0x2: {  	s0 =	stileid.u32;
	s7 =	rddreg [dreg:$0x1];
	s2 =	simm.s32 $0x0  }
0x3: {  	s3 =	sand.u32 $0x1, s1;
	s28 =	sshll.u32 s0, $0x1;
	s1 =	rddreg [dreg:$0x2]  }
0x4: {  	s29 =	sshrl.u32 s0, $0x2;
	[smem:$0x7FF] =	sst s2;
	s5 =	sor.u32 s3, s28  }
0x5: {  	s6 =	smul.u32 $0xC3800, s29;
	s9 =	ssub.s32 $0x2, s3;
	s8 =	sshll.u32 s5, $0x7  }
0x6: {  	_ =	strace $0x80000047;
	s10 =	sshrl.u32 s9, $0x1;
	s8 =	sand.u32 $0x380, s8  }
0x7: {  	s30 =	smul.u32 $0x30D5, s5;
	s31 =	ssub.s32 s9, s10;
	s6 =	sor.u32 s6, s8  }
0x8: {  	s5 =	simm.s32 $0x1;
	s8 =	smax.u32 s31, $0x1;
	s6 =	sshrl.u32 s6, $0x3  }
0x9: {  	s3 =	sadd.s32 s4, s6;
	s4 =	simm.s32 $0x80;
	s6 =	simm.s32 $0x400  }
0xa: {  	[tilespmem:s2], [sflag:$0x1] =	stream.strided.gather [hbm4b:s3+s4], $0x18700, s6, s4, $0x38;
	[tilespmem:$0x18700] =	vst v63  }
0xb: {  	p0 =	sne.s32 s8, $0x1;
	_ =	swait.ge [sflag:s5], $0x18700  }
.Ltmp0:
0xc: {  	s7 =	sadd.s32 s30, s7;
	[sflag:s5] =	ssyncset.done $0x0;
	(pc) =	sbr.rel @!p0 .LBB2_2-.Ltmp0, $4  }
0xd: {  	s7 =	sadd.s32 $0x1C00, s7;
	[sflag:s5] =	ssyncadd.s32 $0xFFFE7900  }
0xe: {  	[hbm4b:s7+s2] =	stream.linear.scatter [tilespmem:s2], [sflag:$0x1], $0x186A1, $0x38;
	[tilespmem:$0x18700] =	vst v63  }
0xf: {  	_ =	swait.ge [sflag:s5], $0x186A1  }
0x10: {  	s8 =	sadd.s32 $0xFFFFFFFF, s8;
	[sflag:s5] =	ssyncset.done $0x0  }
.LBB2_1:
0x11: {  	p0 =	sne.s32 s8, $0x1;
	s8 =	sadd.s32 $0xFFFFFFFF, s8;
	[sflag:s5] =	ssyncadd.s32 $0xFFFE795F  }
0x12: {  	[tilespmem:s2], [sflag:$0x1] =	stream.strided.gather [hbm4b:s3+s4], $0x18700, s6, s4, $0x38;
	[tilespmem:$0x18700] =	vst v63  }
0x13: {  	_ =	swait.ge [sflag:s5], $0x18700  }
.Ltmp1:
0x14: {  	[sflag:s5] =	ssyncset.done $0x0;
	(pc) =	sbr.rel @p0 .LBB2_1-.Ltmp1, $4  }
0x15: {  	[sflag:s5] =	ssyncadd.s32 $0xFFFE7900  }
0x16: {  	[hbm4b:s7+s2] =	stream.linear.scatter [tilespmem:s2], [sflag:$0x1], $0x186A1, $0x38;
	[tilespmem:$0x18700] =	vst v63  }
0x17: {  	_ =	swait.ge [sflag:s5], $0x186A1  }
0x18: {  	[sflag:s5] =	ssyncset.done $0x0  }
.LBB2_2:
0x19: {  	[sflag:s5] =	ssyncadd.s32 $0xFFFE795F  }
0x1a: {  	_ =	sfence.sel $0x180000  }
0x1b: {  	[bflag:$0x0] =	sbarrier.arrive $0xFFFF  }
0x1c: {  	p0 =	sne.s32 s0, $0x0;
	_ =	strace $0x90000047  }
0x1d: {  	s0 =	sadd.s32 @!p0 $0x100000, s1;
	[bflag:$0x2] =	sbarrier.arrive $0xFFFF  }
0x1e: {  	[sflag:s0] =	ssyncadd.tile.s32 @!p0 $0x1;
	_ =	shalt  }
.Lfunc_end2:
_tile_overlayer_lowered:
.L_overlay_start_2:
0x1f: {  	(tag) =	ssettag $0x2  }
0x20: {  	s0 =	rddreg [dreg:$0x0];
	s2 =	stileid.u32  }
0x21: {  	s1 =	rddreg [dreg:$0x1];
	p0 =	sne.s32 s2, $0x0  }
0x22: {  	s3 =	rddreg [dreg:$0x2];
	[bflag:$0x3] =	sbarrier.arrive $0xFFFF;
	s2 =	simm.s32 @!p0 $0x1C01  }
0x23: {  	[timem:s3], [sflag:s2] =	dma.local @!p0 [hbm:s0], s1  }
0x24: {  	s0 =	simm.s32 @!p0 $0x1  }
0x25: {  	_ =	swait.ge @!p0 [sflag:s0], s1  }
0x26: {  	s1 =	ssub.s32 @!p0 $0x0, s1;
	[sflag:s0] =	ssyncset.done @!p0 $0x0  }
0x27: {  	[sflag:s0] =	ssyncadd.s32 @!p0 s1  }
0x28: {  	[bflag:$0x3] =	sbarrier.arrive $0xFFFF  }
0x29: {  	_ =	shalt  }

// kernel: kernel.8.cloned.1.call-start
scs
__scs_entry_jumppad:
0x0: {  	(pc) =	sbr.rel $0x88, $3  }
0x1: {  	(tag) =	ssettag $0x0;
	lr =	simm.s32 $0x1  }
0x2: {  	[smem:$0x3F99] =	sst lr;
	_ =	strace $0xD0000000  }
0x3: {  	_ = 	snop  }
0x4: {  	_ = 	snop  }
0x5: {  	_ = 	snop  }
0x6: {  	_ = 	snop  }
0x7: {  	_ = 	snop  }
__scs_overlays_trampoline_lowered:
0x8: {  	[smem:$0x3FA8] =	sst s0  }
0x9: {  	[smem:$0x3FA9] =	sst s1  }
0xa: {  	[smem:$0x3FAA] =	sst s2  }
0xb: {  	[smem:$0x3FAB] =	sst s3  }
0xc: {  	[smem:$0x3FAC] =	sst s4  }
0xd: {  	[smem:$0x3FAD] =	sst s5  }
0xe: {  	[smem:$0x3FAE] =	sst s6  }
0xf: {  	[smem:$0x3FAF] =	sst s7  }
0x10: {  	[smem:$0x3FB0] =	sst s8  }
0x11: {  	[smem:$0x3FB1] =	sst s9;
	s0 =	simm.s32 @!p0 $0x0  }
0x12: {  	s1 =	sld [smem:$0x3F97];
	s0 =	simm.s32 @p0 $0x1  }
0x13: {  	[smem:$0x3FB2] =	sst s0;
	s0 =	simm.s32 @!p1 $0x0  }
0x14: {  	s2 =	sld [smem:$0x3F96];
	s0 =	simm.s32 @p1 $0x1  }
0x15: {  	[smem:$0x3FB3] =	sst s0;
	s0 =	simm.s32 @!p2 $0x0  }
0x16: {  	s3 =	sld [smem:$0x3FDB];
	s0 =	simm.s32 @p2 $0x1  }
0x17: {  	s4 =	simm.s32 $0x1BF5;
	[smem:$0x3FB5] =	sst s0  }
0x18: {  	s0 =	sld [smem:$0x3F98];
	_ =	swait.ge [sflag:s4], $0x0  }
0x19: {  	s7 =	sld [smem:$0x3F99]  }
0x1a: {  	s8 =	sadd.s32 $0xFFFFE003, lr  }
0x1b: {  	s9 =	sadd.s32 $0xFFFFFEF7, lr;
	s5 =	simm.s32 $0xFFFFFFFF;
	p2 =	slt.u32 s8, $0xFFFFF086  }
0x1c: {  	p1 =	slt.u32 s9, $0xF7A;
	s5 =	simm.s32 @!p2 $0x0  }
0x1d: {  	s5 =	simm.s32 @p1 $0x1;
	p0 =	seq.s32 s7, s2  }
0x1e: {  	s7 =	smul.u32 @!p0 $0xF7A, s2;
	p2 =	seq.s32 @!p0 s5, $0x0  }
0x1f: {  	s9 =	smul.u32 $0xF7A, s1;
	s8 =	simm.s32 @!p0 $0x1BF5;
	p2 =	por !p2, p0  }
0x20: {  	[sflag:s8] =	ssyncset.s32 @!p0 $0xFFFFF086;
	s6 =	sadd.s32 @!p0 s3, s7;
	s7 =	simm.s32 @!p0 $0x108  }
0x21: {  	s3 =	sadd.s32 s3, s9;
	s6 =	sadd.s32 @!p0 $0x88, s6;
	s7 =	simm.s32 @p2 $0x1082  }
0x22: {  	[simem:s7], [sflag:s8] =	dma.local @!p0 [hbm:s6], $0xF7A  }
0x23: {  	s9 =	sor.u32 $0xD0000000, s2;
	s6 =	simm.s32 $0x108;
	_ =	swait.ge @!p0 [sflag:s8], $0x0  }
0x24: {  	s3 =	sadd.s32 $0x88, s3;
	s6 =	simm.s32 @!p1 $0x1082;
	[sflag:s4] =	ssyncset.s32 $0xFFFFF086  }
0x25: {  	[simem:s6], [sflag:s4] =	dma.local [hbm:s3], $0xF7A  }
0x26: {  	[smem:$0x3F99] =	sst s1;
	(tag) =	ssettag s2;
	_ =	strace s9  }
0x27: {  	s1 =	sld [smem:$0x3FA9]  }
0x28: {  	s2 =	sld [smem:$0x3FAA]  }
0x29: {  	s4 =	sld [smem:$0x3FAC]  }
0x2a: {  	p0 =	seq.s32 s5, $0x0;
	s5 =	sld [smem:$0x3FAD]  }
0x2b: {  	s6 =	sld [smem:$0x3FAE]  }
0x2c: {  	s7 =	sld [smem:$0x3FAF]  }
0x2d: {  	s3 =	simm.s32 $0x108;
	s8 =	sld [smem:$0x3FB0]  }
0x2e: {  	s3 =	simm.s32 @!p0 $0x1082;
	s9 =	sld [smem:$0x3FB1]  }
0x2f: {  	lr =	sadd.s32 s0, s3;
	s0 =	sld [smem:$0x3FA8]  }
0x30: {  	s3 =	sld [smem:$0x3FAB]  }
0x31: {  	[smem:$0x3FB4] =	sst s10  }
0x32: {  	s10 =	sld [smem:$0x3FB2];
	_ =	sdelay $0x3  }
0x33: {  	p0 =	seq.s32 s10, $0x1;
	s10 =	sld [smem:$0x3FB4];
	_ =	sdelay $0x3  }
0x34: {  	[smem:$0x3FB4] =	sst s10  }
0x35: {  	s10 =	sld [smem:$0x3FB3];
	_ =	sdelay $0x3  }
0x36: {  	p1 =	seq.s32 s10, $0x1;
	s10 =	sld [smem:$0x3FB4];
	_ =	sdelay $0x3  }
0x37: {  	[smem:$0x3FB4] =	sst s10  }
0x38: {  	s10 =	sld [smem:$0x3FB5]  }
0x39: {  	_ = 	snop;
	(pc) =	sbr.ind lr, $3  }
0x3a: {  	_ = 	snop  }
0x3b: {  	_ = 	snop  }
0x3c: {  	p2 =	seq.s32 s10, $0x1;
	s10 =	sld [smem:$0x3FB4]  }
0x3d: {  	_ =	shalt  }
0x3e: {  	_ =	shalt  }
0x3f: {  	_ =	shalt  }
0x40: {  	_ =	shalt  }
0x41: {  	_ =	shalt  }
0x42: {  	_ =	shalt  }
0x43: {  	_ =	shalt  }
0x44: {  	_ =	shalt  }
0x45: {  	_ =	shalt  }
0x46: {  	_ =	shalt  }
0x47: {  	_ =	shalt  }
0x48: {  	_ =	shalt  }
0x49: {  	_ =	shalt  }
0x4a: {  	_ =	shalt  }
0x4b: {  	_ =	shalt  }
0x4c: {  	_ =	shalt  }
0x4d: {  	_ =	shalt  }
0x4e: {  	_ =	shalt  }
0x4f: {  	_ =	shalt  }
0x50: {  	_ =	shalt  }
0x51: {  	_ =	shalt  }
0x52: {  	_ =	shalt  }
0x53: {  	_ =	shalt  }
0x54: {  	_ =	shalt  }
0x55: {  	_ =	shalt  }
0x56: {  	_ =	shalt  }
0x57: {  	_ =	shalt  }
0x58: {  	_ =	shalt  }
0x59: {  	_ =	shalt  }
0x5a: {  	_ =	shalt  }
0x5b: {  	_ =	shalt  }
0x5c: {  	_ =	shalt  }
0x5d: {  	_ =	shalt  }
0x5e: {  	_ =	shalt  }
0x5f: {  	_ =	shalt  }
0x60: {  	_ =	shalt  }
0x61: {  	_ =	shalt  }
0x62: {  	_ =	shalt  }
0x63: {  	_ =	shalt  }
0x64: {  	_ =	shalt  }
0x65: {  	_ =	shalt  }
0x66: {  	_ =	shalt  }
0x67: {  	_ =	shalt  }
0x68: {  	_ =	shalt  }
0x69: {  	_ =	shalt  }
0x6a: {  	_ =	shalt  }
0x6b: {  	_ =	shalt  }
0x6c: {  	_ =	shalt  }
0x6d: {  	_ =	shalt  }
0x6e: {  	_ =	shalt  }
0x6f: {  	_ =	shalt  }
0x70: {  	_ =	shalt  }
0x71: {  	_ =	shalt  }
0x72: {  	_ =	shalt  }
0x73: {  	_ =	shalt  }
0x74: {  	_ =	shalt  }
0x75: {  	_ =	shalt  }
0x76: {  	_ =	shalt  }
0x77: {  	_ =	shalt  }
0x78: {  	_ =	shalt  }
0x79: {  	_ =	shalt  }
0x7a: {  	_ =	shalt  }
0x7b: {  	_ =	shalt  }
0x7c: {  	_ =	shalt  }
0x7d: {  	_ =	shalt  }
0x7e: {  	_ =	shalt  }
0x7f: {  	_ =	shalt  }
0x80: {  	_ =	shalt  }
0x81: {  	_ =	shalt  }
0x82: {  	_ =	shalt  }
0x83: {  	_ =	shalt  }
0x84: {  	_ =	shalt  }
0x85: {  	_ =	shalt  }
0x86: {  	_ =	shalt  }
0x87: {  	_ =	shalt  }
.Lfunc_end0:
.L_simem_size_0:
called_computation.1_lowered:
.L_overlay_start_0:
0x88: {  	s2 =	sld [smem:$0x3FD9]  }
0x89: {  	s3 =	sld [smem:$0x3FFE];
	_ =	sdelay $0x1  }
0x8a: {  	s1 =	srdreg.scid  }
0x8b: {  	s0 =	sand.u32 $0x1, s1  }
0x8c: {  	s17 =	sshll.u32 s0, $0xA;
	s2 =	sadd.s32 s3, s2  }
0x8d: {  	s2 =	sadd.s32 s2, s17  }
0x8e: {  	[smem:$0x3FC0] =	sst s2  }
0x8f: {  	_ = 	snop  }
0x90: {  	s2 =	sld [smem:$0x3FC9]  }
0x91: {  	s18 =	sld [smem:$0x3FD0];
	(tm) =	ssettm $0x1  }
0x92: {  	s4 =	sld [smem:$0x3FFB];
	_ =	sdelay $0x3  }
0x93: {  	_ =	strace s4  }
0x94: {  	s4 =	sld [smem:$0x3FFC];
	_ =	sdelay $0x3  }
0x95: {  	_ =	strace s4  }
0x96: {  	s4 =	sld [smem:$0x3FFD];
	_ =	sdelay $0x3  }
0x97: {  	_ =	strace s4  }
0x98: {  	_ =	strace $0x8FFFFFFF  }
0x99: {  	s19 =	sld [smem:$0x3FDB];
	_ =	sdelay $0x1  }
0x9a: {  	s5 =	simm.s32 $_scs_section_size  }
0x9b: {  	s6 =	simm.s32 $_size__tile_overlayer_lowered;
	s7 =	simm.s32 $_tile_overlayer_lowered  }
0x9c: {  	s22 =	simm.s32 $0x1BFF;
	s21 =	sshll.u32 s7, $0x1;
	s4 =	sadd.s32 s5, s19  }
0x9d: {  	s8 =	simm.s32 $0x0;
	s20 =	sshll.u32 s6, $0x1;
	s6 =	sadd.s32 s21, s4  }
0x9e: {  	[timem:s8], [sflag:s22] =	dma.local [hbm:s6], s20  }
0x9f: {  	_ =	swait.ge [sflag:s22], s20  }
0xa0: {  	s5 =	ssub.s32 $0x0, s20;
	[sflag:s22] =	ssyncset.done $0x0  }
0xa1: {  	[sflag:s22] =	ssyncadd.s32 s5;
	_ =	sdelay $0x1  }
0xa2: {  	s23 =	simm.s32 $0x1B8B  }
0xa3: {  	_ =	swait.ge [sflag:s23], $0x1  }
0xa4: {  	[sflag:s23] =	ssyncset.done $0x0  }
0xa5: {  	s25 =	simm.s32 $0x1B8E;
	s24 =	sld [smem:$0x3FFE];
	[sflag:s23] =	ssyncadd.s32 $0xFFFFFFFF  }
0xa6: {  	s26 =	simm.s32 $execute0_lowered;
	[smem:$0x3FD2] =	sst s25  }
0xa7: {  	s6 =	sshll.u32 s26, $0x1;
	_ =	strace $0x80000049;
	[dreg:$0x1] =	wrdreg $0xFFFFFFFF  }
0xa8: {  	s28 =	simm.s32 $_size_execute0_lowered;
	s4 =	sadd.s32 s4, s6;
	[dreg:$0x0] =	wrdreg $0x0  }
0xa9: {  	s6 =	sshll.u32 s28, $0x1;
	[dreg:$0x2] =	wrdreg s4  }
0xaa: {  	[dreg:$0x3] =	wrdreg s6  }
0xab: {  	[dreg:$0x4] =	wrdreg $0xC0  }
0xac: {  	_ =	task [dreg:s8], $0x5FFFF  }
0xad: {  	[dreg:$0x1] =	wrdreg $0xFFFFFFFF  }
0xae: {  	[dreg:$0x0] =	wrdreg $0x60  }
0xaf: {  	[dreg:$0x2] =	wrdreg s24  }
0xb0: {  	[dreg:$0x3] =	wrdreg s2  }
0xb1: {  	[dreg:$0x4] =	wrdreg s18  }
0xb2: {  	[dreg:$0x5] =	wrdreg $0x9  }
0xb3: {  	_ =	task.clear_ibuf [dreg:s8], $0x6FFFF;
	_ =	strace $0x90000049  }
0xb4: {  	s29 =	simm.s32 $0x9;
	_ =	strace $0x8000004B  }
0xb5: {  	_ =	swait.ge [sflag:s29], $0x1  }
0xb6: {  	[sflag:s29] =	ssyncadd.s32 $0xFFFFFFFF  }
0xb7: {  	_ =	strace $0x9000004B  }
0xb8: {  	_ =	sfence  }
0xb9: {  	s30 =	sld [smem:$0x0];
	_ =	sdelay $0x2  }
0xba: {  	s31 =	sshll.u32 s1, $0xD;
	s1 =	sshrl.u32 s1, $0x2  }
0xbb: {  	s3 =	sand.u32 $0x4000, s31;
	s1 =	sadd.s32 s1, s30  }
0xbc: {  	s0 =	sor.u32 s3, s0;
	s1 =	sshll.u32 s1, $0x11  }
0xbd: {  	s0 =	sor.u32 s1, s0  }
0xbe: {  	s0 =	sadd.s32 $0x8F2B, s0  }
0xbf: {  	[sflag:s0] =	ssyncadd.remote.s32 $0x1  }
0xc0: {  	_ =	sfence.sel $0xFFFF  }
0xc1: {  	[dreg:$0x0] =	wrdreg $0xFFFFFFFF;
	(pc) =	sbr.abs _section_cstart, $3  }
0xc2: {  	[dreg:$0x1] =	wrdreg $0xFFFFFFFF  }
0xc3: {  	_ =	task.clear_ibuf [dreg:s8], $0x2FFFF;
	_ =	strace $0x9FFFFFFF  }
0xc4: {  	(tm) =	ssettm $0x7FFFFFFF  }
0xc5: {  	_ =	shalt  }
tec
execute0_lowered:
.L_overlay_start_1:
0x0: {  	(tag) =	ssettag $0x1  }
0x1: {  	s0 =	rddreg [dreg:$0x0]  }
0x2: {  	s1 =	rddreg [dreg:$0x1]  }
0x3: {  	s5 =	rddreg [dreg:$0x2];
	s3 =	srdreg.scid;
	s2 =	simm.s32 $0x0  }
0x4: {  	s10 =	stileid.u32;
	s18 =	simm.s32 $0x4;
	s19 =	simm.s32 $0x1A800  }
0x5: {  	s20 =	simm.s32 $0x40;
	s28 =	simm.s32 $0x2;
	s29 =	simm.s32 $0x80  }
0x6: {  	s30 =	simm.s32 $0x1A880;
	s31 =	simm.s32 $0x1A900;
	s21 =	simm.s32 $0x0  }
0x7: {  	s4 =	sand.u32 $0x1, s3;
	[smem:$0x7FF] =	sst s2;
	s23 =	sshll.u32 s10, $0x7  }
0x8: {  	s3 =	sadd.s32 $0x6D800, s0;
	s10 =	sshll.u32 s10, $0xC;
	s6 =	sshll.u32 s4, $0x6  }
0x9: {  	_ =	strace $0x8000004A;
	s8 =	ssub.s32 $0x2, s4;
	s6 =	sor.u32 s6, s23  }
0xa: {  	s4 =	sadd.s32 $0x1C00, s0;
	s9 =	sshrl.u32 s8, $0x1;
	s7 =	sadd.s32 s6, s0  }
0xb: {  	s0 =	sadd.s32 $0x77600, s0;
	s15 =	ssub.s32 s8, s9;
	s1 =	sadd.s32 s1, s6  }
0xc: {  	s24 =	sor.u32 s10, s6;
	s7 =	sadd.s32 $0x63800, s7;
	[dreg:$0x5] =	wrdreg s1  }
0xd: {  	s25 =	sand.u32 $0xE0C0, s24;
	s26 =	smax.u32 s15, $0x1;
	[dreg:$0x4] =	wrdreg s7  }
0xe: {  	s7 =	sadd.s32 s5, s25;
	s12 =	sor.u32 $0x10, s25;
	s13 =	sor.u32 $0x20, s25  }
0xf: {  	v0 =	vlaneseq.u32;
	s14 =	sor.u32 $0x30, s25;
	s11 =	sadd.s32 s0, s25;
	[dreg:$0x6] =	wrdreg s26  }
0x10: {  	v0 =	vmul.u32 $0x200, v0;
	s25 =	simm.s32 $0x1;
	s26 =	simm.s32 $0x16800;
	s8 =	sadd.s32 s5, s12  }
0x11: {  	s9 =	sadd.s32 s5, s13;
	s10 =	sadd.s32 s5, s14;
	s12 =	sadd.s32 s0, s12  }
0x12: {  	v1 =	vor.u32 $0x2000, v0;
	s13 =	sadd.s32 s0, s13;
	s14 =	sadd.s32 s0, s14;
	s0 =	simm.s32 $0x1A980  }
.LBB2_1:
0x13: {  	s1 =	rddreg [dreg:$0x4];
	s5 =	simm.s32 $0x200;
	s6 =	simm.s32 $0x4000  }
0x14: {  	[tilespmem:s2], [sflag:$0x4] =	stream.strided.gather [hbm4b:s1+s5], $0x2800, s6, s5, $0x38;
	[tilespmem:$0x1EA00] =	vst v63  }
0x15: {  	_ =	swait.ge [sflag:s18], $0x2800  }
0x16: {  	[sflag:s18] =	ssyncset.done $0x0  }
0x17: {  	s15 =	rddreg [dreg:$0x5];
	[sflag:s18] =	ssyncadd.s32 $0xFFFFD800  }
0x18: {  	[tilespmem:s19], [sflag:$0x4] =	stream.linear.gather [hbm4b:s15+s2], $0x200, $0x38;
	[tilespmem:$0x1EA00] =	vst v63  }
0x19: {  	_ =	swait.ge [sflag:s18], $0x200  }
0x1a: {  	[sflag:s18] =	ssyncset.done $0x0  }
0x1b: {  	s16 =	simm.s32 $0x2800;
	[sflag:s18] =	ssyncadd.s32 $0xFFFFFE00  }
0x1c: {  	[tilespmem:s16], [sflag:$0x1] =	stream.indirect.gather [hbm4b:s3+s20], $0x20, s2, s20, $0xb8;
	[tilespmem:$0x1EA00] =	vst v63  }
0x1d: {  	s17 =	simm.s32 $0x3000  }
0x1e: {  	[tilespmem:s17], [sflag:$0x1] =	stream.indirect.gather [hbm4b:s3+s20], $0x20, s5, s20, $0xb8;
	[tilespmem:$0x1EA00] =	vst v63  }
0x1f: {  	s22 =	simm.s32 $0x400;
	s23 =	simm.s32 $0x3800  }
0x20: {  	[tilespmem:s23], [sflag:$0x1] =	stream.indirect.gather [hbm4b:s3+s20], $0x20, s22, s20, $0xb8;
	[tilespmem:$0x1EA00] =	vst v63  }
0x21: {  	s24 =	simm.s32 $0x600  }
0x22: {  	[tilespmem:s6], [sflag:$0x1] =	stream.indirect.gather [hbm4b:s3+s20], $0x20, s24, s20, $0xb8;
	[tilespmem:$0x1EA00] =	vst v63  }
0x23: {  	s5 =	simm.s32 $0x800;
	s6 =	simm.s32 $0x4800  }
0x24: {  	[tilespmem:s6], [sflag:$0x1] =	stream.indirect.gather [hbm4b:s3+s20], $0x20, s5, s20, $0xb8;
	[tilespmem:$0x1EA00] =	vst v63  }
0x25: {  	s15 =	simm.s32 $0xA00;
	s16 =	simm.s32 $0x5000  }
0x26: {  	[tilespmem:s16], [sflag:$0x1] =	stream.indirect.gather [hbm4b:s3+s20], $0x20, s15, s20, $0xb8;
	[tilespmem:$0x1EA00] =	vst v63  }
0x27: {  	s17 =	simm.s32 $0xC00;
	s22 =	simm.s32 $0x5800  }
0x28: {  	[tilespmem:s22], [sflag:$0x1] =	stream.indirect.gather [hbm4b:s3+s20], $0x20, s17, s20, $0xb8;
	[tilespmem:$0x1EA00] =	vst v63  }
0x29: {  	s23 =	simm.s32 $0xE00;
	s24 =	simm.s32 $0x6000  }
0x2a: {  	[tilespmem:s24], [sflag:$0x1] =	stream.indirect.gather [hbm4b:s3+s20], $0x20, s23, s20, $0xb8;
	[tilespmem:$0x1EA00] =	vst v63  }
0x2b: {  	s5 =	simm.s32 $0x1000;
	s6 =	simm.s32 $0x6800  }
0x2c: {  	[tilespmem:s6], [sflag:$0x1] =	stream.indirect.gather [hbm4b:s3+s20], $0x20, s5, s20, $0xb8;
	[tilespmem:$0x1EA00] =	vst v63  }
0x2d: {  	s15 =	simm.s32 $0x1200;
	s16 =	simm.s32 $0x7000  }
0x2e: {  	[tilespmem:s16], [sflag:$0x1] =	stream.indirect.gather [hbm4b:s3+s20], $0x20, s15, s20, $0xb8;
	[tilespmem:$0x1EA00] =	vst v63  }
0x2f: {  	s17 =	simm.s32 $0x1400;
	s22 =	simm.s32 $0x7800  }
0x30: {  	[tilespmem:s22], [sflag:$0x1] =	stream.indirect.gather [hbm4b:s3+s20], $0x20, s17, s20, $0xb8;
	[tilespmem:$0x1EA00] =	vst v63  }
0x31: {  	s23 =	simm.s32 $0x1600;
	s24 =	simm.s32 $0x8000  }
0x32: {  	[tilespmem:s24], [sflag:$0x1] =	stream.indirect.gather [hbm4b:s3+s20], $0x20, s23, s20, $0xb8;
	[tilespmem:$0x1EA00] =	vst v63  }
0x33: {  	s5 =	simm.s32 $0x1800;
	s6 =	simm.s32 $0x8800  }
0x34: {  	[tilespmem:s6], [sflag:$0x1] =	stream.indirect.gather [hbm4b:s3+s20], $0x20, s5, s20, $0xb8;
	[tilespmem:$0x1EA00] =	vst v63  }
0x35: {  	s15 =	simm.s32 $0x1A00;
	s16 =	simm.s32 $0x9000  }
0x36: {  	[tilespmem:s16], [sflag:$0x1] =	stream.indirect.gather [hbm4b:s3+s20], $0x20, s15, s20, $0xb8;
	[tilespmem:$0x1EA00] =	vst v63  }
0x37: {  	s17 =	simm.s32 $0x1C00;
	s22 =	simm.s32 $0x9800  }
0x38: {  	[tilespmem:s22], [sflag:$0x1] =	stream.indirect.gather [hbm4b:s3+s20], $0x20, s17, s20, $0xb8;
	[tilespmem:$0x1EA00] =	vst v63  }
0x39: {  	s23 =	simm.s32 $0x1E00;
	s24 =	simm.s32 $0xA000  }
0x3a: {  	[tilespmem:s24], [sflag:$0x1] =	stream.indirect.gather [hbm4b:s3+s20], $0x20, s23, s20, $0xb8;
	[tilespmem:$0x1EA00] =	vst v63  }
0x3b: {  	s5 =	simm.s32 $0x2000;
	s6 =	simm.s32 $0xA800  }
0x3c: {  	[tilespmem:s6], [sflag:$0x1] =	stream.indirect.gather [hbm4b:s3+s20], $0x20, s5, s20, $0xb8;
	[tilespmem:$0x1EA00] =	vst v63  }
0x3d: {  	s15 =	simm.s32 $0x2200;
	s16 =	simm.s32 $0xB000  }
0x3e: {  	[tilespmem:s16], [sflag:$0x1] =	stream.indirect.gather [hbm4b:s3+s20], $0x20, s15, s20, $0xb8;
	[tilespmem:$0x1EA00] =	vst v63  }
0x3f: {  	s17 =	simm.s32 $0x2400;
	s22 =	simm.s32 $0xB800  }
0x40: {  	[tilespmem:s22], [sflag:$0x1] =	stream.indirect.gather [hbm4b:s3+s20], $0x20, s17, s20, $0xb8;
	[tilespmem:$0x1EA00] =	vst v63  }
0x41: {  	s23 =	simm.s32 $0x2600;
	s24 =	simm.s32 $0xC000  }
0x42: {  	[tilespmem:s24], [sflag:$0x1] =	stream.indirect.gather [hbm4b:s3+s20], $0x20, s23, s20, $0xb8;
	[tilespmem:$0x1EA00] =	vst v63  }
0x43: {  	s6 =	simm.s32 $0xC800  }
0x44: {  	[tilespmem:s6], [sflag:$0x2] =	stream.indirect.gather [hbm4b:s3+s20], $0x20, s20, s20, $0xb8;
	[tilespmem:$0x1EA00] =	vst v63  }
0x45: {  	s15 =	simm.s32 $0x240;
	s16 =	simm.s32 $0xD000  }
0x46: {  	[tilespmem:s16], [sflag:$0x2] =	stream.indirect.gather [hbm4b:s3+s20], $0x20, s15, s20, $0xb8;
	[tilespmem:$0x1EA00] =	vst v63  }
0x47: {  	s17 =	simm.s32 $0x440;
	s22 =	simm.s32 $0xD800  }
0x48: {  	[tilespmem:s22], [sflag:$0x2] =	stream.indirect.gather [hbm4b:s3+s20], $0x20, s17, s20, $0xb8;
	[tilespmem:$0x1EA00] =	vst v63  }
0x49: {  	s23 =	simm.s32 $0x640;
	s24 =	simm.s32 $0xE000  }
0x4a: {  	[tilespmem:s24], [sflag:$0x2] =	stream.indirect.gather [hbm4b:s3+s20], $0x20, s23, s20, $0xb8;
	[tilespmem:$0x1EA00] =	vst v63  }
0x4b: {  	s5 =	simm.s32 $0x840;
	s6 =	simm.s32 $0xE800  }
0x4c: {  	[tilespmem:s6], [sflag:$0x2] =	stream.indirect.gather [hbm4b:s3+s20], $0x20, s5, s20, $0xb8;
	[tilespmem:$0x1EA00] =	vst v63  }
0x4d: {  	s15 =	simm.s32 $0xA40;
	s16 =	simm.s32 $0xF000  }
0x4e: {  	[tilespmem:s16], [sflag:$0x2] =	stream.indirect.gather [hbm4b:s3+s20], $0x20, s15, s20, $0xb8;
	[tilespmem:$0x1EA00] =	vst v63  }
0x4f: {  	s17 =	simm.s32 $0xC40;
	s22 =	simm.s32 $0xF800  }
0x50: {  	[tilespmem:s22], [sflag:$0x2] =	stream.indirect.gather [hbm4b:s3+s20], $0x20, s17, s20, $0xb8;
	[tilespmem:$0x1EA00] =	vst v63  }
0x51: {  	s23 =	simm.s32 $0xE40;
	s24 =	simm.s32 $0x10000  }
0x52: {  	[tilespmem:s24], [sflag:$0x2] =	stream.indirect.gather [hbm4b:s3+s20], $0x20, s23, s20, $0xb8;
	[tilespmem:$0x1EA00] =	vst v63  }
0x53: {  	s5 =	simm.s32 $0x1040;
	s6 =	simm.s32 $0x10800  }
0x54: {  	[tilespmem:s6], [sflag:$0x2] =	stream.indirect.gather [hbm4b:s3+s20], $0x20, s5, s20, $0xb8;
	[tilespmem:$0x1EA00] =	vst v63  }
0x55: {  	s15 =	simm.s32 $0x1240;
	s16 =	simm.s32 $0x11000  }
0x56: {  	[tilespmem:s16], [sflag:$0x2] =	stream.indirect.gather [hbm4b:s3+s20], $0x20, s15, s20, $0xb8;
	[tilespmem:$0x1EA00] =	vst v63  }
0x57: {  	s17 =	simm.s32 $0x1440;
	s22 =	simm.s32 $0x11800  }
0x58: {  	[tilespmem:s22], [sflag:$0x2] =	stream.indirect.gather [hbm4b:s3+s20], $0x20, s17, s20, $0xb8;
	[tilespmem:$0x1EA00] =	vst v63  }
0x59: {  	s23 =	simm.s32 $0x1640;
	s24 =	simm.s32 $0x12000  }
0x5a: {  	[tilespmem:s24], [sflag:$0x2] =	stream.indirect.gather [hbm4b:s3+s20], $0x20, s23, s20, $0xb8;
	[tilespmem:$0x1EA00] =	vst v63  }
0x5b: {  	s5 =	simm.s32 $0x1840;
	s6 =	simm.s32 $0x12800  }
0x5c: {  	[tilespmem:s6], [sflag:$0x2] =	stream.indirect.gather [hbm4b:s3+s20], $0x20, s5, s20, $0xb8;
	[tilespmem:$0x1EA00] =	vst v63  }
0x5d: {  	s15 =	simm.s32 $0x1A40;
	s16 =	simm.s32 $0x13000  }
0x5e: {  	[tilespmem:s16], [sflag:$0x2] =	stream.indirect.gather [hbm4b:s3+s20], $0x20, s15, s20, $0xb8;
	[tilespmem:$0x1EA00] =	vst v63  }
0x5f: {  	s17 =	simm.s32 $0x1C40;
	s22 =	simm.s32 $0x13800  }
0x60: {  	[tilespmem:s22], [sflag:$0x2] =	stream.indirect.gather [hbm4b:s3+s20], $0x20, s17, s20, $0xb8;
	[tilespmem:$0x1EA00] =	vst v63  }
0x61: {  	s23 =	simm.s32 $0x1E40;
	s24 =	simm.s32 $0x14000  }
0x62: {  	[tilespmem:s24], [sflag:$0x2] =	stream.indirect.gather [hbm4b:s3+s20], $0x20, s23, s20, $0xb8;
	[tilespmem:$0x1EA00] =	vst v63  }
0x63: {  	s5 =	simm.s32 $0x2040;
	s6 =	simm.s32 $0x14800  }
0x64: {  	[tilespmem:s6], [sflag:$0x2] =	stream.indirect.gather [hbm4b:s3+s20], $0x20, s5, s20, $0xb8;
	[tilespmem:$0x1EA00] =	vst v63  }
0x65: {  	s15 =	simm.s32 $0x2240;
	s16 =	simm.s32 $0x15000  }
0x66: {  	[tilespmem:s16], [sflag:$0x2] =	stream.indirect.gather [hbm4b:s3+s20], $0x20, s15, s20, $0xb8;
	[tilespmem:$0x1EA00] =	vst v63  }
0x67: {  	s17 =	simm.s32 $0x2440;
	s22 =	simm.s32 $0x15800  }
0x68: {  	[tilespmem:s22], [sflag:$0x2] =	stream.indirect.gather [hbm4b:s3+s20], $0x20, s17, s20, $0xb8;
	[tilespmem:$0x1EA00] =	vst v63  }
0x69: {  	s23 =	simm.s32 $0x2640;
	s24 =	simm.s32 $0x16000  }
0x6a: {  	[tilespmem:s24], [sflag:$0x2] =	stream.indirect.gather [hbm4b:s3+s20], $0x20, s23, s20, $0xb8;
	[tilespmem:$0x1EA00] =	vst v63  }
0x6b: {  	s22 =	simm.s32 $0x0;
	s23 =	simm.s32 $0x0  }
.LBB2_2:
0x6c: {  	_ =	swait.ge [sflag:s25], $0xA000  }
0x6d: {  	[sflag:s25] =	ssyncset.done $0x0  }
0x6e: {  	s17 =	simm.s32 $0x2800;
	[sflag:s25] =	ssyncadd.s32 $0xFFFF6000  }
0x6f: {  	v2 =	vld [tilespmem:s17+$0x9060];
	_ =	sdelay $0x4  }
0x70: {  	[tilespmem:$0x1FEE0] =	vst v2  }
0x71: {  	v2 =	vld [tilespmem:s17+$0x9070];
	_ =	sdelay $0x4  }
0x72: {  	[tilespmem:$0x1FEF0] =	vst v2  }
0x73: {  	v2 =	vld [tilespmem:s17+$0x8060];
	_ =	sdelay $0x4  }
0x74: {  	[tilespmem:$0x1FEC0] =	vst v2  }
0x75: {  	v2 =	vld [tilespmem:s17+$0x8070];
	_ =	sdelay $0x4  }
0x76: {  	[tilespmem:$0x1FED0] =	vst v2  }
0x77: {  	v2 =	vld [tilespmem:s17+$0x7060];
	_ =	sdelay $0x4  }
0x78: {  	[tilespmem:$0x1FEA0] =	vst v2  }
0x79: {  	v2 =	vld [tilespmem:s17+$0x7070];
	_ =	sdelay $0x4  }
0x7a: {  	[tilespmem:$0x1FEB0] =	vst v2  }
0x7b: {  	v2 =	vld [tilespmem:s17+$0x6060];
	_ =	sdelay $0x4  }
0x7c: {  	[tilespmem:$0x1FE80] =	vst v2  }
0x7d: {  	v2 =	vld [tilespmem:s17+$0x6070];
	_ =	sdelay $0x4  }
0x7e: {  	[tilespmem:$0x1FE90] =	vst v2  }
0x7f: {  	v2 =	vld [tilespmem:s17+$0x5070];
	_ =	sdelay $0x4  }
0x80: {  	v42 =	vld [tilespmem:s17+$0x5060];
	[tilespmem:$0x1FE70] =	vst v2  }
0x81: {  	v12 =	vld [tilespmem:s17+$0x4060]  }
0x82: {  	v13 =	vld [tilespmem:s17+$0x4070]  }
0x83: {  	v14 =	vld [tilespmem:s17+$0x3060]  }
0x84: {  	v15 =	vld [tilespmem:s17+$0x3070]  }
0x85: {  	v16 =	vld [tilespmem:s17+$0x2060]  }
0x86: {  	v17 =	vld [tilespmem:s17+$0x2070]  }
0x87: {  	v18 =	vld [tilespmem:s17+$0x60]  }
0x88: {  	v19 =	vld [tilespmem:s17+$0x70]  }
0x89: {  	v20 =	vld [tilespmem:s17+$0x860]  }
0x8a: {  	v21 =	vld [tilespmem:s17+$0x870]  }
0x8b: {  	v22 =	vld [tilespmem:s17+$0x1060]  }
0x8c: {  	v23 =	vld [tilespmem:s17+$0x1070]  }
0x8d: {  	v24 =	vld [tilespmem:s17+$0x1860]  }
0x8e: {  	v25 =	vld [tilespmem:s17+$0x1870]  }
0x8f: {  	v26 =	vld [tilespmem:s17+$0x2860]  }
0x90: {  	v27 =	vld [tilespmem:s17+$0x2870]  }
0x91: {  	v28 =	vld [tilespmem:s17+$0x3860]  }
0x92: {  	v29 =	vld [tilespmem:s17+$0x3870]  }
0x93: {  	v30 =	vld [tilespmem:s17+$0x4860]  }
0x94: {  	v31 =	vld [tilespmem:s17+$0x4870]  }
0x95: {  	v32 =	vld [tilespmem:s17+$0x5860]  }
0x96: {  	v33 =	vld [tilespmem:s17+$0x5870]  }
0x97: {  	v34 =	vld [tilespmem:s17+$0x6860]  }
0x98: {  	v35 =	vld [tilespmem:s17+$0x6870]  }
0x99: {  	v36 =	vld [tilespmem:s17+$0x7860]  }
0x9a: {  	v2 =	vld [tilespmem:s17+$0x10]  }
0x9b: {  	v37 =	vld [tilespmem:s17+$0x7870]  }
0x9c: {  	v38 =	vld [tilespmem:s17+$0x8860]  }
0x9d: {  	v39 =	vld [tilespmem:s17+$0x8870]  }
0x9e: {  	v40 =	vld [tilespmem:s17+$0x9860]  }
0x9f: {  	v41 =	vld [tilespmem:s17+$0x9870];
	[tilespmem:$0x1FF00] =	vst v2  }
0xa0: {  	v2 =	vld [tilespmem:s17+$0x800];
	_ =	sdelay $0x4  }
0xa1: {  	[tilespmem:$0x1FF10] =	vst v2  }
0xa2: {  	v2 =	vld [tilespmem:s17+$0x810];
	_ =	sdelay $0x4  }
0xa3: {  	[tilespmem:$0x1FF20] =	vst v2  }
0xa4: {  	v2 =	vld [tilespmem:s17+$0x1000];
	_ =	sdelay $0x4  }
0xa5: {  	[tilespmem:$0x1FF30] =	vst v2  }
0xa6: {  	v46 =	vld [tilespmem:s17+$0x1010]  }
0xa7: {  	v47 =	vld [tilespmem:s17+$0x1800]  }
0xa8: {  	v48 =	vld [tilespmem:s17+$0x1810]  }
0xa9: {  	v49 =	vld [tilespmem:s17+$0x20]  }
0xaa: {  	v50 =	vld [tilespmem:s17+$0x30]  }
0xab: {  	v51 =	vld [tilespmem:s17+$0x820]  }
0xac: {  	v52 =	vld [tilespmem:s17+$0x830]  }
0xad: {  	v53 =	vld [tilespmem:s17+$0x1020]  }
0xae: {  	v54 =	vld [tilespmem:s17+$0x1030]  }
0xaf: {  	v55 =	vld [tilespmem:s17+$0x1820]  }
0xb0: {  	v56 =	vld [tilespmem:s17+$0x1830]  }
0xb1: {  	v57 =	vld [tilespmem:s17+$0x40]  }
0xb2: {  	v58 =	vld [tilespmem:s17+$0x50]  }
0xb3: {  	v59 =	vld [tilespmem:s17+$0x840]  }
0xb4: {  	v60 =	vld [tilespmem:s17+$0x850]  }
0xb5: {  	v61 =	vld [tilespmem:s17+$0x1040]  }
0xb6: {  	v62 =	vld [tilespmem:s17+$0x1050]  }
0xb7: {  	v63 =	vld [tilespmem:s17+$0x1840]  }
0xb8: {  	v3 =	vld [tilespmem:s17+$0x1850]  }
0xb9: {  	v2 =	vld [tilespmem:s17+$0x0]  }
0xba: {  	v4 =	vld [tilespmem:s17+$0x2000]  }
0xbb: {  	v5 =	vld [tilespmem:s17+$0x2010]  }
0xbc: {  	v6 =	vld [tilespmem:s17+$0x2800]  }
0xbd: {  	v7 =	vld [tilespmem:s17+$0x2810]  }
0xbe: {  	v8 =	vld [tilespmem:s17+$0x2020]  }
0xbf: {  	v45 =	vld [tilespmem:s17+$0x2840]  }
0xc0: {  	v9 =	vld [tilespmem:s17+$0x2030]  }
0xc1: {  	v10 =	vld [tilespmem:s17+$0x2820]  }
0xc2: {  	v11 =	vld [tilespmem:s17+$0x2830]  }
0xc3: {  	v43 =	vld [tilespmem:s17+$0x2040]  }
0xc4: {  	v44 =	vld [tilespmem:s17+$0x2050];
	[tilespmem:$0x1FF40] =	vst v45  }
0xc5: {  	v45 =	vld [tilespmem:s17+$0x2850];
	_ =	sdelay $0x4  }
0xc6: {  	[tilespmem:$0x1FF50] =	vst v45  }
0xc7: {  	v45 =	vld [tilespmem:s17+$0x3000];
	_ =	sdelay $0x4  }
0xc8: {  	[tilespmem:$0x1FF60] =	vst v45  }
0xc9: {  	v45 =	vld [tilespmem:s17+$0x3010];
	_ =	sdelay $0x4  }
0xca: {  	[tilespmem:$0x1FF70] =	vst v45  }
0xcb: {  	v45 =	vld [tilespmem:s17+$0x3800];
	_ =	sdelay $0x4  }
0xcc: {  	[tilespmem:$0x1FF80] =	vst v45  }
0xcd: {  	v45 =	vld [tilespmem:s17+$0x3810];
	_ =	sdelay $0x4  }
0xce: {  	[tilespmem:$0x1FF90] =	vst v45  }
0xcf: {  	v45 =	vld [tilespmem:s17+$0x3020];
	_ =	sdelay $0x4  }
0xd0: {  	[tilespmem:$0x1FFA0] =	vst v45  }
0xd1: {  	v45 =	vld [tilespmem:s17+$0x3030]  }
0xd2: {  	v18 =	vadd.f32 v22, v18;
	v20 =	vadd.f32 v24, v20;
	_ =	sdelay $0x1  }
0xd3: {  	v16 =	vadd.f32 v16, v18;
	v18 =	vadd.f32 v26, v20;
	_ =	sdelay $0x1  }
0xd4: {  	v14 =	vadd.f32 v14, v16;
	v16 =	vadd.f32 v28, v18;
	[tilespmem:$0x1FFB0] =	vst v45  }
0xd5: {  	v19 =	vadd.f32 v23, v19;
	v45 =	vld [tilespmem:s17+$0x3820]  }
0xd6: {  	v12 =	vadd.f32 v12, v14;
	v14 =	vadd.f32 v30, v16  }
0xd7: {  	v21 =	vadd.f32 v25, v21;
	v17 =	vadd.f32 v17, v19  }
0xd8: {  	v14 =	vadd.f32 v32, v14;
	v32 =	vld [tilespmem:$0x1FE70]  }
0xd9: {  	v19 =	vadd.f32 v27, v21;
	v15 =	vadd.f32 v15, v17  }
0xda: {  	v14 =	vadd.f32 v34, v14;
	v34 =	vld [tilespmem:$0x1FE90];
	[tilespmem:$0x1FFC0] =	vst v45  }
0xdb: {  	v17 =	vadd.f32 v29, v19;
	v13 =	vadd.f32 v13, v15;
	v45 =	vld [tilespmem:s17+$0x3830]  }
0xdc: {  	v14 =	vadd.f32 v36, v14;
	v36 =	vld [tilespmem:$0x1FEB0]  }
0xdd: {  	v15 =	vadd.f32 v31, v17;
	v13 =	vadd.f32 v32, v13  }
0xde: {  	v14 =	vadd.f32 v38, v14;
	v38 =	vld [tilespmem:$0x1FED0]  }
0xdf: {  	v15 =	vadd.f32 v33, v15;
	v33 =	vld [tilespmem:$0x1FE80];
	v13 =	vadd.f32 v34, v13  }
0xe0: {  	v12 =	vadd.f32 v42, v12;
	v42 =	vld [tilespmem:$0x1FEE0];
	[tilespmem:$0x1FFD0] =	vst v45  }
0xe1: {  	v15 =	vadd.f32 v35, v15;
	v13 =	vadd.f32 v36, v13;
	v45 =	vld [tilespmem:s17+$0x3040]  }
0xe2: {  	v35 =	vld [tilespmem:$0x1FEA0]  }
0xe3: {  	v15 =	vadd.f32 v37, v15;
	v37 =	vld [tilespmem:$0x1FEC0];
	v13 =	vadd.f32 v38, v13  }
0xe4: {  	v38 =	vadd.f32 v53, v49;
	v61 =	vadd.f32 v61, v57;
	v57 =	vld [tilespmem:$0x1FF30]  }
0xe5: {  	v3 =	vadd.f32 v3, v60;
	v60 =	vld [tilespmem:$0x1FF50]  }
0xe6: {  	v8 =	vadd.f32 v8, v38;
	v38 =	vadd.f32 v43, v61;
	v61 =	vld [tilespmem:$0x1FF60];
	[tilespmem:$0x1FFE0] =	vst v45  }
0xe7: {  	v15 =	vadd.f32 v39, v15;
	v45 =	vld [tilespmem:s17+$0x3050]  }
0xe8: {  	v49 =	vld [tilespmem:$0x1FF90]  }
0xe9: {  	v15 =	vadd.f32 v41, v15;
	v41 =	vadd.f32 v55, v51;
	v51 =	vld [tilespmem:$0x1FFA0]  }
0xea: {  	v53 =	vld [tilespmem:$0x1FFB0]  }
0xeb: {  	v55 =	vld [tilespmem:$0x1FFC0]  }
0xec: {  	[tilespmem:$0x1FFF0] =	vst v45;
	v45 =	vld [tilespmem:$0x1FEF0]  }
0xed: {  	v22 =	vld [tilespmem:s17+$0x3840]  }
0xee: {  	v23 =	vld [tilespmem:s17+$0x3850]  }
0xef: {  	v20 =	vld [tilespmem:s17+$0x4000]  }
0xf0: {  	v21 =	vld [tilespmem:s17+$0x4010]  }
0xf1: {  	v18 =	vld [tilespmem:s17+$0x4800]  }
0xf2: {  	v19 =	vld [tilespmem:s17+$0x4810]  }
0xf3: {  	v16 =	vld [tilespmem:s17+$0x4020]  }
0xf4: {  	v17 =	vld [tilespmem:s17+$0x4030]  }
0xf5: {  	v24 =	vld [tilespmem:s17+$0x4820]  }
0xf6: {  	v25 =	vld [tilespmem:s17+$0x4830]  }
0xf7: {  	v26 =	vld [tilespmem:s17+$0x4040]  }
0xf8: {  	v27 =	vld [tilespmem:s17+$0x4050]  }
0xf9: {  	v28 =	vld [tilespmem:s17+$0x4840]  }
0xfa: {  	v29 =	vld [tilespmem:s17+$0x4850]  }
0xfb: {  	v30 =	vld [tilespmem:s17+$0x5000]  }
0xfc: {  	v12 =	vadd.f32 v33, v12;
	v31 =	vld [tilespmem:s17+$0x5010]  }
0xfd: {  	v32 =	vld [tilespmem:s17+$0x5800]  }
0xfe: {  	v12 =	vadd.f32 v35, v12;
	v34 =	vld [tilespmem:s17+$0x5810]  }
0xff: {  	v35 =	vld [tilespmem:s17+$0x5020]  }
0x100: {  	v12 =	vadd.f32 v37, v12;
	v36 =	vld [tilespmem:s17+$0x5820]  }
0x101: {  	v39 =	vld [tilespmem:s17+$0x5830]  }
0x102: {  	v12 =	vadd.f32 v42, v12;
	v42 =	vld [tilespmem:s17+$0x5040]  }
0x103: {  	v14 =	vadd.f32 v40, v14;
	v40 =	vadd.f32 v54, v50;
	v50 =	vld [tilespmem:s17+$0x5840]  }
0x104: {  	v10 =	vadd.f32 v10, v41;
	v2 =	vadd.f32 v57, v2;
	v41 =	vld [tilespmem:s17+$0x6020]  }
0x105: {  	v54 =	vld [tilespmem:s17+$0x6040]  }
0x106: {  	v2 =	vadd.f32 v4, v2;
	v57 =	vld [tilespmem:s17+$0x6050]  }
0x107: {  	v9 =	vadd.f32 v9, v40;
	v3 =	vadd.f32 v60, v3;
	v60 =	vld [tilespmem:s17+$0x6840]  }
0x108: {  	v2 =	vadd.f32 v61, v2;
	v61 =	vld [tilespmem:s17+$0x7020]  }
0x109: {  	v9 =	vadd.f32 v53, v9;
	v53 =	vld [tilespmem:s17+$0x8840]  }
0x10a: {  	v33 =	vadd.f32 v45, v13;
	v13 =	vadd.f32 v14, v12;
	v14 =	vld [tilespmem:s17+$0x5030]  }
0x10b: {  	v8 =	vadd.f32 v51, v8;
	v45 =	vld [tilespmem:s17+$0x6820]  }
0x10c: {  	v12 =	vadd.f32 v15, v33;
	v15 =	vld [tilespmem:$0x1FF00]  }
0x10d: {  	v3 =	vadd.f32 v23, v3;
	v23 =	vld [tilespmem:s17+$0x6850];
	v8 =	vadd.f32 v16, v8  }
0x10e: {  	v2 =	vadd.f32 v20, v2;
	v20 =	vld [tilespmem:s17+$0x7000]  }
0x10f: {  	v16 =	vld [tilespmem:s17+$0x7800];
	v8 =	vadd.f32 v35, v8  }
0x110: {  	v9 =	vadd.f32 v17, v9;
	v17 =	vld [tilespmem:s17+$0x7810]  }
0x111: {  	v8 =	vadd.f32 v41, v8;
	v15 =	vadd.f32 v46, v15;
	v46 =	vld [tilespmem:$0x1FF10]  }
0x112: {  	v9 =	vadd.f32 v14, v9;
	v14 =	vld [tilespmem:s17+$0x7040]  }
0x113: {  	v8 =	vadd.f32 v61, v8;
	v61 =	vld [tilespmem:s17+$0x9810]  }
0x114: {  	v4 =	vadd.f32 v5, v15;
	v5 =	vld [tilespmem:s17+$0x6000]  }
0x115: {  	v10 =	vadd.f32 v55, v10;
	v15 =	vld [tilespmem:s17+$0x6010]  }
0x116: {  	v33 =	vadd.f32 v47, v46;
	v47 =	vld [tilespmem:$0x1FF20]  }
0x117: {  	v10 =	vadd.f32 v24, v10;
	v46 =	vadd.f32 v56, v52;
	v52 =	vld [tilespmem:s17+$0x5850]  }
0x118: {  	v56 =	vadd.f32 v62, v58;
	v58 =	vadd.f32 v63, v59;
	v59 =	vld [tilespmem:$0x1FF40]  }
0x119: {  	v2 =	vadd.f32 v30, v2;
	v62 =	vld [tilespmem:$0x1FF70]  }
0x11a: {  	v3 =	vadd.f32 v29, v3;
	v10 =	vadd.f32 v36, v10;
	v63 =	vld [tilespmem:$0x1FF80]  }
0x11b: {  	v6 =	vadd.f32 v6, v33;
	v33 =	vld [tilespmem:s17+$0x6800];
	v2 =	vadd.f32 v5, v2  }
0x11c: {  	v10 =	vadd.f32 v45, v10;
	v40 =	vadd.f32 v44, v56;
	v56 =	vld [tilespmem:$0x1FFD0]  }
0x11d: {  	v11 =	vadd.f32 v11, v46;
	v44 =	vld [tilespmem:s17+$0x6030];
	v2 =	vadd.f32 v20, v2  }
0x11e: {  	v46 =	vld [tilespmem:s17+$0x6830];
	v37 =	vadd.f32 v48, v47;
	v43 =	vadd.f32 v59, v58  }
0x11f: {  	v5 =	vld [tilespmem:s17+$0x8000];
	v4 =	vadd.f32 v62, v4;
	v6 =	vadd.f32 v63, v6  }
0x120: {  	v58 =	vld [tilespmem:$0x1FFE0];
	v3 =	vadd.f32 v52, v3;
	v7 =	vadd.f32 v7, v37  }
0x121: {  	v59 =	vld [tilespmem:$0x1FFF0];
	v11 =	vadd.f32 v56, v11;
	v22 =	vadd.f32 v22, v43  }
0x122: {  	v62 =	vld [tilespmem:s17+$0x7030];
	v4 =	vadd.f32 v21, v4;
	v6 =	vadd.f32 v18, v6  }
0x123: {  	v63 =	vld [tilespmem:s17+$0x7820];
	v9 =	vadd.f32 v44, v9;
	v3 =	vadd.f32 v23, v3  }
0x124: {  	v48 =	vld [tilespmem:s17+$0x5050];
	v2 =	vadd.f32 v5, v2;
	v7 =	vadd.f32 v49, v7  }
0x125: {  	v52 =	vld [tilespmem:s17+$0x8050];
	v11 =	vadd.f32 v25, v11;
	v22 =	vadd.f32 v28, v22  }
0x126: {  	v37 =	vld [tilespmem:s17+$0x6810];
	v4 =	vadd.f32 v31, v4;
	v6 =	vadd.f32 v32, v6  }
0x127: {  	v43 =	vld [tilespmem:s17+$0x7850];
	v38 =	vadd.f32 v58, v38;
	v40 =	vadd.f32 v59, v40  }
0x128: {  	v23 =	vld [tilespmem:s17+$0x8030];
	v9 =	vadd.f32 v62, v9;
	v10 =	vadd.f32 v63, v10  }
0x129: {  	v18 =	vld [tilespmem:s17+$0x7010];
	v7 =	vadd.f32 v19, v7;
	v11 =	vadd.f32 v39, v11  }
0x12a: {  	v44 =	vld [tilespmem:s17+$0x8800];
	v22 =	vadd.f32 v50, v22;
	v4 =	vadd.f32 v15, v4  }
0x12b: {  	s5 =	sadd.s32 $0xFFFFFFFC, s22;
	v6 =	vadd.f32 v33, v6;
	v15 =	vld [tilespmem:s17+$0x8010];
	v19 =	vadd.f32 v26, v38  }
0x12c: {  	s15 =	sadd.s32 $0x4, s5;
	v50 =	vld [tilespmem:s17+$0x8020];
	v21 =	vadd.f32 v27, v40;
	v3 =	vadd.f32 v43, v3  }
0x12d: {  	s24 =	sadd.s32 $0x5, s5;
	v51 =	vmov s15;
	v38 =	vld [tilespmem:s17+$0x7830];
	v23 =	vadd.f32 v23, v9;
	v7 =	vadd.f32 v34, v7  }
0x12e: {  	s16 =	sadd.s32 $0x7, s5;
	v55 =	vmov s24;
	v40 =	vld [tilespmem:s17+$0x7050];
	v11 =	vadd.f32 v46, v11;
	v22 =	vadd.f32 v60, v22  }
0x12f: {  	v20 =	vmov s16;
	v4 =	vadd.f32 v18, v4;
	v18 =	vld [tilespmem:s17+$0x8820];
	v19 =	vadd.f32 v42, v19  }
0x130: {  	v6 =	vadd.f32 v16, v6;
	v16 =	vand.u32 $0x1BF, v20;
	v20 =	vld [tilespmem:s17+$0x8040];
	v21 =	vadd.f32 v48, v21  }
0x131: {  	v24 =	vand.u32 $0x1BC, v51;
	v42 =	vld [tilespmem:s17+$0x7840];
	v7 =	vadd.f32 v37, v7;
	v19 =	vadd.f32 v54, v19  }
0x132: {  	v5 =	vand.u32 $0x1BD, v55;
	v48 =	vld [tilespmem:s17+$0x8810];
	v21 =	vadd.f32 v57, v21;
	v15 =	vadd.f32 v15, v4  }
0x133: {  	s5 =	sadd.s32 $0x6, s5;
	v56 =	vld [tilespmem:s17+$0x9000];
	v16 =	vbroadcast v16, $0x0;
	v57 =	vadd.f32 v44, v6;
	v60 =	vadd.f32 v50, v8  }
0x134: {  	v59 =	vld [tilespmem:s17+$0x9800];
	v4 =	vmov s5;
	v7 =	vadd.f32 v17, v7;
	v11 =	vadd.f32 v38, v11  }
0x135: {  	v17 =	vld [tilespmem:s17+$0x8830];
	v14 =	vadd.f32 v14, v19;
	v19 =	vor.u32 v0, v16;
	v21 =	vadd.f32 v40, v21  }
0x136: {  	v58 =	vld [tilespmem:s17+$0x9010];
	v16 =	vor.u32 v1, v16;
	v62 =	vadd.f32 v18, v10;
	v22 =	vadd.f32 v42, v22  }
0x137: {  	v54 =	vld [tilespmem:s17+$0x8850];
	v6 =	vbroadcast v24, $0x0;
	v7 =	vadd.f32 v48, v7;
	v9 =	vadd.f32 v20, v14  }
0x138: {  	v4 =	vand.u32 $0x1BE, v4;
	v18 =	vld [tilespmem:s17+$0x9020];
	v8 =	vadd.f32 v52, v21;
	v20 =	vadd.f32 v56, v2  }
0x139: {  	v63 =	vor.u32 v0, v6;
	v21 =	vld [tilespmem:s17+$0x9820];
	v10 =	vadd.f32 v53, v22;
	v22 =	vadd.f32 v59, v57  }
0x13a: {  	v6 =	vor.u32 v1, v6;
	v11 =	vadd.f32 v17, v11;
	v17 =	vld [tilespmem:s17+$0x9030];
	[tilespmem:v19+s26+$0x0] =	vst.idx.msk $0xffff, v13;
	v19 =	vbroadcast v5, $0x0  }
0x13b: {  	v7 =	vadd.f32 v61, v7;
	v13 =	vld [tilespmem:s17+$0x9830];
	v22 =	vadd.f32 v22, v20;
	[tilespmem:v16+s26+$0x0] =	vst.idx.msk $0xffff, v12;
	v16 =	vbroadcast v4, $0x0  }
0x13c: {  	v14 =	vld [tilespmem:s17+$0x9040];
	v5 =	vor.u32 v0, v19;
	v4 =	vor.u32 v1, v19;
	v19 =	vadd.f32 v58, v15  }
0x13d: {  	v18 =	vadd.f32 v18, v60;
	v12 =	vadd.f32 v54, v3;
	v15 =	vld [tilespmem:s17+$0x9050]  }
0x13e: {  	v2 =	vor.u32 v0, v16;
	v3 =	vor.u32 v1, v16;
	v16 =	vld [tilespmem:s17+$0x9840];
	v20 =	vadd.f32 v7, v19  }
0x13f: {  	s24 =	sshll.u32 s23, $0x7;
	s16 =	simm.s32 $0x0;
	[tilespmem:v63+s26+$0x0] =	vst.idx.msk $0xffff, v22;
	v21 =	vadd.f32 v21, v62;
	v19 =	vadd.f32 v17, v23;
	v17 =	vld [tilespmem:s17+$0x9850];
	s17 =	simm.s32 $0x2880  }
.LBB2_3:
0x140: {  	v7 =	vld [tilespmem:s17+$0x9060];
	[tilespmem:v6+s26+$0x0] =	vst.idx.msk $0xffff, v20;
	v11 =	vadd.f32 v13, v11;
	s5 =	smov.u32 s16  }
0x141: {  	v6 =	vld [tilespmem:s17+$0x9070];
	v13 =	vadd.f32 v21, v18;
	v9 =	vadd.f32 v14, v9  }
0x142: {  	v14 =	vld [tilespmem:s17+$0x8060];
	v11 =	vadd.f32 v11, v19;
	v8 =	vadd.f32 v15, v8  }
0x143: {  	v15 =	vld [tilespmem:s17+$0x8070];
	[tilespmem:v5+s26+$0x0] =	vst.idx.msk $0xffff, v13;
	v5 =	vadd.f32 v16, v10  }
0x144: {  	v10 =	vld [tilespmem:s17+$0x7060];
	[tilespmem:v4+s26+$0x0] =	vst.idx.msk $0xffff, v11;
	v4 =	vadd.f32 v17, v12  }
0x145: {  	v11 =	vld [tilespmem:s17+$0x7070];
	v5 =	vadd.f32 v5, v9  }
0x146: {  	v9 =	vld [tilespmem:s17+$0x6060];
	v4 =	vadd.f32 v4, v8  }
0x147: {  	v8 =	vld [tilespmem:s17+$0x6070];
	[tilespmem:v2+s26+$0x0] =	vst.idx.msk $0xffff, v5  }
0x148: {  	v2 =	vld [tilespmem:s17+$0x5060];
	[tilespmem:v3+s26+$0x0] =	vst.idx.msk $0xffff, v4  }
0x149: {  	v3 =	vld [tilespmem:s17+$0x5070]  }
0x14a: {  	v4 =	vld [tilespmem:s17+$0x4060]  }
0x14b: {  	v5 =	vld [tilespmem:s17+$0x4070]  }
0x14c: {  	v12 =	vld [tilespmem:s17+$0x3060]  }
0x14d: {  	v13 =	vld [tilespmem:s17+$0x3070]  }
0x14e: {  	v16 =	vld [tilespmem:s17+$0x2060]  }
0x14f: {  	v17 =	vld [tilespmem:s17+$0x2070]  }
0x150: {  	v18 =	vld [tilespmem:s17+$0x60]  }
0x151: {  	v19 =	vld [tilespmem:s17+$0x70]  }
0x152: {  	v20 =	vld [tilespmem:s17+$0x860]  }
0x153: {  	v21 =	vld [tilespmem:s17+$0x870]  }
0x154: {  	v22 =	vld [tilespmem:s17+$0x1060]  }
0x155: {  	v23 =	vld [tilespmem:s17+$0x1070]  }
0x156: {  	v24 =	vld [tilespmem:s17+$0x1860]  }
0x157: {  	s16 =	sadd.s32 $0x4, s16;
	v25 =	vld [tilespmem:s17+$0x1870]  }
0x158: {  	p0 =	slt.u32 s16, $0x3C;
	v26 =	vld [tilespmem:s17+$0x2860]  }
0x159: {  	v27 =	vld [tilespmem:s17+$0x2870]  }
0x15a: {  	v28 =	vld [tilespmem:s17+$0x3860]  }
0x15b: {  	v18 =	vadd.f32 v22, v18;
	v20 =	vadd.f32 v24, v20;
	v22 =	vld [tilespmem:s17+$0x3870]  }
0x15c: {  	v19 =	vadd.f32 v23, v19;
	v21 =	vadd.f32 v25, v21;
	v23 =	vld [tilespmem:s17+$0x4860]  }
0x15d: {  	v16 =	vadd.f32 v16, v18;
	v18 =	vadd.f32 v26, v20;
	v20 =	vld [tilespmem:s17+$0x4870]  }
0x15e: {  	v17 =	vadd.f32 v17, v19;
	v19 =	vadd.f32 v27, v21;
	v21 =	vld [tilespmem:s17+$0x5860]  }
0x15f: {  	v12 =	vadd.f32 v12, v16;
	v16 =	vadd.f32 v28, v18;
	v18 =	vld [tilespmem:s17+$0x5870]  }
0x160: {  	v13 =	vadd.f32 v13, v17;
	v17 =	vadd.f32 v22, v19;
	v19 =	vld [tilespmem:s17+$0x6860]  }
0x161: {  	v4 =	vadd.f32 v4, v12;
	v12 =	vadd.f32 v23, v16;
	v16 =	vld [tilespmem:s17+$0x6870]  }
0x162: {  	v5 =	vadd.f32 v5, v13;
	v13 =	vadd.f32 v20, v17;
	v17 =	vld [tilespmem:s17+$0x7860]  }
0x163: {  	v2 =	vadd.f32 v2, v4;
	v4 =	vadd.f32 v21, v12;
	v12 =	vld [tilespmem:s17+$0x7870]  }
0x164: {  	s5 =	sadd.s32 s5, s22;
	v3 =	vadd.f32 v3, v5;
	v5 =	vadd.f32 v18, v13;
	v13 =	vld [tilespmem:s17+$0x8860]  }
0x165: {  	s6 =	sadd.s32 $0x4, s5;
	s15 =	sadd.s32 $0x5, s5;
	s1 =	sadd.s32 $0x7, s5;
	v2 =	vadd.f32 v9, v2;
	v4 =	vadd.f32 v19, v4;
	v9 =	vld [tilespmem:s17+$0x8870]  }
0x166: {  	s5 =	sadd.s32 $0x6, s5;
	v3 =	vadd.f32 v8, v3;
	v5 =	vadd.f32 v16, v5;
	v8 =	vld [tilespmem:s17+$0x9860];
	v16 =	vmov s1  }
0x167: {  	v2 =	vadd.f32 v10, v2;
	v4 =	vadd.f32 v17, v4;
	v10 =	vld [tilespmem:s17+$0x9870];
	v16 =	vand.u32 $0x1BF, v16  }
0x168: {  	v3 =	vadd.f32 v11, v3;
	v17 =	vld [tilespmem:s17+$0x10];
	v5 =	vadd.f32 v12, v5;
	v11 =	vbroadcast v16, $0x0  }
0x169: {  	v2 =	vadd.f32 v14, v2;
	v16 =	vmov s6;
	v12 =	vld [tilespmem:s17+$0x800];
	v4 =	vadd.f32 v13, v4  }
0x16a: {  	v3 =	vadd.f32 v15, v3;
	v13 =	vld [tilespmem:s17+$0x810];
	v5 =	vadd.f32 v9, v5;
	v9 =	vor.u32 v0, v11  }
0x16b: {  	v2 =	vadd.f32 v7, v2;
	v7 =	vor.u32 v1, v11;
	v14 =	vld [tilespmem:s17+$0x1000];
	v4 =	vadd.f32 v8, v4  }
0x16c: {  	v11 =	vmov s15;
	v3 =	vadd.f32 v6, v3;
	v8 =	vld [tilespmem:s17+$0x1010];
	v5 =	vadd.f32 v10, v5  }
0x16d: {  	v15 =	vmov s5;
	v6 =	vand.u32 $0x1BC, v16;
	v10 =	vld [tilespmem:s17+$0x1800];
	v2 =	vadd.f32 v4, v2  }
0x16e: {  	v4 =	vand.u32 $0x1BD, v11;
	v11 =	vand.u32 $0x1BE, v15;
	v16 =	vld [tilespmem:s17+$0x1810];
	v3 =	vadd.f32 v5, v3  }
0x16f: {  	v5 =	vbroadcast v6, $0x0;
	v4 =	vbroadcast v4, $0x0;
	v15 =	vld [tilespmem:s17+$0x20];
	[tilespmem:v9+s26+$0x0] =	vst.idx.msk $0xffff, v2  }
0x170: {  	v11 =	vbroadcast v11, $0x0;
	v9 =	vld [tilespmem:s17+$0x30];
	[tilespmem:v7+s26+$0x0] =	vst.idx.msk $0xffff, v3  }
0x171: {  	v7 =	vor.u32 v0, v5;
	v6 =	vor.u32 v1, v5;
	v8 =	vadd.f32 v8, v17;
	v17 =	vld [tilespmem:s17+$0x820]  }
0x172: {  	v5 =	vor.u32 v0, v4;
	v4 =	vor.u32 v1, v4;
	v10 =	vadd.f32 v10, v12;
	v12 =	vld [tilespmem:s17+$0x830]  }
0x173: {  	v2 =	vor.u32 v0, v11;
	v3 =	vor.u32 v1, v11;
	v13 =	vadd.f32 v16, v13;
	v16 =	vld [tilespmem:s17+$0x1020]  }
0x174: {  	v11 =	vld [tilespmem:s17+$0x1030]  }
0x175: {  	v18 =	vld [tilespmem:s17+$0x1820]  }
0x176: {  	v19 =	vld [tilespmem:s17+$0x1830]  }
0x177: {  	v20 =	vld [tilespmem:s17+$0x40]  }
0x178: {  	v15 =	vadd.f32 v16, v15;
	v16 =	vld [tilespmem:s17+$0x50]  }
0x179: {  	v9 =	vadd.f32 v11, v9;
	v11 =	vld [tilespmem:s17+$0x840]  }
0x17a: {  	v17 =	vadd.f32 v18, v17;
	v18 =	vld [tilespmem:s17+$0x850]  }
0x17b: {  	v12 =	vadd.f32 v19, v12;
	v19 =	vld [tilespmem:s17+$0x1040]  }
0x17c: {  	v21 =	vld [tilespmem:s17+$0x1050]  }
0x17d: {  	v22 =	vld [tilespmem:s17+$0x1840]  }
0x17e: {  	v23 =	vld [tilespmem:s17+$0x1850]  }
0x17f: {  	v24 =	vld [tilespmem:s17+$0x0]  }
0x180: {  	v25 =	vld [tilespmem:s17+$0x2000];
	v19 =	vadd.f32 v19, v20  }
0x181: {  	v20 =	vld [tilespmem:s17+$0x2010];
	v16 =	vadd.f32 v21, v16  }
0x182: {  	v21 =	vld [tilespmem:s17+$0x2800];
	v11 =	vadd.f32 v22, v11  }
0x183: {  	v22 =	vld [tilespmem:s17+$0x2810];
	v18 =	vadd.f32 v23, v18  }
0x184: {  	v14 =	vadd.f32 v14, v24;
	v23 =	vld [tilespmem:s17+$0x2020]  }
0x185: {  	v24 =	vld [tilespmem:s17+$0x2030]  }
0x186: {  	v14 =	vadd.f32 v25, v14;
	v8 =	vadd.f32 v20, v8;
	v20 =	vld [tilespmem:s17+$0x2820]  }
0x187: {  	v10 =	vadd.f32 v21, v10;
	v21 =	vld [tilespmem:s17+$0x2830]  }
0x188: {  	v13 =	vadd.f32 v22, v13;
	v22 =	vld [tilespmem:s17+$0x2040]  }
0x189: {  	v15 =	vadd.f32 v23, v15;
	v23 =	vld [tilespmem:s17+$0x2050]  }
0x18a: {  	v9 =	vadd.f32 v24, v9;
	v24 =	vld [tilespmem:s17+$0x2840]  }
0x18b: {  	v17 =	vadd.f32 v20, v17;
	v20 =	vld [tilespmem:s17+$0x2850]  }
0x18c: {  	v25 =	vld [tilespmem:s17+$0x3000];
	v12 =	vadd.f32 v21, v12  }
0x18d: {  	v21 =	vld [tilespmem:s17+$0x3010];
	v19 =	vadd.f32 v22, v19  }
0x18e: {  	v22 =	vld [tilespmem:s17+$0x3800];
	v16 =	vadd.f32 v23, v16  }
0x18f: {  	v23 =	vld [tilespmem:s17+$0x3810];
	v11 =	vadd.f32 v24, v11  }
0x190: {  	v24 =	vld [tilespmem:s17+$0x3020];
	v18 =	vadd.f32 v20, v18  }
0x191: {  	v14 =	vadd.f32 v25, v14;
	v20 =	vld [tilespmem:s17+$0x3030]  }
0x192: {  	v8 =	vadd.f32 v21, v8;
	v21 =	vld [tilespmem:s17+$0x3820]  }
0x193: {  	v10 =	vadd.f32 v22, v10;
	v22 =	vld [tilespmem:s17+$0x3830]  }
0x194: {  	v13 =	vadd.f32 v23, v13;
	v23 =	vld [tilespmem:s17+$0x3040]  }
0x195: {  	v15 =	vadd.f32 v24, v15;
	v24 =	vld [tilespmem:s17+$0x3050]  }
0x196: {  	v9 =	vadd.f32 v20, v9;
	v20 =	vld [tilespmem:s17+$0x3840]  }
0x197: {  	v17 =	vadd.f32 v21, v17;
	v21 =	vld [tilespmem:s17+$0x3850]  }
0x198: {  	v25 =	vld [tilespmem:s17+$0x4000];
	v12 =	vadd.f32 v22, v12  }
0x199: {  	v22 =	vld [tilespmem:s17+$0x4010];
	v19 =	vadd.f32 v23, v19  }
0x19a: {  	v23 =	vld [tilespmem:s17+$0x4800];
	v16 =	vadd.f32 v24, v16  }
0x19b: {  	v24 =	vld [tilespmem:s17+$0x4810];
	v11 =	vadd.f32 v20, v11  }
0x19c: {  	v20 =	vld [tilespmem:s17+$0x4020];
	v18 =	vadd.f32 v21, v18  }
0x19d: {  	v14 =	vadd.f32 v25, v14;
	v21 =	vld [tilespmem:s17+$0x4030]  }
0x19e: {  	v8 =	vadd.f32 v22, v8;
	v22 =	vld [tilespmem:s17+$0x4820]  }
0x19f: {  	v10 =	vadd.f32 v23, v10;
	v23 =	vld [tilespmem:s17+$0x4830]  }
0x1a0: {  	v13 =	vadd.f32 v24, v13;
	v24 =	vld [tilespmem:s17+$0x4040]  }
0x1a1: {  	v15 =	vadd.f32 v20, v15;
	v20 =	vld [tilespmem:s17+$0x4050]  }
0x1a2: {  	v9 =	vadd.f32 v21, v9;
	v21 =	vld [tilespmem:s17+$0x4840]  }
0x1a3: {  	v17 =	vadd.f32 v22, v17;
	v22 =	vld [tilespmem:s17+$0x4850]  }
0x1a4: {  	v25 =	vld [tilespmem:s17+$0x5000];
	v12 =	vadd.f32 v23, v12  }
0x1a5: {  	v23 =	vld [tilespmem:s17+$0x5010];
	v19 =	vadd.f32 v24, v19  }
0x1a6: {  	v24 =	vld [tilespmem:s17+$0x5800];
	v16 =	vadd.f32 v20, v16  }
0x1a7: {  	v20 =	vld [tilespmem:s17+$0x5810];
	v11 =	vadd.f32 v21, v11  }
0x1a8: {  	v21 =	vld [tilespmem:s17+$0x5020];
	v18 =	vadd.f32 v22, v18  }
0x1a9: {  	v14 =	vadd.f32 v25, v14;
	v22 =	vld [tilespmem:s17+$0x5030]  }
0x1aa: {  	v8 =	vadd.f32 v23, v8;
	v23 =	vld [tilespmem:s17+$0x5820]  }
0x1ab: {  	v10 =	vadd.f32 v24, v10;
	v24 =	vld [tilespmem:s17+$0x5830]  }
0x1ac: {  	v13 =	vadd.f32 v20, v13;
	v20 =	vld [tilespmem:s17+$0x5040]  }
0x1ad: {  	v15 =	vadd.f32 v21, v15;
	v21 =	vld [tilespmem:s17+$0x5050]  }
0x1ae: {  	v9 =	vadd.f32 v22, v9;
	v22 =	vld [tilespmem:s17+$0x5840]  }
0x1af: {  	v17 =	vadd.f32 v23, v17;
	v23 =	vld [tilespmem:s17+$0x5850]  }
0x1b0: {  	v25 =	vld [tilespmem:s17+$0x6000];
	v12 =	vadd.f32 v24, v12  }
0x1b1: {  	v24 =	vld [tilespmem:s17+$0x6010];
	v19 =	vadd.f32 v20, v19  }
0x1b2: {  	v20 =	vld [tilespmem:s17+$0x6800];
	v16 =	vadd.f32 v21, v16  }
0x1b3: {  	v21 =	vld [tilespmem:s17+$0x6810];
	v11 =	vadd.f32 v22, v11  }
0x1b4: {  	v22 =	vld [tilespmem:s17+$0x6020];
	v18 =	vadd.f32 v23, v18  }
0x1b5: {  	v14 =	vadd.f32 v25, v14;
	v23 =	vld [tilespmem:s17+$0x6030]  }
0x1b6: {  	v8 =	vadd.f32 v24, v8;
	v24 =	vld [tilespmem:s17+$0x6820]  }
0x1b7: {  	v10 =	vadd.f32 v20, v10;
	v20 =	vld [tilespmem:s17+$0x6830]  }
0x1b8: {  	v13 =	vadd.f32 v21, v13;
	v21 =	vld [tilespmem:s17+$0x6040]  }
0x1b9: {  	v15 =	vadd.f32 v22, v15;
	v22 =	vld [tilespmem:s17+$0x6050]  }
0x1ba: {  	v9 =	vadd.f32 v23, v9;
	v23 =	vld [tilespmem:s17+$0x6840]  }
0x1bb: {  	v17 =	vadd.f32 v24, v17;
	v24 =	vld [tilespmem:s17+$0x6850]  }
0x1bc: {  	v25 =	vld [tilespmem:s17+$0x7000];
	v12 =	vadd.f32 v20, v12  }
0x1bd: {  	v20 =	vld [tilespmem:s17+$0x7010];
	v19 =	vadd.f32 v21, v19  }
0x1be: {  	v21 =	vld [tilespmem:s17+$0x7800];
	v16 =	vadd.f32 v22, v16  }
0x1bf: {  	v22 =	vld [tilespmem:s17+$0x7810];
	v11 =	vadd.f32 v23, v11  }
0x1c0: {  	v23 =	vld [tilespmem:s17+$0x7020];
	v18 =	vadd.f32 v24, v18  }
0x1c1: {  	v14 =	vadd.f32 v25, v14;
	v24 =	vld [tilespmem:s17+$0x7030]  }
0x1c2: {  	v8 =	vadd.f32 v20, v8;
	v20 =	vld [tilespmem:s17+$0x7820]  }
0x1c3: {  	v10 =	vadd.f32 v21, v10;
	v21 =	vld [tilespmem:s17+$0x7830]  }
0x1c4: {  	v13 =	vadd.f32 v22, v13;
	v22 =	vld [tilespmem:s17+$0x7040]  }
0x1c5: {  	v15 =	vadd.f32 v23, v15;
	v23 =	vld [tilespmem:s17+$0x7050]  }
0x1c6: {  	v9 =	vadd.f32 v24, v9;
	v24 =	vld [tilespmem:s17+$0x7840]  }
0x1c7: {  	v17 =	vadd.f32 v20, v17;
	v20 =	vld [tilespmem:s17+$0x7850]  }
0x1c8: {  	v25 =	vld [tilespmem:s17+$0x8000];
	v12 =	vadd.f32 v21, v12  }
0x1c9: {  	v21 =	vld [tilespmem:s17+$0x8010];
	v19 =	vadd.f32 v22, v19  }
0x1ca: {  	v22 =	vld [tilespmem:s17+$0x8800];
	v16 =	vadd.f32 v23, v16  }
0x1cb: {  	v23 =	vld [tilespmem:s17+$0x8810];
	v24 =	vadd.f32 v24, v11  }
0x1cc: {  	v11 =	vld [tilespmem:s17+$0x8020];
	v18 =	vadd.f32 v20, v18  }
0x1cd: {  	v14 =	vadd.f32 v25, v14;
	v20 =	vld [tilespmem:s17+$0x8030]  }
0x1ce: {  	v21 =	vadd.f32 v21, v8;
	v8 =	vld [tilespmem:s17+$0x8820]  }
0x1cf: {  	v22 =	vadd.f32 v22, v10;
	v10 =	vld [tilespmem:s17+$0x8830]  }
0x1d0: {  	v23 =	vadd.f32 v23, v13;
	v13 =	vld [tilespmem:s17+$0x8040]  }
0x1d1: {  	v15 =	vadd.f32 v11, v15;
	v25 =	vld [tilespmem:s17+$0x8050]  }
0x1d2: {  	v26 =	vadd.f32 v20, v9;
	v20 =	vld [tilespmem:s17+$0x8840]  }
0x1d3: {  	v17 =	vadd.f32 v8, v17;
	v27 =	vld [tilespmem:s17+$0x8850]  }
0x1d4: {  	v28 =	vld [tilespmem:s17+$0x9000];
	v11 =	vadd.f32 v10, v12  }
0x1d5: {  	v29 =	vld [tilespmem:s17+$0x9010];
	v9 =	vadd.f32 v13, v19  }
0x1d6: {  	v13 =	vld [tilespmem:s17+$0x9800];
	v8 =	vadd.f32 v25, v16  }
0x1d7: {  	v16 =	vld [tilespmem:s17+$0x9810];
	v10 =	vadd.f32 v20, v24  }
0x1d8: {  	v19 =	vld [tilespmem:s17+$0x9020];
	v12 =	vadd.f32 v27, v18  }
0x1d9: {  	v18 =	vadd.f32 v28, v14;
	v24 =	vld [tilespmem:s17+$0x9030]  }
0x1da: {  	v20 =	vadd.f32 v29, v21;
	v21 =	vld [tilespmem:s17+$0x9820]  }
.Ltmp0:
0x1db: {  	v22 =	vadd.f32 v13, v22;
	v13 =	vld [tilespmem:s17+$0x9830];
	(pc) =	sbr.rel @p0 .LBB2_3-.Ltmp0, $4  }
0x1dc: {  	v16 =	vadd.f32 v16, v23;
	v14 =	vld [tilespmem:s17+$0x9040]  }
0x1dd: {  	v22 =	vadd.f32 v22, v18;
	v18 =	vadd.f32 v19, v15;
	v15 =	vld [tilespmem:s17+$0x9050]  }
0x1de: {  	v20 =	vadd.f32 v16, v20;
	v19 =	vadd.f32 v24, v26;
	v16 =	vld [tilespmem:s17+$0x9840]  }
0x1df: {  	[tilespmem:v7+s26+$0x0] =	vst.idx.msk $0xffff, v22;
	v21 =	vadd.f32 v21, v17;
	v17 =	vld [tilespmem:s17+$0x9850];
	s17 =	sadd.s32 $0x80, s17  }
0x1e0: {  	_ = 	snop  }
0x1e1: {  	v7 =	vadd.f32 v13, v11  }
0x1e2: {  	v11 =	vadd.f32 v21, v18;
	v9 =	vadd.f32 v14, v9  }
0x1e3: {  	v7 =	vadd.f32 v7, v19;
	v10 =	vadd.f32 v16, v10  }
0x1e4: {  	[tilespmem:v6+s26+$0x0] =	vst.idx.msk $0xffff, v20;
	v6 =	vadd.f32 v15, v8;
	v8 =	vadd.f32 v17, v12  }
0x1e5: {  	[tilespmem:v5+s26+$0x0] =	vst.idx.msk $0xffff, v11;
	v5 =	vadd.f32 v10, v9  }
0x1e6: {  	[tilespmem:v4+s26+$0x0] =	vst.idx.msk $0xffff, v7;
	v4 =	vadd.f32 v8, v6  }
0x1e7: {  	p0 =	seq.s32 s23, $0x3;
	[tilespmem:v2+s26+$0x0] =	vst.idx.msk $0xffff, v5  }
0x1e8: {  	s1 =	sadd.s32 @!p0 $0x80, s24;
	s5 =	simm.s32 @!p0 $0x40;
	s6 =	simm.s32 @!p0 $0x2800;
	[tilespmem:v3+s26+$0x0] =	vst.idx.msk $0xffff, v4  }
0x1e9: {  	[tilespmem:s6], [sflag:$0x1] =	stream.indirect.gather @!p0 [hbm4b:s3+s5], $0x20, s1, s5, $0xb8;
	[tilespmem:$0x1EA00] =	vst v63  }
0x1ea: {  	s1 =	sadd.s32 @!p0 $0x280, s24;
	s6 =	simm.s32 @!p0 $0x3000  }
0x1eb: {  	[tilespmem:s6], [sflag:$0x1] =	stream.indirect.gather @!p0 [hbm4b:s3+s5], $0x20, s1, s5, $0xb8;
	[tilespmem:$0x1EA00] =	vst v63  }
0x1ec: {  	s1 =	sadd.s32 @!p0 $0x480, s24;
	s6 =	simm.s32 @!p0 $0x3800  }
0x1ed: {  	[tilespmem:s6], [sflag:$0x1] =	stream.indirect.gather @!p0 [hbm4b:s3+s5], $0x20, s1, s5, $0xb8;
	[tilespmem:$0x1EA00] =	vst v63  }
0x1ee: {  	s1 =	sadd.s32 @!p0 $0x680, s24;
	s6 =	simm.s32 @!p0 $0x4000  }
0x1ef: {  	[tilespmem:s6], [sflag:$0x1] =	stream.indirect.gather @!p0 [hbm4b:s3+s5], $0x20, s1, s5, $0xb8;
	[tilespmem:$0x1EA00] =	vst v63  }
0x1f0: {  	s1 =	sadd.s32 @!p0 $0x880, s24;
	s6 =	simm.s32 @!p0 $0x4800  }
0x1f1: {  	[tilespmem:s6], [sflag:$0x1] =	stream.indirect.gather @!p0 [hbm4b:s3+s5], $0x20, s1, s5, $0xb8;
	[tilespmem:$0x1EA00] =	vst v63  }
0x1f2: {  	s1 =	sadd.s32 @!p0 $0xA80, s24;
	s6 =	simm.s32 @!p0 $0x5000  }
0x1f3: {  	[tilespmem:s6], [sflag:$0x1] =	stream.indirect.gather @!p0 [hbm4b:s3+s5], $0x20, s1, s5, $0xb8;
	[tilespmem:$0x1EA00] =	vst v63  }
0x1f4: {  	s1 =	sadd.s32 @!p0 $0xC80, s24;
	s6 =	simm.s32 @!p0 $0x5800  }
0x1f5: {  	[tilespmem:s6], [sflag:$0x1] =	stream.indirect.gather @!p0 [hbm4b:s3+s5], $0x20, s1, s5, $0xb8;
	[tilespmem:$0x1EA00] =	vst v63  }
0x1f6: {  	s1 =	sadd.s32 @!p0 $0xE80, s24;
	s6 =	simm.s32 @!p0 $0x6000  }
0x1f7: {  	[tilespmem:s6], [sflag:$0x1] =	stream.indirect.gather @!p0 [hbm4b:s3+s5], $0x20, s1, s5, $0xb8;
	[tilespmem:$0x1EA00] =	vst v63  }
0x1f8: {  	s1 =	sadd.s32 @!p0 $0x1080, s24;
	s6 =	simm.s32 @!p0 $0x6800  }
0x1f9: {  	[tilespmem:s6], [sflag:$0x1] =	stream.indirect.gather @!p0 [hbm4b:s3+s5], $0x20, s1, s5, $0xb8;
	[tilespmem:$0x1EA00] =	vst v63  }
0x1fa: {  	s1 =	sadd.s32 @!p0 $0x1280, s24;
	s6 =	simm.s32 @!p0 $0x7000  }
0x1fb: {  	[tilespmem:s6], [sflag:$0x1] =	stream.indirect.gather @!p0 [hbm4b:s3+s5], $0x20, s1, s5, $0xb8;
	[tilespmem:$0x1EA00] =	vst v63  }
0x1fc: {  	s1 =	sadd.s32 @!p0 $0x1480, s24;
	s6 =	simm.s32 @!p0 $0x7800  }
0x1fd: {  	[tilespmem:s6], [sflag:$0x1] =	stream.indirect.gather @!p0 [hbm4b:s3+s5], $0x20, s1, s5, $0xb8;
	[tilespmem:$0x1EA00] =	vst v63  }
0x1fe: {  	s1 =	sadd.s32 @!p0 $0x1680, s24;
	s6 =	simm.s32 @!p0 $0x8000  }
0x1ff: {  	[tilespmem:s6], [sflag:$0x1] =	stream.indirect.gather @!p0 [hbm4b:s3+s5], $0x20, s1, s5, $0xb8;
	[tilespmem:$0x1EA00] =	vst v63  }
0x200: {  	s1 =	sadd.s32 @!p0 $0x1880, s24;
	s6 =	simm.s32 @!p0 $0x8800  }
0x201: {  	[tilespmem:s6], [sflag:$0x1] =	stream.indirect.gather @!p0 [hbm4b:s3+s5], $0x20, s1, s5, $0xb8;
	[tilespmem:$0x1EA00] =	vst v63  }
0x202: {  	s1 =	sadd.s32 @!p0 $0x1A80, s24;
	s6 =	simm.s32 @!p0 $0x9000  }
0x203: {  	[tilespmem:s6], [sflag:$0x1] =	stream.indirect.gather @!p0 [hbm4b:s3+s5], $0x20, s1, s5, $0xb8;
	[tilespmem:$0x1EA00] =	vst v63  }
0x204: {  	s1 =	sadd.s32 @!p0 $0x1C80, s24;
	s6 =	simm.s32 @!p0 $0x9800  }
0x205: {  	[tilespmem:s6], [sflag:$0x1] =	stream.indirect.gather @!p0 [hbm4b:s3+s5], $0x20, s1, s5, $0xb8;
	[tilespmem:$0x1EA00] =	vst v63  }
0x206: {  	s1 =	sadd.s32 @!p0 $0x1E80, s24;
	s6 =	simm.s32 @!p0 $0xA000  }
0x207: {  	[tilespmem:s6], [sflag:$0x1] =	stream.indirect.gather @!p0 [hbm4b:s3+s5], $0x20, s1, s5, $0xb8;
	[tilespmem:$0x1EA00] =	vst v63  }
0x208: {  	s1 =	sadd.s32 @!p0 $0x2080, s24;
	s6 =	simm.s32 @!p0 $0xA800  }
0x209: {  	[tilespmem:s6], [sflag:$0x1] =	stream.indirect.gather @!p0 [hbm4b:s3+s5], $0x20, s1, s5, $0xb8;
	[tilespmem:$0x1EA00] =	vst v63  }
0x20a: {  	s1 =	sadd.s32 @!p0 $0x2280, s24;
	s6 =	simm.s32 @!p0 $0xB000  }
0x20b: {  	[tilespmem:s6], [sflag:$0x1] =	stream.indirect.gather @!p0 [hbm4b:s3+s5], $0x20, s1, s5, $0xb8;
	[tilespmem:$0x1EA00] =	vst v63  }
0x20c: {  	s1 =	sadd.s32 @!p0 $0x2480, s24;
	s6 =	simm.s32 @!p0 $0xB800  }
0x20d: {  	[tilespmem:s6], [sflag:$0x1] =	stream.indirect.gather @!p0 [hbm4b:s3+s5], $0x20, s1, s5, $0xb8;
	[tilespmem:$0x1EA00] =	vst v63  }
0x20e: {  	s1 =	sadd.s32 @!p0 $0x2680, s24;
	s6 =	simm.s32 @!p0 $0xC000  }
0x20f: {  	[tilespmem:s6], [sflag:$0x1] =	stream.indirect.gather @!p0 [hbm4b:s3+s5], $0x20, s1, s5, $0xb8;
	[tilespmem:$0x1EA00] =	vst v63  }
0x210: {  	_ =	swait.ge [sflag:s28], $0xA000  }
0x211: {  	[sflag:s28] =	ssyncset.done $0x0  }
0x212: {  	s17 =	simm.s32 $0xC800;
	[sflag:s28] =	ssyncadd.s32 $0xFFFF6000  }
0x213: {  	v2 =	vld [tilespmem:s17+$0x9060];
	_ =	sdelay $0x4  }
0x214: {  	[tilespmem:$0x1FD50] =	vst v2  }
0x215: {  	v2 =	vld [tilespmem:s17+$0x9070];
	_ =	sdelay $0x4  }
0x216: {  	[tilespmem:$0x1FD60] =	vst v2  }
0x217: {  	v2 =	vld [tilespmem:s17+$0x8060];
	_ =	sdelay $0x4  }
0x218: {  	[tilespmem:$0x1FD30] =	vst v2  }
0x219: {  	v2 =	vld [tilespmem:s17+$0x8070];
	_ =	sdelay $0x4  }
0x21a: {  	[tilespmem:$0x1FD40] =	vst v2  }
0x21b: {  	v2 =	vld [tilespmem:s17+$0x7060];
	_ =	sdelay $0x4  }
0x21c: {  	[tilespmem:$0x1FD10] =	vst v2  }
0x21d: {  	v2 =	vld [tilespmem:s17+$0x7070];
	_ =	sdelay $0x4  }
0x21e: {  	[tilespmem:$0x1FD20] =	vst v2  }
0x21f: {  	v2 =	vld [tilespmem:s17+$0x6060];
	_ =	sdelay $0x4  }
0x220: {  	[tilespmem:$0x1FCF0] =	vst v2  }
0x221: {  	v2 =	vld [tilespmem:s17+$0x6070];
	_ =	sdelay $0x4  }
0x222: {  	[tilespmem:$0x1FD00] =	vst v2  }
0x223: {  	v2 =	vld [tilespmem:s17+$0x5070];
	_ =	sdelay $0x4  }
0x224: {  	v42 =	vld [tilespmem:s17+$0x5060];
	[tilespmem:$0x1FCE0] =	vst v2  }
0x225: {  	v12 =	vld [tilespmem:s17+$0x4060]  }
0x226: {  	v13 =	vld [tilespmem:s17+$0x4070]  }
0x227: {  	v14 =	vld [tilespmem:s17+$0x3060]  }
0x228: {  	v15 =	vld [tilespmem:s17+$0x3070]  }
0x229: {  	v16 =	vld [tilespmem:s17+$0x2060]  }
0x22a: {  	v17 =	vld [tilespmem:s17+$0x2070]  }
0x22b: {  	v18 =	vld [tilespmem:s17+$0x60]  }
0x22c: {  	v19 =	vld [tilespmem:s17+$0x70]  }
0x22d: {  	v20 =	vld [tilespmem:s17+$0x860]  }
0x22e: {  	v21 =	vld [tilespmem:s17+$0x870]  }
0x22f: {  	v22 =	vld [tilespmem:s17+$0x1060]  }
0x230: {  	v23 =	vld [tilespmem:s17+$0x1070]  }
0x231: {  	v24 =	vld [tilespmem:s17+$0x1860]  }
0x232: {  	v25 =	vld [tilespmem:s17+$0x1870]  }
0x233: {  	v26 =	vld [tilespmem:s17+$0x2860]  }
0x234: {  	v27 =	vld [tilespmem:s17+$0x2870]  }
0x235: {  	v28 =	vld [tilespmem:s17+$0x3860]  }
0x236: {  	v29 =	vld [tilespmem:s17+$0x3870]  }
0x237: {  	v30 =	vld [tilespmem:s17+$0x4860]  }
0x238: {  	v31 =	vld [tilespmem:s17+$0x4870]  }
0x239: {  	v32 =	vld [tilespmem:s17+$0x5860]  }
0x23a: {  	v33 =	vld [tilespmem:s17+$0x5870]  }
0x23b: {  	v34 =	vld [tilespmem:s17+$0x6860]  }
0x23c: {  	v35 =	vld [tilespmem:s17+$0x6870]  }
0x23d: {  	v36 =	vld [tilespmem:s17+$0x7860]  }
0x23e: {  	v2 =	vld [tilespmem:s17+$0x10]  }
0x23f: {  	v37 =	vld [tilespmem:s17+$0x7870]  }
0x240: {  	v38 =	vld [tilespmem:s17+$0x8860]  }
0x241: {  	v39 =	vld [tilespmem:s17+$0x8870]  }
0x242: {  	v40 =	vld [tilespmem:s17+$0x9860]  }
0x243: {  	v41 =	vld [tilespmem:s17+$0x9870];
	[tilespmem:$0x1FD70] =	vst v2  }
0x244: {  	v2 =	vld [tilespmem:s17+$0x800];
	_ =	sdelay $0x4  }
0x245: {  	[tilespmem:$0x1FD80] =	vst v2  }
0x246: {  	v2 =	vld [tilespmem:s17+$0x810];
	_ =	sdelay $0x4  }
0x247: {  	[tilespmem:$0x1FD90] =	vst v2  }
0x248: {  	v2 =	vld [tilespmem:s17+$0x1000];
	_ =	sdelay $0x4  }
0x249: {  	[tilespmem:$0x1FDA0] =	vst v2  }
0x24a: {  	v46 =	vld [tilespmem:s17+$0x1010]  }
0x24b: {  	v47 =	vld [tilespmem:s17+$0x1800]  }
0x24c: {  	v48 =	vld [tilespmem:s17+$0x1810]  }
0x24d: {  	v49 =	vld [tilespmem:s17+$0x20]  }
0x24e: {  	v50 =	vld [tilespmem:s17+$0x30]  }
0x24f: {  	v51 =	vld [tilespmem:s17+$0x820]  }
0x250: {  	v52 =	vld [tilespmem:s17+$0x830]  }
0x251: {  	v53 =	vld [tilespmem:s17+$0x1020]  }
0x252: {  	v54 =	vld [tilespmem:s17+$0x1030]  }
0x253: {  	v55 =	vld [tilespmem:s17+$0x1820]  }
0x254: {  	v56 =	vld [tilespmem:s17+$0x1830]  }
0x255: {  	v57 =	vld [tilespmem:s17+$0x40]  }
0x256: {  	v58 =	vld [tilespmem:s17+$0x50]  }
0x257: {  	v59 =	vld [tilespmem:s17+$0x840]  }
0x258: {  	v60 =	vld [tilespmem:s17+$0x850]  }
0x259: {  	v61 =	vld [tilespmem:s17+$0x1040]  }
0x25a: {  	v62 =	vld [tilespmem:s17+$0x1050]  }
0x25b: {  	v63 =	vld [tilespmem:s17+$0x1840]  }
0x25c: {  	v3 =	vld [tilespmem:s17+$0x1850]  }
0x25d: {  	v2 =	vld [tilespmem:s17+$0x0]  }
0x25e: {  	v4 =	vld [tilespmem:s17+$0x2000]  }
0x25f: {  	v5 =	vld [tilespmem:s17+$0x2010]  }
0x260: {  	v6 =	vld [tilespmem:s17+$0x2800]  }
0x261: {  	v7 =	vld [tilespmem:s17+$0x2810]  }
0x262: {  	v8 =	vld [tilespmem:s17+$0x2020]  }
0x263: {  	v45 =	vld [tilespmem:s17+$0x2840]  }
0x264: {  	v9 =	vld [tilespmem:s17+$0x2030]  }
0x265: {  	v10 =	vld [tilespmem:s17+$0x2820]  }
0x266: {  	v11 =	vld [tilespmem:s17+$0x2830]  }
0x267: {  	v43 =	vld [tilespmem:s17+$0x2040]  }
0x268: {  	v44 =	vld [tilespmem:s17+$0x2050];
	[tilespmem:$0x1FDB0] =	vst v45  }
0x269: {  	v45 =	vld [tilespmem:s17+$0x2850];
	_ =	sdelay $0x4  }
0x26a: {  	[tilespmem:$0x1FDC0] =	vst v45  }
0x26b: {  	v45 =	vld [tilespmem:s17+$0x3000];
	_ =	sdelay $0x4  }
0x26c: {  	[tilespmem:$0x1FDD0] =	vst v45  }
0x26d: {  	v45 =	vld [tilespmem:s17+$0x3010];
	_ =	sdelay $0x4  }
0x26e: {  	[tilespmem:$0x1FDE0] =	vst v45  }
0x26f: {  	v45 =	vld [tilespmem:s17+$0x3800];
	_ =	sdelay $0x4  }
0x270: {  	[tilespmem:$0x1FDF0] =	vst v45  }
0x271: {  	v45 =	vld [tilespmem:s17+$0x3810];
	_ =	sdelay $0x4  }
0x272: {  	[tilespmem:$0x1FE00] =	vst v45  }
0x273: {  	v45 =	vld [tilespmem:s17+$0x3020];
	_ =	sdelay $0x4  }
0x274: {  	[tilespmem:$0x1FE10] =	vst v45  }
0x275: {  	v45 =	vld [tilespmem:s17+$0x3030]  }
0x276: {  	v18 =	vadd.f32 v22, v18;
	v20 =	vadd.f32 v24, v20;
	_ =	sdelay $0x1  }
0x277: {  	v16 =	vadd.f32 v16, v18;
	v18 =	vadd.f32 v26, v20;
	_ =	sdelay $0x1  }
0x278: {  	v14 =	vadd.f32 v14, v16;
	v16 =	vadd.f32 v28, v18;
	[tilespmem:$0x1FE20] =	vst v45  }
0x279: {  	v19 =	vadd.f32 v23, v19;
	v45 =	vld [tilespmem:s17+$0x3820]  }
0x27a: {  	v12 =	vadd.f32 v12, v14;
	v14 =	vadd.f32 v30, v16  }
0x27b: {  	v21 =	vadd.f32 v25, v21;
	v17 =	vadd.f32 v17, v19  }
0x27c: {  	v14 =	vadd.f32 v32, v14;
	v32 =	vld [tilespmem:$0x1FCE0]  }
0x27d: {  	v19 =	vadd.f32 v27, v21;
	v15 =	vadd.f32 v15, v17  }
0x27e: {  	v14 =	vadd.f32 v34, v14;
	v34 =	vld [tilespmem:$0x1FD00];
	[tilespmem:$0x1FE30] =	vst v45  }
0x27f: {  	v17 =	vadd.f32 v29, v19;
	v13 =	vadd.f32 v13, v15;
	v45 =	vld [tilespmem:s17+$0x3830]  }
0x280: {  	v14 =	vadd.f32 v36, v14;
	v36 =	vld [tilespmem:$0x1FD20]  }
0x281: {  	v15 =	vadd.f32 v31, v17;
	v13 =	vadd.f32 v32, v13  }
0x282: {  	v14 =	vadd.f32 v38, v14;
	v38 =	vld [tilespmem:$0x1FD40]  }
0x283: {  	v15 =	vadd.f32 v33, v15;
	v33 =	vld [tilespmem:$0x1FCF0];
	v13 =	vadd.f32 v34, v13  }
0x284: {  	v12 =	vadd.f32 v42, v12;
	v42 =	vld [tilespmem:$0x1FD50];
	[tilespmem:$0x1FE40] =	vst v45  }
0x285: {  	v15 =	vadd.f32 v35, v15;
	v13 =	vadd.f32 v36, v13;
	v45 =	vld [tilespmem:s17+$0x3040]  }
0x286: {  	v35 =	vld [tilespmem:$0x1FD10]  }
0x287: {  	v15 =	vadd.f32 v37, v15;
	v37 =	vld [tilespmem:$0x1FD30];
	v13 =	vadd.f32 v38, v13  }
0x288: {  	v38 =	vadd.f32 v53, v49;
	v61 =	vadd.f32 v61, v57;
	v57 =	vld [tilespmem:$0x1FDA0]  }
0x289: {  	v3 =	vadd.f32 v3, v60;
	v60 =	vld [tilespmem:$0x1FDC0]  }
0x28a: {  	v8 =	vadd.f32 v8, v38;
	v38 =	vadd.f32 v43, v61;
	v61 =	vld [tilespmem:$0x1FDD0];
	[tilespmem:$0x1FE50] =	vst v45  }
0x28b: {  	v15 =	vadd.f32 v39, v15;
	v45 =	vld [tilespmem:s17+$0x3050]  }
0x28c: {  	v49 =	vld [tilespmem:$0x1FE00]  }
0x28d: {  	v15 =	vadd.f32 v41, v15;
	v41 =	vadd.f32 v55, v51;
	v51 =	vld [tilespmem:$0x1FE10]  }
0x28e: {  	v53 =	vld [tilespmem:$0x1FE20]  }
0x28f: {  	v55 =	vld [tilespmem:$0x1FE30]  }
0x290: {  	[tilespmem:$0x1FE60] =	vst v45;
	v45 =	vld [tilespmem:$0x1FD60]  }
0x291: {  	v22 =	vld [tilespmem:s17+$0x3840]  }
0x292: {  	v23 =	vld [tilespmem:s17+$0x3850]  }
0x293: {  	v20 =	vld [tilespmem:s17+$0x4000]  }
0x294: {  	v21 =	vld [tilespmem:s17+$0x4010]  }
0x295: {  	v18 =	vld [tilespmem:s17+$0x4800]  }
0x296: {  	v19 =	vld [tilespmem:s17+$0x4810]  }
0x297: {  	v16 =	vld [tilespmem:s17+$0x4020]  }
0x298: {  	v17 =	vld [tilespmem:s17+$0x4030]  }
0x299: {  	v24 =	vld [tilespmem:s17+$0x4820]  }
0x29a: {  	v25 =	vld [tilespmem:s17+$0x4830]  }
0x29b: {  	v26 =	vld [tilespmem:s17+$0x4040]  }
0x29c: {  	v27 =	vld [tilespmem:s17+$0x4050]  }
0x29d: {  	v28 =	vld [tilespmem:s17+$0x4840]  }
0x29e: {  	v29 =	vld [tilespmem:s17+$0x4850]  }
0x29f: {  	v30 =	vld [tilespmem:s17+$0x5000]  }
0x2a0: {  	v12 =	vadd.f32 v33, v12;
	v31 =	vld [tilespmem:s17+$0x5010]  }
0x2a1: {  	v32 =	vld [tilespmem:s17+$0x5800]  }
0x2a2: {  	v12 =	vadd.f32 v35, v12;
	v34 =	vld [tilespmem:s17+$0x5810]  }
0x2a3: {  	v35 =	vld [tilespmem:s17+$0x5020]  }
0x2a4: {  	v12 =	vadd.f32 v37, v12;
	v36 =	vld [tilespmem:s17+$0x5820]  }
0x2a5: {  	v39 =	vld [tilespmem:s17+$0x5830]  }
0x2a6: {  	v12 =	vadd.f32 v42, v12;
	v42 =	vld [tilespmem:s17+$0x5040]  }
0x2a7: {  	v14 =	vadd.f32 v40, v14;
	v40 =	vadd.f32 v54, v50;
	v50 =	vld [tilespmem:s17+$0x5840]  }
0x2a8: {  	v10 =	vadd.f32 v10, v41;
	v2 =	vadd.f32 v57, v2;
	v41 =	vld [tilespmem:s17+$0x6020]  }
0x2a9: {  	v54 =	vld [tilespmem:s17+$0x6040]  }
0x2aa: {  	v2 =	vadd.f32 v4, v2;
	v57 =	vld [tilespmem:s17+$0x6050]  }
0x2ab: {  	v9 =	vadd.f32 v9, v40;
	v3 =	vadd.f32 v60, v3;
	v60 =	vld [tilespmem:s17+$0x6840]  }
0x2ac: {  	v2 =	vadd.f32 v61, v2;
	v61 =	vld [tilespmem:s17+$0x7020]  }
0x2ad: {  	v9 =	vadd.f32 v53, v9;
	v53 =	vld [tilespmem:s17+$0x8840]  }
0x2ae: {  	v33 =	vadd.f32 v45, v13;
	v13 =	vadd.f32 v14, v12;
	v14 =	vld [tilespmem:s17+$0x5030]  }
0x2af: {  	v8 =	vadd.f32 v51, v8;
	v45 =	vld [tilespmem:s17+$0x6820]  }
0x2b0: {  	v12 =	vadd.f32 v15, v33;
	v15 =	vld [tilespmem:$0x1FD70]  }
0x2b1: {  	v3 =	vadd.f32 v23, v3;
	v23 =	vld [tilespmem:s17+$0x6850];
	v8 =	vadd.f32 v16, v8  }
0x2b2: {  	v2 =	vadd.f32 v20, v2;
	v20 =	vld [tilespmem:s17+$0x7000]  }
0x2b3: {  	v16 =	vld [tilespmem:s17+$0x7800];
	v8 =	vadd.f32 v35, v8  }
0x2b4: {  	v9 =	vadd.f32 v17, v9;
	v17 =	vld [tilespmem:s17+$0x7810]  }
0x2b5: {  	v8 =	vadd.f32 v41, v8;
	v15 =	vadd.f32 v46, v15;
	v46 =	vld [tilespmem:$0x1FD80]  }
0x2b6: {  	v9 =	vadd.f32 v14, v9;
	v14 =	vld [tilespmem:s17+$0x7040]  }
0x2b7: {  	v8 =	vadd.f32 v61, v8;
	v61 =	vld [tilespmem:s17+$0x9810]  }
0x2b8: {  	v4 =	vadd.f32 v5, v15;
	v5 =	vld [tilespmem:s17+$0x6000]  }
0x2b9: {  	v10 =	vadd.f32 v55, v10;
	v15 =	vld [tilespmem:s17+$0x6010]  }
0x2ba: {  	v33 =	vadd.f32 v47, v46;
	v47 =	vld [tilespmem:$0x1FD90]  }
0x2bb: {  	v10 =	vadd.f32 v24, v10;
	v46 =	vadd.f32 v56, v52;
	v52 =	vld [tilespmem:s17+$0x5850]  }
0x2bc: {  	v56 =	vadd.f32 v62, v58;
	v58 =	vadd.f32 v63, v59;
	v59 =	vld [tilespmem:$0x1FDB0]  }
0x2bd: {  	v2 =	vadd.f32 v30, v2;
	v62 =	vld [tilespmem:$0x1FDE0]  }
0x2be: {  	v3 =	vadd.f32 v29, v3;
	v10 =	vadd.f32 v36, v10;
	v63 =	vld [tilespmem:$0x1FDF0]  }
0x2bf: {  	v6 =	vadd.f32 v6, v33;
	v33 =	vld [tilespmem:s17+$0x6800];
	v2 =	vadd.f32 v5, v2  }
0x2c0: {  	v10 =	vadd.f32 v45, v10;
	v40 =	vadd.f32 v44, v56;
	v56 =	vld [tilespmem:$0x1FE40]  }
0x2c1: {  	v11 =	vadd.f32 v11, v46;
	v44 =	vld [tilespmem:s17+$0x6030];
	v2 =	vadd.f32 v20, v2  }
0x2c2: {  	v46 =	vld [tilespmem:s17+$0x6830];
	v37 =	vadd.f32 v48, v47;
	v43 =	vadd.f32 v59, v58  }
0x2c3: {  	v5 =	vld [tilespmem:s17+$0x8000];
	v4 =	vadd.f32 v62, v4;
	v6 =	vadd.f32 v63, v6  }
0x2c4: {  	v58 =	vld [tilespmem:$0x1FE50];
	v3 =	vadd.f32 v52, v3;
	v7 =	vadd.f32 v7, v37  }
0x2c5: {  	v59 =	vld [tilespmem:$0x1FE60];
	v11 =	vadd.f32 v56, v11;
	v22 =	vadd.f32 v22, v43  }
0x2c6: {  	v62 =	vld [tilespmem:s17+$0x7030];
	v4 =	vadd.f32 v21, v4;
	v6 =	vadd.f32 v18, v6  }
0x2c7: {  	v63 =	vld [tilespmem:s17+$0x7820];
	v9 =	vadd.f32 v44, v9;
	v3 =	vadd.f32 v23, v3  }
0x2c8: {  	v48 =	vld [tilespmem:s17+$0x5050];
	v2 =	vadd.f32 v5, v2;
	v7 =	vadd.f32 v49, v7  }
0x2c9: {  	v52 =	vld [tilespmem:s17+$0x8050];
	v11 =	vadd.f32 v25, v11;
	v22 =	vadd.f32 v28, v22  }
0x2ca: {  	v37 =	vld [tilespmem:s17+$0x6810];
	v4 =	vadd.f32 v31, v4;
	v6 =	vadd.f32 v32, v6  }
0x2cb: {  	v43 =	vld [tilespmem:s17+$0x7850];
	v38 =	vadd.f32 v58, v38;
	v40 =	vadd.f32 v59, v40  }
0x2cc: {  	v23 =	vld [tilespmem:s17+$0x8030];
	v9 =	vadd.f32 v62, v9;
	v10 =	vadd.f32 v63, v10  }
0x2cd: {  	v18 =	vld [tilespmem:s17+$0x7010];
	v7 =	vadd.f32 v19, v7;
	v11 =	vadd.f32 v39, v11  }
0x2ce: {  	v44 =	vld [tilespmem:s17+$0x8800];
	v22 =	vadd.f32 v50, v22;
	v4 =	vadd.f32 v15, v4  }
0x2cf: {  	s1 =	sadd.s32 $0xFFFFFFFC, s22;
	v6 =	vadd.f32 v33, v6;
	v15 =	vld [tilespmem:s17+$0x8010];
	v19 =	vadd.f32 v26, v38  }
0x2d0: {  	s15 =	sadd.s32 $0x44, s1;
	v50 =	vld [tilespmem:s17+$0x8020];
	v21 =	vadd.f32 v27, v40;
	v3 =	vadd.f32 v43, v3  }
0x2d1: {  	s16 =	sadd.s32 $0x45, s1;
	v51 =	vmov s15;
	v38 =	vld [tilespmem:s17+$0x7830];
	v23 =	vadd.f32 v23, v9;
	v7 =	vadd.f32 v34, v7  }
0x2d2: {  	s6 =	sadd.s32 $0x47, s1;
	v55 =	vmov s16;
	v40 =	vld [tilespmem:s17+$0x7050];
	v11 =	vadd.f32 v46, v11;
	v22 =	vadd.f32 v60, v22  }
0x2d3: {  	v20 =	vmov s6;
	v4 =	vadd.f32 v18, v4;
	v18 =	vld [tilespmem:s17+$0x8820];
	v19 =	vadd.f32 v42, v19  }
0x2d4: {  	v6 =	vadd.f32 v16, v6;
	v16 =	vand.u32 $0x1FF, v20;
	v20 =	vld [tilespmem:s17+$0x8040];
	v21 =	vadd.f32 v48, v21  }
0x2d5: {  	v24 =	vand.u32 $0x1FC, v51;
	v42 =	vld [tilespmem:s17+$0x7840];
	v7 =	vadd.f32 v37, v7;
	v19 =	vadd.f32 v54, v19  }
0x2d6: {  	v5 =	vand.u32 $0x1FD, v55;
	v48 =	vld [tilespmem:s17+$0x8810];
	v21 =	vadd.f32 v57, v21;
	v15 =	vadd.f32 v15, v4  }
0x2d7: {  	s1 =	sadd.s32 $0x46, s1;
	v56 =	vld [tilespmem:s17+$0x9000];
	v16 =	vbroadcast v16, $0x0;
	v57 =	vadd.f32 v44, v6;
	v60 =	vadd.f32 v50, v8  }
0x2d8: {  	v59 =	vld [tilespmem:s17+$0x9800];
	v4 =	vmov s1;
	v7 =	vadd.f32 v17, v7;
	v11 =	vadd.f32 v38, v11  }
0x2d9: {  	v17 =	vld [tilespmem:s17+$0x8830];
	v14 =	vadd.f32 v14, v19;
	v19 =	vor.u32 v0, v16;
	v21 =	vadd.f32 v40, v21  }
0x2da: {  	v58 =	vld [tilespmem:s17+$0x9010];
	v16 =	vor.u32 v1, v16;
	v62 =	vadd.f32 v18, v10;
	v22 =	vadd.f32 v42, v22  }
0x2db: {  	v54 =	vld [tilespmem:s17+$0x8850];
	v6 =	vbroadcast v24, $0x0;
	v7 =	vadd.f32 v48, v7;
	v9 =	vadd.f32 v20, v14  }
0x2dc: {  	v4 =	vand.u32 $0x1FE, v4;
	v18 =	vld [tilespmem:s17+$0x9020];
	v8 =	vadd.f32 v52, v21;
	v20 =	vadd.f32 v56, v2  }
0x2dd: {  	v63 =	vor.u32 v0, v6;
	v21 =	vld [tilespmem:s17+$0x9820];
	v10 =	vadd.f32 v53, v22;
	v22 =	vadd.f32 v59, v57  }
0x2de: {  	v6 =	vor.u32 v1, v6;
	v11 =	vadd.f32 v17, v11;
	v17 =	vld [tilespmem:s17+$0x9030];
	[tilespmem:v19+s26+$0x0] =	vst.idx.msk $0xffff, v13;
	v19 =	vbroadcast v5, $0x0  }
0x2df: {  	v7 =	vadd.f32 v61, v7;
	v13 =	vld [tilespmem:s17+$0x9830];
	v22 =	vadd.f32 v22, v20;
	[tilespmem:v16+s26+$0x0] =	vst.idx.msk $0xffff, v12;
	v16 =	vbroadcast v4, $0x0  }
0x2e0: {  	v14 =	vld [tilespmem:s17+$0x9040];
	v5 =	vor.u32 v0, v19;
	v4 =	vor.u32 v1, v19;
	v19 =	vadd.f32 v58, v15  }
0x2e1: {  	v18 =	vadd.f32 v18, v60;
	v12 =	vadd.f32 v54, v3;
	v15 =	vld [tilespmem:s17+$0x9050]  }
0x2e2: {  	v2 =	vor.u32 v0, v16;
	v3 =	vor.u32 v1, v16;
	v16 =	vld [tilespmem:s17+$0x9840];
	v20 =	vadd.f32 v7, v19  }
0x2e3: {  	s16 =	simm.s32 $0x0;
	[tilespmem:v63+s26+$0x0] =	vst.idx.msk $0xffff, v22;
	v21 =	vadd.f32 v21, v62;
	v19 =	vadd.f32 v17, v23;
	v17 =	vld [tilespmem:s17+$0x9850];
	s17 =	simm.s32 $0xC880  }
.LBB2_5:
0x2e4: {  	v7 =	vld [tilespmem:s17+$0x9060];
	[tilespmem:v6+s26+$0x0] =	vst.idx.msk $0xffff, v20;
	v11 =	vadd.f32 v13, v11;
	s5 =	smov.u32 s16  }
0x2e5: {  	v6 =	vld [tilespmem:s17+$0x9070];
	v13 =	vadd.f32 v21, v18;
	v9 =	vadd.f32 v14, v9  }
0x2e6: {  	v14 =	vld [tilespmem:s17+$0x8060];
	v11 =	vadd.f32 v11, v19;
	v8 =	vadd.f32 v15, v8  }
0x2e7: {  	v15 =	vld [tilespmem:s17+$0x8070];
	[tilespmem:v5+s26+$0x0] =	vst.idx.msk $0xffff, v13;
	v5 =	vadd.f32 v16, v10  }
0x2e8: {  	v10 =	vld [tilespmem:s17+$0x7060];
	[tilespmem:v4+s26+$0x0] =	vst.idx.msk $0xffff, v11;
	v4 =	vadd.f32 v17, v12  }
0x2e9: {  	v11 =	vld [tilespmem:s17+$0x7070];
	v5 =	vadd.f32 v5, v9  }
0x2ea: {  	v9 =	vld [tilespmem:s17+$0x6060];
	v4 =	vadd.f32 v4, v8  }
0x2eb: {  	v8 =	vld [tilespmem:s17+$0x6070];
	[tilespmem:v2+s26+$0x0] =	vst.idx.msk $0xffff, v5  }
0x2ec: {  	v2 =	vld [tilespmem:s17+$0x5060];
	[tilespmem:v3+s26+$0x0] =	vst.idx.msk $0xffff, v4  }
0x2ed: {  	v3 =	vld [tilespmem:s17+$0x5070]  }
0x2ee: {  	v4 =	vld [tilespmem:s17+$0x4060]  }
0x2ef: {  	v5 =	vld [tilespmem:s17+$0x4070]  }
0x2f0: {  	v12 =	vld [tilespmem:s17+$0x3060]  }
0x2f1: {  	v13 =	vld [tilespmem:s17+$0x3070]  }
0x2f2: {  	v16 =	vld [tilespmem:s17+$0x2060]  }
0x2f3: {  	v17 =	vld [tilespmem:s17+$0x2070]  }
0x2f4: {  	v18 =	vld [tilespmem:s17+$0x60]  }
0x2f5: {  	v19 =	vld [tilespmem:s17+$0x70]  }
0x2f6: {  	v20 =	vld [tilespmem:s17+$0x860]  }
0x2f7: {  	v21 =	vld [tilespmem:s17+$0x870]  }
0x2f8: {  	v22 =	vld [tilespmem:s17+$0x1060]  }
0x2f9: {  	v23 =	vld [tilespmem:s17+$0x1070]  }
0x2fa: {  	v24 =	vld [tilespmem:s17+$0x1860]  }
0x2fb: {  	s16 =	sadd.s32 $0x4, s16;
	v25 =	vld [tilespmem:s17+$0x1870]  }
0x2fc: {  	p1 =	slt.u32 s16, $0x3C;
	v26 =	vld [tilespmem:s17+$0x2860]  }
0x2fd: {  	v27 =	vld [tilespmem:s17+$0x2870]  }
0x2fe: {  	v28 =	vld [tilespmem:s17+$0x3860]  }
0x2ff: {  	v18 =	vadd.f32 v22, v18;
	v20 =	vadd.f32 v24, v20;
	v22 =	vld [tilespmem:s17+$0x3870]  }
0x300: {  	v19 =	vadd.f32 v23, v19;
	v21 =	vadd.f32 v25, v21;
	v23 =	vld [tilespmem:s17+$0x4860]  }
0x301: {  	v16 =	vadd.f32 v16, v18;
	v18 =	vadd.f32 v26, v20;
	v20 =	vld [tilespmem:s17+$0x4870]  }
0x302: {  	v17 =	vadd.f32 v17, v19;
	v19 =	vadd.f32 v27, v21;
	v21 =	vld [tilespmem:s17+$0x5860]  }
0x303: {  	v12 =	vadd.f32 v12, v16;
	v16 =	vadd.f32 v28, v18;
	v18 =	vld [tilespmem:s17+$0x5870]  }
0x304: {  	v13 =	vadd.f32 v13, v17;
	v17 =	vadd.f32 v22, v19;
	v19 =	vld [tilespmem:s17+$0x6860]  }
0x305: {  	v4 =	vadd.f32 v4, v12;
	v12 =	vadd.f32 v23, v16;
	v16 =	vld [tilespmem:s17+$0x6870]  }
0x306: {  	v5 =	vadd.f32 v5, v13;
	v13 =	vadd.f32 v20, v17;
	v17 =	vld [tilespmem:s17+$0x7860]  }
0x307: {  	v2 =	vadd.f32 v2, v4;
	v4 =	vadd.f32 v21, v12;
	v12 =	vld [tilespmem:s17+$0x7870]  }
0x308: {  	s1 =	sadd.s32 s5, s22;
	v3 =	vadd.f32 v3, v5;
	v5 =	vadd.f32 v18, v13;
	v13 =	vld [tilespmem:s17+$0x8860]  }
0x309: {  	s5 =	sadd.s32 $0x44, s1;
	s6 =	sadd.s32 $0x45, s1;
	s15 =	sadd.s32 $0x47, s1;
	v2 =	vadd.f32 v9, v2;
	v4 =	vadd.f32 v19, v4;
	v9 =	vld [tilespmem:s17+$0x8870]  }
0x30a: {  	s1 =	sadd.s32 $0x46, s1;
	v3 =	vadd.f32 v8, v3;
	v5 =	vadd.f32 v16, v5;
	v8 =	vld [tilespmem:s17+$0x9860];
	v16 =	vmov s15  }
0x30b: {  	v2 =	vadd.f32 v10, v2;
	v4 =	vadd.f32 v17, v4;
	v10 =	vld [tilespmem:s17+$0x9870];
	v16 =	vand.u32 $0x1FF, v16  }
0x30c: {  	v3 =	vadd.f32 v11, v3;
	v17 =	vld [tilespmem:s17+$0x10];
	v5 =	vadd.f32 v12, v5;
	v11 =	vbroadcast v16, $0x0  }
0x30d: {  	v2 =	vadd.f32 v14, v2;
	v16 =	vmov s5;
	v12 =	vld [tilespmem:s17+$0x800];
	v4 =	vadd.f32 v13, v4  }
0x30e: {  	v3 =	vadd.f32 v15, v3;
	v13 =	vld [tilespmem:s17+$0x810];
	v5 =	vadd.f32 v9, v5;
	v9 =	vor.u32 v0, v11  }
0x30f: {  	v2 =	vadd.f32 v7, v2;
	v7 =	vor.u32 v1, v11;
	v14 =	vld [tilespmem:s17+$0x1000];
	v4 =	vadd.f32 v8, v4  }
0x310: {  	v11 =	vmov s6;
	v3 =	vadd.f32 v6, v3;
	v8 =	vld [tilespmem:s17+$0x1010];
	v5 =	vadd.f32 v10, v5  }
0x311: {  	v15 =	vmov s1;
	v6 =	vand.u32 $0x1FC, v16;
	v10 =	vld [tilespmem:s17+$0x1800];
	v2 =	vadd.f32 v4, v2  }
0x312: {  	v4 =	vand.u32 $0x1FD, v11;
	v11 =	vand.u32 $0x1FE, v15;
	v16 =	vld [tilespmem:s17+$0x1810];
	v3 =	vadd.f32 v5, v3  }
0x313: {  	v5 =	vbroadcast v6, $0x0;
	v4 =	vbroadcast v4, $0x0;
	v15 =	vld [tilespmem:s17+$0x20];
	[tilespmem:v9+s26+$0x0] =	vst.idx.msk $0xffff, v2  }
0x314: {  	v11 =	vbroadcast v11, $0x0;
	v9 =	vld [tilespmem:s17+$0x30];
	[tilespmem:v7+s26+$0x0] =	vst.idx.msk $0xffff, v3  }
0x315: {  	v7 =	vor.u32 v0, v5;
	v6 =	vor.u32 v1, v5;
	v8 =	vadd.f32 v8, v17;
	v17 =	vld [tilespmem:s17+$0x820]  }
0x316: {  	v5 =	vor.u32 v0, v4;
	v4 =	vor.u32 v1, v4;
	v10 =	vadd.f32 v10, v12;
	v12 =	vld [tilespmem:s17+$0x830]  }
0x317: {  	v2 =	vor.u32 v0, v11;
	v3 =	vor.u32 v1, v11;
	v13 =	vadd.f32 v16, v13;
	v16 =	vld [tilespmem:s17+$0x1020]  }
0x318: {  	v11 =	vld [tilespmem:s17+$0x1030]  }
0x319: {  	v18 =	vld [tilespmem:s17+$0x1820]  }
0x31a: {  	v19 =	vld [tilespmem:s17+$0x1830]  }
0x31b: {  	v20 =	vld [tilespmem:s17+$0x40]  }
0x31c: {  	v15 =	vadd.f32 v16, v15;
	v16 =	vld [tilespmem:s17+$0x50]  }
0x31d: {  	v9 =	vadd.f32 v11, v9;
	v11 =	vld [tilespmem:s17+$0x840]  }
0x31e: {  	v17 =	vadd.f32 v18, v17;
	v18 =	vld [tilespmem:s17+$0x850]  }
0x31f: {  	v12 =	vadd.f32 v19, v12;
	v19 =	vld [tilespmem:s17+$0x1040]  }
0x320: {  	v21 =	vld [tilespmem:s17+$0x1050]  }
0x321: {  	v22 =	vld [tilespmem:s17+$0x1840]  }
0x322: {  	v23 =	vld [tilespmem:s17+$0x1850]  }
0x323: {  	v24 =	vld [tilespmem:s17+$0x0]  }
0x324: {  	v25 =	vld [tilespmem:s17+$0x2000];
	v19 =	vadd.f32 v19, v20  }
0x325: {  	v20 =	vld [tilespmem:s17+$0x2010];
	v16 =	vadd.f32 v21, v16  }
0x326: {  	v21 =	vld [tilespmem:s17+$0x2800];
	v11 =	vadd.f32 v22, v11  }
0x327: {  	v22 =	vld [tilespmem:s17+$0x2810];
	v18 =	vadd.f32 v23, v18  }
0x328: {  	v14 =	vadd.f32 v14, v24;
	v23 =	vld [tilespmem:s17+$0x2020]  }
0x329: {  	v24 =	vld [tilespmem:s17+$0x2030]  }
0x32a: {  	v14 =	vadd.f32 v25, v14;
	v8 =	vadd.f32 v20, v8;
	v20 =	vld [tilespmem:s17+$0x2820]  }
0x32b: {  	v10 =	vadd.f32 v21, v10;
	v21 =	vld [tilespmem:s17+$0x2830]  }
0x32c: {  	v13 =	vadd.f32 v22, v13;
	v22 =	vld [tilespmem:s17+$0x2040]  }
0x32d: {  	v15 =	vadd.f32 v23, v15;
	v23 =	vld [tilespmem:s17+$0x2050]  }
0x32e: {  	v9 =	vadd.f32 v24, v9;
	v24 =	vld [tilespmem:s17+$0x2840]  }
0x32f: {  	v17 =	vadd.f32 v20, v17;
	v20 =	vld [tilespmem:s17+$0x2850]  }
0x330: {  	v25 =	vld [tilespmem:s17+$0x3000];
	v12 =	vadd.f32 v21, v12  }
0x331: {  	v21 =	vld [tilespmem:s17+$0x3010];
	v19 =	vadd.f32 v22, v19  }
0x332: {  	v22 =	vld [tilespmem:s17+$0x3800];
	v16 =	vadd.f32 v23, v16  }
0x333: {  	v23 =	vld [tilespmem:s17+$0x3810];
	v11 =	vadd.f32 v24, v11  }
0x334: {  	v24 =	vld [tilespmem:s17+$0x3020];
	v18 =	vadd.f32 v20, v18  }
0x335: {  	v14 =	vadd.f32 v25, v14;
	v20 =	vld [tilespmem:s17+$0x3030]  }
0x336: {  	v8 =	vadd.f32 v21, v8;
	v21 =	vld [tilespmem:s17+$0x3820]  }
0x337: {  	v10 =	vadd.f32 v22, v10;
	v22 =	vld [tilespmem:s17+$0x3830]  }
0x338: {  	v13 =	vadd.f32 v23, v13;
	v23 =	vld [tilespmem:s17+$0x3040]  }
0x339: {  	v15 =	vadd.f32 v24, v15;
	v24 =	vld [tilespmem:s17+$0x3050]  }
0x33a: {  	v9 =	vadd.f32 v20, v9;
	v20 =	vld [tilespmem:s17+$0x3840]  }
0x33b: {  	v17 =	vadd.f32 v21, v17;
	v21 =	vld [tilespmem:s17+$0x3850]  }
0x33c: {  	v25 =	vld [tilespmem:s17+$0x4000];
	v12 =	vadd.f32 v22, v12  }
0x33d: {  	v22 =	vld [tilespmem:s17+$0x4010];
	v19 =	vadd.f32 v23, v19  }
0x33e: {  	v23 =	vld [tilespmem:s17+$0x4800];
	v16 =	vadd.f32 v24, v16  }
0x33f: {  	v24 =	vld [tilespmem:s17+$0x4810];
	v11 =	vadd.f32 v20, v11  }
0x340: {  	v20 =	vld [tilespmem:s17+$0x4020];
	v18 =	vadd.f32 v21, v18  }
0x341: {  	v14 =	vadd.f32 v25, v14;
	v21 =	vld [tilespmem:s17+$0x4030]  }
0x342: {  	v8 =	vadd.f32 v22, v8;
	v22 =	vld [tilespmem:s17+$0x4820]  }
0x343: {  	v10 =	vadd.f32 v23, v10;
	v23 =	vld [tilespmem:s17+$0x4830]  }
0x344: {  	v13 =	vadd.f32 v24, v13;
	v24 =	vld [tilespmem:s17+$0x4040]  }
0x345: {  	v15 =	vadd.f32 v20, v15;
	v20 =	vld [tilespmem:s17+$0x4050]  }
0x346: {  	v9 =	vadd.f32 v21, v9;
	v21 =	vld [tilespmem:s17+$0x4840]  }
0x347: {  	v17 =	vadd.f32 v22, v17;
	v22 =	vld [tilespmem:s17+$0x4850]  }
0x348: {  	v25 =	vld [tilespmem:s17+$0x5000];
	v12 =	vadd.f32 v23, v12  }
0x349: {  	v23 =	vld [tilespmem:s17+$0x5010];
	v19 =	vadd.f32 v24, v19  }
0x34a: {  	v24 =	vld [tilespmem:s17+$0x5800];
	v16 =	vadd.f32 v20, v16  }
0x34b: {  	v20 =	vld [tilespmem:s17+$0x5810];
	v11 =	vadd.f32 v21, v11  }
0x34c: {  	v21 =	vld [tilespmem:s17+$0x5020];
	v18 =	vadd.f32 v22, v18  }
0x34d: {  	v14 =	vadd.f32 v25, v14;
	v22 =	vld [tilespmem:s17+$0x5030]  }
0x34e: {  	v8 =	vadd.f32 v23, v8;
	v23 =	vld [tilespmem:s17+$0x5820]  }
0x34f: {  	v10 =	vadd.f32 v24, v10;
	v24 =	vld [tilespmem:s17+$0x5830]  }
0x350: {  	v13 =	vadd.f32 v20, v13;
	v20 =	vld [tilespmem:s17+$0x5040]  }
0x351: {  	v15 =	vadd.f32 v21, v15;
	v21 =	vld [tilespmem:s17+$0x5050]  }
0x352: {  	v9 =	vadd.f32 v22, v9;
	v22 =	vld [tilespmem:s17+$0x5840]  }
0x353: {  	v17 =	vadd.f32 v23, v17;
	v23 =	vld [tilespmem:s17+$0x5850]  }
0x354: {  	v25 =	vld [tilespmem:s17+$0x6000];
	v12 =	vadd.f32 v24, v12  }
0x355: {  	v24 =	vld [tilespmem:s17+$0x6010];
	v19 =	vadd.f32 v20, v19  }
0x356: {  	v20 =	vld [tilespmem:s17+$0x6800];
	v16 =	vadd.f32 v21, v16  }
0x357: {  	v21 =	vld [tilespmem:s17+$0x6810];
	v11 =	vadd.f32 v22, v11  }
0x358: {  	v22 =	vld [tilespmem:s17+$0x6020];
	v18 =	vadd.f32 v23, v18  }
0x359: {  	v14 =	vadd.f32 v25, v14;
	v23 =	vld [tilespmem:s17+$0x6030]  }
0x35a: {  	v8 =	vadd.f32 v24, v8;
	v24 =	vld [tilespmem:s17+$0x6820]  }
0x35b: {  	v10 =	vadd.f32 v20, v10;
	v20 =	vld [tilespmem:s17+$0x6830]  }
0x35c: {  	v13 =	vadd.f32 v21, v13;
	v21 =	vld [tilespmem:s17+$0x6040]  }
0x35d: {  	v15 =	vadd.f32 v22, v15;
	v22 =	vld [tilespmem:s17+$0x6050]  }
0x35e: {  	v9 =	vadd.f32 v23, v9;
	v23 =	vld [tilespmem:s17+$0x6840]  }
0x35f: {  	v17 =	vadd.f32 v24, v17;
	v24 =	vld [tilespmem:s17+$0x6850]  }
0x360: {  	v25 =	vld [tilespmem:s17+$0x7000];
	v12 =	vadd.f32 v20, v12  }
0x361: {  	v20 =	vld [tilespmem:s17+$0x7010];
	v19 =	vadd.f32 v21, v19  }
0x362: {  	v21 =	vld [tilespmem:s17+$0x7800];
	v16 =	vadd.f32 v22, v16  }
0x363: {  	v22 =	vld [tilespmem:s17+$0x7810];
	v11 =	vadd.f32 v23, v11  }
0x364: {  	v23 =	vld [tilespmem:s17+$0x7020];
	v18 =	vadd.f32 v24, v18  }
0x365: {  	v14 =	vadd.f32 v25, v14;
	v24 =	vld [tilespmem:s17+$0x7030]  }
0x366: {  	v8 =	vadd.f32 v20, v8;
	v20 =	vld [tilespmem:s17+$0x7820]  }
0x367: {  	v10 =	vadd.f32 v21, v10;
	v21 =	vld [tilespmem:s17+$0x7830]  }
0x368: {  	v13 =	vadd.f32 v22, v13;
	v22 =	vld [tilespmem:s17+$0x7040]  }
0x369: {  	v15 =	vadd.f32 v23, v15;
	v23 =	vld [tilespmem:s17+$0x7050]  }
0x36a: {  	v9 =	vadd.f32 v24, v9;
	v24 =	vld [tilespmem:s17+$0x7840]  }
0x36b: {  	v17 =	vadd.f32 v20, v17;
	v20 =	vld [tilespmem:s17+$0x7850]  }
0x36c: {  	v25 =	vld [tilespmem:s17+$0x8000];
	v12 =	vadd.f32 v21, v12  }
0x36d: {  	v21 =	vld [tilespmem:s17+$0x8010];
	v19 =	vadd.f32 v22, v19  }
0x36e: {  	v22 =	vld [tilespmem:s17+$0x8800];
	v16 =	vadd.f32 v23, v16  }
0x36f: {  	v23 =	vld [tilespmem:s17+$0x8810];
	v24 =	vadd.f32 v24, v11  }
0x370: {  	v11 =	vld [tilespmem:s17+$0x8020];
	v18 =	vadd.f32 v20, v18  }
0x371: {  	v14 =	vadd.f32 v25, v14;
	v20 =	vld [tilespmem:s17+$0x8030]  }
0x372: {  	v21 =	vadd.f32 v21, v8;
	v8 =	vld [tilespmem:s17+$0x8820]  }
0x373: {  	v22 =	vadd.f32 v22, v10;
	v10 =	vld [tilespmem:s17+$0x8830]  }
0x374: {  	v23 =	vadd.f32 v23, v13;
	v13 =	vld [tilespmem:s17+$0x8040]  }
0x375: {  	v15 =	vadd.f32 v11, v15;
	v25 =	vld [tilespmem:s17+$0x8050]  }
0x376: {  	v26 =	vadd.f32 v20, v9;
	v20 =	vld [tilespmem:s17+$0x8840]  }
0x377: {  	v17 =	vadd.f32 v8, v17;
	v27 =	vld [tilespmem:s17+$0x8850]  }
0x378: {  	v28 =	vld [tilespmem:s17+$0x9000];
	v11 =	vadd.f32 v10, v12  }
0x379: {  	v29 =	vld [tilespmem:s17+$0x9010];
	v9 =	vadd.f32 v13, v19  }
0x37a: {  	v13 =	vld [tilespmem:s17+$0x9800];
	v8 =	vadd.f32 v25, v16  }
0x37b: {  	v16 =	vld [tilespmem:s17+$0x9810];
	v10 =	vadd.f32 v20, v24  }
0x37c: {  	v19 =	vld [tilespmem:s17+$0x9020];
	v12 =	vadd.f32 v27, v18  }
0x37d: {  	v18 =	vadd.f32 v28, v14;
	v24 =	vld [tilespmem:s17+$0x9030]  }
0x37e: {  	v20 =	vadd.f32 v29, v21;
	v21 =	vld [tilespmem:s17+$0x9820]  }
.Ltmp1:
0x37f: {  	v22 =	vadd.f32 v13, v22;
	v13 =	vld [tilespmem:s17+$0x9830];
	(pc) =	sbr.rel @p1 .LBB2_5-.Ltmp1, $4  }
0x380: {  	v16 =	vadd.f32 v16, v23;
	v14 =	vld [tilespmem:s17+$0x9040]  }
0x381: {  	v22 =	vadd.f32 v22, v18;
	v18 =	vadd.f32 v19, v15;
	v15 =	vld [tilespmem:s17+$0x9050]  }
0x382: {  	v20 =	vadd.f32 v16, v20;
	v19 =	vadd.f32 v24, v26;
	v16 =	vld [tilespmem:s17+$0x9840]  }
0x383: {  	[tilespmem:v7+s26+$0x0] =	vst.idx.msk $0xffff, v22;
	v21 =	vadd.f32 v21, v17;
	v17 =	vld [tilespmem:s17+$0x9850];
	s17 =	sadd.s32 $0x80, s17  }
0x384: {  	_ = 	snop  }
0x385: {  	v7 =	vadd.f32 v13, v11  }
0x386: {  	v59 =	vadd.f32 v21, v18;
	v9 =	vadd.f32 v14, v9  }
0x387: {  	v7 =	vadd.f32 v7, v19;
	v10 =	vadd.f32 v16, v10  }
0x388: {  	[tilespmem:v6+s26+$0x0] =	vst.idx.msk $0xffff, v20;
	v60 =	vadd.f32 v15, v8;
	v61 =	vadd.f32 v17, v12  }
0x389: {  	[tilespmem:v5+s26+$0x0] =	vst.idx.msk $0xffff, v59;
	v62 =	vadd.f32 v10, v9  }
0x38a: {  	[tilespmem:v4+s26+$0x0] =	vst.idx.msk $0xffff, v7;
	v63 =	vadd.f32 v61, v60  }
0x38b: {  	[tilespmem:v2+s26+$0x0] =	vst.idx.msk $0xffff, v62  }
0x38c: {  	s1 =	sadd.s32 @!p0 $0xC0, s24;
	s5 =	simm.s32 @!p0 $0x40;
	s6 =	simm.s32 @!p0 $0xC800;
	[tilespmem:v3+s26+$0x0] =	vst.idx.msk $0xffff, v63  }
0x38d: {  	[tilespmem:s6], [sflag:$0x2] =	stream.indirect.gather @!p0 [hbm4b:s3+s5], $0x20, s1, s5, $0xb8;
	[tilespmem:$0x1EA00] =	vst v63  }
0x38e: {  	s1 =	sadd.s32 @!p0 $0x2C0, s24;
	s6 =	simm.s32 @!p0 $0xD000  }
0x38f: {  	[tilespmem:s6], [sflag:$0x2] =	stream.indirect.gather @!p0 [hbm4b:s3+s5], $0x20, s1, s5, $0xb8;
	[tilespmem:$0x1EA00] =	vst v63  }
0x390: {  	s1 =	sadd.s32 @!p0 $0x4C0, s24;
	s6 =	simm.s32 @!p0 $0xD800  }
0x391: {  	[tilespmem:s6], [sflag:$0x2] =	stream.indirect.gather @!p0 [hbm4b:s3+s5], $0x20, s1, s5, $0xb8;
	[tilespmem:$0x1EA00] =	vst v63  }
0x392: {  	s1 =	sadd.s32 @!p0 $0x6C0, s24;
	s6 =	simm.s32 @!p0 $0xE000  }
0x393: {  	[tilespmem:s6], [sflag:$0x2] =	stream.indirect.gather @!p0 [hbm4b:s3+s5], $0x20, s1, s5, $0xb8;
	[tilespmem:$0x1EA00] =	vst v63  }
0x394: {  	s1 =	sadd.s32 @!p0 $0x8C0, s24;
	s6 =	simm.s32 @!p0 $0xE800  }
0x395: {  	[tilespmem:s6], [sflag:$0x2] =	stream.indirect.gather @!p0 [hbm4b:s3+s5], $0x20, s1, s5, $0xb8;
	[tilespmem:$0x1EA00] =	vst v63  }
0x396: {  	s1 =	sadd.s32 @!p0 $0xAC0, s24;
	s6 =	simm.s32 @!p0 $0xF000  }
0x397: {  	[tilespmem:s6], [sflag:$0x2] =	stream.indirect.gather @!p0 [hbm4b:s3+s5], $0x20, s1, s5, $0xb8;
	[tilespmem:$0x1EA00] =	vst v63  }
0x398: {  	s1 =	sadd.s32 @!p0 $0xCC0, s24;
	s6 =	simm.s32 @!p0 $0xF800  }
0x399: {  	[tilespmem:s6], [sflag:$0x2] =	stream.indirect.gather @!p0 [hbm4b:s3+s5], $0x20, s1, s5, $0xb8;
	[tilespmem:$0x1EA00] =	vst v63  }
0x39a: {  	s1 =	sadd.s32 @!p0 $0xEC0, s24;
	s6 =	simm.s32 @!p0 $0x10000  }
0x39b: {  	[tilespmem:s6], [sflag:$0x2] =	stream.indirect.gather @!p0 [hbm4b:s3+s5], $0x20, s1, s5, $0xb8;
	[tilespmem:$0x1EA00] =	vst v63  }
0x39c: {  	s1 =	sadd.s32 @!p0 $0x10C0, s24;
	s6 =	simm.s32 @!p0 $0x10800  }
0x39d: {  	[tilespmem:s6], [sflag:$0x2] =	stream.indirect.gather @!p0 [hbm4b:s3+s5], $0x20, s1, s5, $0xb8;
	[tilespmem:$0x1EA00] =	vst v63  }
0x39e: {  	s1 =	sadd.s32 @!p0 $0x12C0, s24;
	s6 =	simm.s32 @!p0 $0x11000  }
0x39f: {  	[tilespmem:s6], [sflag:$0x2] =	stream.indirect.gather @!p0 [hbm4b:s3+s5], $0x20, s1, s5, $0xb8;
	[tilespmem:$0x1EA00] =	vst v63  }
0x3a0: {  	s1 =	sadd.s32 @!p0 $0x14C0, s24;
	s6 =	simm.s32 @!p0 $0x11800  }
0x3a1: {  	[tilespmem:s6], [sflag:$0x2] =	stream.indirect.gather @!p0 [hbm4b:s3+s5], $0x20, s1, s5, $0xb8;
	[tilespmem:$0x1EA00] =	vst v63  }
0x3a2: {  	s1 =	sadd.s32 @!p0 $0x16C0, s24;
	s6 =	simm.s32 @!p0 $0x12000  }
0x3a3: {  	[tilespmem:s6], [sflag:$0x2] =	stream.indirect.gather @!p0 [hbm4b:s3+s5], $0x20, s1, s5, $0xb8;
	[tilespmem:$0x1EA00] =	vst v63  }
0x3a4: {  	s1 =	sadd.s32 @!p0 $0x18C0, s24;
	s6 =	simm.s32 @!p0 $0x12800  }
0x3a5: {  	[tilespmem:s6], [sflag:$0x2] =	stream.indirect.gather @!p0 [hbm4b:s3+s5], $0x20, s1, s5, $0xb8;
	[tilespmem:$0x1EA00] =	vst v63  }
0x3a6: {  	s1 =	sadd.s32 @!p0 $0x1AC0, s24;
	s6 =	simm.s32 @!p0 $0x13000  }
0x3a7: {  	[tilespmem:s6], [sflag:$0x2] =	stream.indirect.gather @!p0 [hbm4b:s3+s5], $0x20, s1, s5, $0xb8;
	[tilespmem:$0x1EA00] =	vst v63  }
0x3a8: {  	s1 =	sadd.s32 @!p0 $0x1CC0, s24;
	s6 =	simm.s32 @!p0 $0x13800  }
0x3a9: {  	[tilespmem:s6], [sflag:$0x2] =	stream.indirect.gather @!p0 [hbm4b:s3+s5], $0x20, s1, s5, $0xb8;
	[tilespmem:$0x1EA00] =	vst v63  }
0x3aa: {  	s1 =	sadd.s32 @!p0 $0x1EC0, s24;
	s6 =	simm.s32 @!p0 $0x14000  }
0x3ab: {  	[tilespmem:s6], [sflag:$0x2] =	stream.indirect.gather @!p0 [hbm4b:s3+s5], $0x20, s1, s5, $0xb8;
	[tilespmem:$0x1EA00] =	vst v63  }
0x3ac: {  	s1 =	sadd.s32 @!p0 $0x20C0, s24;
	s6 =	simm.s32 @!p0 $0x14800  }
0x3ad: {  	[tilespmem:s6], [sflag:$0x2] =	stream.indirect.gather @!p0 [hbm4b:s3+s5], $0x20, s1, s5, $0xb8;
	[tilespmem:$0x1EA00] =	vst v63  }
0x3ae: {  	s1 =	sadd.s32 @!p0 $0x22C0, s24;
	s6 =	simm.s32 @!p0 $0x15000  }
0x3af: {  	[tilespmem:s6], [sflag:$0x2] =	stream.indirect.gather @!p0 [hbm4b:s3+s5], $0x20, s1, s5, $0xb8;
	[tilespmem:$0x1EA00] =	vst v63  }
0x3b0: {  	s1 =	sadd.s32 @!p0 $0x24C0, s24;
	s6 =	simm.s32 @!p0 $0x15800  }
0x3b1: {  	[tilespmem:s6], [sflag:$0x2] =	stream.indirect.gather @!p0 [hbm4b:s3+s5], $0x20, s1, s5, $0xb8;
	[tilespmem:$0x1EA00] =	vst v63  }
0x3b2: {  	s1 =	sadd.s32 @!p0 $0x26C0, s24;
	s6 =	simm.s32 @!p0 $0x16000  }
0x3b3: {  	[tilespmem:s6], [sflag:$0x2] =	stream.indirect.gather @!p0 [hbm4b:s3+s5], $0x20, s1, s5, $0xb8;
	[tilespmem:$0x1EA00] =	vst v63  }
0x3b4: {  	s15 =	smul.u32 $0x186A8, s23;
	s6 =	sshll.u32 s23, $0xE  }
0x3b5: {  	s1 =	sshra.s32 s6, $0x2  }
0x3b6: {  	s15 =	sadd.s32 s4, s15;
	s16 =	sadd.s32 $0x1AA00, s1  }
0x3b7: {  	[tilespmem:s16], [sflag:$0x3] =	stream.indirect.gather [hbm4b:s15+s29], $0x1, s19, s29, $0xb8;
	[tilespmem:$0x1EA00] =	vst v63  }
0x3b8: {  	s17 =	sadd.s32 $0x1AA80, s1  }
0x3b9: {  	[tilespmem:s17], [sflag:$0x3] =	stream.indirect.gather [hbm4b:s15+s29], $0x1, s30, s29, $0xb8;
	[tilespmem:$0x1EA00] =	vst v63  }
0x3ba: {  	s5 =	sshll.u32 s23, $0x3;
	s24 =	sadd.s32 $0x1AB00, s1  }
0x3bb: {  	[tilespmem:s24], [sflag:$0x3] =	stream.indirect.gather [hbm4b:s15+s29], $0x1, s31, s29, $0xb8;
	[tilespmem:$0x1EA00] =	vst v63  }
0x3bc: {  	s6 =	sor.u32 $0x1, s5;
	s1 =	sadd.s32 $0x1AB80, s1  }
0x3bd: {  	[tilespmem:s1], [sflag:$0x3] =	stream.indirect.gather [hbm4b:s15+s29], $0x1, s0, s29, $0xb8;
	[tilespmem:$0x1EA00] =	vst v63  }
0x3be: {  	s15 =	sshll.u32 s6, $0xB;
	s1 =	smul.u32 $0x30D5, s6  }
0x3bf: {  	s6 =	sshra.s32 s15, $0x2  }
0x3c0: {  	s16 =	sadd.s32 $0x1AA00, s6;
	s1 =	sadd.s32 s4, s1  }
0x3c1: {  	[tilespmem:s16], [sflag:$0x3] =	stream.indirect.gather [hbm4b:s1+s29], $0x1, s19, s29, $0xb8;
	[tilespmem:$0x1EA00] =	vst v63  }
0x3c2: {  	s17 =	sadd.s32 $0x1AA80, s6  }
0x3c3: {  	[tilespmem:s17], [sflag:$0x3] =	stream.indirect.gather [hbm4b:s1+s29], $0x1, s30, s29, $0xb8;
	[tilespmem:$0x1EA00] =	vst v63  }
0x3c4: {  	s24 =	sadd.s32 $0x1AB00, s6  }
0x3c5: {  	[tilespmem:s24], [sflag:$0x3] =	stream.indirect.gather [hbm4b:s1+s29], $0x1, s31, s29, $0xb8;
	[tilespmem:$0x1EA00] =	vst v63  }
0x3c6: {  	s6 =	sadd.s32 $0x1AB80, s6  }
0x3c7: {  	[tilespmem:s6], [sflag:$0x3] =	stream.indirect.gather [hbm4b:s1+s29], $0x1, s0, s29, $0xb8;
	[tilespmem:$0x1EA00] =	vst v63  }
0x3c8: {  	s6 =	sor.u32 $0x2, s5  }
0x3c9: {  	s15 =	sshll.u32 s6, $0xB;
	s1 =	smul.u32 $0x30D5, s6  }
0x3ca: {  	s6 =	sshra.s32 s15, $0x2  }
0x3cb: {  	s16 =	sadd.s32 $0x1AA00, s6;
	s1 =	sadd.s32 s4, s1  }
0x3cc: {  	[tilespmem:s16], [sflag:$0x3] =	stream.indirect.gather [hbm4b:s1+s29], $0x1, s19, s29, $0xb8;
	[tilespmem:$0x1EA00] =	vst v63  }
0x3cd: {  	s17 =	sadd.s32 $0x1AA80, s6  }
0x3ce: {  	[tilespmem:s17], [sflag:$0x3] =	stream.indirect.gather [hbm4b:s1+s29], $0x1, s30, s29, $0xb8;
	[tilespmem:$0x1EA00] =	vst v63  }
0x3cf: {  	s24 =	sadd.s32 $0x1AB00, s6  }
0x3d0: {  	[tilespmem:s24], [sflag:$0x3] =	stream.indirect.gather [hbm4b:s1+s29], $0x1, s31, s29, $0xb8;
	[tilespmem:$0x1EA00] =	vst v63  }
0x3d1: {  	s6 =	sadd.s32 $0x1AB80, s6  }
0x3d2: {  	[tilespmem:s6], [sflag:$0x3] =	stream.indirect.gather [hbm4b:s1+s29], $0x1, s0, s29, $0xb8;
	[tilespmem:$0x1EA00] =	vst v63  }
0x3d3: {  	s6 =	sor.u32 $0x3, s5  }
0x3d4: {  	s15 =	sshll.u32 s6, $0xB;
	s1 =	smul.u32 $0x30D5, s6  }
0x3d5: {  	s6 =	sshra.s32 s15, $0x2  }
0x3d6: {  	s16 =	sadd.s32 $0x1AA00, s6;
	s1 =	sadd.s32 s4, s1  }
0x3d7: {  	[tilespmem:s16], [sflag:$0x3] =	stream.indirect.gather [hbm4b:s1+s29], $0x1, s19, s29, $0xb8;
	[tilespmem:$0x1EA00] =	vst v63  }
0x3d8: {  	s17 =	sadd.s32 $0x1AA80, s6  }
0x3d9: {  	[tilespmem:s17], [sflag:$0x3] =	stream.indirect.gather [hbm4b:s1+s29], $0x1, s30, s29, $0xb8;
	[tilespmem:$0x1EA00] =	vst v63  }
0x3da: {  	s24 =	sadd.s32 $0x1AB00, s6  }
0x3db: {  	[tilespmem:s24], [sflag:$0x3] =	stream.indirect.gather [hbm4b:s1+s29], $0x1, s31, s29, $0xb8;
	[tilespmem:$0x1EA00] =	vst v63  }
0x3dc: {  	s6 =	sadd.s32 $0x1AB80, s6  }
0x3dd: {  	[tilespmem:s6], [sflag:$0x3] =	stream.indirect.gather [hbm4b:s1+s29], $0x1, s0, s29, $0xb8;
	[tilespmem:$0x1EA00] =	vst v63  }
0x3de: {  	s6 =	sor.u32 $0x4, s5  }
0x3df: {  	s15 =	sshll.u32 s6, $0xB;
	s1 =	smul.u32 $0x30D5, s6  }
0x3e0: {  	s6 =	sshra.s32 s15, $0x2  }
0x3e1: {  	s16 =	sadd.s32 $0x1AA00, s6;
	s1 =	sadd.s32 s4, s1  }
0x3e2: {  	[tilespmem:s16], [sflag:$0x3] =	stream.indirect.gather [hbm4b:s1+s29], $0x1, s19, s29, $0xb8;
	[tilespmem:$0x1EA00] =	vst v63  }
0x3e3: {  	s17 =	sadd.s32 $0x1AA80, s6  }
0x3e4: {  	[tilespmem:s17], [sflag:$0x3] =	stream.indirect.gather [hbm4b:s1+s29], $0x1, s30, s29, $0xb8;
	[tilespmem:$0x1EA00] =	vst v63  }
0x3e5: {  	s24 =	sadd.s32 $0x1AB00, s6  }
0x3e6: {  	[tilespmem:s24], [sflag:$0x3] =	stream.indirect.gather [hbm4b:s1+s29], $0x1, s31, s29, $0xb8;
	[tilespmem:$0x1EA00] =	vst v63  }
0x3e7: {  	s6 =	sadd.s32 $0x1AB80, s6  }
0x3e8: {  	[tilespmem:s6], [sflag:$0x3] =	stream.indirect.gather [hbm4b:s1+s29], $0x1, s0, s29, $0xb8;
	[tilespmem:$0x1EA00] =	vst v63  }
0x3e9: {  	s6 =	sor.u32 $0x5, s5  }
0x3ea: {  	s15 =	sshll.u32 s6, $0xB;
	s1 =	smul.u32 $0x30D5, s6  }
0x3eb: {  	s6 =	sshra.s32 s15, $0x2  }
0x3ec: {  	s16 =	sadd.s32 $0x1AA00, s6;
	s1 =	sadd.s32 s4, s1  }
0x3ed: {  	[tilespmem:s16], [sflag:$0x3] =	stream.indirect.gather [hbm4b:s1+s29], $0x1, s19, s29, $0xb8;
	[tilespmem:$0x1EA00] =	vst v63  }
0x3ee: {  	s17 =	sadd.s32 $0x1AA80, s6  }
0x3ef: {  	[tilespmem:s17], [sflag:$0x3] =	stream.indirect.gather [hbm4b:s1+s29], $0x1, s30, s29, $0xb8;
	[tilespmem:$0x1EA00] =	vst v63  }
0x3f0: {  	s24 =	sadd.s32 $0x1AB00, s6  }
0x3f1: {  	[tilespmem:s24], [sflag:$0x3] =	stream.indirect.gather [hbm4b:s1+s29], $0x1, s31, s29, $0xb8;
	[tilespmem:$0x1EA00] =	vst v63  }
0x3f2: {  	s15 =	sor.u32 $0x6, s5;
	s6 =	sadd.s32 $0x1AB80, s6  }
0x3f3: {  	[tilespmem:s6], [sflag:$0x3] =	stream.indirect.gather [hbm4b:s1+s29], $0x1, s0, s29, $0xb8;
	[tilespmem:$0x1EA00] =	vst v63  }
0x3f4: {  	s5 =	sshll.u32 s15, $0xB;
	s1 =	smul.u32 $0x30D5, s15  }
0x3f5: {  	s5 =	sshra.s32 s5, $0x2  }
0x3f6: {  	s16 =	sadd.s32 $0x1AA00, s5;
	s1 =	sadd.s32 s4, s1  }
0x3f7: {  	[tilespmem:s16], [sflag:$0x3] =	stream.indirect.gather [hbm4b:s1+s29], $0x1, s19, s29, $0xb8;
	[tilespmem:$0x1EA00] =	vst v63  }
0x3f8: {  	s17 =	sadd.s32 $0x1AA80, s5  }
0x3f9: {  	[tilespmem:s17], [sflag:$0x3] =	stream.indirect.gather [hbm4b:s1+s29], $0x1, s30, s29, $0xb8;
	[tilespmem:$0x1EA00] =	vst v63  }
0x3fa: {  	s24 =	sadd.s32 $0x1AB00, s5  }
0x3fb: {  	[tilespmem:s24], [sflag:$0x3] =	stream.indirect.gather [hbm4b:s1+s29], $0x1, s31, s29, $0xb8;
	[tilespmem:$0x1EA00] =	vst v63  }
0x3fc: {  	s5 =	sadd.s32 $0x1AB80, s5;
	s6 =	sshllo.u32 s23, $0x3  }
0x3fd: {  	[tilespmem:s5], [sflag:$0x3] =	stream.indirect.gather [hbm4b:s1+s29], $0x1, s0, s29, $0xb8;
	[tilespmem:$0x1EA00] =	vst v63  }
0x3fe: {  	s15 =	sshll.u32 s6, $0xB;
	s1 =	smul.u32 $0x30D5, s6  }
0x3ff: {  	s5 =	sshra.s32 s15, $0x2  }
0x400: {  	s23 =	sadd.s32 $0x1, s23;
	s16 =	sadd.s32 $0x1AA00, s5;
	s1 =	sadd.s32 s4, s1  }
0x401: {  	[tilespmem:s16], [sflag:$0x3] =	stream.indirect.gather [hbm4b:s1+s29], $0x1, s19, s29, $0xb8;
	[tilespmem:$0x1EA00] =	vst v63  }
0x402: {  	p0 =	sne.s32 s23, $0x4;
	s17 =	sadd.s32 $0x1AA80, s5  }
0x403: {  	[tilespmem:s17], [sflag:$0x3] =	stream.indirect.gather [hbm4b:s1+s29], $0x1, s30, s29, $0xb8;
	[tilespmem:$0x1EA00] =	vst v63  }
.Ltmp2:
0x404: {  	_ = 	snop;
	(pc) =	sbr.rel @p0 .LBB2_2-.Ltmp2, $4  }
0x405: {  	s24 =	sadd.s32 $0x1AB00, s5  }
0x406: {  	[tilespmem:s24], [sflag:$0x3] =	stream.indirect.gather [hbm4b:s1+s29], $0x1, s31, s29, $0xb8;
	[tilespmem:$0x1EA00] =	vst v63  }
0x407: {  	s22 =	sadd.s32 $0x80, s22;
	s5 =	sadd.s32 $0x1AB80, s5  }
0x408: {  	[tilespmem:s5], [sflag:$0x3] =	stream.indirect.gather [hbm4b:s1+s29], $0x1, s0, s29, $0xb8;
	[tilespmem:$0x1EA00] =	vst v63  }
0x409: {  	s5 =	simm.s32 $0x16800  }
0x40a: {  	s16 =	simm.s32 $0x100;
	s22 =	sadd.s32 $0x0, s7;
	s17 =	simm.s32 $0x16A00  }
.LBB2_8:
0x40b: {  	[hbm4b:s22+s2] =	stream.linear.scatter [tilespmem:s5], [sflag:$0x4], $0x80, $0x38;
	[tilespmem:$0x1EA00] =	vst v63  }
0x40c: {  	s1 =	smov.u32 s16;
	s5 =	smov.u32 s17;
	p0 =	sne.s32 s16, $0x1F00  }
.Ltmp3:
0x40d: {  	s16 =	sadd.s32 $0x100, s16;
	(pc) =	sbr.rel @p0 .LBB2_8-.Ltmp3, $2  }
0x40e: {  	_ =	sdelay $0x2  }
0x40f: {  	s17 =	sadd.s32 $0x200, s17;
	s22 =	sadd.s32 s1, s7  }
0x410: {  	[hbm4b:s22+s2] =	stream.linear.scatter [tilespmem:s5], [sflag:$0x4], $0x80, $0x38;
	[tilespmem:$0x1EA00] =	vst v63  }
0x411: {  	_ =	swait.ge [sflag:s18], $0x1000  }
0x412: {  	s5 =	simm.s32 $0x16880;
	s16 =	simm.s32 $0x100;
	[sflag:s18] =	ssyncset.done $0x0  }
0x413: {  	s22 =	sadd.s32 $0x0, s8;
	s17 =	simm.s32 $0x16A80;
	[sflag:s18] =	ssyncadd.s32 $0xFFFFF000  }
.LBB2_10:
0x414: {  	[hbm4b:s22+s2] =	stream.linear.scatter [tilespmem:s5], [sflag:$0x4], $0x80, $0x38;
	[tilespmem:$0x1EA00] =	vst v63  }
0x415: {  	s1 =	smov.u32 s16;
	s5 =	smov.u32 s17;
	p0 =	sne.s32 s16, $0x1F00  }
.Ltmp4:
0x416: {  	s16 =	sadd.s32 $0x100, s16;
	(pc) =	sbr.rel @p0 .LBB2_10-.Ltmp4, $2  }
0x417: {  	_ =	sdelay $0x2  }
0x418: {  	s17 =	sadd.s32 $0x200, s17;
	s22 =	sadd.s32 s1, s8  }
0x419: {  	[hbm4b:s22+s2] =	stream.linear.scatter [tilespmem:s5], [sflag:$0x4], $0x80, $0x38;
	[tilespmem:$0x1EA00] =	vst v63  }
0x41a: {  	_ =	swait.ge [sflag:s18], $0x1000  }
0x41b: {  	s5 =	simm.s32 $0x16900;
	s16 =	simm.s32 $0x100;
	[sflag:s18] =	ssyncset.done $0x0  }
0x41c: {  	s22 =	sadd.s32 $0x0, s9;
	s17 =	simm.s32 $0x16B00;
	[sflag:s18] =	ssyncadd.s32 $0xFFFFF000  }
.LBB2_12:
0x41d: {  	[hbm4b:s22+s2] =	stream.linear.scatter [tilespmem:s5], [sflag:$0x4], $0x80, $0x38;
	[tilespmem:$0x1EA00] =	vst v63  }
0x41e: {  	s1 =	smov.u32 s16;
	s5 =	smov.u32 s17;
	p0 =	sne.s32 s16, $0x1F00  }
.Ltmp5:
0x41f: {  	s16 =	sadd.s32 $0x100, s16;
	(pc) =	sbr.rel @p0 .LBB2_12-.Ltmp5, $2  }
0x420: {  	_ =	sdelay $0x2  }
0x421: {  	s17 =	sadd.s32 $0x200, s17;
	s22 =	sadd.s32 s1, s9  }
0x422: {  	[hbm4b:s22+s2] =	stream.linear.scatter [tilespmem:s5], [sflag:$0x4], $0x80, $0x38;
	[tilespmem:$0x1EA00] =	vst v63  }
0x423: {  	_ =	swait.ge [sflag:s18], $0x1000  }
0x424: {  	s5 =	simm.s32 $0x16980;
	s16 =	simm.s32 $0x100;
	[sflag:s18] =	ssyncset.done $0x0  }
0x425: {  	s22 =	sadd.s32 $0x0, s10;
	s17 =	simm.s32 $0x16B80;
	[sflag:s18] =	ssyncadd.s32 $0xFFFFF000  }
.LBB2_14:
0x426: {  	[hbm4b:s22+s2] =	stream.linear.scatter [tilespmem:s5], [sflag:$0x4], $0x80, $0x38;
	[tilespmem:$0x1EA00] =	vst v63  }
0x427: {  	s1 =	smov.u32 s16;
	s5 =	smov.u32 s17;
	p0 =	sne.s32 s16, $0x1F00  }
.Ltmp6:
0x428: {  	s16 =	sadd.s32 $0x100, s16;
	(pc) =	sbr.rel @p0 .LBB2_14-.Ltmp6, $2  }
0x429: {  	_ =	sdelay $0x2  }
0x42a: {  	s17 =	sadd.s32 $0x200, s17;
	s22 =	sadd.s32 s1, s10  }
0x42b: {  	[hbm4b:s22+s2] =	stream.linear.scatter [tilespmem:s5], [sflag:$0x4], $0x80, $0x38;
	[tilespmem:$0x1EA00] =	vst v63  }
0x42c: {  	_ =	swait.ge [sflag:s18], $0x1000  }
0x42d: {  	[sflag:s18] =	ssyncset.done $0x0  }
0x42e: {  	s1 =	simm.s32 $0x3;
	[sflag:s18] =	ssyncadd.s32 $0xFFFFF000  }
0x42f: {  	_ =	swait.ge [sflag:s1], $0x4000  }
0x430: {  	s5 =	simm.s32 $0x1AA00;
	s16 =	simm.s32 $0x100;
	[sflag:s1] =	ssyncset.done $0x0  }
0x431: {  	s22 =	sadd.s32 $0x0, s11;
	s17 =	simm.s32 $0x1AC00;
	[sflag:s1] =	ssyncadd.s32 $0xFFFFC000  }
.LBB2_16:
0x432: {  	[hbm4b:s22+s2] =	stream.linear.scatter [tilespmem:s5], [sflag:$0x4], $0x80, $0x38;
	[tilespmem:$0x1EA00] =	vst v63  }
0x433: {  	s1 =	smov.u32 s16;
	s5 =	smov.u32 s17;
	p0 =	sne.s32 s16, $0x1F00  }
.Ltmp7:
0x434: {  	s16 =	sadd.s32 $0x100, s16;
	(pc) =	sbr.rel @p0 .LBB2_16-.Ltmp7, $2  }
0x435: {  	_ =	sdelay $0x2  }
0x436: {  	s17 =	sadd.s32 $0x200, s17;
	s22 =	sadd.s32 s1, s11  }
0x437: {  	[hbm4b:s22+s2] =	stream.linear.scatter [tilespmem:s5], [sflag:$0x4], $0x80, $0x38;
	[tilespmem:$0x1EA00] =	vst v63  }
0x438: {  	_ =	swait.ge [sflag:s18], $0x1000  }
0x439: {  	s5 =	simm.s32 $0x1AA80;
	s16 =	simm.s32 $0x100;
	[sflag:s18] =	ssyncset.done $0x0  }
0x43a: {  	s22 =	sadd.s32 $0x0, s12;
	s17 =	simm.s32 $0x1AC80;
	[sflag:s18] =	ssyncadd.s32 $0xFFFFF000  }
.LBB2_18:
0x43b: {  	[hbm4b:s22+s2] =	stream.linear.scatter [tilespmem:s5], [sflag:$0x4], $0x80, $0x38;
	[tilespmem:$0x1EA00] =	vst v63  }
0x43c: {  	s1 =	smov.u32 s16;
	s5 =	smov.u32 s17;
	p0 =	sne.s32 s16, $0x1F00  }
.Ltmp8:
0x43d: {  	s16 =	sadd.s32 $0x100, s16;
	(pc) =	sbr.rel @p0 .LBB2_18-.Ltmp8, $2  }
0x43e: {  	_ =	sdelay $0x2  }
0x43f: {  	s17 =	sadd.s32 $0x200, s17;
	s22 =	sadd.s32 s1, s12  }
0x440: {  	[hbm4b:s22+s2] =	stream.linear.scatter [tilespmem:s5], [sflag:$0x4], $0x80, $0x38;
	[tilespmem:$0x1EA00] =	vst v63  }
0x441: {  	_ =	swait.ge [sflag:s18], $0x1000  }
0x442: {  	s5 =	simm.s32 $0x1AB00;
	s16 =	simm.s32 $0x100;
	[sflag:s18] =	ssyncset.done $0x0  }
0x443: {  	s22 =	sadd.s32 $0x0, s13;
	s17 =	simm.s32 $0x1AD00;
	[sflag:s18] =	ssyncadd.s32 $0xFFFFF000  }
.LBB2_20:
0x444: {  	[hbm4b:s22+s2] =	stream.linear.scatter [tilespmem:s5], [sflag:$0x4], $0x80, $0x38;
	[tilespmem:$0x1EA00] =	vst v63  }
0x445: {  	s1 =	smov.u32 s16;
	s5 =	smov.u32 s17;
	p0 =	sne.s32 s16, $0x1F00  }
.Ltmp9:
0x446: {  	s16 =	sadd.s32 $0x100, s16;
	(pc) =	sbr.rel @p0 .LBB2_20-.Ltmp9, $2  }
0x447: {  	_ =	sdelay $0x2  }
0x448: {  	s17 =	sadd.s32 $0x200, s17;
	s22 =	sadd.s32 s1, s13  }
0x449: {  	[hbm4b:s22+s2] =	stream.linear.scatter [tilespmem:s5], [sflag:$0x4], $0x80, $0x38;
	[tilespmem:$0x1EA00] =	vst v63  }
0x44a: {  	_ =	swait.ge [sflag:s18], $0x1000  }
0x44b: {  	s5 =	simm.s32 $0x1AB80;
	s16 =	simm.s32 $0x100;
	[sflag:s18] =	ssyncset.done $0x0  }
0x44c: {  	s22 =	sadd.s32 $0x0, s14;
	s17 =	simm.s32 $0x1AD80;
	[sflag:s18] =	ssyncadd.s32 $0xFFFFF000  }
.LBB2_22:
0x44d: {  	[hbm4b:s22+s2] =	stream.linear.scatter [tilespmem:s5], [sflag:$0x4], $0x80, $0x38;
	[tilespmem:$0x1EA00] =	vst v63  }
0x44e: {  	s1 =	smov.u32 s16;
	s5 =	smov.u32 s17;
	p0 =	sne.s32 s16, $0x1F00  }
.Ltmp10:
0x44f: {  	s16 =	sadd.s32 $0x100, s16;
	(pc) =	sbr.rel @p0 .LBB2_22-.Ltmp10, $2  }
0x450: {  	_ =	sdelay $0x2  }
0x451: {  	s17 =	sadd.s32 $0x200, s17;
	s22 =	sadd.s32 s1, s14  }
0x452: {  	[hbm4b:s22+s2] =	stream.linear.scatter [tilespmem:s5], [sflag:$0x4], $0x80, $0x38;
	[tilespmem:$0x1EA00] =	vst v63  }
0x453: {  	_ =	swait.ge [sflag:s18], $0x1000  }
0x454: {  	s21 =	sadd.s32 $0x1, s21;
	s1 =	rddreg [dreg:$0x6]  }
0x455: {  	p0 =	sne.s32 s21, s1  }
.Ltmp11:
0x456: {  	_ = 	snop;
	(pc) =	sbr.rel @p0 .LBB2_1-.Ltmp11, $3  }
0x457: {  	_ =	sdelay $0x1  }
0x458: {  	[sflag:s18] =	ssyncset.done $0x0  }
0x459: {  	[sflag:s18] =	ssyncadd.s32 $0xFFFFF000  }
0x45a: {  	_ =	sfence.sel $0x180000  }
0x45b: {  	[bflag:$0x0] =	sbarrier.arrive $0xFFFF  }
0x45c: {  	_ =	strace $0x9000004A  }
0x45d: {  	s0 =	stileid.u32;
	[bflag:$0x2] =	sbarrier.arrive $0xFFFF  }
0x45e: {  	p0 =	sne.s32 s0, $0x0;
	s0 =	rddreg [dreg:$0x3]  }
0x45f: {  	s0 =	sadd.s32 @!p0 $0x100000, s0  }
0x460: {  	[sflag:s0] =	ssyncadd.tile.s32 @!p0 $0x1;
	_ =	shalt  }
.Lfunc_end2:
_tile_overlayer_lowered:
.L_overlay_start_2:
0x461: {  	(tag) =	ssettag $0x2  }
0x462: {  	s0 =	rddreg [dreg:$0x0];
	s2 =	stileid.u32  }
0x463: {  	s1 =	rddreg [dreg:$0x1];
	p0 =	sne.s32 s2, $0x0  }
0x464: {  	s3 =	rddreg [dreg:$0x2];
	[bflag:$0x3] =	sbarrier.arrive $0xFFFF;
	s2 =	simm.s32 @!p0 $0x1C04  }
0x465: {  	[timem:s3], [sflag:s2] =	dma.local @!p0 [hbm:s0], s1  }
0x466: {  	s0 =	simm.s32 @!p0 $0x4  }
0x467: {  	_ =	swait.ge @!p0 [sflag:s0], s1  }
0x468: {  	s1 =	ssub.s32 @!p0 $0x0, s1;
	[sflag:s0] =	ssyncset.done @!p0 $0x0  }
0x469: {  	[sflag:s0] =	ssyncadd.s32 @!p0 s1  }
0x46a: {  	[bflag:$0x3] =	sbarrier.arrive $0xFFFF  }
0x46b: {  	_ =	shalt  }

</sc_bundles>
